<compile_context>
chip_gen: v7x
topology: tpu7x:2x2x1
jax: 0.10.2.dev20260603
libtpu: 0.0.44.dev20260713+nightly
codegen_flags: <defaults>
</compile_context>

<pallas_src>
import functools

import jax
import jax.numpy as jnp
from jax import lax
from jax.experimental import pallas as pl
from jax.experimental.pallas import tpu as pltpu
from jax.experimental.pallas import tpu_sc as plsc

N_NODES = 10000
DIM = 128
N_STEPS = 8

NCORES = 2
NSUB = 16
NWORK = NCORES * NSUB
CHUNK = 128
NPAD = 10112

ROWS = 1000



def _make_segsum(e_pad):
    ept = e_pad // NWORK
    nchunk = ept // CHUNK
    zrows = NPAD // NSUB
    mesh = plsc.VectorSubcoreMesh(core_axis_name="c", subcore_axis_name="s")

    @functools.partial(
        pl.kernel,
        out_type=jax.ShapeDtypeStruct((NCORES, NPAD, DIM), jnp.float32),
        mesh=mesh,
        scratch_types=[
            pltpu.VMEM((CHUNK,), jnp.int32),
            pltpu.VMEM((CHUNK,), jnp.int32),
            pltpu.VMEM((CHUNK, DIM), jnp.float32),
            pltpu.VMEM_SHARED((NPAD, DIM), jnp.float32),
            pltpu.SemaphoreType.DMA,
        ],
    )
    def segsum(hw_hbm, src_hbm, dst_hbm, zeros_hbm, out_hbm,
               src_v, dst_v, rows_v, acc_sh, sem):
        cid = lax.axis_index("c")
        sid = lax.axis_index("s")
        wid = cid * NSUB + sid
        pltpu.sync_copy(zeros_hbm.at[pl.ds(sid * zrows, zrows)],
                        acc_sh.at[pl.ds(sid * zrows, zrows)])
        plsc.subcore_barrier()

        def body(c, carry):
            base = pl.multiple_of(wid * ept + c * CHUNK, CHUNK)
            pltpu.sync_copy(src_hbm.at[pl.ds(base, CHUNK)], src_v)
            pltpu.sync_copy(dst_hbm.at[pl.ds(base, CHUNK)], dst_v)
            pltpu.async_copy(hw_hbm.at[src_v], rows_v, sem).wait()
            pltpu.sync_copy(rows_v, acc_sh.at[dst_v], add=True)
            return carry

        lax.fori_loop(0, nchunk, body, 0)
        plsc.subcore_barrier()
        pltpu.sync_copy(acc_sh.at[pl.ds(sid * zrows, zrows)],
                        out_hbm.at[cid, pl.ds(sid * zrows, zrows)])

    return segsum



def _dotT(x, w):
    return lax.dot_general(x, w, (((1,), (1,)), ((), ())),
                           preferred_element_type=jnp.float32)


_row_spec = pl.BlockSpec((ROWS, DIM), lambda i: (i, 0))
_row3_spec = pl.BlockSpec((ROWS, 3 * DIM), lambda i: (i, 0))
_parts_spec = pl.BlockSpec((NCORES, ROWS, DIM), lambda i: (0, i, 0))


def _full(shape):
    return pl.BlockSpec(shape, lambda i: tuple(0 for _ in shape))


def _tc_in(h, lw, lb, whh, bhh):
    def body(h_ref, lw_ref, lb_ref, whh_ref, bhh_ref, hw_ref, gh_ref):
        h_blk = h_ref[...]
        hw_ref[...] = _dotT(h_blk, lw_ref[...]) + lb_ref[...]
        gh_ref[...] = _dotT(h_blk, whh_ref[...]) + bhh_ref[...]

    grid = (N_NODES // ROWS,)
    return pl.pallas_call(
        body,
        grid=grid,
        in_specs=[_row_spec, _full((DIM, DIM)), _full((1, DIM)),
                  _full((3 * DIM, DIM)), _full((1, 3 * DIM))],
        out_specs=[_row_spec, _row3_spec],
        out_shape=[jax.ShapeDtypeStruct((N_NODES, DIM), jnp.float32),
                   jax.ShapeDtypeStruct((N_NODES, 3 * DIM), jnp.float32)],
    )(h, lw, lb, whh, bhh)


def _gru_core(a, h, gh, wih_ref, bih_ref):
    gi = _dotT(a, wih_ref[...]) + bih_ref[...]
    i_r = gi[:, :DIM]
    i_z = gi[:, DIM:2 * DIM]
    i_n = gi[:, 2 * DIM:]
    h_r = gh[:, :DIM]
    h_z = gh[:, DIM:2 * DIM]
    h_n = gh[:, 2 * DIM:]
    r = jax.nn.sigmoid(i_r + h_r)
    z = jax.nn.sigmoid(i_z + h_z)
    ng = jnp.tanh(i_n + r * h_n)
    return (1.0 - z) * ng + z * h


def _tc_step(parts, h, gh, wih, bih, lw, lb, whh, bhh, relu):
    def body(parts_ref, h_ref, gh_ref, wih_ref, bih_ref,
             lw_ref, lb_ref, whh_ref, bhh_ref, h_out_ref, hw_ref, gh_out_ref):
        a = parts_ref[0] + parts_ref[1]
        hn = _gru_core(a, h_ref[...], gh_ref[...], wih_ref, bih_ref)
        if relu:
            hn = jnp.maximum(hn, 0.0)
        h_out_ref[...] = hn
        hw_ref[...] = _dotT(hn, lw_ref[...]) + lb_ref[...]
        gh_out_ref[...] = _dotT(hn, whh_ref[...]) + bhh_ref[...]

    grid = (N_NODES // ROWS,)
    return pl.pallas_call(
        body,
        grid=grid,
        in_specs=[_parts_spec, _row_spec, _row3_spec,
                  _full((3 * DIM, DIM)), _full((1, 3 * DIM)),
                  _full((DIM, DIM)), _full((1, DIM)),
                  _full((3 * DIM, DIM)), _full((1, 3 * DIM))],
        out_specs=[_row_spec, _row_spec, _row3_spec],
        out_shape=[jax.ShapeDtypeStruct((N_NODES, DIM), jnp.float32),
                   jax.ShapeDtypeStruct((N_NODES, DIM), jnp.float32),
                   jax.ShapeDtypeStruct((N_NODES, 3 * DIM), jnp.float32)],
    )(parts, h, gh, wih, bih, lw, lb, whh, bhh)


def _tc_step_mean(parts, h, gh, wih, bih):
    def body(parts_ref, h_ref, gh_ref, wih_ref, bih_ref, out_ref):
        a = parts_ref[0] + parts_ref[1]
        hn = _gru_core(a, h_ref[...], gh_ref[...], wih_ref, bih_ref)

        @pl.when(pl.program_id(0) == 0)
        def _():
            out_ref[...] = jnp.zeros_like(out_ref)

        out_ref[...] += jnp.sum(hn, axis=0, keepdims=True) * (1.0 / N_NODES)

    grid = (N_NODES // ROWS,)
    return pl.pallas_call(
        body,
        grid=grid,
        in_specs=[_parts_spec, _row_spec, _row3_spec,
                  _full((3 * DIM, DIM)), _full((1, 3 * DIM))],
        out_specs=pl.BlockSpec((1, DIM), lambda i: (0, 0)),
        out_shape=jax.ShapeDtypeStruct((1, DIM), jnp.float32),
    )(parts, h, gh, wih, bih)



def kernel(in_feat, edge_index, lin_w1, lin_b1, w_ih1, w_hh1, b_ih1, b_hh1,
           lin_w2, lin_b2, w_ih2, w_hh2, b_ih2, b_hh2):
    src = edge_index[0]
    dst = edge_index[1]
    e = src.shape[0]
    step = NWORK * CHUNK
    e_pad = ((e + step - 1) // step) * step
    pad = e_pad - e
    src_p = jnp.concatenate([src, jnp.zeros((pad,), jnp.int32)])
    dst_p = jnp.concatenate([dst, jnp.full((pad,), N_NODES, jnp.int32)])
    zeros = jnp.zeros((NPAD, DIM), jnp.float32)

    segsum = _make_segsum(e_pad)

    lb1 = lin_b1.reshape(1, DIM)
    lb2 = lin_b2.reshape(1, DIM)
    bih1 = b_ih1.reshape(1, 3 * DIM)
    bih2 = b_ih2.reshape(1, 3 * DIM)
    bhh1 = b_hh1.reshape(1, 3 * DIM)
    bhh2 = b_hh2.reshape(1, 3 * DIM)

    h = in_feat
    hw, gh = _tc_in(h, lin_w1, lb1, w_hh1, bhh1)
    for t in range(N_STEPS - 1):
        parts = segsum(hw, src_p, dst_p, zeros)
        h, hw, gh = _tc_step(parts, h, gh, w_ih1, bih1,
                             lin_w1, lb1, w_hh1, bhh1, relu=False)
    parts = segsum(hw, src_p, dst_p, zeros)
    h, hw, gh = _tc_step(parts, h, gh, w_ih1, bih1,
                         lin_w2, lb2, w_hh2, bhh2, relu=True)
    for t in range(N_STEPS - 1):
        parts = segsum(hw, src_p, dst_p, zeros)
        h, hw, gh = _tc_step(parts, h, gh, w_ih2, bih2,
                             lin_w2, lb2, w_hh2, bhh2, relu=False)
    parts = segsum(hw, src_p, dst_p, zeros)
    return _tc_step_mean(parts, h, gh, w_ih2, bih2)

# --- scband reference (transcript-rebuilt; emitter-appended) ---
"""Pipeline reference for scband-gated-gcn-5626407158021 (READ-ONLY COPY).

The authoritative reference and input builder live on the scoring server;
editing this copy changes nothing except your own understanding.
"""

import jax, jax.numpy as jnp
import numpy as np

N = 10000
E = 320000
D = 128
N_STEPS = 8


def _gated_graph_conv(h, src, dst, lin_w, lin_b, w_ih, w_hh, b_ih, b_hh, n_steps=N_STEPS):
    # DGL GatedGraphConv with n_etypes=1: per step, apply per-edge linear to src
    # features, sum-aggregate at dst, then GRUCell update of node states.
    # (in_feats == out_feats here, so no zero-padding of the input is needed.)
    n = h.shape[0]
    for _ in range(n_steps):
        m = h[src] @ lin_w.T + lin_b                      # gather + per-edge linear
        a = jax.ops.segment_sum(m, dst, num_segments=n)   # scatter-add to dst nodes
        # torch.nn.GRUCell math (gate order: r, z, n)
        gi = a @ w_ih.T + b_ih
        gh = h @ w_hh.T + b_hh
        i_r, i_z, i_n = jnp.split(gi, 3, axis=-1)
        h_r, h_z, h_n = jnp.split(gh, 3, axis=-1)
        r = jax.nn.sigmoid(i_r + h_r)
        z = jax.nn.sigmoid(i_z + h_z)
        ng = jnp.tanh(i_n + r * h_n)
        h = (1.0 - z) * ng + z * h
    return h


def setup_inputs(seed: int = 0) -> dict:
    key = jax.random.key(seed)
    ks = jax.random.split(key, 16)
    inp = {}
    inp["in_feat"] = jax.random.normal(ks[0], (N, D), dtype=jnp.float32)
    inp["edge_index"] = jax.random.randint(ks[1], (2, E), 0, N, dtype=jnp.int32)
    s = 0.1
    # conv1 (GatedGraphConv(128 -> 128, 8 steps, 1 etype, bias=True))
    inp["lin_w1"] = jax.random.normal(ks[2], (D, D), dtype=jnp.float32) * s
    inp["lin_b1"] = jnp.zeros((D,), dtype=jnp.float32)
    inp["w_ih1"] = jax.random.normal(ks[3], (3 * D, D), dtype=jnp.float32) * s
    inp["w_hh1"] = jax.random.normal(ks[4], (3 * D, D), dtype=jnp.float32) * s
    inp["b_ih1"] = jnp.zeros((3 * D,), dtype=jnp.float32)
    inp["b_hh1"] = jnp.zeros((3 * D,), dtype=jnp.float32)
    # conv2 (GatedGraphConv(128 -> 128, 8 steps, 1 etype, bias=True))
    inp["lin_w2"] = jax.random.normal(ks[5], (D, D), dtype=jnp.float32) * s
    inp["lin_b2"] = jnp.zeros((D,), dtype=jnp.float32)
    inp["w_ih2"] = jax.random.normal(ks[6], (3 * D, D), dtype=jnp.float32) * s
    inp["w_hh2"] = jax.random.normal(ks[7], (3 * D, D), dtype=jnp.float32) * s
    inp["b_ih2"] = jnp.zeros((3 * D,), dtype=jnp.float32)
    inp["b_hh2"] = jnp.zeros((3 * D,), dtype=jnp.float32)
    return inp


def reference(in_feat, edge_index, lin_w1, lin_b1, w_ih1, w_hh1, b_ih1, b_hh1,
              lin_w2, lin_b2, w_ih2, w_hh2, b_ih2, b_hh2):
    src = edge_index[0]
    dst = edge_index[1]
    h = _gated_graph_conv(in_feat, src, dst, lin_w1, lin_b1, w_ih1, w_hh1, b_ih1, b_hh1)
    h = jax.nn.relu(h)
    h = _gated_graph_conv(h, src, dst, lin_w2, lin_b2, w_ih2, w_hh2, b_ih2, b_hh2)
    # dgl.mean_nodes over a single graph -> [1, num_classes]
    return jnp.mean(h, axis=0, keepdims=True)

if __name__ == "__main__":
    import jax
    _d = setup_inputs()
    print(jax.jit(kernel)(*tuple(_d.values())))

</pallas_src>

<mosaic_0001>
#map = affine_map<(d0, d1) -> (0, 0)>
#map1 = affine_map<(d0, d1) -> (0)>
#map2 = affine_map<(d0, d1) -> (0, 0, 0)>
module attributes {stable_mosaic.version = 14 : i64} {
  func.func @segsum(%arg0: i32, %arg1: i32, %arg2: memref<10000x128xf32, #tpu.memory_space<hbm>>, %arg3: memref<323584xi32, #tpu.memory_space<hbm>>, %arg4: memref<323584xi32, #tpu.memory_space<hbm>>, %arg5: memref<10112x128xf32, #tpu.memory_space<hbm>>, %arg6: memref<2x10112x128xf32, #tpu.memory_space<hbm>>, %arg7: memref<128xi32, #tpu.memory_space<vmem>>, %arg8: memref<128xi32, #tpu.memory_space<vmem>>, %arg9: memref<128x128xf32, #tpu.memory_space<vmem>>, %arg10: memref<10112x128xf32, #tpu.memory_space<vmem_shared>>, %arg11: memref<!tpu.dma_semaphore, #tpu.memory_space<semaphore_mem>>) attributes {dimension_semantics = [#tpu.dimension_semantics<core_parallel>, #tpu.dimension_semantics<subcore_parallel>], iteration_bounds = array<i64: 2, 16>, scalar_prefetch = 0 : i64, scratch_operands = 5 : i64, tpu.core_type = #tpu.core_type<sc_vector_subcore>, window_params = [{transform_indices = #map}, {transform_indices = #map1}, {transform_indices = #map1}, {transform_indices = #map}, {transform_indices = #map2}]} {
    %mul3A = arith.constant 16 : i32
    %mul3A_0 = arith.muli %arg0, %mul3A : i32
    %add3A = arith.addi %mul3A_0, %arg1 : i32
    %mul3A_1 = arith.constant 632 : i32
    %mul3A_2 = arith.muli %arg1, %mul3A_1 : i32
    %mul3A_3 = arith.constant 632 : i32
    %mul3A_4 = arith.muli %arg1, %mul3A_3 : i32
    "tpu.region"() ({
      %run_scoped3A = tpu.sem_alloc : memref<!tpu.dma_semaphore, #tpu.memory_space<semaphore_mem>>
      %dma_start3A = arith.constant 0 : i32
      %dma_start3A_15 = tpu.memref_slice %arg10[%mul3A_4, %dma_start3A] : memref<10112x128xf32, #tpu.memory_space<vmem_shared>> -> memref<632x128xf32, #tpu.memory_space<vmem_shared>>
      %dma_start3A_16 = arith.constant 0 : i32
      %dma_start3A_17 = tpu.memref_slice %arg5[%mul3A_2, %dma_start3A_16] : memref<10112x128xf32, #tpu.memory_space<hbm>> -> memref<632x128xf32, #tpu.memory_space<hbm>>
      tpu.enqueue_dma source(%dma_start3A_17 : memref<632x128xf32, #tpu.memory_space<hbm>>) target(%dma_start3A_15 : memref<632x128xf32, #tpu.memory_space<vmem_shared>>) target_semaphore(%run_scoped3A : memref<!tpu.dma_semaphore, #tpu.memory_space<semaphore_mem>>)
      %dma_wait3A = arith.constant 0 : i32
      %dma_wait3A_18 = tpu.memref_slice %arg10[%mul3A_4, %dma_wait3A] : memref<10112x128xf32, #tpu.memory_space<vmem_shared>> -> memref<632x128xf32, #tpu.memory_space<vmem_shared>>
      %dma_wait3A_19 = arith.constant 0 : i32
      %dma_wait3A_20 = tpu.memref_slice %arg5[%mul3A_2, %dma_wait3A_19] : memref<10112x128xf32, #tpu.memory_space<hbm>> -> memref<632x128xf32, #tpu.memory_space<hbm>>
      tpu.wait_dma2 semaphore(%run_scoped3A : memref<!tpu.dma_semaphore, #tpu.memory_space<semaphore_mem>>) src(%dma_wait3A_20 : memref<632x128xf32, #tpu.memory_space<hbm>>) dst(%dma_wait3A_18 : memref<632x128xf32, #tpu.memory_space<vmem_shared>>)
      tpu.yield
    }) : () -> ()
    %barrier3A = arith.constant 0 : index
    tpu.barrier barrier_id(%barrier3A)
    %scan3A = arith.constant 0 : i32
    %scan3A_5 = arith.constant 0 : i32
    %scan3A_6 = arith.constant 79 : i32
    %scan3A_7 = arith.addi %scan3A_5, %scan3A_6 : i32
    %scan3A_8 = arith.constant 1 : i32
    scf.for %scan3A_15 = %scan3A_5 to %scan3A_7 step %scan3A_8  : i32 {
      %mul3A_16 = arith.constant 10112 : i32
      %mul3A_17 = arith.muli %add3A, %mul3A_16 : i32
      %mul3A_18 = arith.constant 128 : i32
      %mul3A_19 = arith.muli %scan3A_15, %mul3A_18 : i32
      %add3A_20 = arith.addi %mul3A_17, %mul3A_19 : i32
      %multiple_of3A = tpu.assume_multiple %add3A_20, 128 : i32
      "tpu.region"() ({
        %run_scoped3A = tpu.sem_alloc : memref<!tpu.dma_semaphore, #tpu.memory_space<semaphore_mem>>
        %dma_start3A_25 = tpu.memref_slice %arg3[%multiple_of3A] : memref<323584xi32, #tpu.memory_space<hbm>> -> memref<128xi32, #tpu.memory_space<hbm>>
        %dma_start3A_26 = tpu.memref_slice %arg3[%multiple_of3A] : memref<323584xi32, #tpu.memory_space<hbm>> -> memref<128xi32, #tpu.memory_space<hbm>>
        tpu.enqueue_dma source(%dma_start3A_26 : memref<128xi32, #tpu.memory_space<hbm>>) target(%arg7 : memref<128xi32, #tpu.memory_space<vmem>>) target_semaphore(%run_scoped3A : memref<!tpu.dma_semaphore, #tpu.memory_space<semaphore_mem>>)
        %dma_wait3A_27 = tpu.memref_slice %arg3[%multiple_of3A] : memref<323584xi32, #tpu.memory_space<hbm>> -> memref<128xi32, #tpu.memory_space<hbm>>
        %dma_wait3A_28 = tpu.memref_slice %arg3[%multiple_of3A] : memref<323584xi32, #tpu.memory_space<hbm>> -> memref<128xi32, #tpu.memory_space<hbm>>
        tpu.wait_dma2 semaphore(%run_scoped3A : memref<!tpu.dma_semaphore, #tpu.memory_space<semaphore_mem>>) src(%dma_wait3A_28 : memref<128xi32, #tpu.memory_space<hbm>>) dst(%arg7 : memref<128xi32, #tpu.memory_space<vmem>>)
        tpu.yield
      }) : () -> ()
      "tpu.region"() ({
        %run_scoped3A = tpu.sem_alloc : memref<!tpu.dma_semaphore, #tpu.memory_space<semaphore_mem>>
        %dma_start3A_25 = tpu.memref_slice %arg4[%multiple_of3A] : memref<323584xi32, #tpu.memory_space<hbm>> -> memref<128xi32, #tpu.memory_space<hbm>>
        %dma_start3A_26 = tpu.memref_slice %arg4[%multiple_of3A] : memref<323584xi32, #tpu.memory_space<hbm>> -> memref<128xi32, #tpu.memory_space<hbm>>
        tpu.enqueue_dma source(%dma_start3A_26 : memref<128xi32, #tpu.memory_space<hbm>>) target(%arg8 : memref<128xi32, #tpu.memory_space<vmem>>) target_semaphore(%run_scoped3A : memref<!tpu.dma_semaphore, #tpu.memory_space<semaphore_mem>>)
        %dma_wait3A_27 = tpu.memref_slice %arg4[%multiple_of3A] : memref<323584xi32, #tpu.memory_space<hbm>> -> memref<128xi32, #tpu.memory_space<hbm>>
        %dma_wait3A_28 = tpu.memref_slice %arg4[%multiple_of3A] : memref<323584xi32, #tpu.memory_space<hbm>> -> memref<128xi32, #tpu.memory_space<hbm>>
        tpu.wait_dma2 semaphore(%run_scoped3A : memref<!tpu.dma_semaphore, #tpu.memory_space<semaphore_mem>>) src(%dma_wait3A_28 : memref<128xi32, #tpu.memory_space<hbm>>) dst(%arg8 : memref<128xi32, #tpu.memory_space<vmem>>)
        tpu.yield
      }) : () -> ()
      %dma_start3A = arith.constant 0 : i32
      %dma_start3A_21 = arith.constant 0 : i32
      %dma_start3A_22 = tpu.memref_slice %arg2[%dma_start3A, %dma_start3A_21] : memref<10000x128xf32, #tpu.memory_space<hbm>> -> memref<10000x128xf32, #tpu.memory_space<hbm>>
      tpu.enqueue_indirect_dma source(%dma_start3A_22 : memref<10000x128xf32, #tpu.memory_space<hbm>>) target(%arg9 : memref<128x128xf32, #tpu.memory_space<vmem>>) offsets(%arg7 : memref<128xi32, #tpu.memory_space<vmem>>) semaphore(%arg11 : memref<!tpu.dma_semaphore, #tpu.memory_space<semaphore_mem>>)
      %dma_wait3A = arith.constant 0 : i32
      %dma_wait3A_23 = arith.constant 0 : i32
      %dma_wait3A_24 = tpu.memref_slice %arg2[%dma_wait3A, %dma_wait3A_23] : memref<10000x128xf32, #tpu.memory_space<hbm>> -> memref<10000x128xf32, #tpu.memory_space<hbm>>
      tpu.wait_indirect_dma semaphore(%arg11 : memref<!tpu.dma_semaphore, #tpu.memory_space<semaphore_mem>>) src(%dma_wait3A_24 : memref<10000x128xf32, #tpu.memory_space<hbm>>) dst(%arg9 : memref<128x128xf32, #tpu.memory_space<vmem>>)
      "tpu.region"() ({
        %run_scoped3A = tpu.sem_alloc : memref<!tpu.dma_semaphore, #tpu.memory_space<semaphore_mem>>
        %dma_start3A_25 = arith.constant 0 : i32
        %dma_start3A_26 = arith.constant 0 : i32
        %dma_start3A_27 = tpu.memref_slice %arg10[%dma_start3A_25, %dma_start3A_26] : memref<10112x128xf32, #tpu.memory_space<vmem_shared>> -> memref<10112x128xf32, #tpu.memory_space<vmem_shared>>
        tpu.enqueue_indirect_dma source(%arg9 : memref<128x128xf32, #tpu.memory_space<vmem>>) target(%dma_start3A_27 : memref<10112x128xf32, #tpu.memory_space<vmem_shared>>) offsets(%arg8 : memref<128xi32, #tpu.memory_space<vmem>>) semaphore(%run_scoped3A : memref<!tpu.dma_semaphore, #tpu.memory_space<semaphore_mem>>) {add = true}
        %dma_wait3A_28 = arith.constant 0 : i32
        %dma_wait3A_29 = arith.constant 0 : i32
        %dma_wait3A_30 = tpu.memref_slice %arg10[%dma_wait3A_28, %dma_wait3A_29] : memref<10112x128xf32, #tpu.memory_space<vmem_shared>> -> memref<10112x128xf32, #tpu.memory_space<vmem_shared>>
        tpu.wait_indirect_dma semaphore(%run_scoped3A : memref<!tpu.dma_semaphore, #tpu.memory_space<semaphore_mem>>) src(%arg9 : memref<128x128xf32, #tpu.memory_space<vmem>>) dst(%dma_wait3A_30 : memref<10112x128xf32, #tpu.memory_space<vmem_shared>>)
        tpu.yield
      }) : () -> ()
    }
    %scan3A_9 = arith.constant 79 : i32
    %barrier3A_10 = arith.constant 0 : index
    tpu.barrier barrier_id(%barrier3A_10)
    %mul3A_11 = arith.constant 632 : i32
    %mul3A_12 = arith.muli %arg1, %mul3A_11 : i32
    %mul3A_13 = arith.constant 632 : i32
    %mul3A_14 = arith.muli %arg1, %mul3A_13 : i32
    "tpu.region"() ({
      %run_scoped3A = tpu.sem_alloc : memref<!tpu.dma_semaphore, #tpu.memory_space<semaphore_mem>>
      %dma_start3A = arith.constant 0 : i32
      %dma_start3A_15 = tpu.memref_slice %arg6[%arg0, %mul3A_14, %dma_start3A] : memref<2x10112x128xf32, #tpu.memory_space<hbm>> -> memref<1x632x128xf32, #tpu.memory_space<hbm>>
      %dma_start3A_16 = tpu.memref_squeeze %dma_start3A_15 : memref<1x632x128xf32, #tpu.memory_space<hbm>> -> memref<632x128xf32, #tpu.memory_space<hbm>>
      %dma_start3A_17 = arith.constant 0 : i32
      %dma_start3A_18 = tpu.memref_slice %arg10[%mul3A_12, %dma_start3A_17] : memref<10112x128xf32, #tpu.memory_space<vmem_shared>> -> memref<632x128xf32, #tpu.memory_space<vmem_shared>>
      tpu.enqueue_dma source(%dma_start3A_18 : memref<632x128xf32, #tpu.memory_space<vmem_shared>>) target(%dma_start3A_16 : memref<632x128xf32, #tpu.memory_space<hbm>>) target_semaphore(%run_scoped3A : memref<!tpu.dma_semaphore, #tpu.memory_space<semaphore_mem>>)
      %dma_wait3A = arith.constant 0 : i32
      %dma_wait3A_19 = tpu.memref_slice %arg6[%arg0, %mul3A_14, %dma_wait3A] : memref<2x10112x128xf32, #tpu.memory_space<hbm>> -> memref<1x632x128xf32, #tpu.memory_space<hbm>>
      %dma_wait3A_20 = tpu.memref_squeeze %dma_wait3A_19 : memref<1x632x128xf32, #tpu.memory_space<hbm>> -> memref<632x128xf32, #tpu.memory_space<hbm>>
      %dma_wait3A_21 = arith.constant 0 : i32
      %dma_wait3A_22 = tpu.memref_slice %arg10[%mul3A_12, %dma_wait3A_21] : memref<10112x128xf32, #tpu.memory_space<vmem_shared>> -> memref<632x128xf32, #tpu.memory_space<vmem_shared>>
      tpu.wait_dma2 semaphore(%run_scoped3A : memref<!tpu.dma_semaphore, #tpu.memory_space<semaphore_mem>>) src(%dma_wait3A_22 : memref<632x128xf32, #tpu.memory_space<vmem_shared>>) dst(%dma_wait3A_20 : memref<632x128xf32, #tpu.memory_space<hbm>>)
      tpu.yield
    }) : () -> ()
    return
  }
}

#map = affine_map<(d0, d1) -> (0, 0)>
#map1 = affine_map<(d0, d1) -> (0)>
#map2 = affine_map<(d0, d1) -> (0, 0, 0)>
module attributes {stable_mosaic.version = 14 : i64} {
  func.func @segsum(%arg0: i32, %arg1: i32, %arg2: memref<10000x128xf32, #tpu.memory_space<hbm>>, %arg3: memref<323584xi32, #tpu.memory_space<hbm>>, %arg4: memref<323584xi32, #tpu.memory_space<hbm>>, %arg5: memref<10112x128xf32, #tpu.memory_space<hbm>>, %arg6: memref<2x10112x128xf32, #tpu.memory_space<hbm>>, %arg7: memref<128xi32, #tpu.memory_space<vmem>>, %arg8: memref<128xi32, #tpu.memory_space<vmem>>, %arg9: memref<128x128xf32, #tpu.memory_space<vmem>>, %arg10: memref<10112x128xf32, #tpu.memory_space<vmem_shared>>, %arg11: memref<!tpu.dma_semaphore, #tpu.memory_space<semaphore_mem>>) attributes {dimension_semantics = [#tpu.dimension_semantics<core_parallel>, #tpu.dimension_semantics<subcore_parallel>], iteration_bounds = array<i64: 2, 16>, scalar_prefetch = 0 : i64, scratch_operands = 5 : i64, tpu.core_type = #tpu.core_type<sc_vector_subcore>, window_params = [{transform_indices = #map}, {transform_indices = #map1}, {transform_indices = #map1}, {transform_indices = #map}, {transform_indices = #map2}]} {
    %mul3A = arith.constant 16 : i32
    %mul3A_0 = arith.muli %arg0, %mul3A : i32
    %add3A = arith.addi %mul3A_0, %arg1 : i32
    %mul3A_1 = arith.constant 632 : i32
    %mul3A_2 = arith.muli %arg1, %mul3A_1 : i32
    %mul3A_3 = arith.constant 632 : i32
    %mul3A_4 = arith.muli %arg1, %mul3A_3 : i32
    "tpu.region"() ({
      %run_scoped3A = tpu.sem_alloc : memref<!tpu.dma_semaphore, #tpu.memory_space<semaphore_mem>>
      %dma_start3A = arith.constant 0 : i32
      %dma_start3A_15 = tpu.memref_slice %arg10[%mul3A_4, %dma_start3A] : memref<10112x128xf32, #tpu.memory_space<vmem_shared>> -> memref<632x128xf32, #tpu.memory_space<vmem_shared>>
      %dma_start3A_16 = arith.constant 0 : i32
      %dma_start3A_17 = tpu.memref_slice %arg5[%mul3A_2, %dma_start3A_16] : memref<10112x128xf32, #tpu.memory_space<hbm>> -> memref<632x128xf32, #tpu.memory_space<hbm>>
      tpu.enqueue_dma source(%dma_start3A_17 : memref<632x128xf32, #tpu.memory_space<hbm>>) target(%dma_start3A_15 : memref<632x128xf32, #tpu.memory_space<vmem_shared>>) target_semaphore(%run_scoped3A : memref<!tpu.dma_semaphore, #tpu.memory_space<semaphore_mem>>)
      %dma_wait3A = arith.constant 0 : i32
      %dma_wait3A_18 = tpu.memref_slice %arg10[%mul3A_4, %dma_wait3A] : memref<10112x128xf32, #tpu.memory_space<vmem_shared>> -> memref<632x128xf32, #tpu.memory_space<vmem_shared>>
      %dma_wait3A_19 = arith.constant 0 : i32
      %dma_wait3A_20 = tpu.memref_slice %arg5[%mul3A_2, %dma_wait3A_19] : memref<10112x128xf32, #tpu.memory_space<hbm>> -> memref<632x128xf32, #tpu.memory_space<hbm>>
      tpu.wait_dma2 semaphore(%run_scoped3A : memref<!tpu.dma_semaphore, #tpu.memory_space<semaphore_mem>>) src(%dma_wait3A_20 : memref<632x128xf32, #tpu.memory_space<hbm>>) dst(%dma_wait3A_18 : memref<632x128xf32, #tpu.memory_space<vmem_shared>>)
      tpu.yield
    }) : () -> ()
    %barrier3A = arith.constant 0 : index
    tpu.barrier barrier_id(%barrier3A)
    %scan3A = arith.constant 0 : i32
    %scan3A_5 = arith.constant 0 : i32
    %scan3A_6 = arith.constant 79 : i32
    %scan3A_7 = arith.addi %scan3A_5, %scan3A_6 : i32
    %scan3A_8 = arith.constant 1 : i32
    scf.for %scan3A_15 = %scan3A_5 to %scan3A_7 step %scan3A_8  : i32 {
      %mul3A_16 = arith.constant 10112 : i32
      %mul3A_17 = arith.muli %add3A, %mul3A_16 : i32
      %mul3A_18 = arith.constant 128 : i32
      %mul3A_19 = arith.muli %scan3A_15, %mul3A_18 : i32
      %add3A_20 = arith.addi %mul3A_17, %mul3A_19 : i32
      %multiple_of3A = tpu.assume_multiple %add3A_20, 128 : i32
      "tpu.region"() ({
        %run_scoped3A = tpu.sem_alloc : memref<!tpu.dma_semaphore, #tpu.memory_space<semaphore_mem>>
        %dma_start3A_25 = tpu.memref_slice %arg3[%multiple_of3A] : memref<323584xi32, #tpu.memory_space<hbm>> -> memref<128xi32, #tpu.memory_space<hbm>>
        %dma_start3A_26 = tpu.memref_slice %arg3[%multiple_of3A] : memref<323584xi32, #tpu.memory_space<hbm>> -> memref<128xi32, #tpu.memory_space<hbm>>
        tpu.enqueue_dma source(%dma_start3A_26 : memref<128xi32, #tpu.memory_space<hbm>>) target(%arg7 : memref<128xi32, #tpu.memory_space<vmem>>) target_semaphore(%run_scoped3A : memref<!tpu.dma_semaphore, #tpu.memory_space<semaphore_mem>>)
        %dma_wait3A_27 = tpu.memref_slice %arg3[%multiple_of3A] : memref<323584xi32, #tpu.memory_space<hbm>> -> memref<128xi32, #tpu.memory_space<hbm>>
        %dma_wait3A_28 = tpu.memref_slice %arg3[%multiple_of3A] : memref<323584xi32, #tpu.memory_space<hbm>> -> memref<128xi32, #tpu.memory_space<hbm>>
        tpu.wait_dma2 semaphore(%run_scoped3A : memref<!tpu.dma_semaphore, #tpu.memory_space<semaphore_mem>>) src(%dma_wait3A_28 : memref<128xi32, #tpu.memory_space<hbm>>) dst(%arg7 : memref<128xi32, #tpu.memory_space<vmem>>)
        tpu.yield
      }) : () -> ()
      "tpu.region"() ({
        %run_scoped3A = tpu.sem_alloc : memref<!tpu.dma_semaphore, #tpu.memory_space<semaphore_mem>>
        %dma_start3A_25 = tpu.memref_slice %arg4[%multiple_of3A] : memref<323584xi32, #tpu.memory_space<hbm>> -> memref<128xi32, #tpu.memory_space<hbm>>
        %dma_start3A_26 = tpu.memref_slice %arg4[%multiple_of3A] : memref<323584xi32, #tpu.memory_space<hbm>> -> memref<128xi32, #tpu.memory_space<hbm>>
        tpu.enqueue_dma source(%dma_start3A_26 : memref<128xi32, #tpu.memory_space<hbm>>) target(%arg8 : memref<128xi32, #tpu.memory_space<vmem>>) target_semaphore(%run_scoped3A : memref<!tpu.dma_semaphore, #tpu.memory_space<semaphore_mem>>)
        %dma_wait3A_27 = tpu.memref_slice %arg4[%multiple_of3A] : memref<323584xi32, #tpu.memory_space<hbm>> -> memref<128xi32, #tpu.memory_space<hbm>>
        %dma_wait3A_28 = tpu.memref_slice %arg4[%multiple_of3A] : memref<323584xi32, #tpu.memory_space<hbm>> -> memref<128xi32, #tpu.memory_space<hbm>>
        tpu.wait_dma2 semaphore(%run_scoped3A : memref<!tpu.dma_semaphore, #tpu.memory_space<semaphore_mem>>) src(%dma_wait3A_28 : memref<128xi32, #tpu.memory_space<hbm>>) dst(%arg8 : memref<128xi32, #tpu.memory_space<vmem>>)
        tpu.yield
      }) : () -> ()
      %dma_start3A = arith.constant 0 : i32
      %dma_start3A_21 = arith.constant 0 : i32
      %dma_start3A_22 = tpu.memref_slice %arg2[%dma_start3A, %dma_start3A_21] : memref<10000x128xf32, #tpu.memory_space<hbm>> -> memref<10000x128xf32, #tpu.memory_space<hbm>>
      tpu.enqueue_indirect_dma source(%dma_start3A_22 : memref<10000x128xf32, #tpu.memory_space<hbm>>) target(%arg9 : memref<128x128xf32, #tpu.memory_space<vmem>>) offsets(%arg7 : memref<128xi32, #tpu.memory_space<vmem>>) semaphore(%arg11 : memref<!tpu.dma_semaphore, #tpu.memory_space<semaphore_mem>>)
      %dma_wait3A = arith.constant 0 : i32
      %dma_wait3A_23 = arith.constant 0 : i32
      %dma_wait3A_24 = tpu.memref_slice %arg2[%dma_wait3A, %dma_wait3A_23] : memref<10000x128xf32, #tpu.memory_space<hbm>> -> memref<10000x128xf32, #tpu.memory_space<hbm>>
      tpu.wait_indirect_dma semaphore(%arg11 : memref<!tpu.dma_semaphore, #tpu.memory_space<semaphore_mem>>) src(%dma_wait3A_24 : memref<10000x128xf32, #tpu.memory_space<hbm>>) dst(%arg9 : memref<128x128xf32, #tpu.memory_space<vmem>>)
      "tpu.region"() ({
        %run_scoped3A = tpu.sem_alloc : memref<!tpu.dma_semaphore, #tpu.memory_space<semaphore_mem>>
        %dma_start3A_25 = arith.constant 0 : i32
        %dma_start3A_26 = arith.constant 0 : i32
        %dma_start3A_27 = tpu.memref_slice %arg10[%dma_start3A_25, %dma_start3A_26] : memref<10112x128xf32, #tpu.memory_space<vmem_shared>> -> memref<10112x128xf32, #tpu.memory_space<vmem_shared>>
        tpu.enqueue_indirect_dma source(%arg9 : memref<128x128xf32, #tpu.memory_space<vmem>>) target(%dma_start3A_27 : memref<10112x128xf32, #tpu.memory_space<vmem_shared>>) offsets(%arg8 : memref<128xi32, #tpu.memory_space<vmem>>) semaphore(%run_scoped3A : memref<!tpu.dma_semaphore, #tpu.memory_space<semaphore_mem>>) {add = true}
        %dma_wait3A_28 = arith.constant 0 : i32
        %dma_wait3A_29 = arith.constant 0 : i32
        %dma_wait3A_30 = tpu.memref_slice %arg10[%dma_wait3A_28, %dma_wait3A_29] : memref<10112x128xf32, #tpu.memory_space<vmem_shared>> -> memref<10112x128xf32, #tpu.memory_space<vmem_shared>>
        tpu.wait_indirect_dma semaphore(%run_scoped3A : memref<!tpu.dma_semaphore, #tpu.memory_space<semaphore_mem>>) src(%arg9 : memref<128x128xf32, #tpu.memory_space<vmem>>) dst(%dma_wait3A_30 : memref<10112x128xf32, #tpu.memory_space<vmem_shared>>)
        tpu.yield
      }) : () -> ()
    }
    %scan3A_9 = arith.constant 79 : i32
    %barrier3A_10 = arith.constant 0 : index
    tpu.barrier barrier_id(%barrier3A_10)
    %mul3A_11 = arith.constant 632 : i32
    %mul3A_12 = arith.muli %arg1, %mul3A_11 : i32
    %mul3A_13 = arith.constant 632 : i32
    %mul3A_14 = arith.muli %arg1, %mul3A_13 : i32
    "tpu.region"() ({
      %run_scoped3A = tpu.sem_alloc : memref<!tpu.dma_semaphore, #tpu.memory_space<semaphore_mem>>
      %dma_start3A = arith.constant 0 : i32
      %dma_start3A_15 = tpu.memref_slice %arg6[%arg0, %mul3A_14, %dma_start3A] : memref<2x10112x128xf32, #tpu.memory_space<hbm>> -> memref<1x632x128xf32, #tpu.memory_space<hbm>>
      %dma_start3A_16 = tpu.memref_squeeze %dma_start3A_15 : memref<1x632x128xf32, #tpu.memory_space<hbm>> -> memref<632x128xf32, #tpu.memory_space<hbm>>
      %dma_start3A_17 = arith.constant 0 : i32
      %dma_start3A_18 = tpu.memref_slice %arg10[%mul3A_12, %dma_start3A_17] : memref<10112x128xf32, #tpu.memory_space<vmem_shared>> -> memref<632x128xf32, #tpu.memory_space<vmem_shared>>
      tpu.enqueue_dma source(%dma_start3A_18 : memref<632x128xf32, #tpu.memory_space<vmem_shared>>) target(%dma_start3A_16 : memref<632x128xf32, #tpu.memory_space<hbm>>) target_semaphore(%run_scoped3A : memref<!tpu.dma_semaphore, #tpu.memory_space<semaphore_mem>>)
      %dma_wait3A = arith.constant 0 : i32
      %dma_wait3A_19 = tpu.memref_slice %arg6[%arg0, %mul3A_14, %dma_wait3A] : memref<2x10112x128xf32, #tpu.memory_space<hbm>> -> memref<1x632x128xf32, #tpu.memory_space<hbm>>
      %dma_wait3A_20 = tpu.memref_squeeze %dma_wait3A_19 : memref<1x632x128xf32, #tpu.memory_space<hbm>> -> memref<632x128xf32, #tpu.memory_space<hbm>>
      %dma_wait3A_21 = arith.constant 0 : i32
      %dma_wait3A_22 = tpu.memref_slice %arg10[%mul3A_12, %dma_wait3A_21] : memref<10112x128xf32, #tpu.memory_space<vmem_shared>> -> memref<632x128xf32, #tpu.memory_space<vmem_shared>>
      tpu.wait_dma2 semaphore(%run_scoped3A : memref<!tpu.dma_semaphore, #tpu.memory_space<semaphore_mem>>) src(%dma_wait3A_22 : memref<632x128xf32, #tpu.memory_space<vmem_shared>>) dst(%dma_wait3A_20 : memref<632x128xf32, #tpu.memory_space<hbm>>)
      tpu.yield
    }) : () -> ()
    return
  }
}

#map = affine_map<(d0, d1) -> (0, 0)>
#map1 = affine_map<(d0, d1) -> (0)>
#map2 = affine_map<(d0, d1) -> (0, 0, 0)>
module attributes {stable_mosaic.version = 14 : i64} {
  func.func @segsum(%arg0: i32, %arg1: i32, %arg2: memref<10000x128xf32, #tpu.memory_space<hbm>>, %arg3: memref<323584xi32, #tpu.memory_space<hbm>>, %arg4: memref<323584xi32, #tpu.memory_space<hbm>>, %arg5: memref<10112x128xf32, #tpu.memory_space<hbm>>, %arg6: memref<2x10112x128xf32, #tpu.memory_space<hbm>>, %arg7: memref<128xi32, #tpu.memory_space<vmem>>, %arg8: memref<128xi32, #tpu.memory_space<vmem>>, %arg9: memref<128x128xf32, #tpu.memory_space<vmem>>, %arg10: memref<10112x128xf32, #tpu.memory_space<vmem_shared>>, %arg11: memref<!tpu.dma_semaphore, #tpu.memory_space<semaphore_mem>>) attributes {dimension_semantics = [#tpu.dimension_semantics<core_parallel>, #tpu.dimension_semantics<subcore_parallel>], iteration_bounds = array<i64: 2, 16>, scalar_prefetch = 0 : i64, scratch_operands = 5 : i64, tpu.core_type = #tpu.core_type<sc_vector_subcore>, window_params = [{transform_indices = #map}, {transform_indices = #map1}, {transform_indices = #map1}, {transform_indices = #map}, {transform_indices = #map2}]} {
    %mul3A = arith.constant 16 : i32
    %mul3A_0 = arith.muli %arg0, %mul3A : i32
    %add3A = arith.addi %mul3A_0, %arg1 : i32
    %mul3A_1 = arith.constant 632 : i32
    %mul3A_2 = arith.muli %arg1, %mul3A_1 : i32
    %mul3A_3 = arith.constant 632 : i32
    %mul3A_4 = arith.muli %arg1, %mul3A_3 : i32
    "tpu.region"() ({
      %run_scoped3A = tpu.sem_alloc : memref<!tpu.dma_semaphore, #tpu.memory_space<semaphore_mem>>
      %dma_start3A = arith.constant 0 : i32
      %dma_start3A_15 = tpu.memref_slice %arg10[%mul3A_4, %dma_start3A] : memref<10112x128xf32, #tpu.memory_space<vmem_shared>> -> memref<632x128xf32, #tpu.memory_space<vmem_shared>>
      %dma_start3A_16 = arith.constant 0 : i32
      %dma_start3A_17 = tpu.memref_slice %arg5[%mul3A_2, %dma_start3A_16] : memref<10112x128xf32, #tpu.memory_space<hbm>> -> memref<632x128xf32, #tpu.memory_space<hbm>>
      tpu.enqueue_dma source(%dma_start3A_17 : memref<632x128xf32, #tpu.memory_space<hbm>>) target(%dma_start3A_15 : memref<632x128xf32, #tpu.memory_space<vmem_shared>>) target_semaphore(%run_scoped3A : memref<!tpu.dma_semaphore, #tpu.memory_space<semaphore_mem>>)
      %dma_wait3A = arith.constant 0 : i32
      %dma_wait3A_18 = tpu.memref_slice %arg10[%mul3A_4, %dma_wait3A] : memref<10112x128xf32, #tpu.memory_space<vmem_shared>> -> memref<632x128xf32, #tpu.memory_space<vmem_shared>>
      %dma_wait3A_19 = arith.constant 0 : i32
      %dma_wait3A_20 = tpu.memref_slice %arg5[%mul3A_2, %dma_wait3A_19] : memref<10112x128xf32, #tpu.memory_space<hbm>> -> memref<632x128xf32, #tpu.memory_space<hbm>>
      tpu.wait_dma2 semaphore(%run_scoped3A : memref<!tpu.dma_semaphore, #tpu.memory_space<semaphore_mem>>) src(%dma_wait3A_20 : memref<632x128xf32, #tpu.memory_space<hbm>>) dst(%dma_wait3A_18 : memref<632x128xf32, #tpu.memory_space<vmem_shared>>)
      tpu.yield
    }) : () -> ()
    %barrier3A = arith.constant 0 : index
    tpu.barrier barrier_id(%barrier3A)
    %scan3A = arith.constant 0 : i32
    %scan3A_5 = arith.constant 0 : i32
    %scan3A_6 = arith.constant 79 : i32
    %scan3A_7 = arith.addi %scan3A_5, %scan3A_6 : i32
    %scan3A_8 = arith.constant 1 : i32
    scf.for %scan3A_15 = %scan3A_5 to %scan3A_7 step %scan3A_8  : i32 {
      %mul3A_16 = arith.constant 10112 : i32
      %mul3A_17 = arith.muli %add3A, %mul3A_16 : i32
      %mul3A_18 = arith.constant 128 : i32
      %mul3A_19 = arith.muli %scan3A_15, %mul3A_18 : i32
      %add3A_20 = arith.addi %mul3A_17, %mul3A_19 : i32
      %multiple_of3A = tpu.assume_multiple %add3A_20, 128 : i32
      "tpu.region"() ({
        %run_scoped3A = tpu.sem_alloc : memref<!tpu.dma_semaphore, #tpu.memory_space<semaphore_mem>>
        %dma_start3A_25 = tpu.memref_slice %arg3[%multiple_of3A] : memref<323584xi32, #tpu.memory_space<hbm>> -> memref<128xi32, #tpu.memory_space<hbm>>
        %dma_start3A_26 = tpu.memref_slice %arg3[%multiple_of3A] : memref<323584xi32, #tpu.memory_space<hbm>> -> memref<128xi32, #tpu.memory_space<hbm>>
        tpu.enqueue_dma source(%dma_start3A_26 : memref<128xi32, #tpu.memory_space<hbm>>) target(%arg7 : memref<128xi32, #tpu.memory_space<vmem>>) target_semaphore(%run_scoped3A : memref<!tpu.dma_semaphore, #tpu.memory_space<semaphore_mem>>)
        %dma_wait3A_27 = tpu.memref_slice %arg3[%multiple_of3A] : memref<323584xi32, #tpu.memory_space<hbm>> -> memref<128xi32, #tpu.memory_space<hbm>>
        %dma_wait3A_28 = tpu.memref_slice %arg3[%multiple_of3A] : memref<323584xi32, #tpu.memory_space<hbm>> -> memref<128xi32, #tpu.memory_space<hbm>>
        tpu.wait_dma2 semaphore(%run_scoped3A : memref<!tpu.dma_semaphore, #tpu.memory_space<semaphore_mem>>) src(%dma_wait3A_28 : memref<128xi32, #tpu.memory_space<hbm>>) dst(%arg7 : memref<128xi32, #tpu.memory_space<vmem>>)
        tpu.yield
      }) : () -> ()
      "tpu.region"() ({
        %run_scoped3A = tpu.sem_alloc : memref<!tpu.dma_semaphore, #tpu.memory_space<semaphore_mem>>
        %dma_start3A_25 = tpu.memref_slice %arg4[%multiple_of3A] : memref<323584xi32, #tpu.memory_space<hbm>> -> memref<128xi32, #tpu.memory_space<hbm>>
        %dma_start3A_26 = tpu.memref_slice %arg4[%multiple_of3A] : memref<323584xi32, #tpu.memory_space<hbm>> -> memref<128xi32, #tpu.memory_space<hbm>>
        tpu.enqueue_dma source(%dma_start3A_26 : memref<128xi32, #tpu.memory_space<hbm>>) target(%arg8 : memref<128xi32, #tpu.memory_space<vmem>>) target_semaphore(%run_scoped3A : memref<!tpu.dma_semaphore, #tpu.memory_space<semaphore_mem>>)
        %dma_wait3A_27 = tpu.memref_slice %arg4[%multiple_of3A] : memref<323584xi32, #tpu.memory_space<hbm>> -> memref<128xi32, #tpu.memory_space<hbm>>
        %dma_wait3A_28 = tpu.memref_slice %arg4[%multiple_of3A] : memref<323584xi32, #tpu.memory_space<hbm>> -> memref<128xi32, #tpu.memory_space<hbm>>
        tpu.wait_dma2 semaphore(%run_scoped3A : memref<!tpu.dma_semaphore, #tpu.memory_space<semaphore_mem>>) src(%dma_wait3A_28 : memref<128xi32, #tpu.memory_space<hbm>>) dst(%arg8 : memref<128xi32, #tpu.memory_space<vmem>>)
        tpu.yield
      }) : () -> ()
      %dma_start3A = arith.constant 0 : i32
      %dma_start3A_21 = arith.constant 0 : i32
      %dma_start3A_22 = tpu.memref_slice %arg2[%dma_start3A, %dma_start3A_21] : memref<10000x128xf32, #tpu.memory_space<hbm>> -> memref<10000x128xf32, #tpu.memory_space<hbm>>
      tpu.enqueue_indirect_dma source(%dma_start3A_22 : memref<10000x128xf32, #tpu.memory_space<hbm>>) target(%arg9 : memref<128x128xf32, #tpu.memory_space<vmem>>) offsets(%arg7 : memref<128xi32, #tpu.memory_space<vmem>>) semaphore(%arg11 : memref<!tpu.dma_semaphore, #tpu.memory_space<semaphore_mem>>)
      %dma_wait3A = arith.constant 0 : i32
      %dma_wait3A_23 = arith.constant 0 : i32
      %dma_wait3A_24 = tpu.memref_slice %arg2[%dma_wait3A, %dma_wait3A_23] : memref<10000x128xf32, #tpu.memory_space<hbm>> -> memref<10000x128xf32, #tpu.memory_space<hbm>>
      tpu.wait_indirect_dma semaphore(%arg11 : memref<!tpu.dma_semaphore, #tpu.memory_space<semaphore_mem>>) src(%dma_wait3A_24 : memref<10000x128xf32, #tpu.memory_space<hbm>>) dst(%arg9 : memref<128x128xf32, #tpu.memory_space<vmem>>)
      "tpu.region"() ({
        %run_scoped3A = tpu.sem_alloc : memref<!tpu.dma_semaphore, #tpu.memory_space<semaphore_mem>>
        %dma_start3A_25 = arith.constant 0 : i32
        %dma_start3A_26 = arith.constant 0 : i32
        %dma_start3A_27 = tpu.memref_slice %arg10[%dma_start3A_25, %dma_start3A_26] : memref<10112x128xf32, #tpu.memory_space<vmem_shared>> -> memref<10112x128xf32, #tpu.memory_space<vmem_shared>>
        tpu.enqueue_indirect_dma source(%arg9 : memref<128x128xf32, #tpu.memory_space<vmem>>) target(%dma_start3A_27 : memref<10112x128xf32, #tpu.memory_space<vmem_shared>>) offsets(%arg8 : memref<128xi32, #tpu.memory_space<vmem>>) semaphore(%run_scoped3A : memref<!tpu.dma_semaphore, #tpu.memory_space<semaphore_mem>>) {add = true}
        %dma_wait3A_28 = arith.constant 0 : i32
        %dma_wait3A_29 = arith.constant 0 : i32
        %dma_wait3A_30 = tpu.memref_slice %arg10[%dma_wait3A_28, %dma_wait3A_29] : memref<10112x128xf32, #tpu.memory_space<vmem_shared>> -> memref<10112x128xf32, #tpu.memory_space<vmem_shared>>
        tpu.wait_indirect_dma semaphore(%run_scoped3A : memref<!tpu.dma_semaphore, #tpu.memory_space<semaphore_mem>>) src(%arg9 : memref<128x128xf32, #tpu.memory_space<vmem>>) dst(%dma_wait3A_30 : memref<10112x128xf32, #tpu.memory_space<vmem_shared>>)
        tpu.yield
      }) : () -> ()
    }
    %scan3A_9 = arith.constant 79 : i32
    %barrier3A_10 = arith.constant 0 : index
    tpu.barrier barrier_id(%barrier3A_10)
    %mul3A_11 = arith.constant 632 : i32
    %mul3A_12 = arith.muli %arg1, %mul3A_11 : i32
    %mul3A_13 = arith.constant 632 : i32
    %mul3A_14 = arith.muli %arg1, %mul3A_13 : i32
    "tpu.region"() ({
      %run_scoped3A = tpu.sem_alloc : memref<!tpu.dma_semaphore, #tpu.memory_space<semaphore_mem>>
      %dma_start3A = arith.constant 0 : i32
      %dma_start3A_15 = tpu.memref_slice %arg6[%arg0, %mul3A_14, %dma_start3A] : memref<2x10112x128xf32, #tpu.memory_space<hbm>> -> memref<1x632x128xf32, #tpu.memory_space<hbm>>
      %dma_start3A_16 = tpu.memref_squeeze %dma_start3A_15 : memref<1x632x128xf32, #tpu.memory_space<hbm>> -> memref<632x128xf32, #tpu.memory_space<hbm>>
      %dma_start3A_17 = arith.constant 0 : i32
      %dma_start3A_18 = tpu.memref_slice %arg10[%mul3A_12, %dma_start3A_17] : memref<10112x128xf32, #tpu.memory_space<vmem_shared>> -> memref<632x128xf32, #tpu.memory_space<vmem_shared>>
      tpu.enqueue_dma source(%dma_start3A_18 : memref<632x128xf32, #tpu.memory_space<vmem_shared>>) target(%dma_start3A_16 : memref<632x128xf32, #tpu.memory_space<hbm>>) target_semaphore(%run_scoped3A : memref<!tpu.dma_semaphore, #tpu.memory_space<semaphore_mem>>)
      %dma_wait3A = arith.constant 0 : i32
      %dma_wait3A_19 = tpu.memref_slice %arg6[%arg0, %mul3A_14, %dma_wait3A] : memref<2x10112x128xf32, #tpu.memory_space<hbm>> -> memref<1x632x128xf32, #tpu.memory_space<hbm>>
      %dma_wait3A_20 = tpu.memref_squeeze %dma_wait3A_19 : memref<1x632x128xf32, #tpu.memory_space<hbm>> -> memref<632x128xf32, #tpu.memory_space<hbm>>
      %dma_wait3A_21 = arith.constant 0 : i32
      %dma_wait3A_22 = tpu.memref_slice %arg10[%mul3A_12, %dma_wait3A_21] : memref<10112x128xf32, #tpu.memory_space<vmem_shared>> -> memref<632x128xf32, #tpu.memory_space<vmem_shared>>
      tpu.wait_dma2 semaphore(%run_scoped3A : memref<!tpu.dma_semaphore, #tpu.memory_space<semaphore_mem>>) src(%dma_wait3A_22 : memref<632x128xf32, #tpu.memory_space<vmem_shared>>) dst(%dma_wait3A_20 : memref<632x128xf32, #tpu.memory_space<hbm>>)
      tpu.yield
    }) : () -> ()
    return
  }
}

#map = affine_map<(d0, d1) -> (0, 0)>
#map1 = affine_map<(d0, d1) -> (0)>
#map2 = affine_map<(d0, d1) -> (0, 0, 0)>
module attributes {stable_mosaic.version = 14 : i64} {
  func.func @segsum(%arg0: i32, %arg1: i32, %arg2: memref<10000x128xf32, #tpu.memory_space<hbm>>, %arg3: memref<323584xi32, #tpu.memory_space<hbm>>, %arg4: memref<323584xi32, #tpu.memory_space<hbm>>, %arg5: memref<10112x128xf32, #tpu.memory_space<hbm>>, %arg6: memref<2x10112x128xf32, #tpu.memory_space<hbm>>, %arg7: memref<128xi32, #tpu.memory_space<vmem>>, %arg8: memref<128xi32, #tpu.memory_space<vmem>>, %arg9: memref<128x128xf32, #tpu.memory_space<vmem>>, %arg10: memref<10112x128xf32, #tpu.memory_space<vmem_shared>>, %arg11: memref<!tpu.dma_semaphore, #tpu.memory_space<semaphore_mem>>) attributes {dimension_semantics = [#tpu.dimension_semantics<core_parallel>, #tpu.dimension_semantics<subcore_parallel>], iteration_bounds = array<i64: 2, 16>, scalar_prefetch = 0 : i64, scratch_operands = 5 : i64, tpu.core_type = #tpu.core_type<sc_vector_subcore>, window_params = [{transform_indices = #map}, {transform_indices = #map1}, {transform_indices = #map1}, {transform_indices = #map}, {transform_indices = #map2}]} {
    %mul3A = arith.constant 16 : i32
    %mul3A_0 = arith.muli %arg0, %mul3A : i32
    %add3A = arith.addi %mul3A_0, %arg1 : i32
    %mul3A_1 = arith.constant 632 : i32
    %mul3A_2 = arith.muli %arg1, %mul3A_1 : i32
    %mul3A_3 = arith.constant 632 : i32
    %mul3A_4 = arith.muli %arg1, %mul3A_3 : i32
    "tpu.region"() ({
      %run_scoped3A = tpu.sem_alloc : memref<!tpu.dma_semaphore, #tpu.memory_space<semaphore_mem>>
      %dma_start3A = arith.constant 0 : i32
      %dma_start3A_15 = tpu.memref_slice %arg10[%mul3A_4, %dma_start3A] : memref<10112x128xf32, #tpu.memory_space<vmem_shared>> -> memref<632x128xf32, #tpu.memory_space<vmem_shared>>
      %dma_start3A_16 = arith.constant 0 : i32
      %dma_start3A_17 = tpu.memref_slice %arg5[%mul3A_2, %dma_start3A_16] : memref<10112x128xf32, #tpu.memory_space<hbm>> -> memref<632x128xf32, #tpu.memory_space<hbm>>
      tpu.enqueue_dma source(%dma_start3A_17 : memref<632x128xf32, #tpu.memory_space<hbm>>) target(%dma_start3A_15 : memref<632x128xf32, #tpu.memory_space<vmem_shared>>) target_semaphore(%run_scoped3A : memref<!tpu.dma_semaphore, #tpu.memory_space<semaphore_mem>>)
      %dma_wait3A = arith.constant 0 : i32
      %dma_wait3A_18 = tpu.memref_slice %arg10[%mul3A_4, %dma_wait3A] : memref<10112x128xf32, #tpu.memory_space<vmem_shared>> -> memref<632x128xf32, #tpu.memory_space<vmem_shared>>
      %dma_wait3A_19 = arith.constant 0 : i32
      %dma_wait3A_20 = tpu.memref_slice %arg5[%mul3A_2, %dma_wait3A_19] : memref<10112x128xf32, #tpu.memory_space<hbm>> -> memref<632x128xf32, #tpu.memory_space<hbm>>
      tpu.wait_dma2 semaphore(%run_scoped3A : memref<!tpu.dma_semaphore, #tpu.memory_space<semaphore_mem>>) src(%dma_wait3A_20 : memref<632x128xf32, #tpu.memory_space<hbm>>) dst(%dma_wait3A_18 : memref<632x128xf32, #tpu.memory_space<vmem_shared>>)
      tpu.yield
    }) : () -> ()
    %barrier3A = arith.constant 0 : index
    tpu.barrier barrier_id(%barrier3A)
    %scan3A = arith.constant 0 : i32
    %scan3A_5 = arith.constant 0 : i32
    %scan3A_6 = arith.constant 79 : i32
    %scan3A_7 = arith.addi %scan3A_5, %scan3A_6 : i32
    %scan3A_8 = arith.constant 1 : i32
    scf.for %scan3A_15 = %scan3A_5 to %scan3A_7 step %scan3A_8  : i32 {
      %mul3A_16 = arith.constant 10112 : i32
      %mul3A_17 = arith.muli %add3A, %mul3A_16 : i32
      %mul3A_18 = arith.constant 128 : i32
      %mul3A_19 = arith.muli %scan3A_15, %mul3A_18 : i32
      %add3A_20 = arith.addi %mul3A_17, %mul3A_19 : i32
      %multiple_of3A = tpu.assume_multiple %add3A_20, 128 : i32
      "tpu.region"() ({
        %run_scoped3A = tpu.sem_alloc : memref<!tpu.dma_semaphore, #tpu.memory_space<semaphore_mem>>
        %dma_start3A_25 = tpu.memref_slice %arg3[%multiple_of3A] : memref<323584xi32, #tpu.memory_space<hbm>> -> memref<128xi32, #tpu.memory_space<hbm>>
        %dma_start3A_26 = tpu.memref_slice %arg3[%multiple_of3A] : memref<323584xi32, #tpu.memory_space<hbm>> -> memref<128xi32, #tpu.memory_space<hbm>>
        tpu.enqueue_dma source(%dma_start3A_26 : memref<128xi32, #tpu.memory_space<hbm>>) target(%arg7 : memref<128xi32, #tpu.memory_space<vmem>>) target_semaphore(%run_scoped3A : memref<!tpu.dma_semaphore, #tpu.memory_space<semaphore_mem>>)
        %dma_wait3A_27 = tpu.memref_slice %arg3[%multiple_of3A] : memref<323584xi32, #tpu.memory_space<hbm>> -> memref<128xi32, #tpu.memory_space<hbm>>
        %dma_wait3A_28 = tpu.memref_slice %arg3[%multiple_of3A] : memref<323584xi32, #tpu.memory_space<hbm>> -> memref<128xi32, #tpu.memory_space<hbm>>
        tpu.wait_dma2 semaphore(%run_scoped3A : memref<!tpu.dma_semaphore, #tpu.memory_space<semaphore_mem>>) src(%dma_wait3A_28 : memref<128xi32, #tpu.memory_space<hbm>>) dst(%arg7 : memref<128xi32, #tpu.memory_space<vmem>>)
        tpu.yield
      }) : () -> ()
      "tpu.region"() ({
        %run_scoped3A = tpu.sem_alloc : memref<!tpu.dma_semaphore, #tpu.memory_space<semaphore_mem>>
        %dma_start3A_25 = tpu.memref_slice %arg4[%multiple_of3A] : memref<323584xi32, #tpu.memory_space<hbm>> -> memref<128xi32, #tpu.memory_space<hbm>>
        %dma_start3A_26 = tpu.memref_slice %arg4[%multiple_of3A] : memref<323584xi32, #tpu.memory_space<hbm>> -> memref<128xi32, #tpu.memory_space<hbm>>
        tpu.enqueue_dma source(%dma_start3A_26 : memref<128xi32, #tpu.memory_space<hbm>>) target(%arg8 : memref<128xi32, #tpu.memory_space<vmem>>) target_semaphore(%run_scoped3A : memref<!tpu.dma_semaphore, #tpu.memory_space<semaphore_mem>>)
        %dma_wait3A_27 = tpu.memref_slice %arg4[%multiple_of3A] : memref<323584xi32, #tpu.memory_space<hbm>> -> memref<128xi32, #tpu.memory_space<hbm>>
        %dma_wait3A_28 = tpu.memref_slice %arg4[%multiple_of3A] : memref<323584xi32, #tpu.memory_space<hbm>> -> memref<128xi32, #tpu.memory_space<hbm>>
        tpu.wait_dma2 semaphore(%run_scoped3A : memref<!tpu.dma_semaphore, #tpu.memory_space<semaphore_mem>>) src(%dma_wait3A_28 : memref<128xi32, #tpu.memory_space<hbm>>) dst(%arg8 : memref<128xi32, #tpu.memory_space<vmem>>)
        tpu.yield
      }) : () -> ()
      %dma_start3A = arith.constant 0 : i32
      %dma_start3A_21 = arith.constant 0 : i32
      %dma_start3A_22 = tpu.memref_slice %arg2[%dma_start3A, %dma_start3A_21] : memref<10000x128xf32, #tpu.memory_space<hbm>> -> memref<10000x128xf32, #tpu.memory_space<hbm>>
      tpu.enqueue_indirect_dma source(%dma_start3A_22 : memref<10000x128xf32, #tpu.memory_space<hbm>>) target(%arg9 : memref<128x128xf32, #tpu.memory_space<vmem>>) offsets(%arg7 : memref<128xi32, #tpu.memory_space<vmem>>) semaphore(%arg11 : memref<!tpu.dma_semaphore, #tpu.memory_space<semaphore_mem>>)
      %dma_wait3A = arith.constant 0 : i32
      %dma_wait3A_23 = arith.constant 0 : i32
      %dma_wait3A_24 = tpu.memref_slice %arg2[%dma_wait3A, %dma_wait3A_23] : memref<10000x128xf32, #tpu.memory_space<hbm>> -> memref<10000x128xf32, #tpu.memory_space<hbm>>
      tpu.wait_indirect_dma semaphore(%arg11 : memref<!tpu.dma_semaphore, #tpu.memory_space<semaphore_mem>>) src(%dma_wait3A_24 : memref<10000x128xf32, #tpu.memory_space<hbm>>) dst(%arg9 : memref<128x128xf32, #tpu.memory_space<vmem>>)
      "tpu.region"() ({
        %run_scoped3A = tpu.sem_alloc : memref<!tpu.dma_semaphore, #tpu.memory_space<semaphore_mem>>
        %dma_start3A_25 = arith.constant 0 : i32
        %dma_start3A_26 = arith.constant 0 : i32
        %dma_start3A_27 = tpu.memref_slice %arg10[%dma_start3A_25, %dma_start3A_26] : memref<10112x128xf32, #tpu.memory_space<vmem_shared>> -> memref<10112x128xf32, #tpu.memory_space<vmem_shared>>
        tpu.enqueue_indirect_dma source(%arg9 : memref<128x128xf32, #tpu.memory_space<vmem>>) target(%dma_start3A_27 : memref<10112x128xf32, #tpu.memory_space<vmem_shared>>) offsets(%arg8 : memref<128xi32, #tpu.memory_space<vmem>>) semaphore(%run_scoped3A : memref<!tpu.dma_semaphore, #tpu.memory_space<semaphore_mem>>) {add = true}
        %dma_wait3A_28 = arith.constant 0 : i32
        %dma_wait3A_29 = arith.constant 0 : i32
        %dma_wait3A_30 = tpu.memref_slice %arg10[%dma_wait3A_28, %dma_wait3A_29] : memref<10112x128xf32, #tpu.memory_space<vmem_shared>> -> memref<10112x128xf32, #tpu.memory_space<vmem_shared>>
        tpu.wait_indirect_dma semaphore(%run_scoped3A : memref<!tpu.dma_semaphore, #tpu.memory_space<semaphore_mem>>) src(%arg9 : memref<128x128xf32, #tpu.memory_space<vmem>>) dst(%dma_wait3A_30 : memref<10112x128xf32, #tpu.memory_space<vmem_shared>>)
        tpu.yield
      }) : () -> ()
    }
    %scan3A_9 = arith.constant 79 : i32
    %barrier3A_10 = arith.constant 0 : index
    tpu.barrier barrier_id(%barrier3A_10)
    %mul3A_11 = arith.constant 632 : i32
    %mul3A_12 = arith.muli %arg1, %mul3A_11 : i32
    %mul3A_13 = arith.constant 632 : i32
    %mul3A_14 = arith.muli %arg1, %mul3A_13 : i32
    "tpu.region"() ({
      %run_scoped3A = tpu.sem_alloc : memref<!tpu.dma_semaphore, #tpu.memory_space<semaphore_mem>>
      %dma_start3A = arith.constant 0 : i32
      %dma_start3A_15 = tpu.memref_slice %arg6[%arg0, %mul3A_14, %dma_start3A] : memref<2x10112x128xf32, #tpu.memory_space<hbm>> -> memref<1x632x128xf32, #tpu.memory_space<hbm>>
      %dma_start3A_16 = tpu.memref_squeeze %dma_start3A_15 : memref<1x632x128xf32, #tpu.memory_space<hbm>> -> memref<632x128xf32, #tpu.memory_space<hbm>>
      %dma_start3A_17 = arith.constant 0 : i32
      %dma_start3A_18 = tpu.memref_slice %arg10[%mul3A_12, %dma_start3A_17] : memref<10112x128xf32, #tpu.memory_space<vmem_shared>> -> memref<632x128xf32, #tpu.memory_space<vmem_shared>>
      tpu.enqueue_dma source(%dma_start3A_18 : memref<632x128xf32, #tpu.memory_space<vmem_shared>>) target(%dma_start3A_16 : memref<632x128xf32, #tpu.memory_space<hbm>>) target_semaphore(%run_scoped3A : memref<!tpu.dma_semaphore, #tpu.memory_space<semaphore_mem>>)
      %dma_wait3A = arith.constant 0 : i32
      %dma_wait3A_19 = tpu.memref_slice %arg6[%arg0, %mul3A_14, %dma_wait3A] : memref<2x10112x128xf32, #tpu.memory_space<hbm>> -> memref<1x632x128xf32, #tpu.memory_space<hbm>>
      %dma_wait3A_20 = tpu.memref_squeeze %dma_wait3A_19 : memref<1x632x128xf32, #tpu.memory_space<hbm>> -> memref<632x128xf32, #tpu.memory_space<hbm>>
      %dma_wait3A_21 = arith.constant 0 : i32
      %dma_wait3A_22 = tpu.memref_slice %arg10[%mul3A_12, %dma_wait3A_21] : memref<10112x128xf32, #tpu.memory_space<vmem_shared>> -> memref<632x128xf32, #tpu.memory_space<vmem_shared>>
      tpu.wait_dma2 semaphore(%run_scoped3A : memref<!tpu.dma_semaphore, #tpu.memory_space<semaphore_mem>>) src(%dma_wait3A_22 : memref<632x128xf32, #tpu.memory_space<vmem_shared>>) dst(%dma_wait3A_20 : memref<632x128xf32, #tpu.memory_space<hbm>>)
      tpu.yield
    }) : () -> ()
    return
  }
}

#map = affine_map<(d0, d1) -> (0, 0)>
#map1 = affine_map<(d0, d1) -> (0)>
#map2 = affine_map<(d0, d1) -> (0, 0, 0)>
module attributes {stable_mosaic.version = 14 : i64} {
  func.func @segsum(%arg0: i32, %arg1: i32, %arg2: memref<10000x128xf32, #tpu.memory_space<hbm>>, %arg3: memref<323584xi32, #tpu.memory_space<hbm>>, %arg4: memref<323584xi32, #tpu.memory_space<hbm>>, %arg5: memref<10112x128xf32, #tpu.memory_space<hbm>>, %arg6: memref<2x10112x128xf32, #tpu.memory_space<hbm>>, %arg7: memref<128xi32, #tpu.memory_space<vmem>>, %arg8: memref<128xi32, #tpu.memory_space<vmem>>, %arg9: memref<128x128xf32, #tpu.memory_space<vmem>>, %arg10: memref<10112x128xf32, #tpu.memory_space<vmem_shared>>, %arg11: memref<!tpu.dma_semaphore, #tpu.memory_space<semaphore_mem>>) attributes {dimension_semantics = [#tpu.dimension_semantics<core_parallel>, #tpu.dimension_semantics<subcore_parallel>], iteration_bounds = array<i64: 2, 16>, scalar_prefetch = 0 : i64, scratch_operands = 5 : i64, tpu.core_type = #tpu.core_type<sc_vector_subcore>, window_params = [{transform_indices = #map}, {transform_indices = #map1}, {transform_indices = #map1}, {transform_indices = #map}, {transform_indices = #map2}]} {
    %mul3A = arith.constant 16 : i32
    %mul3A_0 = arith.muli %arg0, %mul3A : i32
    %add3A = arith.addi %mul3A_0, %arg1 : i32
    %mul3A_1 = arith.constant 632 : i32
    %mul3A_2 = arith.muli %arg1, %mul3A_1 : i32
    %mul3A_3 = arith.constant 632 : i32
    %mul3A_4 = arith.muli %arg1, %mul3A_3 : i32
    "tpu.region"() ({
      %run_scoped3A = tpu.sem_alloc : memref<!tpu.dma_semaphore, #tpu.memory_space<semaphore_mem>>
      %dma_start3A = arith.constant 0 : i32
      %dma_start3A_15 = tpu.memref_slice %arg10[%mul3A_4, %dma_start3A] : memref<10112x128xf32, #tpu.memory_space<vmem_shared>> -> memref<632x128xf32, #tpu.memory_space<vmem_shared>>
      %dma_start3A_16 = arith.constant 0 : i32
      %dma_start3A_17 = tpu.memref_slice %arg5[%mul3A_2, %dma_start3A_16] : memref<10112x128xf32, #tpu.memory_space<hbm>> -> memref<632x128xf32, #tpu.memory_space<hbm>>
      tpu.enqueue_dma source(%dma_start3A_17 : memref<632x128xf32, #tpu.memory_space<hbm>>) target(%dma_start3A_15 : memref<632x128xf32, #tpu.memory_space<vmem_shared>>) target_semaphore(%run_scoped3A : memref<!tpu.dma_semaphore, #tpu.memory_space<semaphore_mem>>)
      %dma_wait3A = arith.constant 0 : i32
      %dma_wait3A_18 = tpu.memref_slice %arg10[%mul3A_4, %dma_wait3A] : memref<10112x128xf32, #tpu.memory_space<vmem_shared>> -> memref<632x128xf32, #tpu.memory_space<vmem_shared>>
      %dma_wait3A_19 = arith.constant 0 : i32
      %dma_wait3A_20 = tpu.memref_slice %arg5[%mul3A_2, %dma_wait3A_19] : memref<10112x128xf32, #tpu.memory_space<hbm>> -> memref<632x128xf32, #tpu.memory_space<hbm>>
      tpu.wait_dma2 semaphore(%run_scoped3A : memref<!tpu.dma_semaphore, #tpu.memory_space<semaphore_mem>>) src(%dma_wait3A_20 : memref<632x128xf32, #tpu.memory_space<hbm>>) dst(%dma_wait3A_18 : memref<632x128xf32, #tpu.memory_space<vmem_shared>>)
      tpu.yield
    }) : () -> ()
    %barrier3A = arith.constant 0 : index
    tpu.barrier barrier_id(%barrier3A)
    %scan3A = arith.constant 0 : i32
    %scan3A_5 = arith.constant 0 : i32
    %scan3A_6 = arith.constant 79 : i32
    %scan3A_7 = arith.addi %scan3A_5, %scan3A_6 : i32
    %scan3A_8 = arith.constant 1 : i32
    scf.for %scan3A_15 = %scan3A_5 to %scan3A_7 step %scan3A_8  : i32 {
      %mul3A_16 = arith.constant 10112 : i32
      %mul3A_17 = arith.muli %add3A, %mul3A_16 : i32
      %mul3A_18 = arith.constant 128 : i32
      %mul3A_19 = arith.muli %scan3A_15, %mul3A_18 : i32
      %add3A_20 = arith.addi %mul3A_17, %mul3A_19 : i32
      %multiple_of3A = tpu.assume_multiple %add3A_20, 128 : i32
      "tpu.region"() ({
        %run_scoped3A = tpu.sem_alloc : memref<!tpu.dma_semaphore, #tpu.memory_space<semaphore_mem>>
        %dma_start3A_25 = tpu.memref_slice %arg3[%multiple_of3A] : memref<323584xi32, #tpu.memory_space<hbm>> -> memref<128xi32, #tpu.memory_space<hbm>>
        %dma_start3A_26 = tpu.memref_slice %arg3[%multiple_of3A] : memref<323584xi32, #tpu.memory_space<hbm>> -> memref<128xi32, #tpu.memory_space<hbm>>
        tpu.enqueue_dma source(%dma_start3A_26 : memref<128xi32, #tpu.memory_space<hbm>>) target(%arg7 : memref<128xi32, #tpu.memory_space<vmem>>) target_semaphore(%run_scoped3A : memref<!tpu.dma_semaphore, #tpu.memory_space<semaphore_mem>>)
        %dma_wait3A_27 = tpu.memref_slice %arg3[%multiple_of3A] : memref<323584xi32, #tpu.memory_space<hbm>> -> memref<128xi32, #tpu.memory_space<hbm>>
        %dma_wait3A_28 = tpu.memref_slice %arg3[%multiple_of3A] : memref<323584xi32, #tpu.memory_space<hbm>> -> memref<128xi32, #tpu.memory_space<hbm>>
        tpu.wait_dma2 semaphore(%run_scoped3A : memref<!tpu.dma_semaphore, #tpu.memory_space<semaphore_mem>>) src(%dma_wait3A_28 : memref<128xi32, #tpu.memory_space<hbm>>) dst(%arg7 : memref<128xi32, #tpu.memory_space<vmem>>)
        tpu.yield
      }) : () -> ()
      "tpu.region"() ({
        %run_scoped3A = tpu.sem_alloc : memref<!tpu.dma_semaphore, #tpu.memory_space<semaphore_mem>>
        %dma_start3A_25 = tpu.memref_slice %arg4[%multiple_of3A] : memref<323584xi32, #tpu.memory_space<hbm>> -> memref<128xi32, #tpu.memory_space<hbm>>
        %dma_start3A_26 = tpu.memref_slice %arg4[%multiple_of3A] : memref<323584xi32, #tpu.memory_space<hbm>> -> memref<128xi32, #tpu.memory_space<hbm>>
        tpu.enqueue_dma source(%dma_start3A_26 : memref<128xi32, #tpu.memory_space<hbm>>) target(%arg8 : memref<128xi32, #tpu.memory_space<vmem>>) target_semaphore(%run_scoped3A : memref<!tpu.dma_semaphore, #tpu.memory_space<semaphore_mem>>)
        %dma_wait3A_27 = tpu.memref_slice %arg4[%multiple_of3A] : memref<323584xi32, #tpu.memory_space<hbm>> -> memref<128xi32, #tpu.memory_space<hbm>>
        %dma_wait3A_28 = tpu.memref_slice %arg4[%multiple_of3A] : memref<323584xi32, #tpu.memory_space<hbm>> -> memref<128xi32, #tpu.memory_space<hbm>>
        tpu.wait_dma2 semaphore(%run_scoped3A : memref<!tpu.dma_semaphore, #tpu.memory_space<semaphore_mem>>) src(%dma_wait3A_28 : memref<128xi32, #tpu.memory_space<hbm>>) dst(%arg8 : memref<128xi32, #tpu.memory_space<vmem>>)
        tpu.yield
      }) : () -> ()
      %dma_start3A = arith.constant 0 : i32
      %dma_start3A_21 = arith.constant 0 : i32
      %dma_start3A_22 = tpu.memref_slice %arg2[%dma_start3A, %dma_start3A_21] : memref<10000x128xf32, #tpu.memory_space<hbm>> -> memref<10000x128xf32, #tpu.memory_space<hbm>>
      tpu.enqueue_indirect_dma source(%dma_start3A_22 : memref<10000x128xf32, #tpu.memory_space<hbm>>) target(%arg9 : memref<128x128xf32, #tpu.memory_space<vmem>>) offsets(%arg7 : memref<128xi32, #tpu.memory_space<vmem>>) semaphore(%arg11 : memref<!tpu.dma_semaphore, #tpu.memory_space<semaphore_mem>>)
      %dma_wait3A = arith.constant 0 : i32
      %dma_wait3A_23 = arith.constant 0 : i32
      %dma_wait3A_24 = tpu.memref_slice %arg2[%dma_wait3A, %dma_wait3A_23] : memref<10000x128xf32, #tpu.memory_space<hbm>> -> memref<10000x128xf32, #tpu.memory_space<hbm>>
      tpu.wait_indirect_dma semaphore(%arg11 : memref<!tpu.dma_semaphore, #tpu.memory_space<semaphore_mem>>) src(%dma_wait3A_24 : memref<10000x128xf32, #tpu.memory_space<hbm>>) dst(%arg9 : memref<128x128xf32, #tpu.memory_space<vmem>>)
      "tpu.region"() ({
        %run_scoped3A = tpu.sem_alloc : memref<!tpu.dma_semaphore, #tpu.memory_space<semaphore_mem>>
        %dma_start3A_25 = arith.constant 0 : i32
        %dma_start3A_26 = arith.constant 0 : i32
        %dma_start3A_27 = tpu.memref_slice %arg10[%dma_start3A_25, %dma_start3A_26] : memref<10112x128xf32, #tpu.memory_space<vmem_shared>> -> memref<10112x128xf32, #tpu.memory_space<vmem_shared>>
        tpu.enqueue_indirect_dma source(%arg9 : memref<128x128xf32, #tpu.memory_space<vmem>>) target(%dma_start3A_27 : memref<10112x128xf32, #tpu.memory_space<vmem_shared>>) offsets(%arg8 : memref<128xi32, #tpu.memory_space<vmem>>) semaphore(%run_scoped3A : memref<!tpu.dma_semaphore, #tpu.memory_space<semaphore_mem>>) {add = true}
        %dma_wait3A_28 = arith.constant 0 : i32
        %dma_wait3A_29 = arith.constant 0 : i32
        %dma_wait3A_30 = tpu.memref_slice %arg10[%dma_wait3A_28, %dma_wait3A_29] : memref<10112x128xf32, #tpu.memory_space<vmem_shared>> -> memref<10112x128xf32, #tpu.memory_space<vmem_shared>>
        tpu.wait_indirect_dma semaphore(%run_scoped3A : memref<!tpu.dma_semaphore, #tpu.memory_space<semaphore_mem>>) src(%arg9 : memref<128x128xf32, #tpu.memory_space<vmem>>) dst(%dma_wait3A_30 : memref<10112x128xf32, #tpu.memory_space<vmem_shared>>)
        tpu.yield
      }) : () -> ()
    }
    %scan3A_9 = arith.constant 79 : i32
    %barrier3A_10 = arith.constant 0 : index
    tpu.barrier barrier_id(%barrier3A_10)
    %mul3A_11 = arith.constant 632 : i32
    %mul3A_12 = arith.muli %arg1, %mul3A_11 : i32
    %mul3A_13 = arith.constant 632 : i32
    %mul3A_14 = arith.muli %arg1, %mul3A_13 : i32
    "tpu.region"() ({
      %run_scoped3A = tpu.sem_alloc : memref<!tpu.dma_semaphore, #tpu.memory_space<semaphore_mem>>
      %dma_start3A = arith.constant 0 : i32
      %dma_start3A_15 = tpu.memref_slice %arg6[%arg0, %mul3A_14, %dma_start3A] : memref<2x10112x128xf32, #tpu.memory_space<hbm>> -> memref<1x632x128xf32, #tpu.memory_space<hbm>>
      %dma_start3A_16 = tpu.memref_squeeze %dma_start3A_15 : memref<1x632x128xf32, #tpu.memory_space<hbm>> -> memref<632x128xf32, #tpu.memory_space<hbm>>
      %dma_start3A_17 = arith.constant 0 : i32
      %dma_start3A_18 = tpu.memref_slice %arg10[%mul3A_12, %dma_start3A_17] : memref<10112x128xf32, #tpu.memory_space<vmem_shared>> -> memref<632x128xf32, #tpu.memory_space<vmem_shared>>
      tpu.enqueue_dma source(%dma_start3A_18 : memref<632x128xf32, #tpu.memory_space<vmem_shared>>) target(%dma_start3A_16 : memref<632x128xf32, #tpu.memory_space<hbm>>) target_semaphore(%run_scoped3A : memref<!tpu.dma_semaphore, #tpu.memory_space<semaphore_mem>>)
      %dma_wait3A = arith.constant 0 : i32
      %dma_wait3A_19 = tpu.memref_slice %arg6[%arg0, %mul3A_14, %dma_wait3A] : memref<2x10112x128xf32, #tpu.memory_space<hbm>> -> memref<1x632x128xf32, #tpu.memory_space<hbm>>
      %dma_wait3A_20 = tpu.memref_squeeze %dma_wait3A_19 : memref<1x632x128xf32, #tpu.memory_space<hbm>> -> memref<632x128xf32, #tpu.memory_space<hbm>>
      %dma_wait3A_21 = arith.constant 0 : i32
      %dma_wait3A_22 = tpu.memref_slice %arg10[%mul3A_12, %dma_wait3A_21] : memref<10112x128xf32, #tpu.memory_space<vmem_shared>> -> memref<632x128xf32, #tpu.memory_space<vmem_shared>>
      tpu.wait_dma2 semaphore(%run_scoped3A : memref<!tpu.dma_semaphore, #tpu.memory_space<semaphore_mem>>) src(%dma_wait3A_22 : memref<632x128xf32, #tpu.memory_space<vmem_shared>>) dst(%dma_wait3A_20 : memref<632x128xf32, #tpu.memory_space<hbm>>)
      tpu.yield
    }) : () -> ()
    return
  }
}

#map = affine_map<(d0, d1) -> (0, 0)>
#map1 = affine_map<(d0, d1) -> (0)>
#map2 = affine_map<(d0, d1) -> (0, 0, 0)>
module attributes {stable_mosaic.version = 14 : i64} {
  func.func @segsum(%arg0: i32, %arg1: i32, %arg2: memref<10000x128xf32, #tpu.memory_space<hbm>>, %arg3: memref<323584xi32, #tpu.memory_space<hbm>>, %arg4: memref<323584xi32, #tpu.memory_space<hbm>>, %arg5: memref<10112x128xf32, #tpu.memory_space<hbm>>, %arg6: memref<2x10112x128xf32, #tpu.memory_space<hbm>>, %arg7: memref<128xi32, #tpu.memory_space<vmem>>, %arg8: memref<128xi32, #tpu.memory_space<vmem>>, %arg9: memref<128x128xf32, #tpu.memory_space<vmem>>, %arg10: memref<10112x128xf32, #tpu.memory_space<vmem_shared>>, %arg11: memref<!tpu.dma_semaphore, #tpu.memory_space<semaphore_mem>>) attributes {dimension_semantics = [#tpu.dimension_semantics<core_parallel>, #tpu.dimension_semantics<subcore_parallel>], iteration_bounds = array<i64: 2, 16>, scalar_prefetch = 0 : i64, scratch_operands = 5 : i64, tpu.core_type = #tpu.core_type<sc_vector_subcore>, window_params = [{transform_indices = #map}, {transform_indices = #map1}, {transform_indices = #map1}, {transform_indices = #map}, {transform_indices = #map2}]} {
    %mul3A = arith.constant 16 : i32
    %mul3A_0 = arith.muli %arg0, %mul3A : i32
    %add3A = arith.addi %mul3A_0, %arg1 : i32
    %mul3A_1 = arith.constant 632 : i32
    %mul3A_2 = arith.muli %arg1, %mul3A_1 : i32
    %mul3A_3 = arith.constant 632 : i32
    %mul3A_4 = arith.muli %arg1, %mul3A_3 : i32
    "tpu.region"() ({
      %run_scoped3A = tpu.sem_alloc : memref<!tpu.dma_semaphore, #tpu.memory_space<semaphore_mem>>
      %dma_start3A = arith.constant 0 : i32
      %dma_start3A_15 = tpu.memref_slice %arg10[%mul3A_4, %dma_start3A] : memref<10112x128xf32, #tpu.memory_space<vmem_shared>> -> memref<632x128xf32, #tpu.memory_space<vmem_shared>>
      %dma_start3A_16 = arith.constant 0 : i32
      %dma_start3A_17 = tpu.memref_slice %arg5[%mul3A_2, %dma_start3A_16] : memref<10112x128xf32, #tpu.memory_space<hbm>> -> memref<632x128xf32, #tpu.memory_space<hbm>>
      tpu.enqueue_dma source(%dma_start3A_17 : memref<632x128xf32, #tpu.memory_space<hbm>>) target(%dma_start3A_15 : memref<632x128xf32, #tpu.memory_space<vmem_shared>>) target_semaphore(%run_scoped3A : memref<!tpu.dma_semaphore, #tpu.memory_space<semaphore_mem>>)
      %dma_wait3A = arith.constant 0 : i32
      %dma_wait3A_18 = tpu.memref_slice %arg10[%mul3A_4, %dma_wait3A] : memref<10112x128xf32, #tpu.memory_space<vmem_shared>> -> memref<632x128xf32, #tpu.memory_space<vmem_shared>>
      %dma_wait3A_19 = arith.constant 0 : i32
      %dma_wait3A_20 = tpu.memref_slice %arg5[%mul3A_2, %dma_wait3A_19] : memref<10112x128xf32, #tpu.memory_space<hbm>> -> memref<632x128xf32, #tpu.memory_space<hbm>>
      tpu.wait_dma2 semaphore(%run_scoped3A : memref<!tpu.dma_semaphore, #tpu.memory_space<semaphore_mem>>) src(%dma_wait3A_20 : memref<632x128xf32, #tpu.memory_space<hbm>>) dst(%dma_wait3A_18 : memref<632x128xf32, #tpu.memory_space<vmem_shared>>)
      tpu.yield
    }) : () -> ()
    %barrier3A = arith.constant 0 : index
    tpu.barrier barrier_id(%barrier3A)
    %scan3A = arith.constant 0 : i32
    %scan3A_5 = arith.constant 0 : i32
    %scan3A_6 = arith.constant 79 : i32
    %scan3A_7 = arith.addi %scan3A_5, %scan3A_6 : i32
    %scan3A_8 = arith.constant 1 : i32
    scf.for %scan3A_15 = %scan3A_5 to %scan3A_7 step %scan3A_8  : i32 {
      %mul3A_16 = arith.constant 10112 : i32
      %mul3A_17 = arith.muli %add3A, %mul3A_16 : i32
      %mul3A_18 = arith.constant 128 : i32
      %mul3A_19 = arith.muli %scan3A_15, %mul3A_18 : i32
      %add3A_20 = arith.addi %mul3A_17, %mul3A_19 : i32
      %multiple_of3A = tpu.assume_multiple %add3A_20, 128 : i32
      "tpu.region"() ({
        %run_scoped3A = tpu.sem_alloc : memref<!tpu.dma_semaphore, #tpu.memory_space<semaphore_mem>>
        %dma_start3A_25 = tpu.memref_slice %arg3[%multiple_of3A] : memref<323584xi32, #tpu.memory_space<hbm>> -> memref<128xi32, #tpu.memory_space<hbm>>
        %dma_start3A_26 = tpu.memref_slice %arg3[%multiple_of3A] : memref<323584xi32, #tpu.memory_space<hbm>> -> memref<128xi32, #tpu.memory_space<hbm>>
        tpu.enqueue_dma source(%dma_start3A_26 : memref<128xi32, #tpu.memory_space<hbm>>) target(%arg7 : memref<128xi32, #tpu.memory_space<vmem>>) target_semaphore(%run_scoped3A : memref<!tpu.dma_semaphore, #tpu.memory_space<semaphore_mem>>)
        %dma_wait3A_27 = tpu.memref_slice %arg3[%multiple_of3A] : memref<323584xi32, #tpu.memory_space<hbm>> -> memref<128xi32, #tpu.memory_space<hbm>>
        %dma_wait3A_28 = tpu.memref_slice %arg3[%multiple_of3A] : memref<323584xi32, #tpu.memory_space<hbm>> -> memref<128xi32, #tpu.memory_space<hbm>>
        tpu.wait_dma2 semaphore(%run_scoped3A : memref<!tpu.dma_semaphore, #tpu.memory_space<semaphore_mem>>) src(%dma_wait3A_28 : memref<128xi32, #tpu.memory_space<hbm>>) dst(%arg7 : memref<128xi32, #tpu.memory_space<vmem>>)
        tpu.yield
      }) : () -> ()
      "tpu.region"() ({
        %run_scoped3A = tpu.sem_alloc : memref<!tpu.dma_semaphore, #tpu.memory_space<semaphore_mem>>
        %dma_start3A_25 = tpu.memref_slice %arg4[%multiple_of3A] : memref<323584xi32, #tpu.memory_space<hbm>> -> memref<128xi32, #tpu.memory_space<hbm>>
        %dma_start3A_26 = tpu.memref_slice %arg4[%multiple_of3A] : memref<323584xi32, #tpu.memory_space<hbm>> -> memref<128xi32, #tpu.memory_space<hbm>>
        tpu.enqueue_dma source(%dma_start3A_26 : memref<128xi32, #tpu.memory_space<hbm>>) target(%arg8 : memref<128xi32, #tpu.memory_space<vmem>>) target_semaphore(%run_scoped3A : memref<!tpu.dma_semaphore, #tpu.memory_space<semaphore_mem>>)
        %dma_wait3A_27 = tpu.memref_slice %arg4[%multiple_of3A] : memref<323584xi32, #tpu.memory_space<hbm>> -> memref<128xi32, #tpu.memory_space<hbm>>
        %dma_wait3A_28 = tpu.memref_slice %arg4[%multiple_of3A] : memref<323584xi32, #tpu.memory_space<hbm>> -> memref<128xi32, #tpu.memory_space<hbm>>
        tpu.wait_dma2 semaphore(%run_scoped3A : memref<!tpu.dma_semaphore, #tpu.memory_space<semaphore_mem>>) src(%dma_wait3A_28 : memref<128xi32, #tpu.memory_space<hbm>>) dst(%arg8 : memref<128xi32, #tpu.memory_space<vmem>>)
        tpu.yield
      }) : () -> ()
      %dma_start3A = arith.constant 0 : i32
      %dma_start3A_21 = arith.constant 0 : i32
      %dma_start3A_22 = tpu.memref_slice %arg2[%dma_start3A, %dma_start3A_21] : memref<10000x128xf32, #tpu.memory_space<hbm>> -> memref<10000x128xf32, #tpu.memory_space<hbm>>
      tpu.enqueue_indirect_dma source(%dma_start3A_22 : memref<10000x128xf32, #tpu.memory_space<hbm>>) target(%arg9 : memref<128x128xf32, #tpu.memory_space<vmem>>) offsets(%arg7 : memref<128xi32, #tpu.memory_space<vmem>>) semaphore(%arg11 : memref<!tpu.dma_semaphore, #tpu.memory_space<semaphore_mem>>)
      %dma_wait3A = arith.constant 0 : i32
      %dma_wait3A_23 = arith.constant 0 : i32
      %dma_wait3A_24 = tpu.memref_slice %arg2[%dma_wait3A, %dma_wait3A_23] : memref<10000x128xf32, #tpu.memory_space<hbm>> -> memref<10000x128xf32, #tpu.memory_space<hbm>>
      tpu.wait_indirect_dma semaphore(%arg11 : memref<!tpu.dma_semaphore, #tpu.memory_space<semaphore_mem>>) src(%dma_wait3A_24 : memref<10000x128xf32, #tpu.memory_space<hbm>>) dst(%arg9 : memref<128x128xf32, #tpu.memory_space<vmem>>)
      "tpu.region"() ({
        %run_scoped3A = tpu.sem_alloc : memref<!tpu.dma_semaphore, #tpu.memory_space<semaphore_mem>>
        %dma_start3A_25 = arith.constant 0 : i32
        %dma_start3A_26 = arith.constant 0 : i32
        %dma_start3A_27 = tpu.memref_slice %arg10[%dma_start3A_25, %dma_start3A_26] : memref<10112x128xf32, #tpu.memory_space<vmem_shared>> -> memref<10112x128xf32, #tpu.memory_space<vmem_shared>>
        tpu.enqueue_indirect_dma source(%arg9 : memref<128x128xf32, #tpu.memory_space<vmem>>) target(%dma_start3A_27 : memref<10112x128xf32, #tpu.memory_space<vmem_shared>>) offsets(%arg8 : memref<128xi32, #tpu.memory_space<vmem>>) semaphore(%run_scoped3A : memref<!tpu.dma_semaphore, #tpu.memory_space<semaphore_mem>>) {add = true}
        %dma_wait3A_28 = arith.constant 0 : i32
        %dma_wait3A_29 = arith.constant 0 : i32
        %dma_wait3A_30 = tpu.memref_slice %arg10[%dma_wait3A_28, %dma_wait3A_29] : memref<10112x128xf32, #tpu.memory_space<vmem_shared>> -> memref<10112x128xf32, #tpu.memory_space<vmem_shared>>
        tpu.wait_indirect_dma semaphore(%run_scoped3A : memref<!tpu.dma_semaphore, #tpu.memory_space<semaphore_mem>>) src(%arg9 : memref<128x128xf32, #tpu.memory_space<vmem>>) dst(%dma_wait3A_30 : memref<10112x128xf32, #tpu.memory_space<vmem_shared>>)
        tpu.yield
      }) : () -> ()
    }
    %scan3A_9 = arith.constant 79 : i32
    %barrier3A_10 = arith.constant 0 : index
    tpu.barrier barrier_id(%barrier3A_10)
    %mul3A_11 = arith.constant 632 : i32
    %mul3A_12 = arith.muli %arg1, %mul3A_11 : i32
    %mul3A_13 = arith.constant 632 : i32
    %mul3A_14 = arith.muli %arg1, %mul3A_13 : i32
    "tpu.region"() ({
      %run_scoped3A = tpu.sem_alloc : memref<!tpu.dma_semaphore, #tpu.memory_space<semaphore_mem>>
      %dma_start3A = arith.constant 0 : i32
      %dma_start3A_15 = tpu.memref_slice %arg6[%arg0, %mul3A_14, %dma_start3A] : memref<2x10112x128xf32, #tpu.memory_space<hbm>> -> memref<1x632x128xf32, #tpu.memory_space<hbm>>
      %dma_start3A_16 = tpu.memref_squeeze %dma_start3A_15 : memref<1x632x128xf32, #tpu.memory_space<hbm>> -> memref<632x128xf32, #tpu.memory_space<hbm>>
      %dma_start3A_17 = arith.constant 0 : i32
      %dma_start3A_18 = tpu.memref_slice %arg10[%mul3A_12, %dma_start3A_17] : memref<10112x128xf32, #tpu.memory_space<vmem_shared>> -> memref<632x128xf32, #tpu.memory_space<vmem_shared>>
      tpu.enqueue_dma source(%dma_start3A_18 : memref<632x128xf32, #tpu.memory_space<vmem_shared>>) target(%dma_start3A_16 : memref<632x128xf32, #tpu.memory_space<hbm>>) target_semaphore(%run_scoped3A : memref<!tpu.dma_semaphore, #tpu.memory_space<semaphore_mem>>)
      %dma_wait3A = arith.constant 0 : i32
      %dma_wait3A_19 = tpu.memref_slice %arg6[%arg0, %mul3A_14, %dma_wait3A] : memref<2x10112x128xf32, #tpu.memory_space<hbm>> -> memref<1x632x128xf32, #tpu.memory_space<hbm>>
      %dma_wait3A_20 = tpu.memref_squeeze %dma_wait3A_19 : memref<1x632x128xf32, #tpu.memory_space<hbm>> -> memref<632x128xf32, #tpu.memory_space<hbm>>
      %dma_wait3A_21 = arith.constant 0 : i32
      %dma_wait3A_22 = tpu.memref_slice %arg10[%mul3A_12, %dma_wait3A_21] : memref<10112x128xf32, #tpu.memory_space<vmem_shared>> -> memref<632x128xf32, #tpu.memory_space<vmem_shared>>
      tpu.wait_dma2 semaphore(%run_scoped3A : memref<!tpu.dma_semaphore, #tpu.memory_space<semaphore_mem>>) src(%dma_wait3A_22 : memref<632x128xf32, #tpu.memory_space<vmem_shared>>) dst(%dma_wait3A_20 : memref<632x128xf32, #tpu.memory_space<hbm>>)
      tpu.yield
    }) : () -> ()
    return
  }
}

#map = affine_map<(d0, d1) -> (0, 0)>
#map1 = affine_map<(d0, d1) -> (0)>
#map2 = affine_map<(d0, d1) -> (0, 0, 0)>
module attributes {stable_mosaic.version = 14 : i64} {
  func.func @segsum(%arg0: i32, %arg1: i32, %arg2: memref<10000x128xf32, #tpu.memory_space<hbm>>, %arg3: memref<323584xi32, #tpu.memory_space<hbm>>, %arg4: memref<323584xi32, #tpu.memory_space<hbm>>, %arg5: memref<10112x128xf32, #tpu.memory_space<hbm>>, %arg6: memref<2x10112x128xf32, #tpu.memory_space<hbm>>, %arg7: memref<128xi32, #tpu.memory_space<vmem>>, %arg8: memref<128xi32, #tpu.memory_space<vmem>>, %arg9: memref<128x128xf32, #tpu.memory_space<vmem>>, %arg10: memref<10112x128xf32, #tpu.memory_space<vmem_shared>>, %arg11: memref<!tpu.dma_semaphore, #tpu.memory_space<semaphore_mem>>) attributes {dimension_semantics = [#tpu.dimension_semantics<core_parallel>, #tpu.dimension_semantics<subcore_parallel>], iteration_bounds = array<i64: 2, 16>, scalar_prefetch = 0 : i64, scratch_operands = 5 : i64, tpu.core_type = #tpu.core_type<sc_vector_subcore>, window_params = [{transform_indices = #map}, {transform_indices = #map1}, {transform_indices = #map1}, {transform_indices = #map}, {transform_indices = #map2}]} {
    %mul3A = arith.constant 16 : i32
    %mul3A_0 = arith.muli %arg0, %mul3A : i32
    %add3A = arith.addi %mul3A_0, %arg1 : i32
    %mul3A_1 = arith.constant 632 : i32
    %mul3A_2 = arith.muli %arg1, %mul3A_1 : i32
    %mul3A_3 = arith.constant 632 : i32
    %mul3A_4 = arith.muli %arg1, %mul3A_3 : i32
    "tpu.region"() ({
      %run_scoped3A = tpu.sem_alloc : memref<!tpu.dma_semaphore, #tpu.memory_space<semaphore_mem>>
      %dma_start3A = arith.constant 0 : i32
      %dma_start3A_15 = tpu.memref_slice %arg10[%mul3A_4, %dma_start3A] : memref<10112x128xf32, #tpu.memory_space<vmem_shared>> -> memref<632x128xf32, #tpu.memory_space<vmem_shared>>
      %dma_start3A_16 = arith.constant 0 : i32
      %dma_start3A_17 = tpu.memref_slice %arg5[%mul3A_2, %dma_start3A_16] : memref<10112x128xf32, #tpu.memory_space<hbm>> -> memref<632x128xf32, #tpu.memory_space<hbm>>
      tpu.enqueue_dma source(%dma_start3A_17 : memref<632x128xf32, #tpu.memory_space<hbm>>) target(%dma_start3A_15 : memref<632x128xf32, #tpu.memory_space<vmem_shared>>) target_semaphore(%run_scoped3A : memref<!tpu.dma_semaphore, #tpu.memory_space<semaphore_mem>>)
      %dma_wait3A = arith.constant 0 : i32
      %dma_wait3A_18 = tpu.memref_slice %arg10[%mul3A_4, %dma_wait3A] : memref<10112x128xf32, #tpu.memory_space<vmem_shared>> -> memref<632x128xf32, #tpu.memory_space<vmem_shared>>
      %dma_wait3A_19 = arith.constant 0 : i32
      %dma_wait3A_20 = tpu.memref_slice %arg5[%mul3A_2, %dma_wait3A_19] : memref<10112x128xf32, #tpu.memory_space<hbm>> -> memref<632x128xf32, #tpu.memory_space<hbm>>
      tpu.wait_dma2 semaphore(%run_scoped3A : memref<!tpu.dma_semaphore, #tpu.memory_space<semaphore_mem>>) src(%dma_wait3A_20 : memref<632x128xf32, #tpu.memory_space<hbm>>) dst(%dma_wait3A_18 : memref<632x128xf32, #tpu.memory_space<vmem_shared>>)
      tpu.yield
    }) : () -> ()
    %barrier3A = arith.constant 0 : index
    tpu.barrier barrier_id(%barrier3A)
    %scan3A = arith.constant 0 : i32
    %scan3A_5 = arith.constant 0 : i32
    %scan3A_6 = arith.constant 79 : i32
    %scan3A_7 = arith.addi %scan3A_5, %scan3A_6 : i32
    %scan3A_8 = arith.constant 1 : i32
    scf.for %scan3A_15 = %scan3A_5 to %scan3A_7 step %scan3A_8  : i32 {
      %mul3A_16 = arith.constant 10112 : i32
      %mul3A_17 = arith.muli %add3A, %mul3A_16 : i32
      %mul3A_18 = arith.constant 128 : i32
      %mul3A_19 = arith.muli %scan3A_15, %mul3A_18 : i32
      %add3A_20 = arith.addi %mul3A_17, %mul3A_19 : i32
      %multiple_of3A = tpu.assume_multiple %add3A_20, 128 : i32
      "tpu.region"() ({
        %run_scoped3A = tpu.sem_alloc : memref<!tpu.dma_semaphore, #tpu.memory_space<semaphore_mem>>
        %dma_start3A_25 = tpu.memref_slice %arg3[%multiple_of3A] : memref<323584xi32, #tpu.memory_space<hbm>> -> memref<128xi32, #tpu.memory_space<hbm>>
        %dma_start3A_26 = tpu.memref_slice %arg3[%multiple_of3A] : memref<323584xi32, #tpu.memory_space<hbm>> -> memref<128xi32, #tpu.memory_space<hbm>>
        tpu.enqueue_dma source(%dma_start3A_26 : memref<128xi32, #tpu.memory_space<hbm>>) target(%arg7 : memref<128xi32, #tpu.memory_space<vmem>>) target_semaphore(%run_scoped3A : memref<!tpu.dma_semaphore, #tpu.memory_space<semaphore_mem>>)
        %dma_wait3A_27 = tpu.memref_slice %arg3[%multiple_of3A] : memref<323584xi32, #tpu.memory_space<hbm>> -> memref<128xi32, #tpu.memory_space<hbm>>
        %dma_wait3A_28 = tpu.memref_slice %arg3[%multiple_of3A] : memref<323584xi32, #tpu.memory_space<hbm>> -> memref<128xi32, #tpu.memory_space<hbm>>
        tpu.wait_dma2 semaphore(%run_scoped3A : memref<!tpu.dma_semaphore, #tpu.memory_space<semaphore_mem>>) src(%dma_wait3A_28 : memref<128xi32, #tpu.memory_space<hbm>>) dst(%arg7 : memref<128xi32, #tpu.memory_space<vmem>>)
        tpu.yield
      }) : () -> ()
      "tpu.region"() ({
        %run_scoped3A = tpu.sem_alloc : memref<!tpu.dma_semaphore, #tpu.memory_space<semaphore_mem>>
        %dma_start3A_25 = tpu.memref_slice %arg4[%multiple_of3A] : memref<323584xi32, #tpu.memory_space<hbm>> -> memref<128xi32, #tpu.memory_space<hbm>>
        %dma_start3A_26 = tpu.memref_slice %arg4[%multiple_of3A] : memref<323584xi32, #tpu.memory_space<hbm>> -> memref<128xi32, #tpu.memory_space<hbm>>
        tpu.enqueue_dma source(%dma_start3A_26 : memref<128xi32, #tpu.memory_space<hbm>>) target(%arg8 : memref<128xi32, #tpu.memory_space<vmem>>) target_semaphore(%run_scoped3A : memref<!tpu.dma_semaphore, #tpu.memory_space<semaphore_mem>>)
        %dma_wait3A_27 = tpu.memref_slice %arg4[%multiple_of3A] : memref<323584xi32, #tpu.memory_space<hbm>> -> memref<128xi32, #tpu.memory_space<hbm>>
        %dma_wait3A_28 = tpu.memref_slice %arg4[%multiple_of3A] : memref<323584xi32, #tpu.memory_space<hbm>> -> memref<128xi32, #tpu.memory_space<hbm>>
        tpu.wait_dma2 semaphore(%run_scoped3A : memref<!tpu.dma_semaphore, #tpu.memory_space<semaphore_mem>>) src(%dma_wait3A_28 : memref<128xi32, #tpu.memory_space<hbm>>) dst(%arg8 : memref<128xi32, #tpu.memory_space<vmem>>)
        tpu.yield
      }) : () -> ()
      %dma_start3A = arith.constant 0 : i32
      %dma_start3A_21 = arith.constant 0 : i32
      %dma_start3A_22 = tpu.memref_slice %arg2[%dma_start3A, %dma_start3A_21] : memref<10000x128xf32, #tpu.memory_space<hbm>> -> memref<10000x128xf32, #tpu.memory_space<hbm>>
      tpu.enqueue_indirect_dma source(%dma_start3A_22 : memref<10000x128xf32, #tpu.memory_space<hbm>>) target(%arg9 : memref<128x128xf32, #tpu.memory_space<vmem>>) offsets(%arg7 : memref<128xi32, #tpu.memory_space<vmem>>) semaphore(%arg11 : memref<!tpu.dma_semaphore, #tpu.memory_space<semaphore_mem>>)
      %dma_wait3A = arith.constant 0 : i32
      %dma_wait3A_23 = arith.constant 0 : i32
      %dma_wait3A_24 = tpu.memref_slice %arg2[%dma_wait3A, %dma_wait3A_23] : memref<10000x128xf32, #tpu.memory_space<hbm>> -> memref<10000x128xf32, #tpu.memory_space<hbm>>
      tpu.wait_indirect_dma semaphore(%arg11 : memref<!tpu.dma_semaphore, #tpu.memory_space<semaphore_mem>>) src(%dma_wait3A_24 : memref<10000x128xf32, #tpu.memory_space<hbm>>) dst(%arg9 : memref<128x128xf32, #tpu.memory_space<vmem>>)
      "tpu.region"() ({
        %run_scoped3A = tpu.sem_alloc : memref<!tpu.dma_semaphore, #tpu.memory_space<semaphore_mem>>
        %dma_start3A_25 = arith.constant 0 : i32
        %dma_start3A_26 = arith.constant 0 : i32
        %dma_start3A_27 = tpu.memref_slice %arg10[%dma_start3A_25, %dma_start3A_26] : memref<10112x128xf32, #tpu.memory_space<vmem_shared>> -> memref<10112x128xf32, #tpu.memory_space<vmem_shared>>
        tpu.enqueue_indirect_dma source(%arg9 : memref<128x128xf32, #tpu.memory_space<vmem>>) target(%dma_start3A_27 : memref<10112x128xf32, #tpu.memory_space<vmem_shared>>) offsets(%arg8 : memref<128xi32, #tpu.memory_space<vmem>>) semaphore(%run_scoped3A : memref<!tpu.dma_semaphore, #tpu.memory_space<semaphore_mem>>) {add = true}
        %dma_wait3A_28 = arith.constant 0 : i32
        %dma_wait3A_29 = arith.constant 0 : i32
        %dma_wait3A_30 = tpu.memref_slice %arg10[%dma_wait3A_28, %dma_wait3A_29] : memref<10112x128xf32, #tpu.memory_space<vmem_shared>> -> memref<10112x128xf32, #tpu.memory_space<vmem_shared>>
        tpu.wait_indirect_dma semaphore(%run_scoped3A : memref<!tpu.dma_semaphore, #tpu.memory_space<semaphore_mem>>) src(%arg9 : memref<128x128xf32, #tpu.memory_space<vmem>>) dst(%dma_wait3A_30 : memref<10112x128xf32, #tpu.memory_space<vmem_shared>>)
        tpu.yield
      }) : () -> ()
    }
    %scan3A_9 = arith.constant 79 : i32
    %barrier3A_10 = arith.constant 0 : index
    tpu.barrier barrier_id(%barrier3A_10)
    %mul3A_11 = arith.constant 632 : i32
    %mul3A_12 = arith.muli %arg1, %mul3A_11 : i32
    %mul3A_13 = arith.constant 632 : i32
    %mul3A_14 = arith.muli %arg1, %mul3A_13 : i32
    "tpu.region"() ({
      %run_scoped3A = tpu.sem_alloc : memref<!tpu.dma_semaphore, #tpu.memory_space<semaphore_mem>>
      %dma_start3A = arith.constant 0 : i32
      %dma_start3A_15 = tpu.memref_slice %arg6[%arg0, %mul3A_14, %dma_start3A] : memref<2x10112x128xf32, #tpu.memory_space<hbm>> -> memref<1x632x128xf32, #tpu.memory_space<hbm>>
      %dma_start3A_16 = tpu.memref_squeeze %dma_start3A_15 : memref<1x632x128xf32, #tpu.memory_space<hbm>> -> memref<632x128xf32, #tpu.memory_space<hbm>>
      %dma_start3A_17 = arith.constant 0 : i32
      %dma_start3A_18 = tpu.memref_slice %arg10[%mul3A_12, %dma_start3A_17] : memref<10112x128xf32, #tpu.memory_space<vmem_shared>> -> memref<632x128xf32, #tpu.memory_space<vmem_shared>>
      tpu.enqueue_dma source(%dma_start3A_18 : memref<632x128xf32, #tpu.memory_space<vmem_shared>>) target(%dma_start3A_16 : memref<632x128xf32, #tpu.memory_space<hbm>>) target_semaphore(%run_scoped3A : memref<!tpu.dma_semaphore, #tpu.memory_space<semaphore_mem>>)
      %dma_wait3A = arith.constant 0 : i32
      %dma_wait3A_19 = tpu.memref_slice %arg6[%arg0, %mul3A_14, %dma_wait3A] : memref<2x10112x128xf32, #tpu.memory_space<hbm>> -> memref<1x632x128xf32, #tpu.memory_space<hbm>>
      %dma_wait3A_20 = tpu.memref_squeeze %dma_wait3A_19 : memref<1x632x128xf32, #tpu.memory_space<hbm>> -> memref<632x128xf32, #tpu.memory_space<hbm>>
      %dma_wait3A_21 = arith.constant 0 : i32
      %dma_wait3A_22 = tpu.memref_slice %arg10[%mul3A_12, %dma_wait3A_21] : memref<10112x128xf32, #tpu.memory_space<vmem_shared>> -> memref<632x128xf32, #tpu.memory_space<vmem_shared>>
      tpu.wait_dma2 semaphore(%run_scoped3A : memref<!tpu.dma_semaphore, #tpu.memory_space<semaphore_mem>>) src(%dma_wait3A_22 : memref<632x128xf32, #tpu.memory_space<vmem_shared>>) dst(%dma_wait3A_20 : memref<632x128xf32, #tpu.memory_space<hbm>>)
      tpu.yield
    }) : () -> ()
    return
  }
}

#map = affine_map<(d0, d1) -> (0, 0)>
#map1 = affine_map<(d0, d1) -> (0)>
#map2 = affine_map<(d0, d1) -> (0, 0, 0)>
module attributes {stable_mosaic.version = 14 : i64} {
  func.func @segsum(%arg0: i32, %arg1: i32, %arg2: memref<10000x128xf32, #tpu.memory_space<hbm>>, %arg3: memref<323584xi32, #tpu.memory_space<hbm>>, %arg4: memref<323584xi32, #tpu.memory_space<hbm>>, %arg5: memref<10112x128xf32, #tpu.memory_space<hbm>>, %arg6: memref<2x10112x128xf32, #tpu.memory_space<hbm>>, %arg7: memref<128xi32, #tpu.memory_space<vmem>>, %arg8: memref<128xi32, #tpu.memory_space<vmem>>, %arg9: memref<128x128xf32, #tpu.memory_space<vmem>>, %arg10: memref<10112x128xf32, #tpu.memory_space<vmem_shared>>, %arg11: memref<!tpu.dma_semaphore, #tpu.memory_space<semaphore_mem>>) attributes {dimension_semantics = [#tpu.dimension_semantics<core_parallel>, #tpu.dimension_semantics<subcore_parallel>], iteration_bounds = array<i64: 2, 16>, scalar_prefetch = 0 : i64, scratch_operands = 5 : i64, tpu.core_type = #tpu.core_type<sc_vector_subcore>, window_params = [{transform_indices = #map}, {transform_indices = #map1}, {transform_indices = #map1}, {transform_indices = #map}, {transform_indices = #map2}]} {
    %mul3A = arith.constant 16 : i32
    %mul3A_0 = arith.muli %arg0, %mul3A : i32
    %add3A = arith.addi %mul3A_0, %arg1 : i32
    %mul3A_1 = arith.constant 632 : i32
    %mul3A_2 = arith.muli %arg1, %mul3A_1 : i32
    %mul3A_3 = arith.constant 632 : i32
    %mul3A_4 = arith.muli %arg1, %mul3A_3 : i32
    "tpu.region"() ({
      %run_scoped3A = tpu.sem_alloc : memref<!tpu.dma_semaphore, #tpu.memory_space<semaphore_mem>>
      %dma_start3A = arith.constant 0 : i32
      %dma_start3A_15 = tpu.memref_slice %arg10[%mul3A_4, %dma_start3A] : memref<10112x128xf32, #tpu.memory_space<vmem_shared>> -> memref<632x128xf32, #tpu.memory_space<vmem_shared>>
      %dma_start3A_16 = arith.constant 0 : i32
      %dma_start3A_17 = tpu.memref_slice %arg5[%mul3A_2, %dma_start3A_16] : memref<10112x128xf32, #tpu.memory_space<hbm>> -> memref<632x128xf32, #tpu.memory_space<hbm>>
      tpu.enqueue_dma source(%dma_start3A_17 : memref<632x128xf32, #tpu.memory_space<hbm>>) target(%dma_start3A_15 : memref<632x128xf32, #tpu.memory_space<vmem_shared>>) target_semaphore(%run_scoped3A : memref<!tpu.dma_semaphore, #tpu.memory_space<semaphore_mem>>)
      %dma_wait3A = arith.constant 0 : i32
      %dma_wait3A_18 = tpu.memref_slice %arg10[%mul3A_4, %dma_wait3A] : memref<10112x128xf32, #tpu.memory_space<vmem_shared>> -> memref<632x128xf32, #tpu.memory_space<vmem_shared>>
      %dma_wait3A_19 = arith.constant 0 : i32
      %dma_wait3A_20 = tpu.memref_slice %arg5[%mul3A_2, %dma_wait3A_19] : memref<10112x128xf32, #tpu.memory_space<hbm>> -> memref<632x128xf32, #tpu.memory_space<hbm>>
      tpu.wait_dma2 semaphore(%run_scoped3A : memref<!tpu.dma_semaphore, #tpu.memory_space<semaphore_mem>>) src(%dma_wait3A_20 : memref<632x128xf32, #tpu.memory_space<hbm>>) dst(%dma_wait3A_18 : memref<632x128xf32, #tpu.memory_space<vmem_shared>>)
      tpu.yield
    }) : () -> ()
    %barrier3A = arith.constant 0 : index
    tpu.barrier barrier_id(%barrier3A)
    %scan3A = arith.constant 0 : i32
    %scan3A_5 = arith.constant 0 : i32
    %scan3A_6 = arith.constant 79 : i32
    %scan3A_7 = arith.addi %scan3A_5, %scan3A_6 : i32
    %scan3A_8 = arith.constant 1 : i32
    scf.for %scan3A_15 = %scan3A_5 to %scan3A_7 step %scan3A_8  : i32 {
      %mul3A_16 = arith.constant 10112 : i32
      %mul3A_17 = arith.muli %add3A, %mul3A_16 : i32
      %mul3A_18 = arith.constant 128 : i32
      %mul3A_19 = arith.muli %scan3A_15, %mul3A_18 : i32
      %add3A_20 = arith.addi %mul3A_17, %mul3A_19 : i32
      %multiple_of3A = tpu.assume_multiple %add3A_20, 128 : i32
      "tpu.region"() ({
        %run_scoped3A = tpu.sem_alloc : memref<!tpu.dma_semaphore, #tpu.memory_space<semaphore_mem>>
        %dma_start3A_25 = tpu.memref_slice %arg3[%multiple_of3A] : memref<323584xi32, #tpu.memory_space<hbm>> -> memref<128xi32, #tpu.memory_space<hbm>>
        %dma_start3A_26 = tpu.memref_slice %arg3[%multiple_of3A] : memref<323584xi32, #tpu.memory_space<hbm>> -> memref<128xi32, #tpu.memory_space<hbm>>
        tpu.enqueue_dma source(%dma_start3A_26 : memref<128xi32, #tpu.memory_space<hbm>>) target(%arg7 : memref<128xi32, #tpu.memory_space<vmem>>) target_semaphore(%run_scoped3A : memref<!tpu.dma_semaphore, #tpu.memory_space<semaphore_mem>>)
        %dma_wait3A_27 = tpu.memref_slice %arg3[%multiple_of3A] : memref<323584xi32, #tpu.memory_space<hbm>> -> memref<128xi32, #tpu.memory_space<hbm>>
        %dma_wait3A_28 = tpu.memref_slice %arg3[%multiple_of3A] : memref<323584xi32, #tpu.memory_space<hbm>> -> memref<128xi32, #tpu.memory_space<hbm>>
        tpu.wait_dma2 semaphore(%run_scoped3A : memref<!tpu.dma_semaphore, #tpu.memory_space<semaphore_mem>>) src(%dma_wait3A_28 : memref<128xi32, #tpu.memory_space<hbm>>) dst(%arg7 : memref<128xi32, #tpu.memory_space<vmem>>)
        tpu.yield
      }) : () -> ()
      "tpu.region"() ({
        %run_scoped3A = tpu.sem_alloc : memref<!tpu.dma_semaphore, #tpu.memory_space<semaphore_mem>>
        %dma_start3A_25 = tpu.memref_slice %arg4[%multiple_of3A] : memref<323584xi32, #tpu.memory_space<hbm>> -> memref<128xi32, #tpu.memory_space<hbm>>
        %dma_start3A_26 = tpu.memref_slice %arg4[%multiple_of3A] : memref<323584xi32, #tpu.memory_space<hbm>> -> memref<128xi32, #tpu.memory_space<hbm>>
        tpu.enqueue_dma source(%dma_start3A_26 : memref<128xi32, #tpu.memory_space<hbm>>) target(%arg8 : memref<128xi32, #tpu.memory_space<vmem>>) target_semaphore(%run_scoped3A : memref<!tpu.dma_semaphore, #tpu.memory_space<semaphore_mem>>)
        %dma_wait3A_27 = tpu.memref_slice %arg4[%multiple_of3A] : memref<323584xi32, #tpu.memory_space<hbm>> -> memref<128xi32, #tpu.memory_space<hbm>>
        %dma_wait3A_28 = tpu.memref_slice %arg4[%multiple_of3A] : memref<323584xi32, #tpu.memory_space<hbm>> -> memref<128xi32, #tpu.memory_space<hbm>>
        tpu.wait_dma2 semaphore(%run_scoped3A : memref<!tpu.dma_semaphore, #tpu.memory_space<semaphore_mem>>) src(%dma_wait3A_28 : memref<128xi32, #tpu.memory_space<hbm>>) dst(%arg8 : memref<128xi32, #tpu.memory_space<vmem>>)
        tpu.yield
      }) : () -> ()
      %dma_start3A = arith.constant 0 : i32
      %dma_start3A_21 = arith.constant 0 : i32
      %dma_start3A_22 = tpu.memref_slice %arg2[%dma_start3A, %dma_start3A_21] : memref<10000x128xf32, #tpu.memory_space<hbm>> -> memref<10000x128xf32, #tpu.memory_space<hbm>>
      tpu.enqueue_indirect_dma source(%dma_start3A_22 : memref<10000x128xf32, #tpu.memory_space<hbm>>) target(%arg9 : memref<128x128xf32, #tpu.memory_space<vmem>>) offsets(%arg7 : memref<128xi32, #tpu.memory_space<vmem>>) semaphore(%arg11 : memref<!tpu.dma_semaphore, #tpu.memory_space<semaphore_mem>>)
      %dma_wait3A = arith.constant 0 : i32
      %dma_wait3A_23 = arith.constant 0 : i32
      %dma_wait3A_24 = tpu.memref_slice %arg2[%dma_wait3A, %dma_wait3A_23] : memref<10000x128xf32, #tpu.memory_space<hbm>> -> memref<10000x128xf32, #tpu.memory_space<hbm>>
      tpu.wait_indirect_dma semaphore(%arg11 : memref<!tpu.dma_semaphore, #tpu.memory_space<semaphore_mem>>) src(%dma_wait3A_24 : memref<10000x128xf32, #tpu.memory_space<hbm>>) dst(%arg9 : memref<128x128xf32, #tpu.memory_space<vmem>>)
      "tpu.region"() ({
        %run_scoped3A = tpu.sem_alloc : memref<!tpu.dma_semaphore, #tpu.memory_space<semaphore_mem>>
        %dma_start3A_25 = arith.constant 0 : i32
        %dma_start3A_26 = arith.constant 0 : i32
        %dma_start3A_27 = tpu.memref_slice %arg10[%dma_start3A_25, %dma_start3A_26] : memref<10112x128xf32, #tpu.memory_space<vmem_shared>> -> memref<10112x128xf32, #tpu.memory_space<vmem_shared>>
        tpu.enqueue_indirect_dma source(%arg9 : memref<128x128xf32, #tpu.memory_space<vmem>>) target(%dma_start3A_27 : memref<10112x128xf32, #tpu.memory_space<vmem_shared>>) offsets(%arg8 : memref<128xi32, #tpu.memory_space<vmem>>) semaphore(%run_scoped3A : memref<!tpu.dma_semaphore, #tpu.memory_space<semaphore_mem>>) {add = true}
        %dma_wait3A_28 = arith.constant 0 : i32
        %dma_wait3A_29 = arith.constant 0 : i32
        %dma_wait3A_30 = tpu.memref_slice %arg10[%dma_wait3A_28, %dma_wait3A_29] : memref<10112x128xf32, #tpu.memory_space<vmem_shared>> -> memref<10112x128xf32, #tpu.memory_space<vmem_shared>>
        tpu.wait_indirect_dma semaphore(%run_scoped3A : memref<!tpu.dma_semaphore, #tpu.memory_space<semaphore_mem>>) src(%arg9 : memref<128x128xf32, #tpu.memory_space<vmem>>) dst(%dma_wait3A_30 : memref<10112x128xf32, #tpu.memory_space<vmem_shared>>)
        tpu.yield
      }) : () -> ()
    }
    %scan3A_9 = arith.constant 79 : i32
    %barrier3A_10 = arith.constant 0 : index
    tpu.barrier barrier_id(%barrier3A_10)
    %mul3A_11 = arith.constant 632 : i32
    %mul3A_12 = arith.muli %arg1, %mul3A_11 : i32
    %mul3A_13 = arith.constant 632 : i32
    %mul3A_14 = arith.muli %arg1, %mul3A_13 : i32
    "tpu.region"() ({
      %run_scoped3A = tpu.sem_alloc : memref<!tpu.dma_semaphore, #tpu.memory_space<semaphore_mem>>
      %dma_start3A = arith.constant 0 : i32
      %dma_start3A_15 = tpu.memref_slice %arg6[%arg0, %mul3A_14, %dma_start3A] : memref<2x10112x128xf32, #tpu.memory_space<hbm>> -> memref<1x632x128xf32, #tpu.memory_space<hbm>>
      %dma_start3A_16 = tpu.memref_squeeze %dma_start3A_15 : memref<1x632x128xf32, #tpu.memory_space<hbm>> -> memref<632x128xf32, #tpu.memory_space<hbm>>
      %dma_start3A_17 = arith.constant 0 : i32
      %dma_start3A_18 = tpu.memref_slice %arg10[%mul3A_12, %dma_start3A_17] : memref<10112x128xf32, #tpu.memory_space<vmem_shared>> -> memref<632x128xf32, #tpu.memory_space<vmem_shared>>
      tpu.enqueue_dma source(%dma_start3A_18 : memref<632x128xf32, #tpu.memory_space<vmem_shared>>) target(%dma_start3A_16 : memref<632x128xf32, #tpu.memory_space<hbm>>) target_semaphore(%run_scoped3A : memref<!tpu.dma_semaphore, #tpu.memory_space<semaphore_mem>>)
      %dma_wait3A = arith.constant 0 : i32
      %dma_wait3A_19 = tpu.memref_slice %arg6[%arg0, %mul3A_14, %dma_wait3A] : memref<2x10112x128xf32, #tpu.memory_space<hbm>> -> memref<1x632x128xf32, #tpu.memory_space<hbm>>
      %dma_wait3A_20 = tpu.memref_squeeze %dma_wait3A_19 : memref<1x632x128xf32, #tpu.memory_space<hbm>> -> memref<632x128xf32, #tpu.memory_space<hbm>>
      %dma_wait3A_21 = arith.constant 0 : i32
      %dma_wait3A_22 = tpu.memref_slice %arg10[%mul3A_12, %dma_wait3A_21] : memref<10112x128xf32, #tpu.memory_space<vmem_shared>> -> memref<632x128xf32, #tpu.memory_space<vmem_shared>>
      tpu.wait_dma2 semaphore(%run_scoped3A : memref<!tpu.dma_semaphore, #tpu.memory_space<semaphore_mem>>) src(%dma_wait3A_22 : memref<632x128xf32, #tpu.memory_space<vmem_shared>>) dst(%dma_wait3A_20 : memref<632x128xf32, #tpu.memory_space<hbm>>)
      tpu.yield
    }) : () -> ()
    return
  }
}

#map = affine_map<(d0, d1) -> (0, 0)>
#map1 = affine_map<(d0, d1) -> (0)>
#map2 = affine_map<(d0, d1) -> (0, 0, 0)>
module attributes {stable_mosaic.version = 14 : i64} {
  func.func @segsum(%arg0: i32, %arg1: i32, %arg2: memref<10000x128xf32, #tpu.memory_space<hbm>>, %arg3: memref<323584xi32, #tpu.memory_space<hbm>>, %arg4: memref<323584xi32, #tpu.memory_space<hbm>>, %arg5: memref<10112x128xf32, #tpu.memory_space<hbm>>, %arg6: memref<2x10112x128xf32, #tpu.memory_space<hbm>>, %arg7: memref<128xi32, #tpu.memory_space<vmem>>, %arg8: memref<128xi32, #tpu.memory_space<vmem>>, %arg9: memref<128x128xf32, #tpu.memory_space<vmem>>, %arg10: memref<10112x128xf32, #tpu.memory_space<vmem_shared>>, %arg11: memref<!tpu.dma_semaphore, #tpu.memory_space<semaphore_mem>>) attributes {dimension_semantics = [#tpu.dimension_semantics<core_parallel>, #tpu.dimension_semantics<subcore_parallel>], iteration_bounds = array<i64: 2, 16>, scalar_prefetch = 0 : i64, scratch_operands = 5 : i64, tpu.core_type = #tpu.core_type<sc_vector_subcore>, window_params = [{transform_indices = #map}, {transform_indices = #map1}, {transform_indices = #map1}, {transform_indices = #map}, {transform_indices = #map2}]} {
    %mul3A = arith.constant 16 : i32
    %mul3A_0 = arith.muli %arg0, %mul3A : i32
    %add3A = arith.addi %mul3A_0, %arg1 : i32
    %mul3A_1 = arith.constant 632 : i32
    %mul3A_2 = arith.muli %arg1, %mul3A_1 : i32
    %mul3A_3 = arith.constant 632 : i32
    %mul3A_4 = arith.muli %arg1, %mul3A_3 : i32
    "tpu.region"() ({
      %run_scoped3A = tpu.sem_alloc : memref<!tpu.dma_semaphore, #tpu.memory_space<semaphore_mem>>
      %dma_start3A = arith.constant 0 : i32
      %dma_start3A_15 = tpu.memref_slice %arg10[%mul3A_4, %dma_start3A] : memref<10112x128xf32, #tpu.memory_space<vmem_shared>> -> memref<632x128xf32, #tpu.memory_space<vmem_shared>>
      %dma_start3A_16 = arith.constant 0 : i32
      %dma_start3A_17 = tpu.memref_slice %arg5[%mul3A_2, %dma_start3A_16] : memref<10112x128xf32, #tpu.memory_space<hbm>> -> memref<632x128xf32, #tpu.memory_space<hbm>>
      tpu.enqueue_dma source(%dma_start3A_17 : memref<632x128xf32, #tpu.memory_space<hbm>>) target(%dma_start3A_15 : memref<632x128xf32, #tpu.memory_space<vmem_shared>>) target_semaphore(%run_scoped3A : memref<!tpu.dma_semaphore, #tpu.memory_space<semaphore_mem>>)
      %dma_wait3A = arith.constant 0 : i32
      %dma_wait3A_18 = tpu.memref_slice %arg10[%mul3A_4, %dma_wait3A] : memref<10112x128xf32, #tpu.memory_space<vmem_shared>> -> memref<632x128xf32, #tpu.memory_space<vmem_shared>>
      %dma_wait3A_19 = arith.constant 0 : i32
      %dma_wait3A_20 = tpu.memref_slice %arg5[%mul3A_2, %dma_wait3A_19] : memref<10112x128xf32, #tpu.memory_space<hbm>> -> memref<632x128xf32, #tpu.memory_space<hbm>>
      tpu.wait_dma2 semaphore(%run_scoped3A : memref<!tpu.dma_semaphore, #tpu.memory_space<semaphore_mem>>) src(%dma_wait3A_20 : memref<632x128xf32, #tpu.memory_space<hbm>>) dst(%dma_wait3A_18 : memref<632x128xf32, #tpu.memory_space<vmem_shared>>)
      tpu.yield
    }) : () -> ()
    %barrier3A = arith.constant 0 : index
    tpu.barrier barrier_id(%barrier3A)
    %scan3A = arith.constant 0 : i32
    %scan3A_5 = arith.constant 0 : i32
    %scan3A_6 = arith.constant 79 : i32
    %scan3A_7 = arith.addi %scan3A_5, %scan3A_6 : i32
    %scan3A_8 = arith.constant 1 : i32
    scf.for %scan3A_15 = %scan3A_5 to %scan3A_7 step %scan3A_8  : i32 {
      %mul3A_16 = arith.constant 10112 : i32
      %mul3A_17 = arith.muli %add3A, %mul3A_16 : i32
      %mul3A_18 = arith.constant 128 : i32
      %mul3A_19 = arith.muli %scan3A_15, %mul3A_18 : i32
      %add3A_20 = arith.addi %mul3A_17, %mul3A_19 : i32
      %multiple_of3A = tpu.assume_multiple %add3A_20, 128 : i32
      "tpu.region"() ({
        %run_scoped3A = tpu.sem_alloc : memref<!tpu.dma_semaphore, #tpu.memory_space<semaphore_mem>>
        %dma_start3A_25 = tpu.memref_slice %arg3[%multiple_of3A] : memref<323584xi32, #tpu.memory_space<hbm>> -> memref<128xi32, #tpu.memory_space<hbm>>
        %dma_start3A_26 = tpu.memref_slice %arg3[%multiple_of3A] : memref<323584xi32, #tpu.memory_space<hbm>> -> memref<128xi32, #tpu.memory_space<hbm>>
        tpu.enqueue_dma source(%dma_start3A_26 : memref<128xi32, #tpu.memory_space<hbm>>) target(%arg7 : memref<128xi32, #tpu.memory_space<vmem>>) target_semaphore(%run_scoped3A : memref<!tpu.dma_semaphore, #tpu.memory_space<semaphore_mem>>)
        %dma_wait3A_27 = tpu.memref_slice %arg3[%multiple_of3A] : memref<323584xi32, #tpu.memory_space<hbm>> -> memref<128xi32, #tpu.memory_space<hbm>>
        %dma_wait3A_28 = tpu.memref_slice %arg3[%multiple_of3A] : memref<323584xi32, #tpu.memory_space<hbm>> -> memref<128xi32, #tpu.memory_space<hbm>>
        tpu.wait_dma2 semaphore(%run_scoped3A : memref<!tpu.dma_semaphore, #tpu.memory_space<semaphore_mem>>) src(%dma_wait3A_28 : memref<128xi32, #tpu.memory_space<hbm>>) dst(%arg7 : memref<128xi32, #tpu.memory_space<vmem>>)
        tpu.yield
      }) : () -> ()
      "tpu.region"() ({
        %run_scoped3A = tpu.sem_alloc : memref<!tpu.dma_semaphore, #tpu.memory_space<semaphore_mem>>
        %dma_start3A_25 = tpu.memref_slice %arg4[%multiple_of3A] : memref<323584xi32, #tpu.memory_space<hbm>> -> memref<128xi32, #tpu.memory_space<hbm>>
        %dma_start3A_26 = tpu.memref_slice %arg4[%multiple_of3A] : memref<323584xi32, #tpu.memory_space<hbm>> -> memref<128xi32, #tpu.memory_space<hbm>>
        tpu.enqueue_dma source(%dma_start3A_26 : memref<128xi32, #tpu.memory_space<hbm>>) target(%arg8 : memref<128xi32, #tpu.memory_space<vmem>>) target_semaphore(%run_scoped3A : memref<!tpu.dma_semaphore, #tpu.memory_space<semaphore_mem>>)
        %dma_wait3A_27 = tpu.memref_slice %arg4[%multiple_of3A] : memref<323584xi32, #tpu.memory_space<hbm>> -> memref<128xi32, #tpu.memory_space<hbm>>
        %dma_wait3A_28 = tpu.memref_slice %arg4[%multiple_of3A] : memref<323584xi32, #tpu.memory_space<hbm>> -> memref<128xi32, #tpu.memory_space<hbm>>
        tpu.wait_dma2 semaphore(%run_scoped3A : memref<!tpu.dma_semaphore, #tpu.memory_space<semaphore_mem>>) src(%dma_wait3A_28 : memref<128xi32, #tpu.memory_space<hbm>>) dst(%arg8 : memref<128xi32, #tpu.memory_space<vmem>>)
        tpu.yield
      }) : () -> ()
      %dma_start3A = arith.constant 0 : i32
      %dma_start3A_21 = arith.constant 0 : i32
      %dma_start3A_22 = tpu.memref_slice %arg2[%dma_start3A, %dma_start3A_21] : memref<10000x128xf32, #tpu.memory_space<hbm>> -> memref<10000x128xf32, #tpu.memory_space<hbm>>
      tpu.enqueue_indirect_dma source(%dma_start3A_22 : memref<10000x128xf32, #tpu.memory_space<hbm>>) target(%arg9 : memref<128x128xf32, #tpu.memory_space<vmem>>) offsets(%arg7 : memref<128xi32, #tpu.memory_space<vmem>>) semaphore(%arg11 : memref<!tpu.dma_semaphore, #tpu.memory_space<semaphore_mem>>)
      %dma_wait3A = arith.constant 0 : i32
      %dma_wait3A_23 = arith.constant 0 : i32
      %dma_wait3A_24 = tpu.memref_slice %arg2[%dma_wait3A, %dma_wait3A_23] : memref<10000x128xf32, #tpu.memory_space<hbm>> -> memref<10000x128xf32, #tpu.memory_space<hbm>>
      tpu.wait_indirect_dma semaphore(%arg11 : memref<!tpu.dma_semaphore, #tpu.memory_space<semaphore_mem>>) src(%dma_wait3A_24 : memref<10000x128xf32, #tpu.memory_space<hbm>>) dst(%arg9 : memref<128x128xf32, #tpu.memory_space<vmem>>)
      "tpu.region"() ({
        %run_scoped3A = tpu.sem_alloc : memref<!tpu.dma_semaphore, #tpu.memory_space<semaphore_mem>>
        %dma_start3A_25 = arith.constant 0 : i32
        %dma_start3A_26 = arith.constant 0 : i32
        %dma_start3A_27 = tpu.memref_slice %arg10[%dma_start3A_25, %dma_start3A_26] : memref<10112x128xf32, #tpu.memory_space<vmem_shared>> -> memref<10112x128xf32, #tpu.memory_space<vmem_shared>>
        tpu.enqueue_indirect_dma source(%arg9 : memref<128x128xf32, #tpu.memory_space<vmem>>) target(%dma_start3A_27 : memref<10112x128xf32, #tpu.memory_space<vmem_shared>>) offsets(%arg8 : memref<128xi32, #tpu.memory_space<vmem>>) semaphore(%run_scoped3A : memref<!tpu.dma_semaphore, #tpu.memory_space<semaphore_mem>>) {add = true}
        %dma_wait3A_28 = arith.constant 0 : i32
        %dma_wait3A_29 = arith.constant 0 : i32
        %dma_wait3A_30 = tpu.memref_slice %arg10[%dma_wait3A_28, %dma_wait3A_29] : memref<10112x128xf32, #tpu.memory_space<vmem_shared>> -> memref<10112x128xf32, #tpu.memory_space<vmem_shared>>
        tpu.wait_indirect_dma semaphore(%run_scoped3A : memref<!tpu.dma_semaphore, #tpu.memory_space<semaphore_mem>>) src(%arg9 : memref<128x128xf32, #tpu.memory_space<vmem>>) dst(%dma_wait3A_30 : memref<10112x128xf32, #tpu.memory_space<vmem_shared>>)
        tpu.yield
      }) : () -> ()
    }
    %scan3A_9 = arith.constant 79 : i32
    %barrier3A_10 = arith.constant 0 : index
    tpu.barrier barrier_id(%barrier3A_10)
    %mul3A_11 = arith.constant 632 : i32
    %mul3A_12 = arith.muli %arg1, %mul3A_11 : i32
    %mul3A_13 = arith.constant 632 : i32
    %mul3A_14 = arith.muli %arg1, %mul3A_13 : i32
    "tpu.region"() ({
      %run_scoped3A = tpu.sem_alloc : memref<!tpu.dma_semaphore, #tpu.memory_space<semaphore_mem>>
      %dma_start3A = arith.constant 0 : i32
      %dma_start3A_15 = tpu.memref_slice %arg6[%arg0, %mul3A_14, %dma_start3A] : memref<2x10112x128xf32, #tpu.memory_space<hbm>> -> memref<1x632x128xf32, #tpu.memory_space<hbm>>
      %dma_start3A_16 = tpu.memref_squeeze %dma_start3A_15 : memref<1x632x128xf32, #tpu.memory_space<hbm>> -> memref<632x128xf32, #tpu.memory_space<hbm>>
      %dma_start3A_17 = arith.constant 0 : i32
      %dma_start3A_18 = tpu.memref_slice %arg10[%mul3A_12, %dma_start3A_17] : memref<10112x128xf32, #tpu.memory_space<vmem_shared>> -> memref<632x128xf32, #tpu.memory_space<vmem_shared>>
      tpu.enqueue_dma source(%dma_start3A_18 : memref<632x128xf32, #tpu.memory_space<vmem_shared>>) target(%dma_start3A_16 : memref<632x128xf32, #tpu.memory_space<hbm>>) target_semaphore(%run_scoped3A : memref<!tpu.dma_semaphore, #tpu.memory_space<semaphore_mem>>)
      %dma_wait3A = arith.constant 0 : i32
      %dma_wait3A_19 = tpu.memref_slice %arg6[%arg0, %mul3A_14, %dma_wait3A] : memref<2x10112x128xf32, #tpu.memory_space<hbm>> -> memref<1x632x128xf32, #tpu.memory_space<hbm>>
      %dma_wait3A_20 = tpu.memref_squeeze %dma_wait3A_19 : memref<1x632x128xf32, #tpu.memory_space<hbm>> -> memref<632x128xf32, #tpu.memory_space<hbm>>
      %dma_wait3A_21 = arith.constant 0 : i32
      %dma_wait3A_22 = tpu.memref_slice %arg10[%mul3A_12, %dma_wait3A_21] : memref<10112x128xf32, #tpu.memory_space<vmem_shared>> -> memref<632x128xf32, #tpu.memory_space<vmem_shared>>
      tpu.wait_dma2 semaphore(%run_scoped3A : memref<!tpu.dma_semaphore, #tpu.memory_space<semaphore_mem>>) src(%dma_wait3A_22 : memref<632x128xf32, #tpu.memory_space<vmem_shared>>) dst(%dma_wait3A_20 : memref<632x128xf32, #tpu.memory_space<hbm>>)
      tpu.yield
    }) : () -> ()
    return
  }
}

#map = affine_map<(d0, d1) -> (0, 0)>
#map1 = affine_map<(d0, d1) -> (0)>
#map2 = affine_map<(d0, d1) -> (0, 0, 0)>
module attributes {stable_mosaic.version = 14 : i64} {
  func.func @segsum(%arg0: i32, %arg1: i32, %arg2: memref<10000x128xf32, #tpu.memory_space<hbm>>, %arg3: memref<323584xi32, #tpu.memory_space<hbm>>, %arg4: memref<323584xi32, #tpu.memory_space<hbm>>, %arg5: memref<10112x128xf32, #tpu.memory_space<hbm>>, %arg6: memref<2x10112x128xf32, #tpu.memory_space<hbm>>, %arg7: memref<128xi32, #tpu.memory_space<vmem>>, %arg8: memref<128xi32, #tpu.memory_space<vmem>>, %arg9: memref<128x128xf32, #tpu.memory_space<vmem>>, %arg10: memref<10112x128xf32, #tpu.memory_space<vmem_shared>>, %arg11: memref<!tpu.dma_semaphore, #tpu.memory_space<semaphore_mem>>) attributes {dimension_semantics = [#tpu.dimension_semantics<core_parallel>, #tpu.dimension_semantics<subcore_parallel>], iteration_bounds = array<i64: 2, 16>, scalar_prefetch = 0 : i64, scratch_operands = 5 : i64, tpu.core_type = #tpu.core_type<sc_vector_subcore>, window_params = [{transform_indices = #map}, {transform_indices = #map1}, {transform_indices = #map1}, {transform_indices = #map}, {transform_indices = #map2}]} {
    %mul3A = arith.constant 16 : i32
    %mul3A_0 = arith.muli %arg0, %mul3A : i32
    %add3A = arith.addi %mul3A_0, %arg1 : i32
    %mul3A_1 = arith.constant 632 : i32
    %mul3A_2 = arith.muli %arg1, %mul3A_1 : i32
    %mul3A_3 = arith.constant 632 : i32
    %mul3A_4 = arith.muli %arg1, %mul3A_3 : i32
    "tpu.region"() ({
      %run_scoped3A = tpu.sem_alloc : memref<!tpu.dma_semaphore, #tpu.memory_space<semaphore_mem>>
      %dma_start3A = arith.constant 0 : i32
      %dma_start3A_15 = tpu.memref_slice %arg10[%mul3A_4, %dma_start3A] : memref<10112x128xf32, #tpu.memory_space<vmem_shared>> -> memref<632x128xf32, #tpu.memory_space<vmem_shared>>
      %dma_start3A_16 = arith.constant 0 : i32
      %dma_start3A_17 = tpu.memref_slice %arg5[%mul3A_2, %dma_start3A_16] : memref<10112x128xf32, #tpu.memory_space<hbm>> -> memref<632x128xf32, #tpu.memory_space<hbm>>
      tpu.enqueue_dma source(%dma_start3A_17 : memref<632x128xf32, #tpu.memory_space<hbm>>) target(%dma_start3A_15 : memref<632x128xf32, #tpu.memory_space<vmem_shared>>) target_semaphore(%run_scoped3A : memref<!tpu.dma_semaphore, #tpu.memory_space<semaphore_mem>>)
      %dma_wait3A = arith.constant 0 : i32
      %dma_wait3A_18 = tpu.memref_slice %arg10[%mul3A_4, %dma_wait3A] : memref<10112x128xf32, #tpu.memory_space<vmem_shared>> -> memref<632x128xf32, #tpu.memory_space<vmem_shared>>
      %dma_wait3A_19 = arith.constant 0 : i32
      %dma_wait3A_20 = tpu.memref_slice %arg5[%mul3A_2, %dma_wait3A_19] : memref<10112x128xf32, #tpu.memory_space<hbm>> -> memref<632x128xf32, #tpu.memory_space<hbm>>
      tpu.wait_dma2 semaphore(%run_scoped3A : memref<!tpu.dma_semaphore, #tpu.memory_space<semaphore_mem>>) src(%dma_wait3A_20 : memref<632x128xf32, #tpu.memory_space<hbm>>) dst(%dma_wait3A_18 : memref<632x128xf32, #tpu.memory_space<vmem_shared>>)
      tpu.yield
    }) : () -> ()
    %barrier3A = arith.constant 0 : index
    tpu.barrier barrier_id(%barrier3A)
    %scan3A = arith.constant 0 : i32
    %scan3A_5 = arith.constant 0 : i32
    %scan3A_6 = arith.constant 79 : i32
    %scan3A_7 = arith.addi %scan3A_5, %scan3A_6 : i32
    %scan3A_8 = arith.constant 1 : i32
    scf.for %scan3A_15 = %scan3A_5 to %scan3A_7 step %scan3A_8  : i32 {
      %mul3A_16 = arith.constant 10112 : i32
      %mul3A_17 = arith.muli %add3A, %mul3A_16 : i32
      %mul3A_18 = arith.constant 128 : i32
      %mul3A_19 = arith.muli %scan3A_15, %mul3A_18 : i32
      %add3A_20 = arith.addi %mul3A_17, %mul3A_19 : i32
      %multiple_of3A = tpu.assume_multiple %add3A_20, 128 : i32
      "tpu.region"() ({
        %run_scoped3A = tpu.sem_alloc : memref<!tpu.dma_semaphore, #tpu.memory_space<semaphore_mem>>
        %dma_start3A_25 = tpu.memref_slice %arg3[%multiple_of3A] : memref<323584xi32, #tpu.memory_space<hbm>> -> memref<128xi32, #tpu.memory_space<hbm>>
        %dma_start3A_26 = tpu.memref_slice %arg3[%multiple_of3A] : memref<323584xi32, #tpu.memory_space<hbm>> -> memref<128xi32, #tpu.memory_space<hbm>>
        tpu.enqueue_dma source(%dma_start3A_26 : memref<128xi32, #tpu.memory_space<hbm>>) target(%arg7 : memref<128xi32, #tpu.memory_space<vmem>>) target_semaphore(%run_scoped3A : memref<!tpu.dma_semaphore, #tpu.memory_space<semaphore_mem>>)
        %dma_wait3A_27 = tpu.memref_slice %arg3[%multiple_of3A] : memref<323584xi32, #tpu.memory_space<hbm>> -> memref<128xi32, #tpu.memory_space<hbm>>
        %dma_wait3A_28 = tpu.memref_slice %arg3[%multiple_of3A] : memref<323584xi32, #tpu.memory_space<hbm>> -> memref<128xi32, #tpu.memory_space<hbm>>
        tpu.wait_dma2 semaphore(%run_scoped3A : memref<!tpu.dma_semaphore, #tpu.memory_space<semaphore_mem>>) src(%dma_wait3A_28 : memref<128xi32, #tpu.memory_space<hbm>>) dst(%arg7 : memref<128xi32, #tpu.memory_space<vmem>>)
        tpu.yield
      }) : () -> ()
      "tpu.region"() ({
        %run_scoped3A = tpu.sem_alloc : memref<!tpu.dma_semaphore, #tpu.memory_space<semaphore_mem>>
        %dma_start3A_25 = tpu.memref_slice %arg4[%multiple_of3A] : memref<323584xi32, #tpu.memory_space<hbm>> -> memref<128xi32, #tpu.memory_space<hbm>>
        %dma_start3A_26 = tpu.memref_slice %arg4[%multiple_of3A] : memref<323584xi32, #tpu.memory_space<hbm>> -> memref<128xi32, #tpu.memory_space<hbm>>
        tpu.enqueue_dma source(%dma_start3A_26 : memref<128xi32, #tpu.memory_space<hbm>>) target(%arg8 : memref<128xi32, #tpu.memory_space<vmem>>) target_semaphore(%run_scoped3A : memref<!tpu.dma_semaphore, #tpu.memory_space<semaphore_mem>>)
        %dma_wait3A_27 = tpu.memref_slice %arg4[%multiple_of3A] : memref<323584xi32, #tpu.memory_space<hbm>> -> memref<128xi32, #tpu.memory_space<hbm>>
        %dma_wait3A_28 = tpu.memref_slice %arg4[%multiple_of3A] : memref<323584xi32, #tpu.memory_space<hbm>> -> memref<128xi32, #tpu.memory_space<hbm>>
        tpu.wait_dma2 semaphore(%run_scoped3A : memref<!tpu.dma_semaphore, #tpu.memory_space<semaphore_mem>>) src(%dma_wait3A_28 : memref<128xi32, #tpu.memory_space<hbm>>) dst(%arg8 : memref<128xi32, #tpu.memory_space<vmem>>)
        tpu.yield
      }) : () -> ()
      %dma_start3A = arith.constant 0 : i32
      %dma_start3A_21 = arith.constant 0 : i32
      %dma_start3A_22 = tpu.memref_slice %arg2[%dma_start3A, %dma_start3A_21] : memref<10000x128xf32, #tpu.memory_space<hbm>> -> memref<10000x128xf32, #tpu.memory_space<hbm>>
      tpu.enqueue_indirect_dma source(%dma_start3A_22 : memref<10000x128xf32, #tpu.memory_space<hbm>>) target(%arg9 : memref<128x128xf32, #tpu.memory_space<vmem>>) offsets(%arg7 : memref<128xi32, #tpu.memory_space<vmem>>) semaphore(%arg11 : memref<!tpu.dma_semaphore, #tpu.memory_space<semaphore_mem>>)
      %dma_wait3A = arith.constant 0 : i32
      %dma_wait3A_23 = arith.constant 0 : i32
      %dma_wait3A_24 = tpu.memref_slice %arg2[%dma_wait3A, %dma_wait3A_23] : memref<10000x128xf32, #tpu.memory_space<hbm>> -> memref<10000x128xf32, #tpu.memory_space<hbm>>
      tpu.wait_indirect_dma semaphore(%arg11 : memref<!tpu.dma_semaphore, #tpu.memory_space<semaphore_mem>>) src(%dma_wait3A_24 : memref<10000x128xf32, #tpu.memory_space<hbm>>) dst(%arg9 : memref<128x128xf32, #tpu.memory_space<vmem>>)
      "tpu.region"() ({
        %run_scoped3A = tpu.sem_alloc : memref<!tpu.dma_semaphore, #tpu.memory_space<semaphore_mem>>
        %dma_start3A_25 = arith.constant 0 : i32
        %dma_start3A_26 = arith.constant 0 : i32
        %dma_start3A_27 = tpu.memref_slice %arg10[%dma_start3A_25, %dma_start3A_26] : memref<10112x128xf32, #tpu.memory_space<vmem_shared>> -> memref<10112x128xf32, #tpu.memory_space<vmem_shared>>
        tpu.enqueue_indirect_dma source(%arg9 : memref<128x128xf32, #tpu.memory_space<vmem>>) target(%dma_start3A_27 : memref<10112x128xf32, #tpu.memory_space<vmem_shared>>) offsets(%arg8 : memref<128xi32, #tpu.memory_space<vmem>>) semaphore(%run_scoped3A : memref<!tpu.dma_semaphore, #tpu.memory_space<semaphore_mem>>) {add = true}
        %dma_wait3A_28 = arith.constant 0 : i32
        %dma_wait3A_29 = arith.constant 0 : i32
        %dma_wait3A_30 = tpu.memref_slice %arg10[%dma_wait3A_28, %dma_wait3A_29] : memref<10112x128xf32, #tpu.memory_space<vmem_shared>> -> memref<10112x128xf32, #tpu.memory_space<vmem_shared>>
        tpu.wait_indirect_dma semaphore(%run_scoped3A : memref<!tpu.dma_semaphore, #tpu.memory_space<semaphore_mem>>) src(%arg9 : memref<128x128xf32, #tpu.memory_space<vmem>>) dst(%dma_wait3A_30 : memref<10112x128xf32, #tpu.memory_space<vmem_shared>>)
        tpu.yield
      }) : () -> ()
    }
    %scan3A_9 = arith.constant 79 : i32
    %barrier3A_10 = arith.constant 0 : index
    tpu.barrier barrier_id(%barrier3A_10)
    %mul3A_11 = arith.constant 632 : i32
    %mul3A_12 = arith.muli %arg1, %mul3A_11 : i32
    %mul3A_13 = arith.constant 632 : i32
    %mul3A_14 = arith.muli %arg1, %mul3A_13 : i32
    "tpu.region"() ({
      %run_scoped3A = tpu.sem_alloc : memref<!tpu.dma_semaphore, #tpu.memory_space<semaphore_mem>>
      %dma_start3A = arith.constant 0 : i32
      %dma_start3A_15 = tpu.memref_slice %arg6[%arg0, %mul3A_14, %dma_start3A] : memref<2x10112x128xf32, #tpu.memory_space<hbm>> -> memref<1x632x128xf32, #tpu.memory_space<hbm>>
      %dma_start3A_16 = tpu.memref_squeeze %dma_start3A_15 : memref<1x632x128xf32, #tpu.memory_space<hbm>> -> memref<632x128xf32, #tpu.memory_space<hbm>>
      %dma_start3A_17 = arith.constant 0 : i32
      %dma_start3A_18 = tpu.memref_slice %arg10[%mul3A_12, %dma_start3A_17] : memref<10112x128xf32, #tpu.memory_space<vmem_shared>> -> memref<632x128xf32, #tpu.memory_space<vmem_shared>>
      tpu.enqueue_dma source(%dma_start3A_18 : memref<632x128xf32, #tpu.memory_space<vmem_shared>>) target(%dma_start3A_16 : memref<632x128xf32, #tpu.memory_space<hbm>>) target_semaphore(%run_scoped3A : memref<!tpu.dma_semaphore, #tpu.memory_space<semaphore_mem>>)
      %dma_wait3A = arith.constant 0 : i32
      %dma_wait3A_19 = tpu.memref_slice %arg6[%arg0, %mul3A_14, %dma_wait3A] : memref<2x10112x128xf32, #tpu.memory_space<hbm>> -> memref<1x632x128xf32, #tpu.memory_space<hbm>>
      %dma_wait3A_20 = tpu.memref_squeeze %dma_wait3A_19 : memref<1x632x128xf32, #tpu.memory_space<hbm>> -> memref<632x128xf32, #tpu.memory_space<hbm>>
      %dma_wait3A_21 = arith.constant 0 : i32
      %dma_wait3A_22 = tpu.memref_slice %arg10[%mul3A_12, %dma_wait3A_21] : memref<10112x128xf32, #tpu.memory_space<vmem_shared>> -> memref<632x128xf32, #tpu.memory_space<vmem_shared>>
      tpu.wait_dma2 semaphore(%run_scoped3A : memref<!tpu.dma_semaphore, #tpu.memory_space<semaphore_mem>>) src(%dma_wait3A_22 : memref<632x128xf32, #tpu.memory_space<vmem_shared>>) dst(%dma_wait3A_20 : memref<632x128xf32, #tpu.memory_space<hbm>>)
      tpu.yield
    }) : () -> ()
    return
  }
}

#map = affine_map<(d0, d1) -> (0, 0)>
#map1 = affine_map<(d0, d1) -> (0)>
#map2 = affine_map<(d0, d1) -> (0, 0, 0)>
module attributes {stable_mosaic.version = 14 : i64} {
  func.func @segsum(%arg0: i32, %arg1: i32, %arg2: memref<10000x128xf32, #tpu.memory_space<hbm>>, %arg3: memref<323584xi32, #tpu.memory_space<hbm>>, %arg4: memref<323584xi32, #tpu.memory_space<hbm>>, %arg5: memref<10112x128xf32, #tpu.memory_space<hbm>>, %arg6: memref<2x10112x128xf32, #tpu.memory_space<hbm>>, %arg7: memref<128xi32, #tpu.memory_space<vmem>>, %arg8: memref<128xi32, #tpu.memory_space<vmem>>, %arg9: memref<128x128xf32, #tpu.memory_space<vmem>>, %arg10: memref<10112x128xf32, #tpu.memory_space<vmem_shared>>, %arg11: memref<!tpu.dma_semaphore, #tpu.memory_space<semaphore_mem>>) attributes {dimension_semantics = [#tpu.dimension_semantics<core_parallel>, #tpu.dimension_semantics<subcore_parallel>], iteration_bounds = array<i64: 2, 16>, scalar_prefetch = 0 : i64, scratch_operands = 5 : i64, tpu.core_type = #tpu.core_type<sc_vector_subcore>, window_params = [{transform_indices = #map}, {transform_indices = #map1}, {transform_indices = #map1}, {transform_indices = #map}, {transform_indices = #map2}]} {
    %mul3A = arith.constant 16 : i32
    %mul3A_0 = arith.muli %arg0, %mul3A : i32
    %add3A = arith.addi %mul3A_0, %arg1 : i32
    %mul3A_1 = arith.constant 632 : i32
    %mul3A_2 = arith.muli %arg1, %mul3A_1 : i32
    %mul3A_3 = arith.constant 632 : i32
    %mul3A_4 = arith.muli %arg1, %mul3A_3 : i32
    "tpu.region"() ({
      %run_scoped3A = tpu.sem_alloc : memref<!tpu.dma_semaphore, #tpu.memory_space<semaphore_mem>>
      %dma_start3A = arith.constant 0 : i32
      %dma_start3A_15 = tpu.memref_slice %arg10[%mul3A_4, %dma_start3A] : memref<10112x128xf32, #tpu.memory_space<vmem_shared>> -> memref<632x128xf32, #tpu.memory_space<vmem_shared>>
      %dma_start3A_16 = arith.constant 0 : i32
      %dma_start3A_17 = tpu.memref_slice %arg5[%mul3A_2, %dma_start3A_16] : memref<10112x128xf32, #tpu.memory_space<hbm>> -> memref<632x128xf32, #tpu.memory_space<hbm>>
      tpu.enqueue_dma source(%dma_start3A_17 : memref<632x128xf32, #tpu.memory_space<hbm>>) target(%dma_start3A_15 : memref<632x128xf32, #tpu.memory_space<vmem_shared>>) target_semaphore(%run_scoped3A : memref<!tpu.dma_semaphore, #tpu.memory_space<semaphore_mem>>)
      %dma_wait3A = arith.constant 0 : i32
      %dma_wait3A_18 = tpu.memref_slice %arg10[%mul3A_4, %dma_wait3A] : memref<10112x128xf32, #tpu.memory_space<vmem_shared>> -> memref<632x128xf32, #tpu.memory_space<vmem_shared>>
      %dma_wait3A_19 = arith.constant 0 : i32
      %dma_wait3A_20 = tpu.memref_slice %arg5[%mul3A_2, %dma_wait3A_19] : memref<10112x128xf32, #tpu.memory_space<hbm>> -> memref<632x128xf32, #tpu.memory_space<hbm>>
      tpu.wait_dma2 semaphore(%run_scoped3A : memref<!tpu.dma_semaphore, #tpu.memory_space<semaphore_mem>>) src(%dma_wait3A_20 : memref<632x128xf32, #tpu.memory_space<hbm>>) dst(%dma_wait3A_18 : memref<632x128xf32, #tpu.memory_space<vmem_shared>>)
      tpu.yield
    }) : () -> ()
    %barrier3A = arith.constant 0 : index
    tpu.barrier barrier_id(%barrier3A)
    %scan3A = arith.constant 0 : i32
    %scan3A_5 = arith.constant 0 : i32
    %scan3A_6 = arith.constant 79 : i32
    %scan3A_7 = arith.addi %scan3A_5, %scan3A_6 : i32
    %scan3A_8 = arith.constant 1 : i32
    scf.for %scan3A_15 = %scan3A_5 to %scan3A_7 step %scan3A_8  : i32 {
      %mul3A_16 = arith.constant 10112 : i32
      %mul3A_17 = arith.muli %add3A, %mul3A_16 : i32
      %mul3A_18 = arith.constant 128 : i32
      %mul3A_19 = arith.muli %scan3A_15, %mul3A_18 : i32
      %add3A_20 = arith.addi %mul3A_17, %mul3A_19 : i32
      %multiple_of3A = tpu.assume_multiple %add3A_20, 128 : i32
      "tpu.region"() ({
        %run_scoped3A = tpu.sem_alloc : memref<!tpu.dma_semaphore, #tpu.memory_space<semaphore_mem>>
        %dma_start3A_25 = tpu.memref_slice %arg3[%multiple_of3A] : memref<323584xi32, #tpu.memory_space<hbm>> -> memref<128xi32, #tpu.memory_space<hbm>>
        %dma_start3A_26 = tpu.memref_slice %arg3[%multiple_of3A] : memref<323584xi32, #tpu.memory_space<hbm>> -> memref<128xi32, #tpu.memory_space<hbm>>
        tpu.enqueue_dma source(%dma_start3A_26 : memref<128xi32, #tpu.memory_space<hbm>>) target(%arg7 : memref<128xi32, #tpu.memory_space<vmem>>) target_semaphore(%run_scoped3A : memref<!tpu.dma_semaphore, #tpu.memory_space<semaphore_mem>>)
        %dma_wait3A_27 = tpu.memref_slice %arg3[%multiple_of3A] : memref<323584xi32, #tpu.memory_space<hbm>> -> memref<128xi32, #tpu.memory_space<hbm>>
        %dma_wait3A_28 = tpu.memref_slice %arg3[%multiple_of3A] : memref<323584xi32, #tpu.memory_space<hbm>> -> memref<128xi32, #tpu.memory_space<hbm>>
        tpu.wait_dma2 semaphore(%run_scoped3A : memref<!tpu.dma_semaphore, #tpu.memory_space<semaphore_mem>>) src(%dma_wait3A_28 : memref<128xi32, #tpu.memory_space<hbm>>) dst(%arg7 : memref<128xi32, #tpu.memory_space<vmem>>)
        tpu.yield
      }) : () -> ()
      "tpu.region"() ({
        %run_scoped3A = tpu.sem_alloc : memref<!tpu.dma_semaphore, #tpu.memory_space<semaphore_mem>>
        %dma_start3A_25 = tpu.memref_slice %arg4[%multiple_of3A] : memref<323584xi32, #tpu.memory_space<hbm>> -> memref<128xi32, #tpu.memory_space<hbm>>
        %dma_start3A_26 = tpu.memref_slice %arg4[%multiple_of3A] : memref<323584xi32, #tpu.memory_space<hbm>> -> memref<128xi32, #tpu.memory_space<hbm>>
        tpu.enqueue_dma source(%dma_start3A_26 : memref<128xi32, #tpu.memory_space<hbm>>) target(%arg8 : memref<128xi32, #tpu.memory_space<vmem>>) target_semaphore(%run_scoped3A : memref<!tpu.dma_semaphore, #tpu.memory_space<semaphore_mem>>)
        %dma_wait3A_27 = tpu.memref_slice %arg4[%multiple_of3A] : memref<323584xi32, #tpu.memory_space<hbm>> -> memref<128xi32, #tpu.memory_space<hbm>>
        %dma_wait3A_28 = tpu.memref_slice %arg4[%multiple_of3A] : memref<323584xi32, #tpu.memory_space<hbm>> -> memref<128xi32, #tpu.memory_space<hbm>>
        tpu.wait_dma2 semaphore(%run_scoped3A : memref<!tpu.dma_semaphore, #tpu.memory_space<semaphore_mem>>) src(%dma_wait3A_28 : memref<128xi32, #tpu.memory_space<hbm>>) dst(%arg8 : memref<128xi32, #tpu.memory_space<vmem>>)
        tpu.yield
      }) : () -> ()
      %dma_start3A = arith.constant 0 : i32
      %dma_start3A_21 = arith.constant 0 : i32
      %dma_start3A_22 = tpu.memref_slice %arg2[%dma_start3A, %dma_start3A_21] : memref<10000x128xf32, #tpu.memory_space<hbm>> -> memref<10000x128xf32, #tpu.memory_space<hbm>>
      tpu.enqueue_indirect_dma source(%dma_start3A_22 : memref<10000x128xf32, #tpu.memory_space<hbm>>) target(%arg9 : memref<128x128xf32, #tpu.memory_space<vmem>>) offsets(%arg7 : memref<128xi32, #tpu.memory_space<vmem>>) semaphore(%arg11 : memref<!tpu.dma_semaphore, #tpu.memory_space<semaphore_mem>>)
      %dma_wait3A = arith.constant 0 : i32
      %dma_wait3A_23 = arith.constant 0 : i32
      %dma_wait3A_24 = tpu.memref_slice %arg2[%dma_wait3A, %dma_wait3A_23] : memref<10000x128xf32, #tpu.memory_space<hbm>> -> memref<10000x128xf32, #tpu.memory_space<hbm>>
      tpu.wait_indirect_dma semaphore(%arg11 : memref<!tpu.dma_semaphore, #tpu.memory_space<semaphore_mem>>) src(%dma_wait3A_24 : memref<10000x128xf32, #tpu.memory_space<hbm>>) dst(%arg9 : memref<128x128xf32, #tpu.memory_space<vmem>>)
      "tpu.region"() ({
        %run_scoped3A = tpu.sem_alloc : memref<!tpu.dma_semaphore, #tpu.memory_space<semaphore_mem>>
        %dma_start3A_25 = arith.constant 0 : i32
        %dma_start3A_26 = arith.constant 0 : i32
        %dma_start3A_27 = tpu.memref_slice %arg10[%dma_start3A_25, %dma_start3A_26] : memref<10112x128xf32, #tpu.memory_space<vmem_shared>> -> memref<10112x128xf32, #tpu.memory_space<vmem_shared>>
        tpu.enqueue_indirect_dma source(%arg9 : memref<128x128xf32, #tpu.memory_space<vmem>>) target(%dma_start3A_27 : memref<10112x128xf32, #tpu.memory_space<vmem_shared>>) offsets(%arg8 : memref<128xi32, #tpu.memory_space<vmem>>) semaphore(%run_scoped3A : memref<!tpu.dma_semaphore, #tpu.memory_space<semaphore_mem>>) {add = true}
        %dma_wait3A_28 = arith.constant 0 : i32
        %dma_wait3A_29 = arith.constant 0 : i32
        %dma_wait3A_30 = tpu.memref_slice %arg10[%dma_wait3A_28, %dma_wait3A_29] : memref<10112x128xf32, #tpu.memory_space<vmem_shared>> -> memref<10112x128xf32, #tpu.memory_space<vmem_shared>>
        tpu.wait_indirect_dma semaphore(%run_scoped3A : memref<!tpu.dma_semaphore, #tpu.memory_space<semaphore_mem>>) src(%arg9 : memref<128x128xf32, #tpu.memory_space<vmem>>) dst(%dma_wait3A_30 : memref<10112x128xf32, #tpu.memory_space<vmem_shared>>)
        tpu.yield
      }) : () -> ()
    }
    %scan3A_9 = arith.constant 79 : i32
    %barrier3A_10 = arith.constant 0 : index
    tpu.barrier barrier_id(%barrier3A_10)
    %mul3A_11 = arith.constant 632 : i32
    %mul3A_12 = arith.muli %arg1, %mul3A_11 : i32
    %mul3A_13 = arith.constant 632 : i32
    %mul3A_14 = arith.muli %arg1, %mul3A_13 : i32
    "tpu.region"() ({
      %run_scoped3A = tpu.sem_alloc : memref<!tpu.dma_semaphore, #tpu.memory_space<semaphore_mem>>
      %dma_start3A = arith.constant 0 : i32
      %dma_start3A_15 = tpu.memref_slice %arg6[%arg0, %mul3A_14, %dma_start3A] : memref<2x10112x128xf32, #tpu.memory_space<hbm>> -> memref<1x632x128xf32, #tpu.memory_space<hbm>>
      %dma_start3A_16 = tpu.memref_squeeze %dma_start3A_15 : memref<1x632x128xf32, #tpu.memory_space<hbm>> -> memref<632x128xf32, #tpu.memory_space<hbm>>
      %dma_start3A_17 = arith.constant 0 : i32
      %dma_start3A_18 = tpu.memref_slice %arg10[%mul3A_12, %dma_start3A_17] : memref<10112x128xf32, #tpu.memory_space<vmem_shared>> -> memref<632x128xf32, #tpu.memory_space<vmem_shared>>
      tpu.enqueue_dma source(%dma_start3A_18 : memref<632x128xf32, #tpu.memory_space<vmem_shared>>) target(%dma_start3A_16 : memref<632x128xf32, #tpu.memory_space<hbm>>) target_semaphore(%run_scoped3A : memref<!tpu.dma_semaphore, #tpu.memory_space<semaphore_mem>>)
      %dma_wait3A = arith.constant 0 : i32
      %dma_wait3A_19 = tpu.memref_slice %arg6[%arg0, %mul3A_14, %dma_wait3A] : memref<2x10112x128xf32, #tpu.memory_space<hbm>> -> memref<1x632x128xf32, #tpu.memory_space<hbm>>
      %dma_wait3A_20 = tpu.memref_squeeze %dma_wait3A_19 : memref<1x632x128xf32, #tpu.memory_space<hbm>> -> memref<632x128xf32, #tpu.memory_space<hbm>>
      %dma_wait3A_21 = arith.constant 0 : i32
      %dma_wait3A_22 = tpu.memref_slice %arg10[%mul3A_12, %dma_wait3A_21] : memref<10112x128xf32, #tpu.memory_space<vmem_shared>> -> memref<632x128xf32, #tpu.memory_space<vmem_shared>>
      tpu.wait_dma2 semaphore(%run_scoped3A : memref<!tpu.dma_semaphore, #tpu.memory_space<semaphore_mem>>) src(%dma_wait3A_22 : memref<632x128xf32, #tpu.memory_space<vmem_shared>>) dst(%dma_wait3A_20 : memref<632x128xf32, #tpu.memory_space<hbm>>)
      tpu.yield
    }) : () -> ()
    return
  }
}

#map = affine_map<(d0, d1) -> (0, 0)>
#map1 = affine_map<(d0, d1) -> (0)>
#map2 = affine_map<(d0, d1) -> (0, 0, 0)>
module attributes {stable_mosaic.version = 14 : i64} {
  func.func @segsum(%arg0: i32, %arg1: i32, %arg2: memref<10000x128xf32, #tpu.memory_space<hbm>>, %arg3: memref<323584xi32, #tpu.memory_space<hbm>>, %arg4: memref<323584xi32, #tpu.memory_space<hbm>>, %arg5: memref<10112x128xf32, #tpu.memory_space<hbm>>, %arg6: memref<2x10112x128xf32, #tpu.memory_space<hbm>>, %arg7: memref<128xi32, #tpu.memory_space<vmem>>, %arg8: memref<128xi32, #tpu.memory_space<vmem>>, %arg9: memref<128x128xf32, #tpu.memory_space<vmem>>, %arg10: memref<10112x128xf32, #tpu.memory_space<vmem_shared>>, %arg11: memref<!tpu.dma_semaphore, #tpu.memory_space<semaphore_mem>>) attributes {dimension_semantics = [#tpu.dimension_semantics<core_parallel>, #tpu.dimension_semantics<subcore_parallel>], iteration_bounds = array<i64: 2, 16>, scalar_prefetch = 0 : i64, scratch_operands = 5 : i64, tpu.core_type = #tpu.core_type<sc_vector_subcore>, window_params = [{transform_indices = #map}, {transform_indices = #map1}, {transform_indices = #map1}, {transform_indices = #map}, {transform_indices = #map2}]} {
    %mul3A = arith.constant 16 : i32
    %mul3A_0 = arith.muli %arg0, %mul3A : i32
    %add3A = arith.addi %mul3A_0, %arg1 : i32
    %mul3A_1 = arith.constant 632 : i32
    %mul3A_2 = arith.muli %arg1, %mul3A_1 : i32
    %mul3A_3 = arith.constant 632 : i32
    %mul3A_4 = arith.muli %arg1, %mul3A_3 : i32
    "tpu.region"() ({
      %run_scoped3A = tpu.sem_alloc : memref<!tpu.dma_semaphore, #tpu.memory_space<semaphore_mem>>
      %dma_start3A = arith.constant 0 : i32
      %dma_start3A_15 = tpu.memref_slice %arg10[%mul3A_4, %dma_start3A] : memref<10112x128xf32, #tpu.memory_space<vmem_shared>> -> memref<632x128xf32, #tpu.memory_space<vmem_shared>>
      %dma_start3A_16 = arith.constant 0 : i32
      %dma_start3A_17 = tpu.memref_slice %arg5[%mul3A_2, %dma_start3A_16] : memref<10112x128xf32, #tpu.memory_space<hbm>> -> memref<632x128xf32, #tpu.memory_space<hbm>>
      tpu.enqueue_dma source(%dma_start3A_17 : memref<632x128xf32, #tpu.memory_space<hbm>>) target(%dma_start3A_15 : memref<632x128xf32, #tpu.memory_space<vmem_shared>>) target_semaphore(%run_scoped3A : memref<!tpu.dma_semaphore, #tpu.memory_space<semaphore_mem>>)
      %dma_wait3A = arith.constant 0 : i32
      %dma_wait3A_18 = tpu.memref_slice %arg10[%mul3A_4, %dma_wait3A] : memref<10112x128xf32, #tpu.memory_space<vmem_shared>> -> memref<632x128xf32, #tpu.memory_space<vmem_shared>>
      %dma_wait3A_19 = arith.constant 0 : i32
      %dma_wait3A_20 = tpu.memref_slice %arg5[%mul3A_2, %dma_wait3A_19] : memref<10112x128xf32, #tpu.memory_space<hbm>> -> memref<632x128xf32, #tpu.memory_space<hbm>>
      tpu.wait_dma2 semaphore(%run_scoped3A : memref<!tpu.dma_semaphore, #tpu.memory_space<semaphore_mem>>) src(%dma_wait3A_20 : memref<632x128xf32, #tpu.memory_space<hbm>>) dst(%dma_wait3A_18 : memref<632x128xf32, #tpu.memory_space<vmem_shared>>)
      tpu.yield
    }) : () -> ()
    %barrier3A = arith.constant 0 : index
    tpu.barrier barrier_id(%barrier3A)
    %scan3A = arith.constant 0 : i32
    %scan3A_5 = arith.constant 0 : i32
    %scan3A_6 = arith.constant 79 : i32
    %scan3A_7 = arith.addi %scan3A_5, %scan3A_6 : i32
    %scan3A_8 = arith.constant 1 : i32
    scf.for %scan3A_15 = %scan3A_5 to %scan3A_7 step %scan3A_8  : i32 {
      %mul3A_16 = arith.constant 10112 : i32
      %mul3A_17 = arith.muli %add3A, %mul3A_16 : i32
      %mul3A_18 = arith.constant 128 : i32
      %mul3A_19 = arith.muli %scan3A_15, %mul3A_18 : i32
      %add3A_20 = arith.addi %mul3A_17, %mul3A_19 : i32
      %multiple_of3A = tpu.assume_multiple %add3A_20, 128 : i32
      "tpu.region"() ({
        %run_scoped3A = tpu.sem_alloc : memref<!tpu.dma_semaphore, #tpu.memory_space<semaphore_mem>>
        %dma_start3A_25 = tpu.memref_slice %arg3[%multiple_of3A] : memref<323584xi32, #tpu.memory_space<hbm>> -> memref<128xi32, #tpu.memory_space<hbm>>
        %dma_start3A_26 = tpu.memref_slice %arg3[%multiple_of3A] : memref<323584xi32, #tpu.memory_space<hbm>> -> memref<128xi32, #tpu.memory_space<hbm>>
        tpu.enqueue_dma source(%dma_start3A_26 : memref<128xi32, #tpu.memory_space<hbm>>) target(%arg7 : memref<128xi32, #tpu.memory_space<vmem>>) target_semaphore(%run_scoped3A : memref<!tpu.dma_semaphore, #tpu.memory_space<semaphore_mem>>)
        %dma_wait3A_27 = tpu.memref_slice %arg3[%multiple_of3A] : memref<323584xi32, #tpu.memory_space<hbm>> -> memref<128xi32, #tpu.memory_space<hbm>>
        %dma_wait3A_28 = tpu.memref_slice %arg3[%multiple_of3A] : memref<323584xi32, #tpu.memory_space<hbm>> -> memref<128xi32, #tpu.memory_space<hbm>>
        tpu.wait_dma2 semaphore(%run_scoped3A : memref<!tpu.dma_semaphore, #tpu.memory_space<semaphore_mem>>) src(%dma_wait3A_28 : memref<128xi32, #tpu.memory_space<hbm>>) dst(%arg7 : memref<128xi32, #tpu.memory_space<vmem>>)
        tpu.yield
      }) : () -> ()
      "tpu.region"() ({
        %run_scoped3A = tpu.sem_alloc : memref<!tpu.dma_semaphore, #tpu.memory_space<semaphore_mem>>
        %dma_start3A_25 = tpu.memref_slice %arg4[%multiple_of3A] : memref<323584xi32, #tpu.memory_space<hbm>> -> memref<128xi32, #tpu.memory_space<hbm>>
        %dma_start3A_26 = tpu.memref_slice %arg4[%multiple_of3A] : memref<323584xi32, #tpu.memory_space<hbm>> -> memref<128xi32, #tpu.memory_space<hbm>>
        tpu.enqueue_dma source(%dma_start3A_26 : memref<128xi32, #tpu.memory_space<hbm>>) target(%arg8 : memref<128xi32, #tpu.memory_space<vmem>>) target_semaphore(%run_scoped3A : memref<!tpu.dma_semaphore, #tpu.memory_space<semaphore_mem>>)
        %dma_wait3A_27 = tpu.memref_slice %arg4[%multiple_of3A] : memref<323584xi32, #tpu.memory_space<hbm>> -> memref<128xi32, #tpu.memory_space<hbm>>
        %dma_wait3A_28 = tpu.memref_slice %arg4[%multiple_of3A] : memref<323584xi32, #tpu.memory_space<hbm>> -> memref<128xi32, #tpu.memory_space<hbm>>
        tpu.wait_dma2 semaphore(%run_scoped3A : memref<!tpu.dma_semaphore, #tpu.memory_space<semaphore_mem>>) src(%dma_wait3A_28 : memref<128xi32, #tpu.memory_space<hbm>>) dst(%arg8 : memref<128xi32, #tpu.memory_space<vmem>>)
        tpu.yield
      }) : () -> ()
      %dma_start3A = arith.constant 0 : i32
      %dma_start3A_21 = arith.constant 0 : i32
      %dma_start3A_22 = tpu.memref_slice %arg2[%dma_start3A, %dma_start3A_21] : memref<10000x128xf32, #tpu.memory_space<hbm>> -> memref<10000x128xf32, #tpu.memory_space<hbm>>
      tpu.enqueue_indirect_dma source(%dma_start3A_22 : memref<10000x128xf32, #tpu.memory_space<hbm>>) target(%arg9 : memref<128x128xf32, #tpu.memory_space<vmem>>) offsets(%arg7 : memref<128xi32, #tpu.memory_space<vmem>>) semaphore(%arg11 : memref<!tpu.dma_semaphore, #tpu.memory_space<semaphore_mem>>)
      %dma_wait3A = arith.constant 0 : i32
      %dma_wait3A_23 = arith.constant 0 : i32
      %dma_wait3A_24 = tpu.memref_slice %arg2[%dma_wait3A, %dma_wait3A_23] : memref<10000x128xf32, #tpu.memory_space<hbm>> -> memref<10000x128xf32, #tpu.memory_space<hbm>>
      tpu.wait_indirect_dma semaphore(%arg11 : memref<!tpu.dma_semaphore, #tpu.memory_space<semaphore_mem>>) src(%dma_wait3A_24 : memref<10000x128xf32, #tpu.memory_space<hbm>>) dst(%arg9 : memref<128x128xf32, #tpu.memory_space<vmem>>)
      "tpu.region"() ({
        %run_scoped3A = tpu.sem_alloc : memref<!tpu.dma_semaphore, #tpu.memory_space<semaphore_mem>>
        %dma_start3A_25 = arith.constant 0 : i32
        %dma_start3A_26 = arith.constant 0 : i32
        %dma_start3A_27 = tpu.memref_slice %arg10[%dma_start3A_25, %dma_start3A_26] : memref<10112x128xf32, #tpu.memory_space<vmem_shared>> -> memref<10112x128xf32, #tpu.memory_space<vmem_shared>>
        tpu.enqueue_indirect_dma source(%arg9 : memref<128x128xf32, #tpu.memory_space<vmem>>) target(%dma_start3A_27 : memref<10112x128xf32, #tpu.memory_space<vmem_shared>>) offsets(%arg8 : memref<128xi32, #tpu.memory_space<vmem>>) semaphore(%run_scoped3A : memref<!tpu.dma_semaphore, #tpu.memory_space<semaphore_mem>>) {add = true}
        %dma_wait3A_28 = arith.constant 0 : i32
        %dma_wait3A_29 = arith.constant 0 : i32
        %dma_wait3A_30 = tpu.memref_slice %arg10[%dma_wait3A_28, %dma_wait3A_29] : memref<10112x128xf32, #tpu.memory_space<vmem_shared>> -> memref<10112x128xf32, #tpu.memory_space<vmem_shared>>
        tpu.wait_indirect_dma semaphore(%run_scoped3A : memref<!tpu.dma_semaphore, #tpu.memory_space<semaphore_mem>>) src(%arg9 : memref<128x128xf32, #tpu.memory_space<vmem>>) dst(%dma_wait3A_30 : memref<10112x128xf32, #tpu.memory_space<vmem_shared>>)
        tpu.yield
      }) : () -> ()
    }
    %scan3A_9 = arith.constant 79 : i32
    %barrier3A_10 = arith.constant 0 : index
    tpu.barrier barrier_id(%barrier3A_10)
    %mul3A_11 = arith.constant 632 : i32
    %mul3A_12 = arith.muli %arg1, %mul3A_11 : i32
    %mul3A_13 = arith.constant 632 : i32
    %mul3A_14 = arith.muli %arg1, %mul3A_13 : i32
    "tpu.region"() ({
      %run_scoped3A = tpu.sem_alloc : memref<!tpu.dma_semaphore, #tpu.memory_space<semaphore_mem>>
      %dma_start3A = arith.constant 0 : i32
      %dma_start3A_15 = tpu.memref_slice %arg6[%arg0, %mul3A_14, %dma_start3A] : memref<2x10112x128xf32, #tpu.memory_space<hbm>> -> memref<1x632x128xf32, #tpu.memory_space<hbm>>
      %dma_start3A_16 = tpu.memref_squeeze %dma_start3A_15 : memref<1x632x128xf32, #tpu.memory_space<hbm>> -> memref<632x128xf32, #tpu.memory_space<hbm>>
      %dma_start3A_17 = arith.constant 0 : i32
      %dma_start3A_18 = tpu.memref_slice %arg10[%mul3A_12, %dma_start3A_17] : memref<10112x128xf32, #tpu.memory_space<vmem_shared>> -> memref<632x128xf32, #tpu.memory_space<vmem_shared>>
      tpu.enqueue_dma source(%dma_start3A_18 : memref<632x128xf32, #tpu.memory_space<vmem_shared>>) target(%dma_start3A_16 : memref<632x128xf32, #tpu.memory_space<hbm>>) target_semaphore(%run_scoped3A : memref<!tpu.dma_semaphore, #tpu.memory_space<semaphore_mem>>)
      %dma_wait3A = arith.constant 0 : i32
      %dma_wait3A_19 = tpu.memref_slice %arg6[%arg0, %mul3A_14, %dma_wait3A] : memref<2x10112x128xf32, #tpu.memory_space<hbm>> -> memref<1x632x128xf32, #tpu.memory_space<hbm>>
      %dma_wait3A_20 = tpu.memref_squeeze %dma_wait3A_19 : memref<1x632x128xf32, #tpu.memory_space<hbm>> -> memref<632x128xf32, #tpu.memory_space<hbm>>
      %dma_wait3A_21 = arith.constant 0 : i32
      %dma_wait3A_22 = tpu.memref_slice %arg10[%mul3A_12, %dma_wait3A_21] : memref<10112x128xf32, #tpu.memory_space<vmem_shared>> -> memref<632x128xf32, #tpu.memory_space<vmem_shared>>
      tpu.wait_dma2 semaphore(%run_scoped3A : memref<!tpu.dma_semaphore, #tpu.memory_space<semaphore_mem>>) src(%dma_wait3A_22 : memref<632x128xf32, #tpu.memory_space<vmem_shared>>) dst(%dma_wait3A_20 : memref<632x128xf32, #tpu.memory_space<hbm>>)
      tpu.yield
    }) : () -> ()
    return
  }
}

#map = affine_map<(d0, d1) -> (0, 0)>
#map1 = affine_map<(d0, d1) -> (0)>
#map2 = affine_map<(d0, d1) -> (0, 0, 0)>
module attributes {stable_mosaic.version = 14 : i64} {
  func.func @segsum(%arg0: i32, %arg1: i32, %arg2: memref<10000x128xf32, #tpu.memory_space<hbm>>, %arg3: memref<323584xi32, #tpu.memory_space<hbm>>, %arg4: memref<323584xi32, #tpu.memory_space<hbm>>, %arg5: memref<10112x128xf32, #tpu.memory_space<hbm>>, %arg6: memref<2x10112x128xf32, #tpu.memory_space<hbm>>, %arg7: memref<128xi32, #tpu.memory_space<vmem>>, %arg8: memref<128xi32, #tpu.memory_space<vmem>>, %arg9: memref<128x128xf32, #tpu.memory_space<vmem>>, %arg10: memref<10112x128xf32, #tpu.memory_space<vmem_shared>>, %arg11: memref<!tpu.dma_semaphore, #tpu.memory_space<semaphore_mem>>) attributes {dimension_semantics = [#tpu.dimension_semantics<core_parallel>, #tpu.dimension_semantics<subcore_parallel>], iteration_bounds = array<i64: 2, 16>, scalar_prefetch = 0 : i64, scratch_operands = 5 : i64, tpu.core_type = #tpu.core_type<sc_vector_subcore>, window_params = [{transform_indices = #map}, {transform_indices = #map1}, {transform_indices = #map1}, {transform_indices = #map}, {transform_indices = #map2}]} {
    %mul3A = arith.constant 16 : i32
    %mul3A_0 = arith.muli %arg0, %mul3A : i32
    %add3A = arith.addi %mul3A_0, %arg1 : i32
    %mul3A_1 = arith.constant 632 : i32
    %mul3A_2 = arith.muli %arg1, %mul3A_1 : i32
    %mul3A_3 = arith.constant 632 : i32
    %mul3A_4 = arith.muli %arg1, %mul3A_3 : i32
    "tpu.region"() ({
      %run_scoped3A = tpu.sem_alloc : memref<!tpu.dma_semaphore, #tpu.memory_space<semaphore_mem>>
      %dma_start3A = arith.constant 0 : i32
      %dma_start3A_15 = tpu.memref_slice %arg10[%mul3A_4, %dma_start3A] : memref<10112x128xf32, #tpu.memory_space<vmem_shared>> -> memref<632x128xf32, #tpu.memory_space<vmem_shared>>
      %dma_start3A_16 = arith.constant 0 : i32
      %dma_start3A_17 = tpu.memref_slice %arg5[%mul3A_2, %dma_start3A_16] : memref<10112x128xf32, #tpu.memory_space<hbm>> -> memref<632x128xf32, #tpu.memory_space<hbm>>
      tpu.enqueue_dma source(%dma_start3A_17 : memref<632x128xf32, #tpu.memory_space<hbm>>) target(%dma_start3A_15 : memref<632x128xf32, #tpu.memory_space<vmem_shared>>) target_semaphore(%run_scoped3A : memref<!tpu.dma_semaphore, #tpu.memory_space<semaphore_mem>>)
      %dma_wait3A = arith.constant 0 : i32
      %dma_wait3A_18 = tpu.memref_slice %arg10[%mul3A_4, %dma_wait3A] : memref<10112x128xf32, #tpu.memory_space<vmem_shared>> -> memref<632x128xf32, #tpu.memory_space<vmem_shared>>
      %dma_wait3A_19 = arith.constant 0 : i32
      %dma_wait3A_20 = tpu.memref_slice %arg5[%mul3A_2, %dma_wait3A_19] : memref<10112x128xf32, #tpu.memory_space<hbm>> -> memref<632x128xf32, #tpu.memory_space<hbm>>
      tpu.wait_dma2 semaphore(%run_scoped3A : memref<!tpu.dma_semaphore, #tpu.memory_space<semaphore_mem>>) src(%dma_wait3A_20 : memref<632x128xf32, #tpu.memory_space<hbm>>) dst(%dma_wait3A_18 : memref<632x128xf32, #tpu.memory_space<vmem_shared>>)
      tpu.yield
    }) : () -> ()
    %barrier3A = arith.constant 0 : index
    tpu.barrier barrier_id(%barrier3A)
    %scan3A = arith.constant 0 : i32
    %scan3A_5 = arith.constant 0 : i32
    %scan3A_6 = arith.constant 79 : i32
    %scan3A_7 = arith.addi %scan3A_5, %scan3A_6 : i32
    %scan3A_8 = arith.constant 1 : i32
    scf.for %scan3A_15 = %scan3A_5 to %scan3A_7 step %scan3A_8  : i32 {
      %mul3A_16 = arith.constant 10112 : i32
      %mul3A_17 = arith.muli %add3A, %mul3A_16 : i32
      %mul3A_18 = arith.constant 128 : i32
      %mul3A_19 = arith.muli %scan3A_15, %mul3A_18 : i32
      %add3A_20 = arith.addi %mul3A_17, %mul3A_19 : i32
      %multiple_of3A = tpu.assume_multiple %add3A_20, 128 : i32
      "tpu.region"() ({
        %run_scoped3A = tpu.sem_alloc : memref<!tpu.dma_semaphore, #tpu.memory_space<semaphore_mem>>
        %dma_start3A_25 = tpu.memref_slice %arg3[%multiple_of3A] : memref<323584xi32, #tpu.memory_space<hbm>> -> memref<128xi32, #tpu.memory_space<hbm>>
        %dma_start3A_26 = tpu.memref_slice %arg3[%multiple_of3A] : memref<323584xi32, #tpu.memory_space<hbm>> -> memref<128xi32, #tpu.memory_space<hbm>>
        tpu.enqueue_dma source(%dma_start3A_26 : memref<128xi32, #tpu.memory_space<hbm>>) target(%arg7 : memref<128xi32, #tpu.memory_space<vmem>>) target_semaphore(%run_scoped3A : memref<!tpu.dma_semaphore, #tpu.memory_space<semaphore_mem>>)
        %dma_wait3A_27 = tpu.memref_slice %arg3[%multiple_of3A] : memref<323584xi32, #tpu.memory_space<hbm>> -> memref<128xi32, #tpu.memory_space<hbm>>
        %dma_wait3A_28 = tpu.memref_slice %arg3[%multiple_of3A] : memref<323584xi32, #tpu.memory_space<hbm>> -> memref<128xi32, #tpu.memory_space<hbm>>
        tpu.wait_dma2 semaphore(%run_scoped3A : memref<!tpu.dma_semaphore, #tpu.memory_space<semaphore_mem>>) src(%dma_wait3A_28 : memref<128xi32, #tpu.memory_space<hbm>>) dst(%arg7 : memref<128xi32, #tpu.memory_space<vmem>>)
        tpu.yield
      }) : () -> ()
      "tpu.region"() ({
        %run_scoped3A = tpu.sem_alloc : memref<!tpu.dma_semaphore, #tpu.memory_space<semaphore_mem>>
        %dma_start3A_25 = tpu.memref_slice %arg4[%multiple_of3A] : memref<323584xi32, #tpu.memory_space<hbm>> -> memref<128xi32, #tpu.memory_space<hbm>>
        %dma_start3A_26 = tpu.memref_slice %arg4[%multiple_of3A] : memref<323584xi32, #tpu.memory_space<hbm>> -> memref<128xi32, #tpu.memory_space<hbm>>
        tpu.enqueue_dma source(%dma_start3A_26 : memref<128xi32, #tpu.memory_space<hbm>>) target(%arg8 : memref<128xi32, #tpu.memory_space<vmem>>) target_semaphore(%run_scoped3A : memref<!tpu.dma_semaphore, #tpu.memory_space<semaphore_mem>>)
        %dma_wait3A_27 = tpu.memref_slice %arg4[%multiple_of3A] : memref<323584xi32, #tpu.memory_space<hbm>> -> memref<128xi32, #tpu.memory_space<hbm>>
        %dma_wait3A_28 = tpu.memref_slice %arg4[%multiple_of3A] : memref<323584xi32, #tpu.memory_space<hbm>> -> memref<128xi32, #tpu.memory_space<hbm>>
        tpu.wait_dma2 semaphore(%run_scoped3A : memref<!tpu.dma_semaphore, #tpu.memory_space<semaphore_mem>>) src(%dma_wait3A_28 : memref<128xi32, #tpu.memory_space<hbm>>) dst(%arg8 : memref<128xi32, #tpu.memory_space<vmem>>)
        tpu.yield
      }) : () -> ()
      %dma_start3A = arith.constant 0 : i32
      %dma_start3A_21 = arith.constant 0 : i32
      %dma_start3A_22 = tpu.memref_slice %arg2[%dma_start3A, %dma_start3A_21] : memref<10000x128xf32, #tpu.memory_space<hbm>> -> memref<10000x128xf32, #tpu.memory_space<hbm>>
      tpu.enqueue_indirect_dma source(%dma_start3A_22 : memref<10000x128xf32, #tpu.memory_space<hbm>>) target(%arg9 : memref<128x128xf32, #tpu.memory_space<vmem>>) offsets(%arg7 : memref<128xi32, #tpu.memory_space<vmem>>) semaphore(%arg11 : memref<!tpu.dma_semaphore, #tpu.memory_space<semaphore_mem>>)
      %dma_wait3A = arith.constant 0 : i32
      %dma_wait3A_23 = arith.constant 0 : i32
      %dma_wait3A_24 = tpu.memref_slice %arg2[%dma_wait3A, %dma_wait3A_23] : memref<10000x128xf32, #tpu.memory_space<hbm>> -> memref<10000x128xf32, #tpu.memory_space<hbm>>
      tpu.wait_indirect_dma semaphore(%arg11 : memref<!tpu.dma_semaphore, #tpu.memory_space<semaphore_mem>>) src(%dma_wait3A_24 : memref<10000x128xf32, #tpu.memory_space<hbm>>) dst(%arg9 : memref<128x128xf32, #tpu.memory_space<vmem>>)
      "tpu.region"() ({
        %run_scoped3A = tpu.sem_alloc : memref<!tpu.dma_semaphore, #tpu.memory_space<semaphore_mem>>
        %dma_start3A_25 = arith.constant 0 : i32
        %dma_start3A_26 = arith.constant 0 : i32
        %dma_start3A_27 = tpu.memref_slice %arg10[%dma_start3A_25, %dma_start3A_26] : memref<10112x128xf32, #tpu.memory_space<vmem_shared>> -> memref<10112x128xf32, #tpu.memory_space<vmem_shared>>
        tpu.enqueue_indirect_dma source(%arg9 : memref<128x128xf32, #tpu.memory_space<vmem>>) target(%dma_start3A_27 : memref<10112x128xf32, #tpu.memory_space<vmem_shared>>) offsets(%arg8 : memref<128xi32, #tpu.memory_space<vmem>>) semaphore(%run_scoped3A : memref<!tpu.dma_semaphore, #tpu.memory_space<semaphore_mem>>) {add = true}
        %dma_wait3A_28 = arith.constant 0 : i32
        %dma_wait3A_29 = arith.constant 0 : i32
        %dma_wait3A_30 = tpu.memref_slice %arg10[%dma_wait3A_28, %dma_wait3A_29] : memref<10112x128xf32, #tpu.memory_space<vmem_shared>> -> memref<10112x128xf32, #tpu.memory_space<vmem_shared>>
        tpu.wait_indirect_dma semaphore(%run_scoped3A : memref<!tpu.dma_semaphore, #tpu.memory_space<semaphore_mem>>) src(%arg9 : memref<128x128xf32, #tpu.memory_space<vmem>>) dst(%dma_wait3A_30 : memref<10112x128xf32, #tpu.memory_space<vmem_shared>>)
        tpu.yield
      }) : () -> ()
    }
    %scan3A_9 = arith.constant 79 : i32
    %barrier3A_10 = arith.constant 0 : index
    tpu.barrier barrier_id(%barrier3A_10)
    %mul3A_11 = arith.constant 632 : i32
    %mul3A_12 = arith.muli %arg1, %mul3A_11 : i32
    %mul3A_13 = arith.constant 632 : i32
    %mul3A_14 = arith.muli %arg1, %mul3A_13 : i32
    "tpu.region"() ({
      %run_scoped3A = tpu.sem_alloc : memref<!tpu.dma_semaphore, #tpu.memory_space<semaphore_mem>>
      %dma_start3A = arith.constant 0 : i32
      %dma_start3A_15 = tpu.memref_slice %arg6[%arg0, %mul3A_14, %dma_start3A] : memref<2x10112x128xf32, #tpu.memory_space<hbm>> -> memref<1x632x128xf32, #tpu.memory_space<hbm>>
      %dma_start3A_16 = tpu.memref_squeeze %dma_start3A_15 : memref<1x632x128xf32, #tpu.memory_space<hbm>> -> memref<632x128xf32, #tpu.memory_space<hbm>>
      %dma_start3A_17 = arith.constant 0 : i32
      %dma_start3A_18 = tpu.memref_slice %arg10[%mul3A_12, %dma_start3A_17] : memref<10112x128xf32, #tpu.memory_space<vmem_shared>> -> memref<632x128xf32, #tpu.memory_space<vmem_shared>>
      tpu.enqueue_dma source(%dma_start3A_18 : memref<632x128xf32, #tpu.memory_space<vmem_shared>>) target(%dma_start3A_16 : memref<632x128xf32, #tpu.memory_space<hbm>>) target_semaphore(%run_scoped3A : memref<!tpu.dma_semaphore, #tpu.memory_space<semaphore_mem>>)
      %dma_wait3A = arith.constant 0 : i32
      %dma_wait3A_19 = tpu.memref_slice %arg6[%arg0, %mul3A_14, %dma_wait3A] : memref<2x10112x128xf32, #tpu.memory_space<hbm>> -> memref<1x632x128xf32, #tpu.memory_space<hbm>>
      %dma_wait3A_20 = tpu.memref_squeeze %dma_wait3A_19 : memref<1x632x128xf32, #tpu.memory_space<hbm>> -> memref<632x128xf32, #tpu.memory_space<hbm>>
      %dma_wait3A_21 = arith.constant 0 : i32
      %dma_wait3A_22 = tpu.memref_slice %arg10[%mul3A_12, %dma_wait3A_21] : memref<10112x128xf32, #tpu.memory_space<vmem_shared>> -> memref<632x128xf32, #tpu.memory_space<vmem_shared>>
      tpu.wait_dma2 semaphore(%run_scoped3A : memref<!tpu.dma_semaphore, #tpu.memory_space<semaphore_mem>>) src(%dma_wait3A_22 : memref<632x128xf32, #tpu.memory_space<vmem_shared>>) dst(%dma_wait3A_20 : memref<632x128xf32, #tpu.memory_space<hbm>>)
      tpu.yield
    }) : () -> ()
    return
  }
}

#map = affine_map<(d0, d1) -> (0, 0)>
#map1 = affine_map<(d0, d1) -> (0)>
#map2 = affine_map<(d0, d1) -> (0, 0, 0)>
module attributes {stable_mosaic.version = 14 : i64} {
  func.func @segsum(%arg0: i32, %arg1: i32, %arg2: memref<10000x128xf32, #tpu.memory_space<hbm>>, %arg3: memref<323584xi32, #tpu.memory_space<hbm>>, %arg4: memref<323584xi32, #tpu.memory_space<hbm>>, %arg5: memref<10112x128xf32, #tpu.memory_space<hbm>>, %arg6: memref<2x10112x128xf32, #tpu.memory_space<hbm>>, %arg7: memref<128xi32, #tpu.memory_space<vmem>>, %arg8: memref<128xi32, #tpu.memory_space<vmem>>, %arg9: memref<128x128xf32, #tpu.memory_space<vmem>>, %arg10: memref<10112x128xf32, #tpu.memory_space<vmem_shared>>, %arg11: memref<!tpu.dma_semaphore, #tpu.memory_space<semaphore_mem>>) attributes {dimension_semantics = [#tpu.dimension_semantics<core_parallel>, #tpu.dimension_semantics<subcore_parallel>], iteration_bounds = array<i64: 2, 16>, scalar_prefetch = 0 : i64, scratch_operands = 5 : i64, tpu.core_type = #tpu.core_type<sc_vector_subcore>, window_params = [{transform_indices = #map}, {transform_indices = #map1}, {transform_indices = #map1}, {transform_indices = #map}, {transform_indices = #map2}]} {
    %mul3A = arith.constant 16 : i32
    %mul3A_0 = arith.muli %arg0, %mul3A : i32
    %add3A = arith.addi %mul3A_0, %arg1 : i32
    %mul3A_1 = arith.constant 632 : i32
    %mul3A_2 = arith.muli %arg1, %mul3A_1 : i32
    %mul3A_3 = arith.constant 632 : i32
    %mul3A_4 = arith.muli %arg1, %mul3A_3 : i32
    "tpu.region"() ({
      %run_scoped3A = tpu.sem_alloc : memref<!tpu.dma_semaphore, #tpu.memory_space<semaphore_mem>>
      %dma_start3A = arith.constant 0 : i32
      %dma_start3A_15 = tpu.memref_slice %arg10[%mul3A_4, %dma_start3A] : memref<10112x128xf32, #tpu.memory_space<vmem_shared>> -> memref<632x128xf32, #tpu.memory_space<vmem_shared>>
      %dma_start3A_16 = arith.constant 0 : i32
      %dma_start3A_17 = tpu.memref_slice %arg5[%mul3A_2, %dma_start3A_16] : memref<10112x128xf32, #tpu.memory_space<hbm>> -> memref<632x128xf32, #tpu.memory_space<hbm>>
      tpu.enqueue_dma source(%dma_start3A_17 : memref<632x128xf32, #tpu.memory_space<hbm>>) target(%dma_start3A_15 : memref<632x128xf32, #tpu.memory_space<vmem_shared>>) target_semaphore(%run_scoped3A : memref<!tpu.dma_semaphore, #tpu.memory_space<semaphore_mem>>)
      %dma_wait3A = arith.constant 0 : i32
      %dma_wait3A_18 = tpu.memref_slice %arg10[%mul3A_4, %dma_wait3A] : memref<10112x128xf32, #tpu.memory_space<vmem_shared>> -> memref<632x128xf32, #tpu.memory_space<vmem_shared>>
      %dma_wait3A_19 = arith.constant 0 : i32
      %dma_wait3A_20 = tpu.memref_slice %arg5[%mul3A_2, %dma_wait3A_19] : memref<10112x128xf32, #tpu.memory_space<hbm>> -> memref<632x128xf32, #tpu.memory_space<hbm>>
      tpu.wait_dma2 semaphore(%run_scoped3A : memref<!tpu.dma_semaphore, #tpu.memory_space<semaphore_mem>>) src(%dma_wait3A_20 : memref<632x128xf32, #tpu.memory_space<hbm>>) dst(%dma_wait3A_18 : memref<632x128xf32, #tpu.memory_space<vmem_shared>>)
      tpu.yield
    }) : () -> ()
    %barrier3A = arith.constant 0 : index
    tpu.barrier barrier_id(%barrier3A)
    %scan3A = arith.constant 0 : i32
    %scan3A_5 = arith.constant 0 : i32
    %scan3A_6 = arith.constant 79 : i32
    %scan3A_7 = arith.addi %scan3A_5, %scan3A_6 : i32
    %scan3A_8 = arith.constant 1 : i32
    scf.for %scan3A_15 = %scan3A_5 to %scan3A_7 step %scan3A_8  : i32 {
      %mul3A_16 = arith.constant 10112 : i32
      %mul3A_17 = arith.muli %add3A, %mul3A_16 : i32
      %mul3A_18 = arith.constant 128 : i32
      %mul3A_19 = arith.muli %scan3A_15, %mul3A_18 : i32
      %add3A_20 = arith.addi %mul3A_17, %mul3A_19 : i32
      %multiple_of3A = tpu.assume_multiple %add3A_20, 128 : i32
      "tpu.region"() ({
        %run_scoped3A = tpu.sem_alloc : memref<!tpu.dma_semaphore, #tpu.memory_space<semaphore_mem>>
        %dma_start3A_25 = tpu.memref_slice %arg3[%multiple_of3A] : memref<323584xi32, #tpu.memory_space<hbm>> -> memref<128xi32, #tpu.memory_space<hbm>>
        %dma_start3A_26 = tpu.memref_slice %arg3[%multiple_of3A] : memref<323584xi32, #tpu.memory_space<hbm>> -> memref<128xi32, #tpu.memory_space<hbm>>
        tpu.enqueue_dma source(%dma_start3A_26 : memref<128xi32, #tpu.memory_space<hbm>>) target(%arg7 : memref<128xi32, #tpu.memory_space<vmem>>) target_semaphore(%run_scoped3A : memref<!tpu.dma_semaphore, #tpu.memory_space<semaphore_mem>>)
        %dma_wait3A_27 = tpu.memref_slice %arg3[%multiple_of3A] : memref<323584xi32, #tpu.memory_space<hbm>> -> memref<128xi32, #tpu.memory_space<hbm>>
        %dma_wait3A_28 = tpu.memref_slice %arg3[%multiple_of3A] : memref<323584xi32, #tpu.memory_space<hbm>> -> memref<128xi32, #tpu.memory_space<hbm>>
        tpu.wait_dma2 semaphore(%run_scoped3A : memref<!tpu.dma_semaphore, #tpu.memory_space<semaphore_mem>>) src(%dma_wait3A_28 : memref<128xi32, #tpu.memory_space<hbm>>) dst(%arg7 : memref<128xi32, #tpu.memory_space<vmem>>)
        tpu.yield
      }) : () -> ()
      "tpu.region"() ({
        %run_scoped3A = tpu.sem_alloc : memref<!tpu.dma_semaphore, #tpu.memory_space<semaphore_mem>>
        %dma_start3A_25 = tpu.memref_slice %arg4[%multiple_of3A] : memref<323584xi32, #tpu.memory_space<hbm>> -> memref<128xi32, #tpu.memory_space<hbm>>
        %dma_start3A_26 = tpu.memref_slice %arg4[%multiple_of3A] : memref<323584xi32, #tpu.memory_space<hbm>> -> memref<128xi32, #tpu.memory_space<hbm>>
        tpu.enqueue_dma source(%dma_start3A_26 : memref<128xi32, #tpu.memory_space<hbm>>) target(%arg8 : memref<128xi32, #tpu.memory_space<vmem>>) target_semaphore(%run_scoped3A : memref<!tpu.dma_semaphore, #tpu.memory_space<semaphore_mem>>)
        %dma_wait3A_27 = tpu.memref_slice %arg4[%multiple_of3A] : memref<323584xi32, #tpu.memory_space<hbm>> -> memref<128xi32, #tpu.memory_space<hbm>>
        %dma_wait3A_28 = tpu.memref_slice %arg4[%multiple_of3A] : memref<323584xi32, #tpu.memory_space<hbm>> -> memref<128xi32, #tpu.memory_space<hbm>>
        tpu.wait_dma2 semaphore(%run_scoped3A : memref<!tpu.dma_semaphore, #tpu.memory_space<semaphore_mem>>) src(%dma_wait3A_28 : memref<128xi32, #tpu.memory_space<hbm>>) dst(%arg8 : memref<128xi32, #tpu.memory_space<vmem>>)
        tpu.yield
      }) : () -> ()
      %dma_start3A = arith.constant 0 : i32
      %dma_start3A_21 = arith.constant 0 : i32
      %dma_start3A_22 = tpu.memref_slice %arg2[%dma_start3A, %dma_start3A_21] : memref<10000x128xf32, #tpu.memory_space<hbm>> -> memref<10000x128xf32, #tpu.memory_space<hbm>>
      tpu.enqueue_indirect_dma source(%dma_start3A_22 : memref<10000x128xf32, #tpu.memory_space<hbm>>) target(%arg9 : memref<128x128xf32, #tpu.memory_space<vmem>>) offsets(%arg7 : memref<128xi32, #tpu.memory_space<vmem>>) semaphore(%arg11 : memref<!tpu.dma_semaphore, #tpu.memory_space<semaphore_mem>>)
      %dma_wait3A = arith.constant 0 : i32
      %dma_wait3A_23 = arith.constant 0 : i32
      %dma_wait3A_24 = tpu.memref_slice %arg2[%dma_wait3A, %dma_wait3A_23] : memref<10000x128xf32, #tpu.memory_space<hbm>> -> memref<10000x128xf32, #tpu.memory_space<hbm>>
      tpu.wait_indirect_dma semaphore(%arg11 : memref<!tpu.dma_semaphore, #tpu.memory_space<semaphore_mem>>) src(%dma_wait3A_24 : memref<10000x128xf32, #tpu.memory_space<hbm>>) dst(%arg9 : memref<128x128xf32, #tpu.memory_space<vmem>>)
      "tpu.region"() ({
        %run_scoped3A = tpu.sem_alloc : memref<!tpu.dma_semaphore, #tpu.memory_space<semaphore_mem>>
        %dma_start3A_25 = arith.constant 0 : i32
        %dma_start3A_26 = arith.constant 0 : i32
        %dma_start3A_27 = tpu.memref_slice %arg10[%dma_start3A_25, %dma_start3A_26] : memref<10112x128xf32, #tpu.memory_space<vmem_shared>> -> memref<10112x128xf32, #tpu.memory_space<vmem_shared>>
        tpu.enqueue_indirect_dma source(%arg9 : memref<128x128xf32, #tpu.memory_space<vmem>>) target(%dma_start3A_27 : memref<10112x128xf32, #tpu.memory_space<vmem_shared>>) offsets(%arg8 : memref<128xi32, #tpu.memory_space<vmem>>) semaphore(%run_scoped3A : memref<!tpu.dma_semaphore, #tpu.memory_space<semaphore_mem>>) {add = true}
        %dma_wait3A_28 = arith.constant 0 : i32
        %dma_wait3A_29 = arith.constant 0 : i32
        %dma_wait3A_30 = tpu.memref_slice %arg10[%dma_wait3A_28, %dma_wait3A_29] : memref<10112x128xf32, #tpu.memory_space<vmem_shared>> -> memref<10112x128xf32, #tpu.memory_space<vmem_shared>>
        tpu.wait_indirect_dma semaphore(%run_scoped3A : memref<!tpu.dma_semaphore, #tpu.memory_space<semaphore_mem>>) src(%arg9 : memref<128x128xf32, #tpu.memory_space<vmem>>) dst(%dma_wait3A_30 : memref<10112x128xf32, #tpu.memory_space<vmem_shared>>)
        tpu.yield
      }) : () -> ()
    }
    %scan3A_9 = arith.constant 79 : i32
    %barrier3A_10 = arith.constant 0 : index
    tpu.barrier barrier_id(%barrier3A_10)
    %mul3A_11 = arith.constant 632 : i32
    %mul3A_12 = arith.muli %arg1, %mul3A_11 : i32
    %mul3A_13 = arith.constant 632 : i32
    %mul3A_14 = arith.muli %arg1, %mul3A_13 : i32
    "tpu.region"() ({
      %run_scoped3A = tpu.sem_alloc : memref<!tpu.dma_semaphore, #tpu.memory_space<semaphore_mem>>
      %dma_start3A = arith.constant 0 : i32
      %dma_start3A_15 = tpu.memref_slice %arg6[%arg0, %mul3A_14, %dma_start3A] : memref<2x10112x128xf32, #tpu.memory_space<hbm>> -> memref<1x632x128xf32, #tpu.memory_space<hbm>>
      %dma_start3A_16 = tpu.memref_squeeze %dma_start3A_15 : memref<1x632x128xf32, #tpu.memory_space<hbm>> -> memref<632x128xf32, #tpu.memory_space<hbm>>
      %dma_start3A_17 = arith.constant 0 : i32
      %dma_start3A_18 = tpu.memref_slice %arg10[%mul3A_12, %dma_start3A_17] : memref<10112x128xf32, #tpu.memory_space<vmem_shared>> -> memref<632x128xf32, #tpu.memory_space<vmem_shared>>
      tpu.enqueue_dma source(%dma_start3A_18 : memref<632x128xf32, #tpu.memory_space<vmem_shared>>) target(%dma_start3A_16 : memref<632x128xf32, #tpu.memory_space<hbm>>) target_semaphore(%run_scoped3A : memref<!tpu.dma_semaphore, #tpu.memory_space<semaphore_mem>>)
      %dma_wait3A = arith.constant 0 : i32
      %dma_wait3A_19 = tpu.memref_slice %arg6[%arg0, %mul3A_14, %dma_wait3A] : memref<2x10112x128xf32, #tpu.memory_space<hbm>> -> memref<1x632x128xf32, #tpu.memory_space<hbm>>
      %dma_wait3A_20 = tpu.memref_squeeze %dma_wait3A_19 : memref<1x632x128xf32, #tpu.memory_space<hbm>> -> memref<632x128xf32, #tpu.memory_space<hbm>>
      %dma_wait3A_21 = arith.constant 0 : i32
      %dma_wait3A_22 = tpu.memref_slice %arg10[%mul3A_12, %dma_wait3A_21] : memref<10112x128xf32, #tpu.memory_space<vmem_shared>> -> memref<632x128xf32, #tpu.memory_space<vmem_shared>>
      tpu.wait_dma2 semaphore(%run_scoped3A : memref<!tpu.dma_semaphore, #tpu.memory_space<semaphore_mem>>) src(%dma_wait3A_22 : memref<632x128xf32, #tpu.memory_space<vmem_shared>>) dst(%dma_wait3A_20 : memref<632x128xf32, #tpu.memory_space<hbm>>)
      tpu.yield
    }) : () -> ()
    return
  }
}

#map = affine_map<(d0, d1) -> (0, 0)>
#map1 = affine_map<(d0, d1) -> (0)>
#map2 = affine_map<(d0, d1) -> (0, 0, 0)>
module attributes {stable_mosaic.version = 14 : i64} {
  func.func @segsum(%arg0: i32, %arg1: i32, %arg2: memref<10000x128xf32, #tpu.memory_space<hbm>>, %arg3: memref<323584xi32, #tpu.memory_space<hbm>>, %arg4: memref<323584xi32, #tpu.memory_space<hbm>>, %arg5: memref<10112x128xf32, #tpu.memory_space<hbm>>, %arg6: memref<2x10112x128xf32, #tpu.memory_space<hbm>>, %arg7: memref<128xi32, #tpu.memory_space<vmem>>, %arg8: memref<128xi32, #tpu.memory_space<vmem>>, %arg9: memref<128x128xf32, #tpu.memory_space<vmem>>, %arg10: memref<10112x128xf32, #tpu.memory_space<vmem_shared>>, %arg11: memref<!tpu.dma_semaphore, #tpu.memory_space<semaphore_mem>>) attributes {dimension_semantics = [#tpu.dimension_semantics<core_parallel>, #tpu.dimension_semantics<subcore_parallel>], iteration_bounds = array<i64: 2, 16>, scalar_prefetch = 0 : i64, scratch_operands = 5 : i64, tpu.core_type = #tpu.core_type<sc_vector_subcore>, window_params = [{transform_indices = #map}, {transform_indices = #map1}, {transform_indices = #map1}, {transform_indices = #map}, {transform_indices = #map2}]} {
    %mul3A = arith.constant 16 : i32
    %mul3A_0 = arith.muli %arg0, %mul3A : i32
    %add3A = arith.addi %mul3A_0, %arg1 : i32
    %mul3A_1 = arith.constant 632 : i32
    %mul3A_2 = arith.muli %arg1, %mul3A_1 : i32
    %mul3A_3 = arith.constant 632 : i32
    %mul3A_4 = arith.muli %arg1, %mul3A_3 : i32
    "tpu.region"() ({
      %run_scoped3A = tpu.sem_alloc : memref<!tpu.dma_semaphore, #tpu.memory_space<semaphore_mem>>
      %dma_start3A = arith.constant 0 : i32
      %dma_start3A_15 = tpu.memref_slice %arg10[%mul3A_4, %dma_start3A] : memref<10112x128xf32, #tpu.memory_space<vmem_shared>> -> memref<632x128xf32, #tpu.memory_space<vmem_shared>>
      %dma_start3A_16 = arith.constant 0 : i32
      %dma_start3A_17 = tpu.memref_slice %arg5[%mul3A_2, %dma_start3A_16] : memref<10112x128xf32, #tpu.memory_space<hbm>> -> memref<632x128xf32, #tpu.memory_space<hbm>>
      tpu.enqueue_dma source(%dma_start3A_17 : memref<632x128xf32, #tpu.memory_space<hbm>>) target(%dma_start3A_15 : memref<632x128xf32, #tpu.memory_space<vmem_shared>>) target_semaphore(%run_scoped3A : memref<!tpu.dma_semaphore, #tpu.memory_space<semaphore_mem>>)
      %dma_wait3A = arith.constant 0 : i32
      %dma_wait3A_18 = tpu.memref_slice %arg10[%mul3A_4, %dma_wait3A] : memref<10112x128xf32, #tpu.memory_space<vmem_shared>> -> memref<632x128xf32, #tpu.memory_space<vmem_shared>>
      %dma_wait3A_19 = arith.constant 0 : i32
      %dma_wait3A_20 = tpu.memref_slice %arg5[%mul3A_2, %dma_wait3A_19] : memref<10112x128xf32, #tpu.memory_space<hbm>> -> memref<632x128xf32, #tpu.memory_space<hbm>>
      tpu.wait_dma2 semaphore(%run_scoped3A : memref<!tpu.dma_semaphore, #tpu.memory_space<semaphore_mem>>) src(%dma_wait3A_20 : memref<632x128xf32, #tpu.memory_space<hbm>>) dst(%dma_wait3A_18 : memref<632x128xf32, #tpu.memory_space<vmem_shared>>)
      tpu.yield
    }) : () -> ()
    %barrier3A = arith.constant 0 : index
    tpu.barrier barrier_id(%barrier3A)
    %scan3A = arith.constant 0 : i32
    %scan3A_5 = arith.constant 0 : i32
    %scan3A_6 = arith.constant 79 : i32
    %scan3A_7 = arith.addi %scan3A_5, %scan3A_6 : i32
    %scan3A_8 = arith.constant 1 : i32
    scf.for %scan3A_15 = %scan3A_5 to %scan3A_7 step %scan3A_8  : i32 {
      %mul3A_16 = arith.constant 10112 : i32
      %mul3A_17 = arith.muli %add3A, %mul3A_16 : i32
      %mul3A_18 = arith.constant 128 : i32
      %mul3A_19 = arith.muli %scan3A_15, %mul3A_18 : i32
      %add3A_20 = arith.addi %mul3A_17, %mul3A_19 : i32
      %multiple_of3A = tpu.assume_multiple %add3A_20, 128 : i32
      "tpu.region"() ({
        %run_scoped3A = tpu.sem_alloc : memref<!tpu.dma_semaphore, #tpu.memory_space<semaphore_mem>>
        %dma_start3A_25 = tpu.memref_slice %arg3[%multiple_of3A] : memref<323584xi32, #tpu.memory_space<hbm>> -> memref<128xi32, #tpu.memory_space<hbm>>
        %dma_start3A_26 = tpu.memref_slice %arg3[%multiple_of3A] : memref<323584xi32, #tpu.memory_space<hbm>> -> memref<128xi32, #tpu.memory_space<hbm>>
        tpu.enqueue_dma source(%dma_start3A_26 : memref<128xi32, #tpu.memory_space<hbm>>) target(%arg7 : memref<128xi32, #tpu.memory_space<vmem>>) target_semaphore(%run_scoped3A : memref<!tpu.dma_semaphore, #tpu.memory_space<semaphore_mem>>)
        %dma_wait3A_27 = tpu.memref_slice %arg3[%multiple_of3A] : memref<323584xi32, #tpu.memory_space<hbm>> -> memref<128xi32, #tpu.memory_space<hbm>>
        %dma_wait3A_28 = tpu.memref_slice %arg3[%multiple_of3A] : memref<323584xi32, #tpu.memory_space<hbm>> -> memref<128xi32, #tpu.memory_space<hbm>>
        tpu.wait_dma2 semaphore(%run_scoped3A : memref<!tpu.dma_semaphore, #tpu.memory_space<semaphore_mem>>) src(%dma_wait3A_28 : memref<128xi32, #tpu.memory_space<hbm>>) dst(%arg7 : memref<128xi32, #tpu.memory_space<vmem>>)
        tpu.yield
      }) : () -> ()
      "tpu.region"() ({
        %run_scoped3A = tpu.sem_alloc : memref<!tpu.dma_semaphore, #tpu.memory_space<semaphore_mem>>
        %dma_start3A_25 = tpu.memref_slice %arg4[%multiple_of3A] : memref<323584xi32, #tpu.memory_space<hbm>> -> memref<128xi32, #tpu.memory_space<hbm>>
        %dma_start3A_26 = tpu.memref_slice %arg4[%multiple_of3A] : memref<323584xi32, #tpu.memory_space<hbm>> -> memref<128xi32, #tpu.memory_space<hbm>>
        tpu.enqueue_dma source(%dma_start3A_26 : memref<128xi32, #tpu.memory_space<hbm>>) target(%arg8 : memref<128xi32, #tpu.memory_space<vmem>>) target_semaphore(%run_scoped3A : memref<!tpu.dma_semaphore, #tpu.memory_space<semaphore_mem>>)
        %dma_wait3A_27 = tpu.memref_slice %arg4[%multiple_of3A] : memref<323584xi32, #tpu.memory_space<hbm>> -> memref<128xi32, #tpu.memory_space<hbm>>
        %dma_wait3A_28 = tpu.memref_slice %arg4[%multiple_of3A] : memref<323584xi32, #tpu.memory_space<hbm>> -> memref<128xi32, #tpu.memory_space<hbm>>
        tpu.wait_dma2 semaphore(%run_scoped3A : memref<!tpu.dma_semaphore, #tpu.memory_space<semaphore_mem>>) src(%dma_wait3A_28 : memref<128xi32, #tpu.memory_space<hbm>>) dst(%arg8 : memref<128xi32, #tpu.memory_space<vmem>>)
        tpu.yield
      }) : () -> ()
      %dma_start3A = arith.constant 0 : i32
      %dma_start3A_21 = arith.constant 0 : i32
      %dma_start3A_22 = tpu.memref_slice %arg2[%dma_start3A, %dma_start3A_21] : memref<10000x128xf32, #tpu.memory_space<hbm>> -> memref<10000x128xf32, #tpu.memory_space<hbm>>
      tpu.enqueue_indirect_dma source(%dma_start3A_22 : memref<10000x128xf32, #tpu.memory_space<hbm>>) target(%arg9 : memref<128x128xf32, #tpu.memory_space<vmem>>) offsets(%arg7 : memref<128xi32, #tpu.memory_space<vmem>>) semaphore(%arg11 : memref<!tpu.dma_semaphore, #tpu.memory_space<semaphore_mem>>)
      %dma_wait3A = arith.constant 0 : i32
      %dma_wait3A_23 = arith.constant 0 : i32
      %dma_wait3A_24 = tpu.memref_slice %arg2[%dma_wait3A, %dma_wait3A_23] : memref<10000x128xf32, #tpu.memory_space<hbm>> -> memref<10000x128xf32, #tpu.memory_space<hbm>>
      tpu.wait_indirect_dma semaphore(%arg11 : memref<!tpu.dma_semaphore, #tpu.memory_space<semaphore_mem>>) src(%dma_wait3A_24 : memref<10000x128xf32, #tpu.memory_space<hbm>>) dst(%arg9 : memref<128x128xf32, #tpu.memory_space<vmem>>)
      "tpu.region"() ({
        %run_scoped3A = tpu.sem_alloc : memref<!tpu.dma_semaphore, #tpu.memory_space<semaphore_mem>>
        %dma_start3A_25 = arith.constant 0 : i32
        %dma_start3A_26 = arith.constant 0 : i32
        %dma_start3A_27 = tpu.memref_slice %arg10[%dma_start3A_25, %dma_start3A_26] : memref<10112x128xf32, #tpu.memory_space<vmem_shared>> -> memref<10112x128xf32, #tpu.memory_space<vmem_shared>>
        tpu.enqueue_indirect_dma source(%arg9 : memref<128x128xf32, #tpu.memory_space<vmem>>) target(%dma_start3A_27 : memref<10112x128xf32, #tpu.memory_space<vmem_shared>>) offsets(%arg8 : memref<128xi32, #tpu.memory_space<vmem>>) semaphore(%run_scoped3A : memref<!tpu.dma_semaphore, #tpu.memory_space<semaphore_mem>>) {add = true}
        %dma_wait3A_28 = arith.constant 0 : i32
        %dma_wait3A_29 = arith.constant 0 : i32
        %dma_wait3A_30 = tpu.memref_slice %arg10[%dma_wait3A_28, %dma_wait3A_29] : memref<10112x128xf32, #tpu.memory_space<vmem_shared>> -> memref<10112x128xf32, #tpu.memory_space<vmem_shared>>
        tpu.wait_indirect_dma semaphore(%run_scoped3A : memref<!tpu.dma_semaphore, #tpu.memory_space<semaphore_mem>>) src(%arg9 : memref<128x128xf32, #tpu.memory_space<vmem>>) dst(%dma_wait3A_30 : memref<10112x128xf32, #tpu.memory_space<vmem_shared>>)
        tpu.yield
      }) : () -> ()
    }
    %scan3A_9 = arith.constant 79 : i32
    %barrier3A_10 = arith.constant 0 : index
    tpu.barrier barrier_id(%barrier3A_10)
    %mul3A_11 = arith.constant 632 : i32
    %mul3A_12 = arith.muli %arg1, %mul3A_11 : i32
    %mul3A_13 = arith.constant 632 : i32
    %mul3A_14 = arith.muli %arg1, %mul3A_13 : i32
    "tpu.region"() ({
      %run_scoped3A = tpu.sem_alloc : memref<!tpu.dma_semaphore, #tpu.memory_space<semaphore_mem>>
      %dma_start3A = arith.constant 0 : i32
      %dma_start3A_15 = tpu.memref_slice %arg6[%arg0, %mul3A_14, %dma_start3A] : memref<2x10112x128xf32, #tpu.memory_space<hbm>> -> memref<1x632x128xf32, #tpu.memory_space<hbm>>
      %dma_start3A_16 = tpu.memref_squeeze %dma_start3A_15 : memref<1x632x128xf32, #tpu.memory_space<hbm>> -> memref<632x128xf32, #tpu.memory_space<hbm>>
      %dma_start3A_17 = arith.constant 0 : i32
      %dma_start3A_18 = tpu.memref_slice %arg10[%mul3A_12, %dma_start3A_17] : memref<10112x128xf32, #tpu.memory_space<vmem_shared>> -> memref<632x128xf32, #tpu.memory_space<vmem_shared>>
      tpu.enqueue_dma source(%dma_start3A_18 : memref<632x128xf32, #tpu.memory_space<vmem_shared>>) target(%dma_start3A_16 : memref<632x128xf32, #tpu.memory_space<hbm>>) target_semaphore(%run_scoped3A : memref<!tpu.dma_semaphore, #tpu.memory_space<semaphore_mem>>)
      %dma_wait3A = arith.constant 0 : i32
      %dma_wait3A_19 = tpu.memref_slice %arg6[%arg0, %mul3A_14, %dma_wait3A] : memref<2x10112x128xf32, #tpu.memory_space<hbm>> -> memref<1x632x128xf32, #tpu.memory_space<hbm>>
      %dma_wait3A_20 = tpu.memref_squeeze %dma_wait3A_19 : memref<1x632x128xf32, #tpu.memory_space<hbm>> -> memref<632x128xf32, #tpu.memory_space<hbm>>
      %dma_wait3A_21 = arith.constant 0 : i32
      %dma_wait3A_22 = tpu.memref_slice %arg10[%mul3A_12, %dma_wait3A_21] : memref<10112x128xf32, #tpu.memory_space<vmem_shared>> -> memref<632x128xf32, #tpu.memory_space<vmem_shared>>
      tpu.wait_dma2 semaphore(%run_scoped3A : memref<!tpu.dma_semaphore, #tpu.memory_space<semaphore_mem>>) src(%dma_wait3A_22 : memref<632x128xf32, #tpu.memory_space<vmem_shared>>) dst(%dma_wait3A_20 : memref<632x128xf32, #tpu.memory_space<hbm>>)
      tpu.yield
    }) : () -> ()
    return
  }
}

#map = affine_map<(d0, d1) -> (0, 0)>
#map1 = affine_map<(d0, d1) -> (0)>
#map2 = affine_map<(d0, d1) -> (0, 0, 0)>
module attributes {stable_mosaic.version = 14 : i64} {
  func.func @segsum(%arg0: i32, %arg1: i32, %arg2: memref<10000x128xf32, #tpu.memory_space<hbm>>, %arg3: memref<323584xi32, #tpu.memory_space<hbm>>, %arg4: memref<323584xi32, #tpu.memory_space<hbm>>, %arg5: memref<10112x128xf32, #tpu.memory_space<hbm>>, %arg6: memref<2x10112x128xf32, #tpu.memory_space<hbm>>, %arg7: memref<128xi32, #tpu.memory_space<vmem>>, %arg8: memref<128xi32, #tpu.memory_space<vmem>>, %arg9: memref<128x128xf32, #tpu.memory_space<vmem>>, %arg10: memref<10112x128xf32, #tpu.memory_space<vmem_shared>>, %arg11: memref<!tpu.dma_semaphore, #tpu.memory_space<semaphore_mem>>) attributes {dimension_semantics = [#tpu.dimension_semantics<core_parallel>, #tpu.dimension_semantics<subcore_parallel>], iteration_bounds = array<i64: 2, 16>, scalar_prefetch = 0 : i64, scratch_operands = 5 : i64, tpu.core_type = #tpu.core_type<sc_vector_subcore>, window_params = [{transform_indices = #map}, {transform_indices = #map1}, {transform_indices = #map1}, {transform_indices = #map}, {transform_indices = #map2}]} {
    %mul3A = arith.constant 16 : i32
    %mul3A_0 = arith.muli %arg0, %mul3A : i32
    %add3A = arith.addi %mul3A_0, %arg1 : i32
    %mul3A_1 = arith.constant 632 : i32
    %mul3A_2 = arith.muli %arg1, %mul3A_1 : i32
    %mul3A_3 = arith.constant 632 : i32
    %mul3A_4 = arith.muli %arg1, %mul3A_3 : i32
    "tpu.region"() ({
      %run_scoped3A = tpu.sem_alloc : memref<!tpu.dma_semaphore, #tpu.memory_space<semaphore_mem>>
      %dma_start3A = arith.constant 0 : i32
      %dma_start3A_15 = tpu.memref_slice %arg10[%mul3A_4, %dma_start3A] : memref<10112x128xf32, #tpu.memory_space<vmem_shared>> -> memref<632x128xf32, #tpu.memory_space<vmem_shared>>
      %dma_start3A_16 = arith.constant 0 : i32
      %dma_start3A_17 = tpu.memref_slice %arg5[%mul3A_2, %dma_start3A_16] : memref<10112x128xf32, #tpu.memory_space<hbm>> -> memref<632x128xf32, #tpu.memory_space<hbm>>
      tpu.enqueue_dma source(%dma_start3A_17 : memref<632x128xf32, #tpu.memory_space<hbm>>) target(%dma_start3A_15 : memref<632x128xf32, #tpu.memory_space<vmem_shared>>) target_semaphore(%run_scoped3A : memref<!tpu.dma_semaphore, #tpu.memory_space<semaphore_mem>>)
      %dma_wait3A = arith.constant 0 : i32
      %dma_wait3A_18 = tpu.memref_slice %arg10[%mul3A_4, %dma_wait3A] : memref<10112x128xf32, #tpu.memory_space<vmem_shared>> -> memref<632x128xf32, #tpu.memory_space<vmem_shared>>
      %dma_wait3A_19 = arith.constant 0 : i32
      %dma_wait3A_20 = tpu.memref_slice %arg5[%mul3A_2, %dma_wait3A_19] : memref<10112x128xf32, #tpu.memory_space<hbm>> -> memref<632x128xf32, #tpu.memory_space<hbm>>
      tpu.wait_dma2 semaphore(%run_scoped3A : memref<!tpu.dma_semaphore, #tpu.memory_space<semaphore_mem>>) src(%dma_wait3A_20 : memref<632x128xf32, #tpu.memory_space<hbm>>) dst(%dma_wait3A_18 : memref<632x128xf32, #tpu.memory_space<vmem_shared>>)
      tpu.yield
    }) : () -> ()
    %barrier3A = arith.constant 0 : index
    tpu.barrier barrier_id(%barrier3A)
    %scan3A = arith.constant 0 : i32
    %scan3A_5 = arith.constant 0 : i32
    %scan3A_6 = arith.constant 79 : i32
    %scan3A_7 = arith.addi %scan3A_5, %scan3A_6 : i32
    %scan3A_8 = arith.constant 1 : i32
    scf.for %scan3A_15 = %scan3A_5 to %scan3A_7 step %scan3A_8  : i32 {
      %mul3A_16 = arith.constant 10112 : i32
      %mul3A_17 = arith.muli %add3A, %mul3A_16 : i32
      %mul3A_18 = arith.constant 128 : i32
      %mul3A_19 = arith.muli %scan3A_15, %mul3A_18 : i32
      %add3A_20 = arith.addi %mul3A_17, %mul3A_19 : i32
      %multiple_of3A = tpu.assume_multiple %add3A_20, 128 : i32
      "tpu.region"() ({
        %run_scoped3A = tpu.sem_alloc : memref<!tpu.dma_semaphore, #tpu.memory_space<semaphore_mem>>
        %dma_start3A_25 = tpu.memref_slice %arg3[%multiple_of3A] : memref<323584xi32, #tpu.memory_space<hbm>> -> memref<128xi32, #tpu.memory_space<hbm>>
        %dma_start3A_26 = tpu.memref_slice %arg3[%multiple_of3A] : memref<323584xi32, #tpu.memory_space<hbm>> -> memref<128xi32, #tpu.memory_space<hbm>>
        tpu.enqueue_dma source(%dma_start3A_26 : memref<128xi32, #tpu.memory_space<hbm>>) target(%arg7 : memref<128xi32, #tpu.memory_space<vmem>>) target_semaphore(%run_scoped3A : memref<!tpu.dma_semaphore, #tpu.memory_space<semaphore_mem>>)
        %dma_wait3A_27 = tpu.memref_slice %arg3[%multiple_of3A] : memref<323584xi32, #tpu.memory_space<hbm>> -> memref<128xi32, #tpu.memory_space<hbm>>
        %dma_wait3A_28 = tpu.memref_slice %arg3[%multiple_of3A] : memref<323584xi32, #tpu.memory_space<hbm>> -> memref<128xi32, #tpu.memory_space<hbm>>
        tpu.wait_dma2 semaphore(%run_scoped3A : memref<!tpu.dma_semaphore, #tpu.memory_space<semaphore_mem>>) src(%dma_wait3A_28 : memref<128xi32, #tpu.memory_space<hbm>>) dst(%arg7 : memref<128xi32, #tpu.memory_space<vmem>>)
        tpu.yield
      }) : () -> ()
      "tpu.region"() ({
        %run_scoped3A = tpu.sem_alloc : memref<!tpu.dma_semaphore, #tpu.memory_space<semaphore_mem>>
        %dma_start3A_25 = tpu.memref_slice %arg4[%multiple_of3A] : memref<323584xi32, #tpu.memory_space<hbm>> -> memref<128xi32, #tpu.memory_space<hbm>>
        %dma_start3A_26 = tpu.memref_slice %arg4[%multiple_of3A] : memref<323584xi32, #tpu.memory_space<hbm>> -> memref<128xi32, #tpu.memory_space<hbm>>
        tpu.enqueue_dma source(%dma_start3A_26 : memref<128xi32, #tpu.memory_space<hbm>>) target(%arg8 : memref<128xi32, #tpu.memory_space<vmem>>) target_semaphore(%run_scoped3A : memref<!tpu.dma_semaphore, #tpu.memory_space<semaphore_mem>>)
        %dma_wait3A_27 = tpu.memref_slice %arg4[%multiple_of3A] : memref<323584xi32, #tpu.memory_space<hbm>> -> memref<128xi32, #tpu.memory_space<hbm>>
        %dma_wait3A_28 = tpu.memref_slice %arg4[%multiple_of3A] : memref<323584xi32, #tpu.memory_space<hbm>> -> memref<128xi32, #tpu.memory_space<hbm>>
        tpu.wait_dma2 semaphore(%run_scoped3A : memref<!tpu.dma_semaphore, #tpu.memory_space<semaphore_mem>>) src(%dma_wait3A_28 : memref<128xi32, #tpu.memory_space<hbm>>) dst(%arg8 : memref<128xi32, #tpu.memory_space<vmem>>)
        tpu.yield
      }) : () -> ()
      %dma_start3A = arith.constant 0 : i32
      %dma_start3A_21 = arith.constant 0 : i32
      %dma_start3A_22 = tpu.memref_slice %arg2[%dma_start3A, %dma_start3A_21] : memref<10000x128xf32, #tpu.memory_space<hbm>> -> memref<10000x128xf32, #tpu.memory_space<hbm>>
      tpu.enqueue_indirect_dma source(%dma_start3A_22 : memref<10000x128xf32, #tpu.memory_space<hbm>>) target(%arg9 : memref<128x128xf32, #tpu.memory_space<vmem>>) offsets(%arg7 : memref<128xi32, #tpu.memory_space<vmem>>) semaphore(%arg11 : memref<!tpu.dma_semaphore, #tpu.memory_space<semaphore_mem>>)
      %dma_wait3A = arith.constant 0 : i32
      %dma_wait3A_23 = arith.constant 0 : i32
      %dma_wait3A_24 = tpu.memref_slice %arg2[%dma_wait3A, %dma_wait3A_23] : memref<10000x128xf32, #tpu.memory_space<hbm>> -> memref<10000x128xf32, #tpu.memory_space<hbm>>
      tpu.wait_indirect_dma semaphore(%arg11 : memref<!tpu.dma_semaphore, #tpu.memory_space<semaphore_mem>>) src(%dma_wait3A_24 : memref<10000x128xf32, #tpu.memory_space<hbm>>) dst(%arg9 : memref<128x128xf32, #tpu.memory_space<vmem>>)
      "tpu.region"() ({
        %run_scoped3A = tpu.sem_alloc : memref<!tpu.dma_semaphore, #tpu.memory_space<semaphore_mem>>
        %dma_start3A_25 = arith.constant 0 : i32
        %dma_start3A_26 = arith.constant 0 : i32
        %dma_start3A_27 = tpu.memref_slice %arg10[%dma_start3A_25, %dma_start3A_26] : memref<10112x128xf32, #tpu.memory_space<vmem_shared>> -> memref<10112x128xf32, #tpu.memory_space<vmem_shared>>
        tpu.enqueue_indirect_dma source(%arg9 : memref<128x128xf32, #tpu.memory_space<vmem>>) target(%dma_start3A_27 : memref<10112x128xf32, #tpu.memory_space<vmem_shared>>) offsets(%arg8 : memref<128xi32, #tpu.memory_space<vmem>>) semaphore(%run_scoped3A : memref<!tpu.dma_semaphore, #tpu.memory_space<semaphore_mem>>) {add = true}
        %dma_wait3A_28 = arith.constant 0 : i32
        %dma_wait3A_29 = arith.constant 0 : i32
        %dma_wait3A_30 = tpu.memref_slice %arg10[%dma_wait3A_28, %dma_wait3A_29] : memref<10112x128xf32, #tpu.memory_space<vmem_shared>> -> memref<10112x128xf32, #tpu.memory_space<vmem_shared>>
        tpu.wait_indirect_dma semaphore(%run_scoped3A : memref<!tpu.dma_semaphore, #tpu.memory_space<semaphore_mem>>) src(%arg9 : memref<128x128xf32, #tpu.memory_space<vmem>>) dst(%dma_wait3A_30 : memref<10112x128xf32, #tpu.memory_space<vmem_shared>>)
        tpu.yield
      }) : () -> ()
    }
    %scan3A_9 = arith.constant 79 : i32
    %barrier3A_10 = arith.constant 0 : index
    tpu.barrier barrier_id(%barrier3A_10)
    %mul3A_11 = arith.constant 632 : i32
    %mul3A_12 = arith.muli %arg1, %mul3A_11 : i32
    %mul3A_13 = arith.constant 632 : i32
    %mul3A_14 = arith.muli %arg1, %mul3A_13 : i32
    "tpu.region"() ({
      %run_scoped3A = tpu.sem_alloc : memref<!tpu.dma_semaphore, #tpu.memory_space<semaphore_mem>>
      %dma_start3A = arith.constant 0 : i32
      %dma_start3A_15 = tpu.memref_slice %arg6[%arg0, %mul3A_14, %dma_start3A] : memref<2x10112x128xf32, #tpu.memory_space<hbm>> -> memref<1x632x128xf32, #tpu.memory_space<hbm>>
      %dma_start3A_16 = tpu.memref_squeeze %dma_start3A_15 : memref<1x632x128xf32, #tpu.memory_space<hbm>> -> memref<632x128xf32, #tpu.memory_space<hbm>>
      %dma_start3A_17 = arith.constant 0 : i32
      %dma_start3A_18 = tpu.memref_slice %arg10[%mul3A_12, %dma_start3A_17] : memref<10112x128xf32, #tpu.memory_space<vmem_shared>> -> memref<632x128xf32, #tpu.memory_space<vmem_shared>>
      tpu.enqueue_dma source(%dma_start3A_18 : memref<632x128xf32, #tpu.memory_space<vmem_shared>>) target(%dma_start3A_16 : memref<632x128xf32, #tpu.memory_space<hbm>>) target_semaphore(%run_scoped3A : memref<!tpu.dma_semaphore, #tpu.memory_space<semaphore_mem>>)
      %dma_wait3A = arith.constant 0 : i32
      %dma_wait3A_19 = tpu.memref_slice %arg6[%arg0, %mul3A_14, %dma_wait3A] : memref<2x10112x128xf32, #tpu.memory_space<hbm>> -> memref<1x632x128xf32, #tpu.memory_space<hbm>>
      %dma_wait3A_20 = tpu.memref_squeeze %dma_wait3A_19 : memref<1x632x128xf32, #tpu.memory_space<hbm>> -> memref<632x128xf32, #tpu.memory_space<hbm>>
      %dma_wait3A_21 = arith.constant 0 : i32
      %dma_wait3A_22 = tpu.memref_slice %arg10[%mul3A_12, %dma_wait3A_21] : memref<10112x128xf32, #tpu.memory_space<vmem_shared>> -> memref<632x128xf32, #tpu.memory_space<vmem_shared>>
      tpu.wait_dma2 semaphore(%run_scoped3A : memref<!tpu.dma_semaphore, #tpu.memory_space<semaphore_mem>>) src(%dma_wait3A_22 : memref<632x128xf32, #tpu.memory_space<vmem_shared>>) dst(%dma_wait3A_20 : memref<632x128xf32, #tpu.memory_space<hbm>>)
      tpu.yield
    }) : () -> ()
    return
  }
}

module attributes {stable_mosaic.version = 14 : i64} {
  func.func @body(%arg0: i32, %arg1: memref<1000x128xf32, #tpu.memory_space<vmem>>, %arg2: memref<128x128xf32, #tpu.memory_space<vmem>>, %arg3: memref<1x128xf32, #tpu.memory_space<vmem>>, %arg4: memref<384x128xf32, #tpu.memory_space<vmem>>, %arg5: memref<1x384xf32, #tpu.memory_space<vmem>>, %arg6: memref<1000x128xf32, #tpu.memory_space<vmem>>, %arg7: memref<1000x384xf32, #tpu.memory_space<vmem>>) attributes {dimension_semantics = [#tpu.dimension_semantics<arbitrary>], iteration_bounds = array<i64: 10>, scalar_prefetch = 0 : i64, scratch_operands = 0 : i64, tpu.core_type = #tpu.core_type<tc>, window_params = [{transform_indices = @transform_0, window_bounds = array<i64: 1000, 128>}, {pipeline_mode = #tpu.pipeline_mode<synchronous>, transform_indices = @transform_1, window_bounds = array<i64: 128, 128>}, {pipeline_mode = #tpu.pipeline_mode<synchronous>, transform_indices = @transform_2, window_bounds = array<i64: 1, 128>}, {pipeline_mode = #tpu.pipeline_mode<synchronous>, transform_indices = @transform_3, window_bounds = array<i64: 384, 128>}, {pipeline_mode = #tpu.pipeline_mode<synchronous>, transform_indices = @transform_4, window_bounds = array<i64: 1, 384>}, {transform_indices = @transform_5, window_bounds = array<i64: 1000, 128>}, {transform_indices = @transform_6, window_bounds = array<i64: 1000, 384>}]} {
    %get3A = arith.constant 0 : index
    %get3A_0 = arith.constant 0 : index
    %get3A_1 = vector.load %arg1[%get3A, %get3A_0] : memref<1000x128xf32, #tpu.memory_space<vmem>>, vector<1000x128xf32>
    %get3A_2 = arith.constant 0 : index
    %get3A_3 = arith.constant 0 : index
    %get3A_4 = vector.load %arg2[%get3A_2, %get3A_3] : memref<128x128xf32, #tpu.memory_space<vmem>>, vector<128x128xf32>
    %dot_general3A = arith.constant dense<0.000000e+00> : vector<1000x128xf32>
    %dot_general3A_5 = tpu.matmul %get3A_1, %get3A_4, %dot_general3A {dimension_numbers = #tpu.dot_dimension_numbers<[1], [1], [0], [0], [0, 0, 1, 0], [], []>, transpose_lhs_hint = false} : vector<1000x128xf32>, vector<128x128xf32>, vector<1000x128xf32> -> vector<1000x128xf32>
    %get3A_6 = arith.constant 0 : index
    %get3A_7 = arith.constant 0 : index
    %get3A_8 = vector.load %arg3[%get3A_6, %get3A_7] : memref<1x128xf32, #tpu.memory_space<vmem>>, vector<1x128xf32>
    %add3A = vector.broadcast %get3A_8 : vector<1x128xf32> to vector<1000x128xf32>
    %add3A_9 = arith.addf %dot_general3A_5, %add3A : vector<1000x128xf32>
    %swap3A = arith.constant 0 : index
    %swap3A_10 = arith.constant 0 : index
    %swap3A_11 = vector.load %arg6[%swap3A, %swap3A_10] : memref<1000x128xf32, #tpu.memory_space<vmem>>, vector<1000x128xf32>
    tpu.vector_store %arg6[%swap3A, %swap3A_10], %add3A_9 {strides = array<i32>} : memref<1000x128xf32, #tpu.memory_space<vmem>>, vector<1000x128xf32>,
    %get3A_12 = arith.constant 0 : index
    %get3A_13 = arith.constant 0 : index
    %get3A_14 = vector.load %arg4[%get3A_12, %get3A_13] : memref<384x128xf32, #tpu.memory_space<vmem>>, vector<384x128xf32>
    %dot_general3A_15 = arith.constant dense<0.000000e+00> : vector<1000x384xf32>
    %dot_general3A_16 = tpu.matmul %get3A_1, %get3A_14, %dot_general3A_15 {dimension_numbers = #tpu.dot_dimension_numbers<[1], [1], [0], [0], [0, 0, 1, 0], [], []>, transpose_lhs_hint = false} : vector<1000x128xf32>, vector<384x128xf32>, vector<1000x384xf32> -> vector<1000x384xf32>
    %get3A_17 = arith.constant 0 : index
    %get3A_18 = arith.constant 0 : index
    %get3A_19 = vector.load %arg5[%get3A_17, %get3A_18] : memref<1x384xf32, #tpu.memory_space<vmem>>, vector<1x384xf32>
    %add3A_20 = vector.broadcast %get3A_19 : vector<1x384xf32> to vector<1000x384xf32>
    %add3A_21 = arith.addf %dot_general3A_16, %add3A_20 : vector<1000x384xf32>
    %swap3A_22 = arith.constant 0 : index
    %swap3A_23 = arith.constant 0 : index
    %swap3A_24 = vector.load %arg7[%swap3A_22, %swap3A_23] : memref<1000x384xf32, #tpu.memory_space<vmem>>, vector<1000x384xf32>
    tpu.vector_store %arg7[%swap3A_22, %swap3A_23], %add3A_21 {strides = array<i32>} : memref<1000x384xf32, #tpu.memory_space<vmem>>, vector<1000x384xf32>,
    return
  }
  func.func @transform_0(%arg0: i32) -> (i32, i32) {
    %c0_i32 = arith.constant 0 : i32
    %c0_i32_0 = arith.constant 0 : i32
    return %arg0, %c0_i32 : i32, i32
  }
  func.func @transform_1(%arg0: i32) -> (i32, i32) {
    %c0_i32 = arith.constant 0 : i32
    %c0_i32_0 = arith.constant 0 : i32
    %c0_i32_1 = arith.constant 0 : i32
    return %c0_i32, %c0_i32_0 : i32, i32
  }
  func.func @transform_2(%arg0: i32) -> (i32, i32) {
    %c0_i32 = arith.constant 0 : i32
    %c0_i32_0 = arith.constant 0 : i32
    %c0_i32_1 = arith.constant 0 : i32
    return %c0_i32, %c0_i32_0 : i32, i32
  }
  func.func @transform_3(%arg0: i32) -> (i32, i32) {
    %c0_i32 = arith.constant 0 : i32
    %c0_i32_0 = arith.constant 0 : i32
    %c0_i32_1 = arith.constant 0 : i32
    return %c0_i32, %c0_i32_0 : i32, i32
  }
  func.func @transform_4(%arg0: i32) -> (i32, i32) {
    %c0_i32 = arith.constant 0 : i32
    %c0_i32_0 = arith.constant 0 : i32
    %c0_i32_1 = arith.constant 0 : i32
    return %c0_i32, %c0_i32_0 : i32, i32
  }
  func.func @transform_5(%arg0: i32) -> (i32, i32) {
    %c0_i32 = arith.constant 0 : i32
    %c0_i32_0 = arith.constant 0 : i32
    return %arg0, %c0_i32 : i32, i32
  }
  func.func @transform_6(%arg0: i32) -> (i32, i32) {
    %c0_i32 = arith.constant 0 : i32
    %c0_i32_0 = arith.constant 0 : i32
    return %arg0, %c0_i32 : i32, i32
  }
}

module attributes {stable_mosaic.version = 14 : i64} {
  func.func @body(%arg0: i32, %arg1: memref<2x1000x128xf32, #tpu.memory_space<vmem>>, %arg2: memref<1000x128xf32, #tpu.memory_space<vmem>>, %arg3: memref<1000x384xf32, #tpu.memory_space<vmem>>, %arg4: memref<384x128xf32, #tpu.memory_space<vmem>>, %arg5: memref<1x384xf32, #tpu.memory_space<vmem>>, %arg6: memref<128x128xf32, #tpu.memory_space<vmem>>, %arg7: memref<1x128xf32, #tpu.memory_space<vmem>>, %arg8: memref<384x128xf32, #tpu.memory_space<vmem>>, %arg9: memref<1x384xf32, #tpu.memory_space<vmem>>, %arg10: memref<1000x128xf32, #tpu.memory_space<vmem>>, %arg11: memref<1000x128xf32, #tpu.memory_space<vmem>>, %arg12: memref<1000x384xf32, #tpu.memory_space<vmem>>) attributes {dimension_semantics = [#tpu.dimension_semantics<arbitrary>], iteration_bounds = array<i64: 10>, scalar_prefetch = 0 : i64, scratch_operands = 0 : i64, tpu.core_type = #tpu.core_type<tc>, window_params = [{transform_indices = @transform_0, window_bounds = array<i64: 2, 1000, 128>}, {transform_indices = @transform_1, window_bounds = array<i64: 1000, 128>}, {transform_indices = @transform_2, window_bounds = array<i64: 1000, 384>}, {pipeline_mode = #tpu.pipeline_mode<synchronous>, transform_indices = @transform_3, window_bounds = array<i64: 384, 128>}, {pipeline_mode = #tpu.pipeline_mode<synchronous>, transform_indices = @transform_4, window_bounds = array<i64: 1, 384>}, {pipeline_mode = #tpu.pipeline_mode<synchronous>, transform_indices = @transform_5, window_bounds = array<i64: 128, 128>}, {pipeline_mode = #tpu.pipeline_mode<synchronous>, transform_indices = @transform_6, window_bounds = array<i64: 1, 128>}, {pipeline_mode = #tpu.pipeline_mode<synchronous>, transform_indices = @transform_7, window_bounds = array<i64: 384, 128>}, {pipeline_mode = #tpu.pipeline_mode<synchronous>, transform_indices = @transform_8, window_bounds = array<i64: 1, 384>}, {transform_indices = @transform_9, window_bounds = array<i64: 1000, 128>}, {transform_indices = @transform_10, window_bounds = array<i64: 1000, 128>}, {transform_indices = @transform_11, window_bounds = array<i64: 1000, 384>}]} {
    %get3A = arith.constant 0 : index
    %get3A_0 = arith.constant 0 : index
    %get3A_1 = arith.constant 0 : index
    %get3A_2 = vector.load %arg1[%get3A, %get3A_0, %get3A_1] : memref<2x1000x128xf32, #tpu.memory_space<vmem>>, vector<1x1000x128xf32>
    %get3A_3 = vector.shape_cast %get3A_2 : vector<1x1000x128xf32> to vector<1000x128xf32>
    %get3A_4 = arith.constant 1 : index
    %get3A_5 = arith.constant 0 : index
    %get3A_6 = arith.constant 0 : index
    %get3A_7 = vector.load %arg1[%get3A_4, %get3A_5, %get3A_6] : memref<2x1000x128xf32, #tpu.memory_space<vmem>>, vector<1x1000x128xf32>
    %get3A_8 = vector.shape_cast %get3A_7 : vector<1x1000x128xf32> to vector<1000x128xf32>
    %add3A = arith.addf %get3A_3, %get3A_8 : vector<1000x128xf32>
    %get3A_9 = arith.constant 0 : index
    %get3A_10 = arith.constant 0 : index
    %get3A_11 = vector.load %arg2[%get3A_9, %get3A_10] : memref<1000x128xf32, #tpu.memory_space<vmem>>, vector<1000x128xf32>
    %get3A_12 = arith.constant 0 : index
    %get3A_13 = arith.constant 0 : index
    %get3A_14 = vector.load %arg3[%get3A_12, %get3A_13] : memref<1000x384xf32, #tpu.memory_space<vmem>>, vector<1000x384xf32>
    %get3A_15 = arith.constant 0 : index
    %get3A_16 = arith.constant 0 : index
    %get3A_17 = vector.load %arg4[%get3A_15, %get3A_16] : memref<384x128xf32, #tpu.memory_space<vmem>>, vector<384x128xf32>
    %dot_general3A = arith.constant dense<0.000000e+00> : vector<1000x384xf32>
    %dot_general3A_18 = tpu.matmul %add3A, %get3A_17, %dot_general3A {dimension_numbers = #tpu.dot_dimension_numbers<[1], [1], [0], [0], [0, 0, 1, 0], [], []>, transpose_lhs_hint = false} : vector<1000x128xf32>, vector<384x128xf32>, vector<1000x384xf32> -> vector<1000x384xf32>
    %get3A_19 = arith.constant 0 : index
    %get3A_20 = arith.constant 0 : index
    %get3A_21 = vector.load %arg5[%get3A_19, %get3A_20] : memref<1x384xf32, #tpu.memory_space<vmem>>, vector<1x384xf32>
    %add3A_22 = vector.broadcast %get3A_21 : vector<1x384xf32> to vector<1000x384xf32>
    %add3A_23 = arith.addf %dot_general3A_18, %add3A_22 : vector<1000x384xf32>
    %slice3A = vector.extract_strided_slice %add3A_23 {offsets = [0, 0], sizes = [1000, 128], strides = [1, 1]} : vector<1000x384xf32> to vector<1000x128xf32>
    %slice3A_24 = vector.extract_strided_slice %add3A_23 {offsets = [0, 128], sizes = [1000, 128], strides = [1, 1]} : vector<1000x384xf32> to vector<1000x128xf32>
    %slice3A_25 = vector.extract_strided_slice %add3A_23 {offsets = [0, 256], sizes = [1000, 128], strides = [1, 1]} : vector<1000x384xf32> to vector<1000x128xf32>
    %slice3A_26 = vector.extract_strided_slice %get3A_14 {offsets = [0, 0], sizes = [1000, 128], strides = [1, 1]} : vector<1000x384xf32> to vector<1000x128xf32>
    %slice3A_27 = vector.extract_strided_slice %get3A_14 {offsets = [0, 128], sizes = [1000, 128], strides = [1, 1]} : vector<1000x384xf32> to vector<1000x128xf32>
    %slice3A_28 = vector.extract_strided_slice %get3A_14 {offsets = [0, 256], sizes = [1000, 128], strides = [1, 1]} : vector<1000x384xf32> to vector<1000x128xf32>
    %add3A_29 = arith.addf %slice3A, %slice3A_26 : vector<1000x128xf32>
    %logistic3A = arith.negf %add3A_29 : vector<1000x128xf32>
    %logistic3A_30 = math.exp %logistic3A : vector<1000x128xf32>
    %logistic3A_31 = arith.constant 1.000000e+00 : f32
    %logistic3A_32 = vector.broadcast %logistic3A_31 : f32 to vector<1000x128xf32>
    %logistic3A_33 = arith.addf %logistic3A_32, %logistic3A_30 : vector<1000x128xf32>
    %logistic3A_34 = arith.divf %logistic3A_32, %logistic3A_33 : vector<1000x128xf32>
    %add3A_35 = arith.addf %slice3A_24, %slice3A_27 : vector<1000x128xf32>
    %logistic3A_36 = arith.negf %add3A_35 : vector<1000x128xf32>
    %logistic3A_37 = math.exp %logistic3A_36 : vector<1000x128xf32>
    %logistic3A_38 = arith.constant 1.000000e+00 : f32
    %logistic3A_39 = vector.broadcast %logistic3A_38 : f32 to vector<1000x128xf32>
    %logistic3A_40 = arith.addf %logistic3A_39, %logistic3A_37 : vector<1000x128xf32>
    %logistic3A_41 = arith.divf %logistic3A_39, %logistic3A_40 : vector<1000x128xf32>
    %mul3A = arith.mulf %logistic3A_34, %slice3A_28 : vector<1000x128xf32>
    %add3A_42 = arith.addf %slice3A_25, %mul3A : vector<1000x128xf32>
    %tanh3A = math.tanh %add3A_42 : vector<1000x128xf32>
    %sub3A = arith.constant 1.000000e+00 : f32
    %sub3A_43 = vector.broadcast %sub3A : f32 to vector<1000x128xf32>
    %sub3A_44 = arith.subf %sub3A_43, %logistic3A_41 : vector<1000x128xf32>
    %mul3A_45 = arith.mulf %sub3A_44, %tanh3A : vector<1000x128xf32>
    %mul3A_46 = arith.mulf %logistic3A_41, %get3A_11 : vector<1000x128xf32>
    %add3A_47 = arith.addf %mul3A_45, %mul3A_46 : vector<1000x128xf32>
    %swap3A = arith.constant 0 : index
    %swap3A_48 = arith.constant 0 : index
    %swap3A_49 = vector.load %arg10[%swap3A, %swap3A_48] : memref<1000x128xf32, #tpu.memory_space<vmem>>, vector<1000x128xf32>
    tpu.vector_store %arg10[%swap3A, %swap3A_48], %add3A_47 {strides = array<i32>} : memref<1000x128xf32, #tpu.memory_space<vmem>>, vector<1000x128xf32>,
    %get3A_50 = arith.constant 0 : index
    %get3A_51 = arith.constant 0 : index
    %get3A_52 = vector.load %arg6[%get3A_50, %get3A_51] : memref<128x128xf32, #tpu.memory_space<vmem>>, vector<128x128xf32>
    %dot_general3A_53 = arith.constant dense<0.000000e+00> : vector<1000x128xf32>
    %dot_general3A_54 = tpu.matmul %add3A_47, %get3A_52, %dot_general3A_53 {dimension_numbers = #tpu.dot_dimension_numbers<[1], [1], [0], [0], [0, 0, 1, 0], [], []>, transpose_lhs_hint = false} : vector<1000x128xf32>, vector<128x128xf32>, vector<1000x128xf32> -> vector<1000x128xf32>
    %get3A_55 = arith.constant 0 : index
    %get3A_56 = arith.constant 0 : index
    %get3A_57 = vector.load %arg7[%get3A_55, %get3A_56] : memref<1x128xf32, #tpu.memory_space<vmem>>, vector<1x128xf32>
    %add3A_58 = vector.broadcast %get3A_57 : vector<1x128xf32> to vector<1000x128xf32>
    %add3A_59 = arith.addf %dot_general3A_54, %add3A_58 : vector<1000x128xf32>
    %swap3A_60 = arith.constant 0 : index
    %swap3A_61 = arith.constant 0 : index
    %swap3A_62 = vector.load %arg11[%swap3A_60, %swap3A_61] : memref<1000x128xf32, #tpu.memory_space<vmem>>, vector<1000x128xf32>
    tpu.vector_store %arg11[%swap3A_60, %swap3A_61], %add3A_59 {strides = array<i32>} : memref<1000x128xf32, #tpu.memory_space<vmem>>, vector<1000x128xf32>,
    %get3A_63 = arith.constant 0 : index
    %get3A_64 = arith.constant 0 : index
    %get3A_65 = vector.load %arg8[%get3A_63, %get3A_64] : memref<384x128xf32, #tpu.memory_space<vmem>>, vector<384x128xf32>
    %dot_general3A_66 = arith.constant dense<0.000000e+00> : vector<1000x384xf32>
    %dot_general3A_67 = tpu.matmul %add3A_47, %get3A_65, %dot_general3A_66 {dimension_numbers = #tpu.dot_dimension_numbers<[1], [1], [0], [0], [0, 0, 1, 0], [], []>, transpose_lhs_hint = false} : vector<1000x128xf32>, vector<384x128xf32>, vector<1000x384xf32> -> vector<1000x384xf32>
    %get3A_68 = arith.constant 0 : index
    %get3A_69 = arith.constant 0 : index
    %get3A_70 = vector.load %arg9[%get3A_68, %get3A_69] : memref<1x384xf32, #tpu.memory_space<vmem>>, vector<1x384xf32>
    %add3A_71 = vector.broadcast %get3A_70 : vector<1x384xf32> to vector<1000x384xf32>
    %add3A_72 = arith.addf %dot_general3A_67, %add3A_71 : vector<1000x384xf32>
    %swap3A_73 = arith.constant 0 : index
    %swap3A_74 = arith.constant 0 : index
    %swap3A_75 = vector.load %arg12[%swap3A_73, %swap3A_74] : memref<1000x384xf32, #tpu.memory_space<vmem>>, vector<1000x384xf32>
    tpu.vector_store %arg12[%swap3A_73, %swap3A_74], %add3A_72 {strides = array<i32>} : memref<1000x384xf32, #tpu.memory_space<vmem>>, vector<1000x384xf32>,
    return
  }
  func.func @transform_0(%arg0: i32) -> (i32, i32, i32) {
    %c0_i32 = arith.constant 0 : i32
    %c0_i32_0 = arith.constant 0 : i32
    %c0_i32_1 = arith.constant 0 : i32
    return %c0_i32, %arg0, %c0_i32_0 : i32, i32, i32
  }
  func.func @transform_1(%arg0: i32) -> (i32, i32) {
    %c0_i32 = arith.constant 0 : i32
    %c0_i32_0 = arith.constant 0 : i32
    return %arg0, %c0_i32 : i32, i32
  }
  func.func @transform_2(%arg0: i32) -> (i32, i32) {
    %c0_i32 = arith.constant 0 : i32
    %c0_i32_0 = arith.constant 0 : i32
    return %arg0, %c0_i32 : i32, i32
  }
  func.func @transform_3(%arg0: i32) -> (i32, i32) {
    %c0_i32 = arith.constant 0 : i32
    %c0_i32_0 = arith.constant 0 : i32
    %c0_i32_1 = arith.constant 0 : i32
    return %c0_i32, %c0_i32_0 : i32, i32
  }
  func.func @transform_4(%arg0: i32) -> (i32, i32) {
    %c0_i32 = arith.constant 0 : i32
    %c0_i32_0 = arith.constant 0 : i32
    %c0_i32_1 = arith.constant 0 : i32
    return %c0_i32, %c0_i32_0 : i32, i32
  }
  func.func @transform_5(%arg0: i32) -> (i32, i32) {
    %c0_i32 = arith.constant 0 : i32
    %c0_i32_0 = arith.constant 0 : i32
    %c0_i32_1 = arith.constant 0 : i32
    return %c0_i32, %c0_i32_0 : i32, i32
  }
  func.func @transform_6(%arg0: i32) -> (i32, i32) {
    %c0_i32 = arith.constant 0 : i32
    %c0_i32_0 = arith.constant 0 : i32
    %c0_i32_1 = arith.constant 0 : i32
    return %c0_i32, %c0_i32_0 : i32, i32
  }
  func.func @transform_7(%arg0: i32) -> (i32, i32) {
    %c0_i32 = arith.constant 0 : i32
    %c0_i32_0 = arith.constant 0 : i32
    %c0_i32_1 = arith.constant 0 : i32
    return %c0_i32, %c0_i32_0 : i32, i32
  }
  func.func @transform_8(%arg0: i32) -> (i32, i32) {
    %c0_i32 = arith.constant 0 : i32
    %c0_i32_0 = arith.constant 0 : i32
    %c0_i32_1 = arith.constant 0 : i32
    return %c0_i32, %c0_i32_0 : i32, i32
  }
  func.func @transform_9(%arg0: i32) -> (i32, i32) {
    %c0_i32 = arith.constant 0 : i32
    %c0_i32_0 = arith.constant 0 : i32
    return %arg0, %c0_i32 : i32, i32
  }
  func.func @transform_10(%arg0: i32) -> (i32, i32) {
    %c0_i32 = arith.constant 0 : i32
    %c0_i32_0 = arith.constant 0 : i32
    return %arg0, %c0_i32 : i32, i32
  }
  func.func @transform_11(%arg0: i32) -> (i32, i32) {
    %c0_i32 = arith.constant 0 : i32
    %c0_i32_0 = arith.constant 0 : i32
    return %arg0, %c0_i32 : i32, i32
  }
}

module attributes {stable_mosaic.version = 14 : i64} {
  func.func @body(%arg0: i32, %arg1: memref<2x1000x128xf32, #tpu.memory_space<vmem>>, %arg2: memref<1000x128xf32, #tpu.memory_space<vmem>>, %arg3: memref<1000x384xf32, #tpu.memory_space<vmem>>, %arg4: memref<384x128xf32, #tpu.memory_space<vmem>>, %arg5: memref<1x384xf32, #tpu.memory_space<vmem>>, %arg6: memref<128x128xf32, #tpu.memory_space<vmem>>, %arg7: memref<1x128xf32, #tpu.memory_space<vmem>>, %arg8: memref<384x128xf32, #tpu.memory_space<vmem>>, %arg9: memref<1x384xf32, #tpu.memory_space<vmem>>, %arg10: memref<1000x128xf32, #tpu.memory_space<vmem>>, %arg11: memref<1000x128xf32, #tpu.memory_space<vmem>>, %arg12: memref<1000x384xf32, #tpu.memory_space<vmem>>) attributes {dimension_semantics = [#tpu.dimension_semantics<arbitrary>], iteration_bounds = array<i64: 10>, scalar_prefetch = 0 : i64, scratch_operands = 0 : i64, tpu.core_type = #tpu.core_type<tc>, window_params = [{transform_indices = @transform_0, window_bounds = array<i64: 2, 1000, 128>}, {transform_indices = @transform_1, window_bounds = array<i64: 1000, 128>}, {transform_indices = @transform_2, window_bounds = array<i64: 1000, 384>}, {pipeline_mode = #tpu.pipeline_mode<synchronous>, transform_indices = @transform_3, window_bounds = array<i64: 384, 128>}, {pipeline_mode = #tpu.pipeline_mode<synchronous>, transform_indices = @transform_4, window_bounds = array<i64: 1, 384>}, {pipeline_mode = #tpu.pipeline_mode<synchronous>, transform_indices = @transform_5, window_bounds = array<i64: 128, 128>}, {pipeline_mode = #tpu.pipeline_mode<synchronous>, transform_indices = @transform_6, window_bounds = array<i64: 1, 128>}, {pipeline_mode = #tpu.pipeline_mode<synchronous>, transform_indices = @transform_7, window_bounds = array<i64: 384, 128>}, {pipeline_mode = #tpu.pipeline_mode<synchronous>, transform_indices = @transform_8, window_bounds = array<i64: 1, 384>}, {transform_indices = @transform_9, window_bounds = array<i64: 1000, 128>}, {transform_indices = @transform_10, window_bounds = array<i64: 1000, 128>}, {transform_indices = @transform_11, window_bounds = array<i64: 1000, 384>}]} {
    %get3A = arith.constant 0 : index
    %get3A_0 = arith.constant 0 : index
    %get3A_1 = arith.constant 0 : index
    %get3A_2 = vector.load %arg1[%get3A, %get3A_0, %get3A_1] : memref<2x1000x128xf32, #tpu.memory_space<vmem>>, vector<1x1000x128xf32>
    %get3A_3 = vector.shape_cast %get3A_2 : vector<1x1000x128xf32> to vector<1000x128xf32>
    %get3A_4 = arith.constant 1 : index
    %get3A_5 = arith.constant 0 : index
    %get3A_6 = arith.constant 0 : index
    %get3A_7 = vector.load %arg1[%get3A_4, %get3A_5, %get3A_6] : memref<2x1000x128xf32, #tpu.memory_space<vmem>>, vector<1x1000x128xf32>
    %get3A_8 = vector.shape_cast %get3A_7 : vector<1x1000x128xf32> to vector<1000x128xf32>
    %add3A = arith.addf %get3A_3, %get3A_8 : vector<1000x128xf32>
    %get3A_9 = arith.constant 0 : index
    %get3A_10 = arith.constant 0 : index
    %get3A_11 = vector.load %arg2[%get3A_9, %get3A_10] : memref<1000x128xf32, #tpu.memory_space<vmem>>, vector<1000x128xf32>
    %get3A_12 = arith.constant 0 : index
    %get3A_13 = arith.constant 0 : index
    %get3A_14 = vector.load %arg3[%get3A_12, %get3A_13] : memref<1000x384xf32, #tpu.memory_space<vmem>>, vector<1000x384xf32>
    %get3A_15 = arith.constant 0 : index
    %get3A_16 = arith.constant 0 : index
    %get3A_17 = vector.load %arg4[%get3A_15, %get3A_16] : memref<384x128xf32, #tpu.memory_space<vmem>>, vector<384x128xf32>
    %dot_general3A = arith.constant dense<0.000000e+00> : vector<1000x384xf32>
    %dot_general3A_18 = tpu.matmul %add3A, %get3A_17, %dot_general3A {dimension_numbers = #tpu.dot_dimension_numbers<[1], [1], [0], [0], [0, 0, 1, 0], [], []>, transpose_lhs_hint = false} : vector<1000x128xf32>, vector<384x128xf32>, vector<1000x384xf32> -> vector<1000x384xf32>
    %get3A_19 = arith.constant 0 : index
    %get3A_20 = arith.constant 0 : index
    %get3A_21 = vector.load %arg5[%get3A_19, %get3A_20] : memref<1x384xf32, #tpu.memory_space<vmem>>, vector<1x384xf32>
    %add3A_22 = vector.broadcast %get3A_21 : vector<1x384xf32> to vector<1000x384xf32>
    %add3A_23 = arith.addf %dot_general3A_18, %add3A_22 : vector<1000x384xf32>
    %slice3A = vector.extract_strided_slice %add3A_23 {offsets = [0, 0], sizes = [1000, 128], strides = [1, 1]} : vector<1000x384xf32> to vector<1000x128xf32>
    %slice3A_24 = vector.extract_strided_slice %add3A_23 {offsets = [0, 128], sizes = [1000, 128], strides = [1, 1]} : vector<1000x384xf32> to vector<1000x128xf32>
    %slice3A_25 = vector.extract_strided_slice %add3A_23 {offsets = [0, 256], sizes = [1000, 128], strides = [1, 1]} : vector<1000x384xf32> to vector<1000x128xf32>
    %slice3A_26 = vector.extract_strided_slice %get3A_14 {offsets = [0, 0], sizes = [1000, 128], strides = [1, 1]} : vector<1000x384xf32> to vector<1000x128xf32>
    %slice3A_27 = vector.extract_strided_slice %get3A_14 {offsets = [0, 128], sizes = [1000, 128], strides = [1, 1]} : vector<1000x384xf32> to vector<1000x128xf32>
    %slice3A_28 = vector.extract_strided_slice %get3A_14 {offsets = [0, 256], sizes = [1000, 128], strides = [1, 1]} : vector<1000x384xf32> to vector<1000x128xf32>
    %add3A_29 = arith.addf %slice3A, %slice3A_26 : vector<1000x128xf32>
    %logistic3A = arith.negf %add3A_29 : vector<1000x128xf32>
    %logistic3A_30 = math.exp %logistic3A : vector<1000x128xf32>
    %logistic3A_31 = arith.constant 1.000000e+00 : f32
    %logistic3A_32 = vector.broadcast %logistic3A_31 : f32 to vector<1000x128xf32>
    %logistic3A_33 = arith.addf %logistic3A_32, %logistic3A_30 : vector<1000x128xf32>
    %logistic3A_34 = arith.divf %logistic3A_32, %logistic3A_33 : vector<1000x128xf32>
    %add3A_35 = arith.addf %slice3A_24, %slice3A_27 : vector<1000x128xf32>
    %logistic3A_36 = arith.negf %add3A_35 : vector<1000x128xf32>
    %logistic3A_37 = math.exp %logistic3A_36 : vector<1000x128xf32>
    %logistic3A_38 = arith.constant 1.000000e+00 : f32
    %logistic3A_39 = vector.broadcast %logistic3A_38 : f32 to vector<1000x128xf32>
    %logistic3A_40 = arith.addf %logistic3A_39, %logistic3A_37 : vector<1000x128xf32>
    %logistic3A_41 = arith.divf %logistic3A_39, %logistic3A_40 : vector<1000x128xf32>
    %mul3A = arith.mulf %logistic3A_34, %slice3A_28 : vector<1000x128xf32>
    %add3A_42 = arith.addf %slice3A_25, %mul3A : vector<1000x128xf32>
    %tanh3A = math.tanh %add3A_42 : vector<1000x128xf32>
    %sub3A = arith.constant 1.000000e+00 : f32
    %sub3A_43 = vector.broadcast %sub3A : f32 to vector<1000x128xf32>
    %sub3A_44 = arith.subf %sub3A_43, %logistic3A_41 : vector<1000x128xf32>
    %mul3A_45 = arith.mulf %sub3A_44, %tanh3A : vector<1000x128xf32>
    %mul3A_46 = arith.mulf %logistic3A_41, %get3A_11 : vector<1000x128xf32>
    %add3A_47 = arith.addf %mul3A_45, %mul3A_46 : vector<1000x128xf32>
    %max3A = arith.constant 0.000000e+00 : f32
    %max3A_48 = vector.broadcast %max3A : f32 to vector<1000x128xf32>
    %max3A_49 = arith.maximumf %add3A_47, %max3A_48 : vector<1000x128xf32>
    %swap3A = arith.constant 0 : index
    %swap3A_50 = arith.constant 0 : index
    %swap3A_51 = vector.load %arg10[%swap3A, %swap3A_50] : memref<1000x128xf32, #tpu.memory_space<vmem>>, vector<1000x128xf32>
    tpu.vector_store %arg10[%swap3A, %swap3A_50], %max3A_49 {strides = array<i32>} : memref<1000x128xf32, #tpu.memory_space<vmem>>, vector<1000x128xf32>,
    %get3A_52 = arith.constant 0 : index
    %get3A_53 = arith.constant 0 : index
    %get3A_54 = vector.load %arg6[%get3A_52, %get3A_53] : memref<128x128xf32, #tpu.memory_space<vmem>>, vector<128x128xf32>
    %dot_general3A_55 = arith.constant dense<0.000000e+00> : vector<1000x128xf32>
    %dot_general3A_56 = tpu.matmul %max3A_49, %get3A_54, %dot_general3A_55 {dimension_numbers = #tpu.dot_dimension_numbers<[1], [1], [0], [0], [0, 0, 1, 0], [], []>, transpose_lhs_hint = false} : vector<1000x128xf32>, vector<128x128xf32>, vector<1000x128xf32> -> vector<1000x128xf32>
    %get3A_57 = arith.constant 0 : index
    %get3A_58 = arith.constant 0 : index
    %get3A_59 = vector.load %arg7[%get3A_57, %get3A_58] : memref<1x128xf32, #tpu.memory_space<vmem>>, vector<1x128xf32>
    %add3A_60 = vector.broadcast %get3A_59 : vector<1x128xf32> to vector<1000x128xf32>
    %add3A_61 = arith.addf %dot_general3A_56, %add3A_60 : vector<1000x128xf32>
    %swap3A_62 = arith.constant 0 : index
    %swap3A_63 = arith.constant 0 : index
    %swap3A_64 = vector.load %arg11[%swap3A_62, %swap3A_63] : memref<1000x128xf32, #tpu.memory_space<vmem>>, vector<1000x128xf32>
    tpu.vector_store %arg11[%swap3A_62, %swap3A_63], %add3A_61 {strides = array<i32>} : memref<1000x128xf32, #tpu.memory_space<vmem>>, vector<1000x128xf32>,
    %get3A_65 = arith.constant 0 : index
    %get3A_66 = arith.constant 0 : index
    %get3A_67 = vector.load %arg8[%get3A_65, %get3A_66] : memref<384x128xf32, #tpu.memory_space<vmem>>, vector<384x128xf32>
    %dot_general3A_68 = arith.constant dense<0.000000e+00> : vector<1000x384xf32>
    %dot_general3A_69 = tpu.matmul %max3A_49, %get3A_67, %dot_general3A_68 {dimension_numbers = #tpu.dot_dimension_numbers<[1], [1], [0], [0], [0, 0, 1, 0], [], []>, transpose_lhs_hint = false} : vector<1000x128xf32>, vector<384x128xf32>, vector<1000x384xf32> -> vector<1000x384xf32>
    %get3A_70 = arith.constant 0 : index
    %get3A_71 = arith.constant 0 : index
    %get3A_72 = vector.load %arg9[%get3A_70, %get3A_71] : memref<1x384xf32, #tpu.memory_space<vmem>>, vector<1x384xf32>
    %add3A_73 = vector.broadcast %get3A_72 : vector<1x384xf32> to vector<1000x384xf32>
    %add3A_74 = arith.addf %dot_general3A_69, %add3A_73 : vector<1000x384xf32>
    %swap3A_75 = arith.constant 0 : index
    %swap3A_76 = arith.constant 0 : index
    %swap3A_77 = vector.load %arg12[%swap3A_75, %swap3A_76] : memref<1000x384xf32, #tpu.memory_space<vmem>>, vector<1000x384xf32>
    tpu.vector_store %arg12[%swap3A_75, %swap3A_76], %add3A_74 {strides = array<i32>} : memref<1000x384xf32, #tpu.memory_space<vmem>>, vector<1000x384xf32>,
    return
  }
  func.func @transform_0(%arg0: i32) -> (i32, i32, i32) {
    %c0_i32 = arith.constant 0 : i32
    %c0_i32_0 = arith.constant 0 : i32
    %c0_i32_1 = arith.constant 0 : i32
    return %c0_i32, %arg0, %c0_i32_0 : i32, i32, i32
  }
  func.func @transform_1(%arg0: i32) -> (i32, i32) {
    %c0_i32 = arith.constant 0 : i32
    %c0_i32_0 = arith.constant 0 : i32
    return %arg0, %c0_i32 : i32, i32
  }
  func.func @transform_2(%arg0: i32) -> (i32, i32) {
    %c0_i32 = arith.constant 0 : i32
    %c0_i32_0 = arith.constant 0 : i32
    return %arg0, %c0_i32 : i32, i32
  }
  func.func @transform_3(%arg0: i32) -> (i32, i32) {
    %c0_i32 = arith.constant 0 : i32
    %c0_i32_0 = arith.constant 0 : i32
    %c0_i32_1 = arith.constant 0 : i32
    return %c0_i32, %c0_i32_0 : i32, i32
  }
  func.func @transform_4(%arg0: i32) -> (i32, i32) {
    %c0_i32 = arith.constant 0 : i32
    %c0_i32_0 = arith.constant 0 : i32
    %c0_i32_1 = arith.constant 0 : i32
    return %c0_i32, %c0_i32_0 : i32, i32
  }
  func.func @transform_5(%arg0: i32) -> (i32, i32) {
    %c0_i32 = arith.constant 0 : i32
    %c0_i32_0 = arith.constant 0 : i32
    %c0_i32_1 = arith.constant 0 : i32
    return %c0_i32, %c0_i32_0 : i32, i32
  }
  func.func @transform_6(%arg0: i32) -> (i32, i32) {
    %c0_i32 = arith.constant 0 : i32
    %c0_i32_0 = arith.constant 0 : i32
    %c0_i32_1 = arith.constant 0 : i32
    return %c0_i32, %c0_i32_0 : i32, i32
  }
  func.func @transform_7(%arg0: i32) -> (i32, i32) {
    %c0_i32 = arith.constant 0 : i32
    %c0_i32_0 = arith.constant 0 : i32
    %c0_i32_1 = arith.constant 0 : i32
    return %c0_i32, %c0_i32_0 : i32, i32
  }
  func.func @transform_8(%arg0: i32) -> (i32, i32) {
    %c0_i32 = arith.constant 0 : i32
    %c0_i32_0 = arith.constant 0 : i32
    %c0_i32_1 = arith.constant 0 : i32
    return %c0_i32, %c0_i32_0 : i32, i32
  }
  func.func @transform_9(%arg0: i32) -> (i32, i32) {
    %c0_i32 = arith.constant 0 : i32
    %c0_i32_0 = arith.constant 0 : i32
    return %arg0, %c0_i32 : i32, i32
  }
  func.func @transform_10(%arg0: i32) -> (i32, i32) {
    %c0_i32 = arith.constant 0 : i32
    %c0_i32_0 = arith.constant 0 : i32
    return %arg0, %c0_i32 : i32, i32
  }
  func.func @transform_11(%arg0: i32) -> (i32, i32) {
    %c0_i32 = arith.constant 0 : i32
    %c0_i32_0 = arith.constant 0 : i32
    return %arg0, %c0_i32 : i32, i32
  }
}

module attributes {stable_mosaic.version = 14 : i64} {
  func.func @body(%arg0: i32, %arg1: memref<2x1000x128xf32, #tpu.memory_space<vmem>>, %arg2: memref<1000x128xf32, #tpu.memory_space<vmem>>, %arg3: memref<1000x384xf32, #tpu.memory_space<vmem>>, %arg4: memref<384x128xf32, #tpu.memory_space<vmem>>, %arg5: memref<1x384xf32, #tpu.memory_space<vmem>>, %arg6: memref<1x128xf32, #tpu.memory_space<vmem>>) attributes {dimension_semantics = [#tpu.dimension_semantics<arbitrary>], iteration_bounds = array<i64: 10>, scalar_prefetch = 0 : i64, scratch_operands = 0 : i64, tpu.core_type = #tpu.core_type<tc>, window_params = [{transform_indices = @transform_0, window_bounds = array<i64: 2, 1000, 128>}, {transform_indices = @transform_1, window_bounds = array<i64: 1000, 128>}, {transform_indices = @transform_2, window_bounds = array<i64: 1000, 384>}, {pipeline_mode = #tpu.pipeline_mode<synchronous>, transform_indices = @transform_3, window_bounds = array<i64: 384, 128>}, {pipeline_mode = #tpu.pipeline_mode<synchronous>, transform_indices = @transform_4, window_bounds = array<i64: 1, 384>}, {pipeline_mode = #tpu.pipeline_mode<synchronous>, transform_indices = @transform_5, window_bounds = array<i64: 1, 128>}]} {
    %get3A = arith.constant 0 : index
    %get3A_0 = arith.constant 0 : index
    %get3A_1 = arith.constant 0 : index
    %get3A_2 = vector.load %arg1[%get3A, %get3A_0, %get3A_1] : memref<2x1000x128xf32, #tpu.memory_space<vmem>>, vector<1x1000x128xf32>
    %get3A_3 = vector.shape_cast %get3A_2 : vector<1x1000x128xf32> to vector<1000x128xf32>
    %get3A_4 = arith.constant 1 : index
    %get3A_5 = arith.constant 0 : index
    %get3A_6 = arith.constant 0 : index
    %get3A_7 = vector.load %arg1[%get3A_4, %get3A_5, %get3A_6] : memref<2x1000x128xf32, #tpu.memory_space<vmem>>, vector<1x1000x128xf32>
    %get3A_8 = vector.shape_cast %get3A_7 : vector<1x1000x128xf32> to vector<1000x128xf32>
    %add3A = arith.addf %get3A_3, %get3A_8 : vector<1000x128xf32>
    %get3A_9 = arith.constant 0 : index
    %get3A_10 = arith.constant 0 : index
    %get3A_11 = vector.load %arg2[%get3A_9, %get3A_10] : memref<1000x128xf32, #tpu.memory_space<vmem>>, vector<1000x128xf32>
    %get3A_12 = arith.constant 0 : index
    %get3A_13 = arith.constant 0 : index
    %get3A_14 = vector.load %arg3[%get3A_12, %get3A_13] : memref<1000x384xf32, #tpu.memory_space<vmem>>, vector<1000x384xf32>
    %get3A_15 = arith.constant 0 : index
    %get3A_16 = arith.constant 0 : index
    %get3A_17 = vector.load %arg4[%get3A_15, %get3A_16] : memref<384x128xf32, #tpu.memory_space<vmem>>, vector<384x128xf32>
    %dot_general3A = arith.constant dense<0.000000e+00> : vector<1000x384xf32>
    %dot_general3A_18 = tpu.matmul %add3A, %get3A_17, %dot_general3A {dimension_numbers = #tpu.dot_dimension_numbers<[1], [1], [0], [0], [0, 0, 1, 0], [], []>, transpose_lhs_hint = false} : vector<1000x128xf32>, vector<384x128xf32>, vector<1000x384xf32> -> vector<1000x384xf32>
    %get3A_19 = arith.constant 0 : index
    %get3A_20 = arith.constant 0 : index
    %get3A_21 = vector.load %arg5[%get3A_19, %get3A_20] : memref<1x384xf32, #tpu.memory_space<vmem>>, vector<1x384xf32>
    %add3A_22 = vector.broadcast %get3A_21 : vector<1x384xf32> to vector<1000x384xf32>
    %add3A_23 = arith.addf %dot_general3A_18, %add3A_22 : vector<1000x384xf32>
    %slice3A = vector.extract_strided_slice %add3A_23 {offsets = [0, 0], sizes = [1000, 128], strides = [1, 1]} : vector<1000x384xf32> to vector<1000x128xf32>
    %slice3A_24 = vector.extract_strided_slice %add3A_23 {offsets = [0, 128], sizes = [1000, 128], strides = [1, 1]} : vector<1000x384xf32> to vector<1000x128xf32>
    %slice3A_25 = vector.extract_strided_slice %add3A_23 {offsets = [0, 256], sizes = [1000, 128], strides = [1, 1]} : vector<1000x384xf32> to vector<1000x128xf32>
    %slice3A_26 = vector.extract_strided_slice %get3A_14 {offsets = [0, 0], sizes = [1000, 128], strides = [1, 1]} : vector<1000x384xf32> to vector<1000x128xf32>
    %slice3A_27 = vector.extract_strided_slice %get3A_14 {offsets = [0, 128], sizes = [1000, 128], strides = [1, 1]} : vector<1000x384xf32> to vector<1000x128xf32>
    %slice3A_28 = vector.extract_strided_slice %get3A_14 {offsets = [0, 256], sizes = [1000, 128], strides = [1, 1]} : vector<1000x384xf32> to vector<1000x128xf32>
    %add3A_29 = arith.addf %slice3A, %slice3A_26 : vector<1000x128xf32>
    %logistic3A = arith.negf %add3A_29 : vector<1000x128xf32>
    %logistic3A_30 = math.exp %logistic3A : vector<1000x128xf32>
    %logistic3A_31 = arith.constant 1.000000e+00 : f32
    %logistic3A_32 = vector.broadcast %logistic3A_31 : f32 to vector<1000x128xf32>
    %logistic3A_33 = arith.addf %logistic3A_32, %logistic3A_30 : vector<1000x128xf32>
    %logistic3A_34 = arith.divf %logistic3A_32, %logistic3A_33 : vector<1000x128xf32>
    %add3A_35 = arith.addf %slice3A_24, %slice3A_27 : vector<1000x128xf32>
    %logistic3A_36 = arith.negf %add3A_35 : vector<1000x128xf32>
    %logistic3A_37 = math.exp %logistic3A_36 : vector<1000x128xf32>
    %logistic3A_38 = arith.constant 1.000000e+00 : f32
    %logistic3A_39 = vector.broadcast %logistic3A_38 : f32 to vector<1000x128xf32>
    %logistic3A_40 = arith.addf %logistic3A_39, %logistic3A_37 : vector<1000x128xf32>
    %logistic3A_41 = arith.divf %logistic3A_39, %logistic3A_40 : vector<1000x128xf32>
    %mul3A = arith.mulf %logistic3A_34, %slice3A_28 : vector<1000x128xf32>
    %add3A_42 = arith.addf %slice3A_25, %mul3A : vector<1000x128xf32>
    %tanh3A = math.tanh %add3A_42 : vector<1000x128xf32>
    %sub3A = arith.constant 1.000000e+00 : f32
    %sub3A_43 = vector.broadcast %sub3A : f32 to vector<1000x128xf32>
    %sub3A_44 = arith.subf %sub3A_43, %logistic3A_41 : vector<1000x128xf32>
    %mul3A_45 = arith.mulf %sub3A_44, %tanh3A : vector<1000x128xf32>
    %mul3A_46 = arith.mulf %logistic3A_41, %get3A_11 : vector<1000x128xf32>
    %add3A_47 = arith.addf %mul3A_45, %mul3A_46 : vector<1000x128xf32>
    %eq3A = arith.constant 0 : i32
    %eq3A_48 = arith.cmpi eq, %arg0, %eq3A : i32
    %convert_element_type3A = arith.extui %eq3A_48 : i1 to i32
    %cond3A = arith.constant 0 : i32
    %cond3A_49 = arith.cmpi ne, %convert_element_type3A, %cond3A : i32
    scf.if %cond3A_49 {
      %broadcast_in_dim3A_60 = arith.constant 0.000000e+00 : f32
      %broadcast_in_dim3A_61 = vector.broadcast %broadcast_in_dim3A_60 : f32 to vector<1x128xf32>
      %swap3A_62 = arith.constant 0 : index
      %swap3A_63 = arith.constant 0 : index
      %swap3A_64 = vector.load %arg6[%swap3A_62, %swap3A_63] : memref<1x128xf32, #tpu.memory_space<vmem>>, vector<1x128xf32>
      tpu.vector_store %arg6[%swap3A_62, %swap3A_63], %broadcast_in_dim3A_61 {strides = array<i32>} : memref<1x128xf32, #tpu.memory_space<vmem>>, vector<1x128xf32>,
    } else {
    }
    %get3A_50 = arith.constant 0 : index
    %get3A_51 = arith.constant 0 : index
    %get3A_52 = vector.load %arg6[%get3A_50, %get3A_51] : memref<1x128xf32, #tpu.memory_space<vmem>>, vector<1x128xf32>
    %reduce_sum3A = arith.constant dense<0.000000e+00> : vector<128xf32>
    %reduce_sum3A_53 = vector.multi_reduction <add>, %add3A_47, %reduce_sum3A [0] : vector<1000x128xf32> to vector<128xf32>
    %broadcast_in_dim3A = vector.shape_cast %reduce_sum3A_53 : vector<128xf32> to vector<1x128xf32>
    %mul3A_54 = arith.constant 9.99999974E-5 : f32
    %mul3A_55 = vector.broadcast %mul3A_54 : f32 to vector<1x128xf32>
    %mul3A_56 = arith.mulf %broadcast_in_dim3A, %mul3A_55 : vector<1x128xf32>
    %add3A_57 = arith.addf %get3A_52, %mul3A_56 : vector<1x128xf32>
    %swap3A = arith.constant 0 : index
    %swap3A_58 = arith.constant 0 : index
    %swap3A_59 = vector.load %arg6[%swap3A, %swap3A_58] : memref<1x128xf32, #tpu.memory_space<vmem>>, vector<1x128xf32>
    tpu.vector_store %arg6[%swap3A, %swap3A_58], %add3A_57 {strides = array<i32>} : memref<1x128xf32, #tpu.memory_space<vmem>>, vector<1x128xf32>,
    return
  }
  func.func @transform_0(%arg0: i32) -> (i32, i32, i32) {
    %c0_i32 = arith.constant 0 : i32
    %c0_i32_0 = arith.constant 0 : i32
    %c0_i32_1 = arith.constant 0 : i32
    return %c0_i32, %arg0, %c0_i32_0 : i32, i32, i32
  }
  func.func @transform_1(%arg0: i32) -> (i32, i32) {
    %c0_i32 = arith.constant 0 : i32
    %c0_i32_0 = arith.constant 0 : i32
    return %arg0, %c0_i32 : i32, i32
  }
  func.func @transform_2(%arg0: i32) -> (i32, i32) {
    %c0_i32 = arith.constant 0 : i32
    %c0_i32_0 = arith.constant 0 : i32
    return %arg0, %c0_i32 : i32, i32
  }
  func.func @transform_3(%arg0: i32) -> (i32, i32) {
    %c0_i32 = arith.constant 0 : i32
    %c0_i32_0 = arith.constant 0 : i32
    %c0_i32_1 = arith.constant 0 : i32
    return %c0_i32, %c0_i32_0 : i32, i32
  }
  func.func @transform_4(%arg0: i32) -> (i32, i32) {
    %c0_i32 = arith.constant 0 : i32
    %c0_i32_0 = arith.constant 0 : i32
    %c0_i32_1 = arith.constant 0 : i32
    return %c0_i32, %c0_i32_0 : i32, i32
  }
  func.func @transform_5(%arg0: i32) -> (i32, i32) {
    %c0_i32 = arith.constant 0 : i32
    %c0_i32_0 = arith.constant 0 : i32
    %c0_i32_1 = arith.constant 0 : i32
    return %c0_i32, %c0_i32_0 : i32, i32
  }
}

</mosaic_0001>

<sc_bundles>
// kernel: kernel.35.cloned.1.call-start
scs
__scs_entry_jumppad:
0x0: {  	(pc) =	sbr.rel $0x88, $3  }
0x1: {  	(tag) =	ssettag $0x0;
	lr =	simm.s32 $0x1  }
0x2: {  	[smem:$0x3F93] =	sst lr;
	_ =	strace $0xD0000000  }
0x3: {  	_ = 	snop  }
0x4: {  	_ = 	snop  }
0x5: {  	_ = 	snop  }
0x6: {  	_ = 	snop  }
0x7: {  	_ = 	snop  }
__scs_overlays_trampoline_lowered:
0x8: {  	[smem:$0x3FA2] =	sst s0  }
0x9: {  	[smem:$0x3FA3] =	sst s1  }
0xa: {  	[smem:$0x3FA4] =	sst s2  }
0xb: {  	[smem:$0x3FA5] =	sst s3  }
0xc: {  	[smem:$0x3FA6] =	sst s4  }
0xd: {  	[smem:$0x3FA7] =	sst s5  }
0xe: {  	[smem:$0x3FA8] =	sst s6  }
0xf: {  	[smem:$0x3FA9] =	sst s7  }
0x10: {  	[smem:$0x3FAA] =	sst s8  }
0x11: {  	[smem:$0x3FAB] =	sst s9;
	s0 =	simm.s32 @!p0 $0x0  }
0x12: {  	s1 =	sld [smem:$0x3F91];
	s0 =	simm.s32 @p0 $0x1  }
0x13: {  	[smem:$0x3FAC] =	sst s0;
	s0 =	simm.s32 @!p1 $0x0  }
0x14: {  	s2 =	sld [smem:$0x3F90];
	s0 =	simm.s32 @p1 $0x1  }
0x15: {  	[smem:$0x3FAD] =	sst s0;
	s0 =	simm.s32 @!p2 $0x0  }
0x16: {  	s3 =	sld [smem:$0x3FDB];
	s0 =	simm.s32 @p2 $0x1  }
0x17: {  	s4 =	simm.s32 $0x1BF5;
	[smem:$0x3FAF] =	sst s0  }
0x18: {  	s0 =	sld [smem:$0x3F92];
	_ =	swait.ge [sflag:s4], $0x0  }
0x19: {  	s7 =	sld [smem:$0x3F93]  }
0x1a: {  	s8 =	sadd.s32 $0xFFFFE003, lr  }
0x1b: {  	s9 =	sadd.s32 $0xFFFFFEF7, lr;
	s5 =	simm.s32 $0xFFFFFFFF;
	p2 =	slt.u32 s8, $0xFFFFF086  }
0x1c: {  	p1 =	slt.u32 s9, $0xF7A;
	s5 =	simm.s32 @!p2 $0x0  }
0x1d: {  	s5 =	simm.s32 @p1 $0x1;
	p0 =	seq.s32 s7, s2  }
0x1e: {  	s7 =	smul.u32 @!p0 $0xF7A, s2;
	p2 =	seq.s32 @!p0 s5, $0x0  }
0x1f: {  	s9 =	smul.u32 $0xF7A, s1;
	s8 =	simm.s32 @!p0 $0x1BF5;
	p2 =	por !p2, p0  }
0x20: {  	[sflag:s8] =	ssyncset.s32 @!p0 $0xFFFFF086;
	s6 =	sadd.s32 @!p0 s3, s7;
	s7 =	simm.s32 @!p0 $0x108  }
0x21: {  	s3 =	sadd.s32 s3, s9;
	s6 =	sadd.s32 @!p0 $0x88, s6;
	s7 =	simm.s32 @p2 $0x1082  }
0x22: {  	[simem:s7], [sflag:s8] =	dma.local @!p0 [hbm:s6], $0xF7A  }
0x23: {  	s9 =	sor.u32 $0xD0000000, s2;
	s6 =	simm.s32 $0x108;
	_ =	swait.ge @!p0 [sflag:s8], $0x0  }
0x24: {  	s3 =	sadd.s32 $0x88, s3;
	s6 =	simm.s32 @!p1 $0x1082;
	[sflag:s4] =	ssyncset.s32 $0xFFFFF086  }
0x25: {  	[simem:s6], [sflag:s4] =	dma.local [hbm:s3], $0xF7A  }
0x26: {  	[smem:$0x3F93] =	sst s1;
	(tag) =	ssettag s2;
	_ =	strace s9  }
0x27: {  	s1 =	sld [smem:$0x3FA3]  }
0x28: {  	s2 =	sld [smem:$0x3FA4]  }
0x29: {  	s4 =	sld [smem:$0x3FA6]  }
0x2a: {  	p0 =	seq.s32 s5, $0x0;
	s5 =	sld [smem:$0x3FA7]  }
0x2b: {  	s6 =	sld [smem:$0x3FA8]  }
0x2c: {  	s7 =	sld [smem:$0x3FA9]  }
0x2d: {  	s3 =	simm.s32 $0x108;
	s8 =	sld [smem:$0x3FAA]  }
0x2e: {  	s3 =	simm.s32 @!p0 $0x1082;
	s9 =	sld [smem:$0x3FAB]  }
0x2f: {  	lr =	sadd.s32 s0, s3;
	s0 =	sld [smem:$0x3FA2]  }
0x30: {  	s3 =	sld [smem:$0x3FA5]  }
0x31: {  	[smem:$0x3FAE] =	sst s10  }
0x32: {  	s10 =	sld [smem:$0x3FAC];
	_ =	sdelay $0x3  }
0x33: {  	p0 =	seq.s32 s10, $0x1;
	s10 =	sld [smem:$0x3FAE];
	_ =	sdelay $0x3  }
0x34: {  	[smem:$0x3FAE] =	sst s10  }
0x35: {  	s10 =	sld [smem:$0x3FAD];
	_ =	sdelay $0x3  }
0x36: {  	p1 =	seq.s32 s10, $0x1;
	s10 =	sld [smem:$0x3FAE];
	_ =	sdelay $0x3  }
0x37: {  	[smem:$0x3FAE] =	sst s10  }
0x38: {  	s10 =	sld [smem:$0x3FAF]  }
0x39: {  	_ = 	snop;
	(pc) =	sbr.ind lr, $3  }
0x3a: {  	_ = 	snop  }
0x3b: {  	_ = 	snop  }
0x3c: {  	p2 =	seq.s32 s10, $0x1;
	s10 =	sld [smem:$0x3FAE]  }
0x3d: {  	_ =	shalt  }
0x3e: {  	_ =	shalt  }
0x3f: {  	_ =	shalt  }
0x40: {  	_ =	shalt  }
0x41: {  	_ =	shalt  }
0x42: {  	_ =	shalt  }
0x43: {  	_ =	shalt  }
0x44: {  	_ =	shalt  }
0x45: {  	_ =	shalt  }
0x46: {  	_ =	shalt  }
0x47: {  	_ =	shalt  }
0x48: {  	_ =	shalt  }
0x49: {  	_ =	shalt  }
0x4a: {  	_ =	shalt  }
0x4b: {  	_ =	shalt  }
0x4c: {  	_ =	shalt  }
0x4d: {  	_ =	shalt  }
0x4e: {  	_ =	shalt  }
0x4f: {  	_ =	shalt  }
0x50: {  	_ =	shalt  }
0x51: {  	_ =	shalt  }
0x52: {  	_ =	shalt  }
0x53: {  	_ =	shalt  }
0x54: {  	_ =	shalt  }
0x55: {  	_ =	shalt  }
0x56: {  	_ =	shalt  }
0x57: {  	_ =	shalt  }
0x58: {  	_ =	shalt  }
0x59: {  	_ =	shalt  }
0x5a: {  	_ =	shalt  }
0x5b: {  	_ =	shalt  }
0x5c: {  	_ =	shalt  }
0x5d: {  	_ =	shalt  }
0x5e: {  	_ =	shalt  }
0x5f: {  	_ =	shalt  }
0x60: {  	_ =	shalt  }
0x61: {  	_ =	shalt  }
0x62: {  	_ =	shalt  }
0x63: {  	_ =	shalt  }
0x64: {  	_ =	shalt  }
0x65: {  	_ =	shalt  }
0x66: {  	_ =	shalt  }
0x67: {  	_ =	shalt  }
0x68: {  	_ =	shalt  }
0x69: {  	_ =	shalt  }
0x6a: {  	_ =	shalt  }
0x6b: {  	_ =	shalt  }
0x6c: {  	_ =	shalt  }
0x6d: {  	_ =	shalt  }
0x6e: {  	_ =	shalt  }
0x6f: {  	_ =	shalt  }
0x70: {  	_ =	shalt  }
0x71: {  	_ =	shalt  }
0x72: {  	_ =	shalt  }
0x73: {  	_ =	shalt  }
0x74: {  	_ =	shalt  }
0x75: {  	_ =	shalt  }
0x76: {  	_ =	shalt  }
0x77: {  	_ =	shalt  }
0x78: {  	_ =	shalt  }
0x79: {  	_ =	shalt  }
0x7a: {  	_ =	shalt  }
0x7b: {  	_ =	shalt  }
0x7c: {  	_ =	shalt  }
0x7d: {  	_ =	shalt  }
0x7e: {  	_ =	shalt  }
0x7f: {  	_ =	shalt  }
0x80: {  	_ =	shalt  }
0x81: {  	_ =	shalt  }
0x82: {  	_ =	shalt  }
0x83: {  	_ =	shalt  }
0x84: {  	_ =	shalt  }
0x85: {  	_ =	shalt  }
0x86: {  	_ =	shalt  }
0x87: {  	_ =	shalt  }
.Lfunc_end0:
.L_simem_size_0:
called_computation_lowered:
.L_overlay_start_0:
0x88: {  	s2 =	sld [smem:$0x3FD9]  }
0x89: {  	s3 =	sld [smem:$0x3FFE];
	_ =	sdelay $0x1  }
0x8a: {  	s1 =	srdreg.scid  }
0x8b: {  	s0 =	sand.u32 $0x1, s1  }
0x8c: {  	s16 =	sshll.u32 s0, $0xA;
	s2 =	sadd.s32 s3, s2  }
0x8d: {  	s2 =	sadd.s32 s2, s16  }
0x8e: {  	[smem:$0x3FBA] =	sst s2  }
0x8f: {  	_ = 	snop  }
0x90: {  	(tm) =	ssettm $0x1  }
0x91: {  	s17 =	sld [smem:$0x3FFB];
	_ =	sdelay $0x3  }
0x92: {  	_ =	strace s17  }
0x93: {  	s2 =	sld [smem:$0x3FFC];
	_ =	sdelay $0x3  }
0x94: {  	_ =	strace s2  }
0x95: {  	s2 =	sld [smem:$0x3FFD];
	_ =	sdelay $0x3  }
0x96: {  	_ =	strace s2  }
0x97: {  	_ =	strace $0x8FFFFFFF  }
0x98: {  	s18 =	sld [smem:$0x3FDB];
	_ =	sdelay $0x1  }
0x99: {  	s19 =	simm.s32 $_scs_section_size  }
0x9a: {  	s4 =	simm.s32 $_size__tile_overlayer_lowered;
	s5 =	simm.s32 $_tile_overlayer_lowered  }
0x9b: {  	s22 =	simm.s32 $0x1BFF;
	s21 =	sshll.u32 s5, $0x1;
	s2 =	sadd.s32 s19, s18  }
0x9c: {  	s6 =	simm.s32 $0x0;
	s20 =	sshll.u32 s4, $0x1;
	s4 =	sadd.s32 s21, s2  }
0x9d: {  	[timem:s6], [sflag:s22] =	dma.local [hbm:s4], s20  }
0x9e: {  	_ =	swait.ge [sflag:s22], s20  }
0x9f: {  	s3 =	ssub.s32 $0x0, s20;
	[sflag:s22] =	ssyncset.done $0x0  }
0xa0: {  	[sflag:s22] =	ssyncadd.s32 s3;
	_ =	sdelay $0x1  }
0xa1: {  	s23 =	simm.s32 $0x1B8B  }
0xa2: {  	_ =	swait.ge [sflag:s23], $0x1  }
0xa3: {  	[sflag:s23] =	ssyncset.done $0x0  }
0xa4: {  	s25 =	simm.s32 $0x1B8E;
	s24 =	sld [smem:$0x3FFE];
	[sflag:s23] =	ssyncadd.s32 $0xFFFFFFFF  }
0xa5: {  	s26 =	simm.s32 $execute0_lowered;
	[smem:$0x3FD2] =	sst s25  }
0xa6: {  	s4 =	sshll.u32 s26, $0x1;
	_ =	strace $0x80000046;
	[dreg:$0x1] =	wrdreg $0xFFFFFFFF  }
0xa7: {  	s28 =	simm.s32 $_size_execute0_lowered;
	s2 =	sadd.s32 s2, s4;
	[dreg:$0x0] =	wrdreg $0x0  }
0xa8: {  	s4 =	sshll.u32 s28, $0x1;
	[dreg:$0x2] =	wrdreg s2  }
0xa9: {  	[dreg:$0x3] =	wrdreg s4  }
0xaa: {  	[dreg:$0x4] =	wrdreg $0xC0  }
0xab: {  	_ =	task [dreg:s6], $0x5FFFF  }
0xac: {  	[dreg:$0x1] =	wrdreg $0xFFFFFFFF  }
0xad: {  	[dreg:$0x0] =	wrdreg $0x60  }
0xae: {  	[dreg:$0x2] =	wrdreg s24  }
0xaf: {  	[dreg:$0x3] =	wrdreg $0x41000  }
0xb0: {  	[dreg:$0x4] =	wrdreg $0x9  }
0xb1: {  	_ =	task.clear_ibuf [dreg:s6], $0x5FFFF;
	_ =	strace $0x90000046  }
0xb2: {  	s29 =	simm.s32 $0x9;
	_ =	strace $0x80000048  }
0xb3: {  	_ =	swait.ge [sflag:s29], $0x1  }
0xb4: {  	[sflag:s29] =	ssyncadd.s32 $0xFFFFFFFF  }
0xb5: {  	_ =	strace $0x90000048  }
0xb6: {  	_ =	sfence  }
0xb7: {  	s30 =	sld [smem:$0x0];
	_ =	sdelay $0x2  }
0xb8: {  	s31 =	sshll.u32 s1, $0xD;
	s1 =	sshrl.u32 s1, $0x2  }
0xb9: {  	s3 =	sand.u32 $0x4000, s31;
	s1 =	sadd.s32 s1, s30  }
0xba: {  	s0 =	sor.u32 s3, s0;
	s1 =	sshll.u32 s1, $0x11  }
0xbb: {  	s0 =	sor.u32 s1, s0  }
0xbc: {  	s0 =	sadd.s32 $0x8F2B, s0  }
0xbd: {  	[sflag:s0] =	ssyncadd.remote.s32 $0x1  }
0xbe: {  	_ =	sfence.sel $0xFFFF  }
0xbf: {  	[dreg:$0x0] =	wrdreg $0xFFFFFFFF;
	(pc) =	sbr.abs _section_cstart, $3  }
0xc0: {  	[dreg:$0x1] =	wrdreg $0xFFFFFFFF  }
0xc1: {  	_ =	task.clear_ibuf [dreg:s6], $0x2FFFF;
	_ =	strace $0x9FFFFFFF  }
0xc2: {  	(tm) =	ssettm $0x7FFFFFFF  }
0xc3: {  	_ =	shalt  }
tec
execute0_lowered:
.L_overlay_start_1:
0x0: {  	(tag) =	ssettag $0x1  }
0x1: {  	s5 =	rddreg [dreg:$0x0];
	s0 =	srdreg.scid  }
0x2: {  	s2 =	rddreg [dreg:$0x1];
	s1 =	stileid.u32  }
0x3: {  	s3 =	simm.s32 $0x0;
	s13 =	simm.s32 $0x80;
	s8 =	smul.u32 $0x13C00, s1  }
0x4: {  	s14 =	simm.s32 $0x100;
	s15 =	simm.s32 $0x1;
	s26 =	smul.u32 $0x4F000, s1  }
0x5: {  	s6 =	sand.u32 $0x1, s0;
	s0 =	rddreg [dreg:$0x2];
	s30 =	smul.u32 $0x4F0, s1  }
0x6: {  	s16 =	simm.s32 $0x0;
	[smem:$0x7FF] =	sst s3;
	s7 =	smul.u32 $0x4F00, s6  }
0x7: {  	s4 =	sadd.s32 $0x92400, s5;
	s31 =	sshll.u32 s1, $0x6;
	s9 =	smul.u32 $0x13C000, s6  }
0x8: {  	_ =	strace $0x80000047;
	s6 =	ssub.s32 $0x2, s6;
	s25 =	sshrl.u32 s8, $0x3  }
0x9: {  	s28 =	sshrl.u32 s6, $0x1;
	s29 =	sshrl.u32 s26, $0x2;
	s10 =	sadd.s32 s7, s5  }
0xa: {  	s8 =	sadd.s32 s8, s9;
	s7 =	sadd.s32 s25, s5;
	s11 =	ssub.s32 s6, s28  }
0xb: {  	s12 =	sadd.s32 s29, s2;
	s6 =	sor.u32 $0x1C02, s31;
	s8 =	sshrl.u32 s8, $0x3  }
0xc: {  	s10 =	sadd.s32 s30, s10;
	s8 =	sadd.s32 s8, s5;
	s5 =	sadd.s32 $0xB9600, s7  }
0xd: {  	s9 =	sadd.s32 $0x13200, s10;
	s10 =	sadd.s32 $0x9400, s10;
	s7 =	sadd.s32 $0xE0E00, s8  }
0xe: {  	s8 =	smax.u32 s11, $0x1;
	s11 =	sshrl.u32 s12, $0x3;
	s12 =	simm.s32 $0x2  }
.LBB2_1:
0xf: {  	[spmem:s11], [sflag:s6] =	dma.local [hbm:s5], $0x2780  }
0x10: {  	_ =	swait.ge [sflag:s12], $0x2780  }
0x11: {  	[sflag:s12] =	ssyncset.done $0x0  }
0x12: {  	[sflag:s12] =	ssyncadd.s32 $0xFFFFD880  }
0x13: {  	s17 =	sadd.s32 $0x0, s10;
	[bflag:$0x0] =	sbarrier.arrive $0xFFFF  }
0x14: {  	[tilespmem:s3], [sflag:$0x2] =	stream.linear.gather [hbm4b:s17+s3], $0x80, $0x38;
	[tilespmem:$0x17D00] =	vst v63  }
0x15: {  	_ =	swait.ge [sflag:s12], $0x80  }
0x16: {  	[sflag:s12] =	ssyncset.done $0x0  }
0x17: {  	s31 =	sadd.s32 $0x0, s9;
	[sflag:s12] =	ssyncadd.s32 $0xFFFFFF80  }
0x18: {  	[tilespmem:s13], [sflag:$0x2] =	stream.linear.gather [hbm4b:s31+s3], $0x80, $0x38;
	[tilespmem:$0x17D00] =	vst v63  }
0x19: {  	_ =	swait.ge [sflag:s12], $0x80  }
0x1a: {  	[sflag:s12] =	ssyncset.done $0x0  }
0x1b: {  	[sflag:s12] =	ssyncadd.s32 $0xFFFFFF80  }
0x1c: {  	[tilespmem:s14], [sflag:$0x1] =	stream.indirect.gather [hbm4b:s4+s13], $0x80, s3, s13, $0xb8;
	[tilespmem:$0x17D00] =	vst v63  }
0x1d: {  	_ =	swait.ge [sflag:s15], $0x4000  }
0x1e: {  	[sflag:s15] =	ssyncset.done $0x0  }
0x1f: {  	[sflag:s15] =	ssyncadd.s32 $0xFFFFC000  }
0x20: {  	[spmem:s2] =	stream.indirect.scatter.add.f32 [tilespmem:s14], [sflag:$0x2], $0x80, s13, s13, $0xb8;
	[tilespmem:$0x17D00] =	vst v63  }
0x21: {  	_ =	swait.ge [sflag:s12], $0x4000  }
0x22: {  	s18 =	simm.s32 $0x20;
	s17 =	simm.s32 $0x10;
	[sflag:s12] =	ssyncset.done $0x0  }
.LBB2_2:
0x23: {  	s19 =	sadd.s32 s17, s10  }
0x24: {  	[sflag:s12] =	ssyncadd.s32 $0xFFFFC000;
	s20 =	smov.u32 s18;
	s21 =	sadd.s32 $0x10, s18  }
0x25: {  	[tilespmem:s3], [sflag:$0x2] =	stream.linear.gather [hbm4b:s19+s3], $0x80, $0x38;
	[tilespmem:$0x17D00] =	vst v63  }
0x26: {  	p0 =	sne.s32 s18, $0x4E0;
	_ =	swait.ge [sflag:s12], $0x80  }
0x27: {  	[sflag:s12] =	ssyncset.done $0x0  }
0x28: {  	s18 =	sadd.s32 s17, s9;
	s17 =	smov.u32 s20;
	[sflag:s12] =	ssyncadd.s32 $0xFFFFFF80  }
0x29: {  	[tilespmem:s13], [sflag:$0x2] =	stream.linear.gather [hbm4b:s18+s3], $0x80, $0x38;
	[tilespmem:$0x17D00] =	vst v63  }
0x2a: {  	_ =	swait.ge [sflag:s12], $0x80  }
0x2b: {  	[sflag:s12] =	ssyncset.done $0x0  }
0x2c: {  	[sflag:s12] =	ssyncadd.s32 $0xFFFFFF80  }
0x2d: {  	[tilespmem:s14], [sflag:$0x1] =	stream.indirect.gather [hbm4b:s4+s13], $0x80, s3, s13, $0xb8;
	[tilespmem:$0x17D00] =	vst v63  }
0x2e: {  	_ =	swait.ge [sflag:s15], $0x4000  }
.Ltmp0:
0x2f: {  	[sflag:s15] =	ssyncset.done $0x0;
	(pc) =	sbr.rel @p0 .LBB2_2-.Ltmp0, $4  }
0x30: {  	[sflag:s15] =	ssyncadd.s32 $0xFFFFC000  }
0x31: {  	[spmem:s2] =	stream.indirect.scatter.add.f32 [tilespmem:s14], [sflag:$0x2], $0x80, s13, s13, $0xb8;
	[tilespmem:$0x17D00] =	vst v63  }
0x32: {  	_ =	swait.ge [sflag:s12], $0x4000  }
0x33: {  	s18 =	smov.u32 s21;
	[sflag:s12] =	ssyncset.done $0x0  }
0x34: {  	s18 =	sadd.s32 s17, s10;
	[sflag:s12] =	ssyncadd.s32 $0xFFFFC000  }
0x35: {  	[tilespmem:s3], [sflag:$0x2] =	stream.linear.gather [hbm4b:s18+s3], $0x80, $0x38;
	[tilespmem:$0x17D00] =	vst v63  }
0x36: {  	_ =	swait.ge [sflag:s12], $0x80  }
0x37: {  	[sflag:s12] =	ssyncset.done $0x0  }
0x38: {  	s31 =	sadd.s32 s17, s9;
	[sflag:s12] =	ssyncadd.s32 $0xFFFFFF80  }
0x39: {  	[tilespmem:s13], [sflag:$0x2] =	stream.linear.gather [hbm4b:s31+s3], $0x80, $0x38;
	[tilespmem:$0x17D00] =	vst v63  }
0x3a: {  	_ =	swait.ge [sflag:s12], $0x80  }
0x3b: {  	[sflag:s12] =	ssyncset.done $0x0  }
0x3c: {  	[sflag:s12] =	ssyncadd.s32 $0xFFFFFF80  }
0x3d: {  	[tilespmem:s14], [sflag:$0x1] =	stream.indirect.gather [hbm4b:s4+s13], $0x80, s3, s13, $0xb8;
	[tilespmem:$0x17D00] =	vst v63  }
0x3e: {  	_ =	swait.ge [sflag:s15], $0x4000  }
0x3f: {  	[sflag:s15] =	ssyncset.done $0x0  }
0x40: {  	[sflag:s15] =	ssyncadd.s32 $0xFFFFC000  }
0x41: {  	[spmem:s2] =	stream.indirect.scatter.add.f32 [tilespmem:s14], [sflag:$0x2], $0x80, s13, s13, $0xb8;
	[tilespmem:$0x17D00] =	vst v63  }
0x42: {  	_ =	swait.ge [sflag:s12], $0x4000  }
0x43: {  	s16 =	sadd.s32 $0x1, s16;
	[sflag:s12] =	ssyncset.done $0x0  }
0x44: {  	p0 =	sne.s32 s16, s8;
	[sflag:s12] =	ssyncadd.s32 $0xFFFFC000  }
.Ltmp1:
0x45: {  	[bflag:$0x0] =	sbarrier.arrive $0xFFFF;
	(pc) =	sbr.rel @p0 .LBB2_1-.Ltmp1, $4  }
0x46: {  	[hbm:s7], [sflag:s6] =	dma.local [spmem:s11], $0x2780  }
0x47: {  	_ =	swait.ge [sflag:s12], $0x2780  }
0x48: {  	[sflag:s12] =	ssyncset.done $0x0  }
0x49: {  	[sflag:s12] =	ssyncadd.s32 $0xFFFFD880  }
0x4a: {  	_ =	sfence.sel $0x180000  }
0x4b: {  	[bflag:$0x0] =	sbarrier.arrive $0xFFFF  }
0x4c: {  	p0 =	sne.s32 s1, $0x0;
	_ =	strace $0x90000047  }
0x4d: {  	s0 =	sadd.s32 @!p0 $0x100000, s0;
	[bflag:$0x2] =	sbarrier.arrive $0xFFFF  }
0x4e: {  	[sflag:s0] =	ssyncadd.tile.s32 @!p0 $0x1;
	_ =	shalt  }
.Lfunc_end2:
_tile_overlayer_lowered:
.L_overlay_start_2:
0x4f: {  	(tag) =	ssettag $0x2  }
0x50: {  	s0 =	rddreg [dreg:$0x0];
	s2 =	stileid.u32  }
0x51: {  	s1 =	rddreg [dreg:$0x1];
	p0 =	sne.s32 s2, $0x0  }
0x52: {  	s3 =	rddreg [dreg:$0x2];
	[bflag:$0x3] =	sbarrier.arrive $0xFFFF;
	s2 =	simm.s32 @!p0 $0x1C02  }
0x53: {  	[timem:s3], [sflag:s2] =	dma.local @!p0 [hbm:s0], s1  }
0x54: {  	s0 =	simm.s32 @!p0 $0x2  }
0x55: {  	_ =	swait.ge @!p0 [sflag:s0], s1  }
0x56: {  	s1 =	ssub.s32 @!p0 $0x0, s1;
	[sflag:s0] =	ssyncset.done @!p0 $0x0  }
0x57: {  	[sflag:s0] =	ssyncadd.s32 @!p0 s1  }
0x58: {  	[bflag:$0x3] =	sbarrier.arrive $0xFFFF  }
0x59: {  	_ =	shalt  }

// kernel: kernel.38.cloned.1.call-start
scs
__scs_entry_jumppad:
0x0: {  	(pc) =	sbr.rel $0x88, $3  }
0x1: {  	(tag) =	ssettag $0x0;
	lr =	simm.s32 $0x1  }
0x2: {  	[smem:$0x3F93] =	sst lr;
	_ =	strace $0xD0000000  }
0x3: {  	_ = 	snop  }
0x4: {  	_ = 	snop  }
0x5: {  	_ = 	snop  }
0x6: {  	_ = 	snop  }
0x7: {  	_ = 	snop  }
__scs_overlays_trampoline_lowered:
0x8: {  	[smem:$0x3FA2] =	sst s0  }
0x9: {  	[smem:$0x3FA3] =	sst s1  }
0xa: {  	[smem:$0x3FA4] =	sst s2  }
0xb: {  	[smem:$0x3FA5] =	sst s3  }
0xc: {  	[smem:$0x3FA6] =	sst s4  }
0xd: {  	[smem:$0x3FA7] =	sst s5  }
0xe: {  	[smem:$0x3FA8] =	sst s6  }
0xf: {  	[smem:$0x3FA9] =	sst s7  }
0x10: {  	[smem:$0x3FAA] =	sst s8  }
0x11: {  	[smem:$0x3FAB] =	sst s9;
	s0 =	simm.s32 @!p0 $0x0  }
0x12: {  	s1 =	sld [smem:$0x3F91];
	s0 =	simm.s32 @p0 $0x1  }
0x13: {  	[smem:$0x3FAC] =	sst s0;
	s0 =	simm.s32 @!p1 $0x0  }
0x14: {  	s2 =	sld [smem:$0x3F90];
	s0 =	simm.s32 @p1 $0x1  }
0x15: {  	[smem:$0x3FAD] =	sst s0;
	s0 =	simm.s32 @!p2 $0x0  }
0x16: {  	s3 =	sld [smem:$0x3FDB];
	s0 =	simm.s32 @p2 $0x1  }
0x17: {  	s4 =	simm.s32 $0x1BF5;
	[smem:$0x3FAF] =	sst s0  }
0x18: {  	s0 =	sld [smem:$0x3F92];
	_ =	swait.ge [sflag:s4], $0x0  }
0x19: {  	s7 =	sld [smem:$0x3F93]  }
0x1a: {  	s8 =	sadd.s32 $0xFFFFE003, lr  }
0x1b: {  	s9 =	sadd.s32 $0xFFFFFEF7, lr;
	s5 =	simm.s32 $0xFFFFFFFF;
	p2 =	slt.u32 s8, $0xFFFFF086  }
0x1c: {  	p1 =	slt.u32 s9, $0xF7A;
	s5 =	simm.s32 @!p2 $0x0  }
0x1d: {  	s5 =	simm.s32 @p1 $0x1;
	p0 =	seq.s32 s7, s2  }
0x1e: {  	s7 =	smul.u32 @!p0 $0xF7A, s2;
	p2 =	seq.s32 @!p0 s5, $0x0  }
0x1f: {  	s9 =	smul.u32 $0xF7A, s1;
	s8 =	simm.s32 @!p0 $0x1BF5;
	p2 =	por !p2, p0  }
0x20: {  	[sflag:s8] =	ssyncset.s32 @!p0 $0xFFFFF086;
	s6 =	sadd.s32 @!p0 s3, s7;
	s7 =	simm.s32 @!p0 $0x108  }
0x21: {  	s3 =	sadd.s32 s3, s9;
	s6 =	sadd.s32 @!p0 $0x88, s6;
	s7 =	simm.s32 @p2 $0x1082  }
0x22: {  	[simem:s7], [sflag:s8] =	dma.local @!p0 [hbm:s6], $0xF7A  }
0x23: {  	s9 =	sor.u32 $0xD0000000, s2;
	s6 =	simm.s32 $0x108;
	_ =	swait.ge @!p0 [sflag:s8], $0x0  }
0x24: {  	s3 =	sadd.s32 $0x88, s3;
	s6 =	simm.s32 @!p1 $0x1082;
	[sflag:s4] =	ssyncset.s32 $0xFFFFF086  }
0x25: {  	[simem:s6], [sflag:s4] =	dma.local [hbm:s3], $0xF7A  }
0x26: {  	[smem:$0x3F93] =	sst s1;
	(tag) =	ssettag s2;
	_ =	strace s9  }
0x27: {  	s1 =	sld [smem:$0x3FA3]  }
0x28: {  	s2 =	sld [smem:$0x3FA4]  }
0x29: {  	s4 =	sld [smem:$0x3FA6]  }
0x2a: {  	p0 =	seq.s32 s5, $0x0;
	s5 =	sld [smem:$0x3FA7]  }
0x2b: {  	s6 =	sld [smem:$0x3FA8]  }
0x2c: {  	s7 =	sld [smem:$0x3FA9]  }
0x2d: {  	s3 =	simm.s32 $0x108;
	s8 =	sld [smem:$0x3FAA]  }
0x2e: {  	s3 =	simm.s32 @!p0 $0x1082;
	s9 =	sld [smem:$0x3FAB]  }
0x2f: {  	lr =	sadd.s32 s0, s3;
	s0 =	sld [smem:$0x3FA2]  }
0x30: {  	s3 =	sld [smem:$0x3FA5]  }
0x31: {  	[smem:$0x3FAE] =	sst s10  }
0x32: {  	s10 =	sld [smem:$0x3FAC];
	_ =	sdelay $0x3  }
0x33: {  	p0 =	seq.s32 s10, $0x1;
	s10 =	sld [smem:$0x3FAE];
	_ =	sdelay $0x3  }
0x34: {  	[smem:$0x3FAE] =	sst s10  }
0x35: {  	s10 =	sld [smem:$0x3FAD];
	_ =	sdelay $0x3  }
0x36: {  	p1 =	seq.s32 s10, $0x1;
	s10 =	sld [smem:$0x3FAE];
	_ =	sdelay $0x3  }
0x37: {  	[smem:$0x3FAE] =	sst s10  }
0x38: {  	s10 =	sld [smem:$0x3FAF]  }
0x39: {  	_ = 	snop;
	(pc) =	sbr.ind lr, $3  }
0x3a: {  	_ = 	snop  }
0x3b: {  	_ = 	snop  }
0x3c: {  	p2 =	seq.s32 s10, $0x1;
	s10 =	sld [smem:$0x3FAE]  }
0x3d: {  	_ =	shalt  }
0x3e: {  	_ =	shalt  }
0x3f: {  	_ =	shalt  }
0x40: {  	_ =	shalt  }
0x41: {  	_ =	shalt  }
0x42: {  	_ =	shalt  }
0x43: {  	_ =	shalt  }
0x44: {  	_ =	shalt  }
0x45: {  	_ =	shalt  }
0x46: {  	_ =	shalt  }
0x47: {  	_ =	shalt  }
0x48: {  	_ =	shalt  }
0x49: {  	_ =	shalt  }
0x4a: {  	_ =	shalt  }
0x4b: {  	_ =	shalt  }
0x4c: {  	_ =	shalt  }
0x4d: {  	_ =	shalt  }
0x4e: {  	_ =	shalt  }
0x4f: {  	_ =	shalt  }
0x50: {  	_ =	shalt  }
0x51: {  	_ =	shalt  }
0x52: {  	_ =	shalt  }
0x53: {  	_ =	shalt  }
0x54: {  	_ =	shalt  }
0x55: {  	_ =	shalt  }
0x56: {  	_ =	shalt  }
0x57: {  	_ =	shalt  }
0x58: {  	_ =	shalt  }
0x59: {  	_ =	shalt  }
0x5a: {  	_ =	shalt  }
0x5b: {  	_ =	shalt  }
0x5c: {  	_ =	shalt  }
0x5d: {  	_ =	shalt  }
0x5e: {  	_ =	shalt  }
0x5f: {  	_ =	shalt  }
0x60: {  	_ =	shalt  }
0x61: {  	_ =	shalt  }
0x62: {  	_ =	shalt  }
0x63: {  	_ =	shalt  }
0x64: {  	_ =	shalt  }
0x65: {  	_ =	shalt  }
0x66: {  	_ =	shalt  }
0x67: {  	_ =	shalt  }
0x68: {  	_ =	shalt  }
0x69: {  	_ =	shalt  }
0x6a: {  	_ =	shalt  }
0x6b: {  	_ =	shalt  }
0x6c: {  	_ =	shalt  }
0x6d: {  	_ =	shalt  }
0x6e: {  	_ =	shalt  }
0x6f: {  	_ =	shalt  }
0x70: {  	_ =	shalt  }
0x71: {  	_ =	shalt  }
0x72: {  	_ =	shalt  }
0x73: {  	_ =	shalt  }
0x74: {  	_ =	shalt  }
0x75: {  	_ =	shalt  }
0x76: {  	_ =	shalt  }
0x77: {  	_ =	shalt  }
0x78: {  	_ =	shalt  }
0x79: {  	_ =	shalt  }
0x7a: {  	_ =	shalt  }
0x7b: {  	_ =	shalt  }
0x7c: {  	_ =	shalt  }
0x7d: {  	_ =	shalt  }
0x7e: {  	_ =	shalt  }
0x7f: {  	_ =	shalt  }
0x80: {  	_ =	shalt  }
0x81: {  	_ =	shalt  }
0x82: {  	_ =	shalt  }
0x83: {  	_ =	shalt  }
0x84: {  	_ =	shalt  }
0x85: {  	_ =	shalt  }
0x86: {  	_ =	shalt  }
0x87: {  	_ =	shalt  }
.Lfunc_end0:
.L_simem_size_0:
called_computation.1_lowered:
.L_overlay_start_0:
0x88: {  	s2 =	sld [smem:$0x3FD9]  }
0x89: {  	s3 =	sld [smem:$0x3FFE];
	_ =	sdelay $0x1  }
0x8a: {  	s1 =	srdreg.scid  }
0x8b: {  	s0 =	sand.u32 $0x1, s1  }
0x8c: {  	s16 =	sshll.u32 s0, $0xA;
	s2 =	sadd.s32 s3, s2  }
0x8d: {  	s2 =	sadd.s32 s2, s16  }
0x8e: {  	[smem:$0x3FBA] =	sst s2  }
0x8f: {  	_ = 	snop  }
0x90: {  	(tm) =	ssettm $0x1  }
0x91: {  	s17 =	sld [smem:$0x3FFB];
	_ =	sdelay $0x3  }
0x92: {  	_ =	strace s17  }
0x93: {  	s2 =	sld [smem:$0x3FFC];
	_ =	sdelay $0x3  }
0x94: {  	_ =	strace s2  }
0x95: {  	s2 =	sld [smem:$0x3FFD];
	_ =	sdelay $0x3  }
0x96: {  	_ =	strace s2  }
0x97: {  	_ =	strace $0x8FFFFFFF  }
0x98: {  	s18 =	sld [smem:$0x3FDB];
	_ =	sdelay $0x1  }
0x99: {  	s19 =	simm.s32 $_scs_section_size  }
0x9a: {  	s4 =	simm.s32 $_size__tile_overlayer_lowered;
	s5 =	simm.s32 $_tile_overlayer_lowered  }
0x9b: {  	s22 =	simm.s32 $0x1BFF;
	s21 =	sshll.u32 s5, $0x1;
	s2 =	sadd.s32 s19, s18  }
0x9c: {  	s6 =	simm.s32 $0x0;
	s20 =	sshll.u32 s4, $0x1;
	s4 =	sadd.s32 s21, s2  }
0x9d: {  	[timem:s6], [sflag:s22] =	dma.local [hbm:s4], s20  }
0x9e: {  	_ =	swait.ge [sflag:s22], s20  }
0x9f: {  	s3 =	ssub.s32 $0x0, s20;
	[sflag:s22] =	ssyncset.done $0x0  }
0xa0: {  	[sflag:s22] =	ssyncadd.s32 s3;
	_ =	sdelay $0x1  }
0xa1: {  	s23 =	simm.s32 $0x1B8B  }
0xa2: {  	_ =	swait.ge [sflag:s23], $0x1  }
0xa3: {  	[sflag:s23] =	ssyncset.done $0x0  }
0xa4: {  	s25 =	simm.s32 $0x1B8E;
	s24 =	sld [smem:$0x3FFE];
	[sflag:s23] =	ssyncadd.s32 $0xFFFFFFFF  }
0xa5: {  	s26 =	simm.s32 $execute0_lowered;
	[smem:$0x3FD2] =	sst s25  }
0xa6: {  	s4 =	sshll.u32 s26, $0x1;
	_ =	strace $0x80000049;
	[dreg:$0x1] =	wrdreg $0xFFFFFFFF  }
0xa7: {  	s28 =	simm.s32 $_size_execute0_lowered;
	s2 =	sadd.s32 s2, s4;
	[dreg:$0x0] =	wrdreg $0x0  }
0xa8: {  	s4 =	sshll.u32 s28, $0x1;
	[dreg:$0x2] =	wrdreg s2  }
0xa9: {  	[dreg:$0x3] =	wrdreg s4  }
0xaa: {  	[dreg:$0x4] =	wrdreg $0xC0  }
0xab: {  	_ =	task [dreg:s6], $0x5FFFF  }
0xac: {  	[dreg:$0x1] =	wrdreg $0xFFFFFFFF  }
0xad: {  	[dreg:$0x0] =	wrdreg $0x60  }
0xae: {  	[dreg:$0x2] =	wrdreg s24  }
0xaf: {  	[dreg:$0x3] =	wrdreg $0x41000  }
0xb0: {  	[dreg:$0x4] =	wrdreg $0x9  }
0xb1: {  	_ =	task.clear_ibuf [dreg:s6], $0x5FFFF;
	_ =	strace $0x90000049  }
0xb2: {  	s29 =	simm.s32 $0x9;
	_ =	strace $0x8000004B  }
0xb3: {  	_ =	swait.ge [sflag:s29], $0x1  }
0xb4: {  	[sflag:s29] =	ssyncadd.s32 $0xFFFFFFFF  }
0xb5: {  	_ =	strace $0x9000004B  }
0xb6: {  	_ =	sfence  }
0xb7: {  	s30 =	sld [smem:$0x0];
	_ =	sdelay $0x2  }
0xb8: {  	s31 =	sshll.u32 s1, $0xD;
	s1 =	sshrl.u32 s1, $0x2  }
0xb9: {  	s3 =	sand.u32 $0x4000, s31;
	s1 =	sadd.s32 s1, s30  }
0xba: {  	s0 =	sor.u32 s3, s0;
	s1 =	sshll.u32 s1, $0x11  }
0xbb: {  	s0 =	sor.u32 s1, s0  }
0xbc: {  	s0 =	sadd.s32 $0x8F2B, s0  }
0xbd: {  	[sflag:s0] =	ssyncadd.remote.s32 $0x1  }
0xbe: {  	_ =	sfence.sel $0xFFFF  }
0xbf: {  	[dreg:$0x0] =	wrdreg $0xFFFFFFFF;
	(pc) =	sbr.abs _section_cstart, $3  }
0xc0: {  	[dreg:$0x1] =	wrdreg $0xFFFFFFFF  }
0xc1: {  	_ =	task.clear_ibuf [dreg:s6], $0x2FFFF;
	_ =	strace $0x9FFFFFFF  }
0xc2: {  	(tm) =	ssettm $0x7FFFFFFF  }
0xc3: {  	_ =	shalt  }
tec
execute0_lowered:
.L_overlay_start_1:
0x0: {  	(tag) =	ssettag $0x1  }
0x1: {  	s5 =	rddreg [dreg:$0x0];
	s0 =	srdreg.scid  }
0x2: {  	s2 =	rddreg [dreg:$0x1];
	s1 =	stileid.u32  }
0x3: {  	s3 =	simm.s32 $0x0;
	s13 =	simm.s32 $0x80;
	s8 =	smul.u32 $0x13C00, s1  }
0x4: {  	s14 =	simm.s32 $0x100;
	s15 =	simm.s32 $0x1;
	s26 =	smul.u32 $0x4F000, s1  }
0x5: {  	s6 =	sand.u32 $0x1, s0;
	s0 =	rddreg [dreg:$0x2];
	s30 =	smul.u32 $0x4F0, s1  }
0x6: {  	s16 =	simm.s32 $0x0;
	[smem:$0x7FF] =	sst s3;
	s7 =	smul.u32 $0x4F00, s6  }
0x7: {  	s4 =	sadd.s32 $0xE0E00, s5;
	s31 =	sshll.u32 s1, $0x6;
	s9 =	smul.u32 $0x13C000, s6  }
0x8: {  	_ =	strace $0x8000004A;
	s6 =	ssub.s32 $0x2, s6;
	s25 =	sshrl.u32 s8, $0x3  }
0x9: {  	s28 =	sshrl.u32 s6, $0x1;
	s29 =	sshrl.u32 s26, $0x2;
	s10 =	sadd.s32 s7, s5  }
0xa: {  	s8 =	sadd.s32 s8, s9;
	s7 =	sadd.s32 s25, s5;
	s11 =	ssub.s32 s6, s28  }
0xb: {  	s12 =	sadd.s32 s29, s2;
	s6 =	sor.u32 $0x1C02, s31;
	s8 =	sshrl.u32 s8, $0x3  }
0xc: {  	s10 =	sadd.s32 s30, s10;
	s8 =	sadd.s32 s8, s5;
	s5 =	sadd.s32 $0xB9600, s7  }
0xd: {  	s9 =	sadd.s32 $0x13200, s10;
	s10 =	sadd.s32 $0x9400, s10;
	s7 =	sadd.s32 $0x1D000, s8  }
0xe: {  	s8 =	smax.u32 s11, $0x1;
	s11 =	sshrl.u32 s12, $0x3;
	s12 =	simm.s32 $0x2  }
.LBB2_1:
0xf: {  	[spmem:s11], [sflag:s6] =	dma.local [hbm:s5], $0x2780  }
0x10: {  	_ =	swait.ge [sflag:s12], $0x2780  }
0x11: {  	[sflag:s12] =	ssyncset.done $0x0  }
0x12: {  	[sflag:s12] =	ssyncadd.s32 $0xFFFFD880  }
0x13: {  	s17 =	sadd.s32 $0x0, s10;
	[bflag:$0x0] =	sbarrier.arrive $0xFFFF  }
0x14: {  	[tilespmem:s3], [sflag:$0x2] =	stream.linear.gather [hbm4b:s17+s3], $0x80, $0x38;
	[tilespmem:$0x17D00] =	vst v63  }
0x15: {  	_ =	swait.ge [sflag:s12], $0x80  }
0x16: {  	[sflag:s12] =	ssyncset.done $0x0  }
0x17: {  	s31 =	sadd.s32 $0x0, s9;
	[sflag:s12] =	ssyncadd.s32 $0xFFFFFF80  }
0x18: {  	[tilespmem:s13], [sflag:$0x2] =	stream.linear.gather [hbm4b:s31+s3], $0x80, $0x38;
	[tilespmem:$0x17D00] =	vst v63  }
0x19: {  	_ =	swait.ge [sflag:s12], $0x80  }
0x1a: {  	[sflag:s12] =	ssyncset.done $0x0  }
0x1b: {  	[sflag:s12] =	ssyncadd.s32 $0xFFFFFF80  }
0x1c: {  	[tilespmem:s14], [sflag:$0x1] =	stream.indirect.gather [hbm4b:s4+s13], $0x80, s3, s13, $0xb8;
	[tilespmem:$0x17D00] =	vst v63  }
0x1d: {  	_ =	swait.ge [sflag:s15], $0x4000  }
0x1e: {  	[sflag:s15] =	ssyncset.done $0x0  }
0x1f: {  	[sflag:s15] =	ssyncadd.s32 $0xFFFFC000  }
0x20: {  	[spmem:s2] =	stream.indirect.scatter.add.f32 [tilespmem:s14], [sflag:$0x2], $0x80, s13, s13, $0xb8;
	[tilespmem:$0x17D00] =	vst v63  }
0x21: {  	_ =	swait.ge [sflag:s12], $0x4000  }
0x22: {  	s18 =	simm.s32 $0x20;
	s17 =	simm.s32 $0x10;
	[sflag:s12] =	ssyncset.done $0x0  }
.LBB2_2:
0x23: {  	s19 =	sadd.s32 s17, s10  }
0x24: {  	[sflag:s12] =	ssyncadd.s32 $0xFFFFC000;
	s20 =	smov.u32 s18;
	s21 =	sadd.s32 $0x10, s18  }
0x25: {  	[tilespmem:s3], [sflag:$0x2] =	stream.linear.gather [hbm4b:s19+s3], $0x80, $0x38;
	[tilespmem:$0x17D00] =	vst v63  }
0x26: {  	p0 =	sne.s32 s18, $0x4E0;
	_ =	swait.ge [sflag:s12], $0x80  }
0x27: {  	[sflag:s12] =	ssyncset.done $0x0  }
0x28: {  	s18 =	sadd.s32 s17, s9;
	s17 =	smov.u32 s20;
	[sflag:s12] =	ssyncadd.s32 $0xFFFFFF80  }
0x29: {  	[tilespmem:s13], [sflag:$0x2] =	stream.linear.gather [hbm4b:s18+s3], $0x80, $0x38;
	[tilespmem:$0x17D00] =	vst v63  }
0x2a: {  	_ =	swait.ge [sflag:s12], $0x80  }
0x2b: {  	[sflag:s12] =	ssyncset.done $0x0  }
0x2c: {  	[sflag:s12] =	ssyncadd.s32 $0xFFFFFF80  }
0x2d: {  	[tilespmem:s14], [sflag:$0x1] =	stream.indirect.gather [hbm4b:s4+s13], $0x80, s3, s13, $0xb8;
	[tilespmem:$0x17D00] =	vst v63  }
0x2e: {  	_ =	swait.ge [sflag:s15], $0x4000  }
.Ltmp0:
0x2f: {  	[sflag:s15] =	ssyncset.done $0x0;
	(pc) =	sbr.rel @p0 .LBB2_2-.Ltmp0, $4  }
0x30: {  	[sflag:s15] =	ssyncadd.s32 $0xFFFFC000  }
0x31: {  	[spmem:s2] =	stream.indirect.scatter.add.f32 [tilespmem:s14], [sflag:$0x2], $0x80, s13, s13, $0xb8;
	[tilespmem:$0x17D00] =	vst v63  }
0x32: {  	_ =	swait.ge [sflag:s12], $0x4000  }
0x33: {  	s18 =	smov.u32 s21;
	[sflag:s12] =	ssyncset.done $0x0  }
0x34: {  	s18 =	sadd.s32 s17, s10;
	[sflag:s12] =	ssyncadd.s32 $0xFFFFC000  }
0x35: {  	[tilespmem:s3], [sflag:$0x2] =	stream.linear.gather [hbm4b:s18+s3], $0x80, $0x38;
	[tilespmem:$0x17D00] =	vst v63  }
0x36: {  	_ =	swait.ge [sflag:s12], $0x80  }
0x37: {  	[sflag:s12] =	ssyncset.done $0x0  }
0x38: {  	s31 =	sadd.s32 s17, s9;
	[sflag:s12] =	ssyncadd.s32 $0xFFFFFF80  }
0x39: {  	[tilespmem:s13], [sflag:$0x2] =	stream.linear.gather [hbm4b:s31+s3], $0x80, $0x38;
	[tilespmem:$0x17D00] =	vst v63  }
0x3a: {  	_ =	swait.ge [sflag:s12], $0x80  }
0x3b: {  	[sflag:s12] =	ssyncset.done $0x0  }
0x3c: {  	[sflag:s12] =	ssyncadd.s32 $0xFFFFFF80  }
0x3d: {  	[tilespmem:s14], [sflag:$0x1] =	stream.indirect.gather [hbm4b:s4+s13], $0x80, s3, s13, $0xb8;
	[tilespmem:$0x17D00] =	vst v63  }
0x3e: {  	_ =	swait.ge [sflag:s15], $0x4000  }
0x3f: {  	[sflag:s15] =	ssyncset.done $0x0  }
0x40: {  	[sflag:s15] =	ssyncadd.s32 $0xFFFFC000  }
0x41: {  	[spmem:s2] =	stream.indirect.scatter.add.f32 [tilespmem:s14], [sflag:$0x2], $0x80, s13, s13, $0xb8;
	[tilespmem:$0x17D00] =	vst v63  }
0x42: {  	_ =	swait.ge [sflag:s12], $0x4000  }
0x43: {  	s16 =	sadd.s32 $0x1, s16;
	[sflag:s12] =	ssyncset.done $0x0  }
0x44: {  	p0 =	sne.s32 s16, s8;
	[sflag:s12] =	ssyncadd.s32 $0xFFFFC000  }
.Ltmp1:
0x45: {  	[bflag:$0x0] =	sbarrier.arrive $0xFFFF;
	(pc) =	sbr.rel @p0 .LBB2_1-.Ltmp1, $4  }
0x46: {  	[hbm:s7], [sflag:s6] =	dma.local [spmem:s11], $0x2780  }
0x47: {  	_ =	swait.ge [sflag:s12], $0x2780  }
0x48: {  	[sflag:s12] =	ssyncset.done $0x0  }
0x49: {  	[sflag:s12] =	ssyncadd.s32 $0xFFFFD880  }
0x4a: {  	_ =	sfence.sel $0x180000  }
0x4b: {  	[bflag:$0x0] =	sbarrier.arrive $0xFFFF  }
0x4c: {  	p0 =	sne.s32 s1, $0x0;
	_ =	strace $0x9000004A  }
0x4d: {  	s0 =	sadd.s32 @!p0 $0x100000, s0;
	[bflag:$0x2] =	sbarrier.arrive $0xFFFF  }
0x4e: {  	[sflag:s0] =	ssyncadd.tile.s32 @!p0 $0x1;
	_ =	shalt  }
.Lfunc_end2:
_tile_overlayer_lowered:
.L_overlay_start_2:
0x4f: {  	(tag) =	ssettag $0x2  }
0x50: {  	s0 =	rddreg [dreg:$0x0];
	s2 =	stileid.u32  }
0x51: {  	s1 =	rddreg [dreg:$0x1];
	p0 =	sne.s32 s2, $0x0  }
0x52: {  	s3 =	rddreg [dreg:$0x2];
	[bflag:$0x3] =	sbarrier.arrive $0xFFFF;
	s2 =	simm.s32 @!p0 $0x1C02  }
0x53: {  	[timem:s3], [sflag:s2] =	dma.local @!p0 [hbm:s0], s1  }
0x54: {  	s0 =	simm.s32 @!p0 $0x2  }
0x55: {  	_ =	swait.ge @!p0 [sflag:s0], s1  }
0x56: {  	s1 =	ssub.s32 @!p0 $0x0, s1;
	[sflag:s0] =	ssyncset.done @!p0 $0x0  }
0x57: {  	[sflag:s0] =	ssyncadd.s32 @!p0 s1  }
0x58: {  	[bflag:$0x3] =	sbarrier.arrive $0xFFFF  }
0x59: {  	_ =	shalt  }

// kernel: kernel.41.cloned.1.call-start
scs
__scs_entry_jumppad:
0x0: {  	(pc) =	sbr.rel $0x88, $3  }
0x1: {  	(tag) =	ssettag $0x0;
	lr =	simm.s32 $0x1  }
0x2: {  	[smem:$0x3F93] =	sst lr;
	_ =	strace $0xD0000000  }
0x3: {  	_ = 	snop  }
0x4: {  	_ = 	snop  }
0x5: {  	_ = 	snop  }
0x6: {  	_ = 	snop  }
0x7: {  	_ = 	snop  }
__scs_overlays_trampoline_lowered:
0x8: {  	[smem:$0x3FA2] =	sst s0  }
0x9: {  	[smem:$0x3FA3] =	sst s1  }
0xa: {  	[smem:$0x3FA4] =	sst s2  }
0xb: {  	[smem:$0x3FA5] =	sst s3  }
0xc: {  	[smem:$0x3FA6] =	sst s4  }
0xd: {  	[smem:$0x3FA7] =	sst s5  }
0xe: {  	[smem:$0x3FA8] =	sst s6  }
0xf: {  	[smem:$0x3FA9] =	sst s7  }
0x10: {  	[smem:$0x3FAA] =	sst s8  }
0x11: {  	[smem:$0x3FAB] =	sst s9;
	s0 =	simm.s32 @!p0 $0x0  }
0x12: {  	s1 =	sld [smem:$0x3F91];
	s0 =	simm.s32 @p0 $0x1  }
0x13: {  	[smem:$0x3FAC] =	sst s0;
	s0 =	simm.s32 @!p1 $0x0  }
0x14: {  	s2 =	sld [smem:$0x3F90];
	s0 =	simm.s32 @p1 $0x1  }
0x15: {  	[smem:$0x3FAD] =	sst s0;
	s0 =	simm.s32 @!p2 $0x0  }
0x16: {  	s3 =	sld [smem:$0x3FDB];
	s0 =	simm.s32 @p2 $0x1  }
0x17: {  	s4 =	simm.s32 $0x1BF5;
	[smem:$0x3FAF] =	sst s0  }
0x18: {  	s0 =	sld [smem:$0x3F92];
	_ =	swait.ge [sflag:s4], $0x0  }
0x19: {  	s7 =	sld [smem:$0x3F93]  }
0x1a: {  	s8 =	sadd.s32 $0xFFFFE003, lr  }
0x1b: {  	s9 =	sadd.s32 $0xFFFFFEF7, lr;
	s5 =	simm.s32 $0xFFFFFFFF;
	p2 =	slt.u32 s8, $0xFFFFF086  }
0x1c: {  	p1 =	slt.u32 s9, $0xF7A;
	s5 =	simm.s32 @!p2 $0x0  }
0x1d: {  	s5 =	simm.s32 @p1 $0x1;
	p0 =	seq.s32 s7, s2  }
0x1e: {  	s7 =	smul.u32 @!p0 $0xF7A, s2;
	p2 =	seq.s32 @!p0 s5, $0x0  }
0x1f: {  	s9 =	smul.u32 $0xF7A, s1;
	s8 =	simm.s32 @!p0 $0x1BF5;
	p2 =	por !p2, p0  }
0x20: {  	[sflag:s8] =	ssyncset.s32 @!p0 $0xFFFFF086;
	s6 =	sadd.s32 @!p0 s3, s7;
	s7 =	simm.s32 @!p0 $0x108  }
0x21: {  	s3 =	sadd.s32 s3, s9;
	s6 =	sadd.s32 @!p0 $0x88, s6;
	s7 =	simm.s32 @p2 $0x1082  }
0x22: {  	[simem:s7], [sflag:s8] =	dma.local @!p0 [hbm:s6], $0xF7A  }
0x23: {  	s9 =	sor.u32 $0xD0000000, s2;
	s6 =	simm.s32 $0x108;
	_ =	swait.ge @!p0 [sflag:s8], $0x0  }
0x24: {  	s3 =	sadd.s32 $0x88, s3;
	s6 =	simm.s32 @!p1 $0x1082;
	[sflag:s4] =	ssyncset.s32 $0xFFFFF086  }
0x25: {  	[simem:s6], [sflag:s4] =	dma.local [hbm:s3], $0xF7A  }
0x26: {  	[smem:$0x3F93] =	sst s1;
	(tag) =	ssettag s2;
	_ =	strace s9  }
0x27: {  	s1 =	sld [smem:$0x3FA3]  }
0x28: {  	s2 =	sld [smem:$0x3FA4]  }
0x29: {  	s4 =	sld [smem:$0x3FA6]  }
0x2a: {  	p0 =	seq.s32 s5, $0x0;
	s5 =	sld [smem:$0x3FA7]  }
0x2b: {  	s6 =	sld [smem:$0x3FA8]  }
0x2c: {  	s7 =	sld [smem:$0x3FA9]  }
0x2d: {  	s3 =	simm.s32 $0x108;
	s8 =	sld [smem:$0x3FAA]  }
0x2e: {  	s3 =	simm.s32 @!p0 $0x1082;
	s9 =	sld [smem:$0x3FAB]  }
0x2f: {  	lr =	sadd.s32 s0, s3;
	s0 =	sld [smem:$0x3FA2]  }
0x30: {  	s3 =	sld [smem:$0x3FA5]  }
0x31: {  	[smem:$0x3FAE] =	sst s10  }
0x32: {  	s10 =	sld [smem:$0x3FAC];
	_ =	sdelay $0x3  }
0x33: {  	p0 =	seq.s32 s10, $0x1;
	s10 =	sld [smem:$0x3FAE];
	_ =	sdelay $0x3  }
0x34: {  	[smem:$0x3FAE] =	sst s10  }
0x35: {  	s10 =	sld [smem:$0x3FAD];
	_ =	sdelay $0x3  }
0x36: {  	p1 =	seq.s32 s10, $0x1;
	s10 =	sld [smem:$0x3FAE];
	_ =	sdelay $0x3  }
0x37: {  	[smem:$0x3FAE] =	sst s10  }
0x38: {  	s10 =	sld [smem:$0x3FAF]  }
0x39: {  	_ = 	snop;
	(pc) =	sbr.ind lr, $3  }
0x3a: {  	_ = 	snop  }
0x3b: {  	_ = 	snop  }
0x3c: {  	p2 =	seq.s32 s10, $0x1;
	s10 =	sld [smem:$0x3FAE]  }
0x3d: {  	_ =	shalt  }
0x3e: {  	_ =	shalt  }
0x3f: {  	_ =	shalt  }
0x40: {  	_ =	shalt  }
0x41: {  	_ =	shalt  }
0x42: {  	_ =	shalt  }
0x43: {  	_ =	shalt  }
0x44: {  	_ =	shalt  }
0x45: {  	_ =	shalt  }
0x46: {  	_ =	shalt  }
0x47: {  	_ =	shalt  }
0x48: {  	_ =	shalt  }
0x49: {  	_ =	shalt  }
0x4a: {  	_ =	shalt  }
0x4b: {  	_ =	shalt  }
0x4c: {  	_ =	shalt  }
0x4d: {  	_ =	shalt  }
0x4e: {  	_ =	shalt  }
0x4f: {  	_ =	shalt  }
0x50: {  	_ =	shalt  }
0x51: {  	_ =	shalt  }
0x52: {  	_ =	shalt  }
0x53: {  	_ =	shalt  }
0x54: {  	_ =	shalt  }
0x55: {  	_ =	shalt  }
0x56: {  	_ =	shalt  }
0x57: {  	_ =	shalt  }
0x58: {  	_ =	shalt  }
0x59: {  	_ =	shalt  }
0x5a: {  	_ =	shalt  }
0x5b: {  	_ =	shalt  }
0x5c: {  	_ =	shalt  }
0x5d: {  	_ =	shalt  }
0x5e: {  	_ =	shalt  }
0x5f: {  	_ =	shalt  }
0x60: {  	_ =	shalt  }
0x61: {  	_ =	shalt  }
0x62: {  	_ =	shalt  }
0x63: {  	_ =	shalt  }
0x64: {  	_ =	shalt  }
0x65: {  	_ =	shalt  }
0x66: {  	_ =	shalt  }
0x67: {  	_ =	shalt  }
0x68: {  	_ =	shalt  }
0x69: {  	_ =	shalt  }
0x6a: {  	_ =	shalt  }
0x6b: {  	_ =	shalt  }
0x6c: {  	_ =	shalt  }
0x6d: {  	_ =	shalt  }
0x6e: {  	_ =	shalt  }
0x6f: {  	_ =	shalt  }
0x70: {  	_ =	shalt  }
0x71: {  	_ =	shalt  }
0x72: {  	_ =	shalt  }
0x73: {  	_ =	shalt  }
0x74: {  	_ =	shalt  }
0x75: {  	_ =	shalt  }
0x76: {  	_ =	shalt  }
0x77: {  	_ =	shalt  }
0x78: {  	_ =	shalt  }
0x79: {  	_ =	shalt  }
0x7a: {  	_ =	shalt  }
0x7b: {  	_ =	shalt  }
0x7c: {  	_ =	shalt  }
0x7d: {  	_ =	shalt  }
0x7e: {  	_ =	shalt  }
0x7f: {  	_ =	shalt  }
0x80: {  	_ =	shalt  }
0x81: {  	_ =	shalt  }
0x82: {  	_ =	shalt  }
0x83: {  	_ =	shalt  }
0x84: {  	_ =	shalt  }
0x85: {  	_ =	shalt  }
0x86: {  	_ =	shalt  }
0x87: {  	_ =	shalt  }
.Lfunc_end0:
.L_simem_size_0:
called_computation.2_lowered:
.L_overlay_start_0:
0x88: {  	s2 =	sld [smem:$0x3FD9]  }
0x89: {  	s3 =	sld [smem:$0x3FFE];
	_ =	sdelay $0x1  }
0x8a: {  	s1 =	srdreg.scid  }
0x8b: {  	s0 =	sand.u32 $0x1, s1  }
0x8c: {  	s16 =	sshll.u32 s0, $0xA;
	s2 =	sadd.s32 s3, s2  }
0x8d: {  	s2 =	sadd.s32 s2, s16  }
0x8e: {  	[smem:$0x3FBA] =	sst s2  }
0x8f: {  	_ = 	snop  }
0x90: {  	(tm) =	ssettm $0x1  }
0x91: {  	s17 =	sld [smem:$0x3FFB];
	_ =	sdelay $0x3  }
0x92: {  	_ =	strace s17  }
0x93: {  	s2 =	sld [smem:$0x3FFC];
	_ =	sdelay $0x3  }
0x94: {  	_ =	strace s2  }
0x95: {  	s2 =	sld [smem:$0x3FFD];
	_ =	sdelay $0x3  }
0x96: {  	_ =	strace s2  }
0x97: {  	_ =	strace $0x8FFFFFFF  }
0x98: {  	s18 =	sld [smem:$0x3FDB];
	_ =	sdelay $0x1  }
0x99: {  	s19 =	simm.s32 $_scs_section_size  }
0x9a: {  	s4 =	simm.s32 $_size__tile_overlayer_lowered;
	s5 =	simm.s32 $_tile_overlayer_lowered  }
0x9b: {  	s22 =	simm.s32 $0x1BFF;
	s21 =	sshll.u32 s5, $0x1;
	s2 =	sadd.s32 s19, s18  }
0x9c: {  	s6 =	simm.s32 $0x0;
	s20 =	sshll.u32 s4, $0x1;
	s4 =	sadd.s32 s21, s2  }
0x9d: {  	[timem:s6], [sflag:s22] =	dma.local [hbm:s4], s20  }
0x9e: {  	_ =	swait.ge [sflag:s22], s20  }
0x9f: {  	s3 =	ssub.s32 $0x0, s20;
	[sflag:s22] =	ssyncset.done $0x0  }
0xa0: {  	[sflag:s22] =	ssyncadd.s32 s3;
	_ =	sdelay $0x1  }
0xa1: {  	s23 =	simm.s32 $0x1B8B  }
0xa2: {  	_ =	swait.ge [sflag:s23], $0x1  }
0xa3: {  	[sflag:s23] =	ssyncset.done $0x0  }
0xa4: {  	s25 =	simm.s32 $0x1B8E;
	s24 =	sld [smem:$0x3FFE];
	[sflag:s23] =	ssyncadd.s32 $0xFFFFFFFF  }
0xa5: {  	s26 =	simm.s32 $execute0_lowered;
	[smem:$0x3FD2] =	sst s25  }
0xa6: {  	s4 =	sshll.u32 s26, $0x1;
	_ =	strace $0x8000004C;
	[dreg:$0x1] =	wrdreg $0xFFFFFFFF  }
0xa7: {  	s28 =	simm.s32 $_size_execute0_lowered;
	s2 =	sadd.s32 s2, s4;
	[dreg:$0x0] =	wrdreg $0x0  }
0xa8: {  	s4 =	sshll.u32 s28, $0x1;
	[dreg:$0x2] =	wrdreg s2  }
0xa9: {  	[dreg:$0x3] =	wrdreg s4  }
0xaa: {  	[dreg:$0x4] =	wrdreg $0xC0  }
0xab: {  	_ =	task [dreg:s6], $0x5FFFF  }
0xac: {  	[dreg:$0x1] =	wrdreg $0xFFFFFFFF  }
0xad: {  	[dreg:$0x0] =	wrdreg $0x60  }
0xae: {  	[dreg:$0x2] =	wrdreg s24  }
0xaf: {  	[dreg:$0x3] =	wrdreg $0x41000  }
0xb0: {  	[dreg:$0x4] =	wrdreg $0x9  }
0xb1: {  	_ =	task.clear_ibuf [dreg:s6], $0x5FFFF;
	_ =	strace $0x9000004C  }
0xb2: {  	s29 =	simm.s32 $0x9;
	_ =	strace $0x8000004E  }
0xb3: {  	_ =	swait.ge [sflag:s29], $0x1  }
0xb4: {  	[sflag:s29] =	ssyncadd.s32 $0xFFFFFFFF  }
0xb5: {  	_ =	strace $0x9000004E  }
0xb6: {  	_ =	sfence  }
0xb7: {  	s30 =	sld [smem:$0x0];
	_ =	sdelay $0x2  }
0xb8: {  	s31 =	sshll.u32 s1, $0xD;
	s1 =	sshrl.u32 s1, $0x2  }
0xb9: {  	s3 =	sand.u32 $0x4000, s31;
	s1 =	sadd.s32 s1, s30  }
0xba: {  	s0 =	sor.u32 s3, s0;
	s1 =	sshll.u32 s1, $0x11  }
0xbb: {  	s0 =	sor.u32 s1, s0  }
0xbc: {  	s0 =	sadd.s32 $0x8F2B, s0  }
0xbd: {  	[sflag:s0] =	ssyncadd.remote.s32 $0x1  }
0xbe: {  	_ =	sfence.sel $0xFFFF  }
0xbf: {  	[dreg:$0x0] =	wrdreg $0xFFFFFFFF;
	(pc) =	sbr.abs _section_cstart, $3  }
0xc0: {  	[dreg:$0x1] =	wrdreg $0xFFFFFFFF  }
0xc1: {  	_ =	task.clear_ibuf [dreg:s6], $0x2FFFF;
	_ =	strace $0x9FFFFFFF  }
0xc2: {  	(tm) =	ssettm $0x7FFFFFFF  }
0xc3: {  	_ =	shalt  }
tec
execute0_lowered:
.L_overlay_start_1:
0x0: {  	(tag) =	ssettag $0x1  }
0x1: {  	s5 =	rddreg [dreg:$0x0];
	s0 =	srdreg.scid  }
0x2: {  	s2 =	rddreg [dreg:$0x1];
	s1 =	stileid.u32  }
0x3: {  	s3 =	simm.s32 $0x0;
	s13 =	simm.s32 $0x80;
	s8 =	smul.u32 $0x13C00, s1  }
0x4: {  	s14 =	simm.s32 $0x100;
	s15 =	simm.s32 $0x1;
	s26 =	smul.u32 $0x4F000, s1  }
0x5: {  	s6 =	sand.u32 $0x1, s0;
	s0 =	rddreg [dreg:$0x2];
	s30 =	smul.u32 $0x4F0, s1  }
0x6: {  	s16 =	simm.s32 $0x0;
	[smem:$0x7FF] =	sst s3;
	s7 =	smul.u32 $0x4F00, s6  }
0x7: {  	s4 =	sadd.s32 $0x1D000, s5;
	s31 =	sshll.u32 s1, $0x6;
	s9 =	smul.u32 $0x13C000, s6  }
0x8: {  	_ =	strace $0x8000004D;
	s6 =	ssub.s32 $0x2, s6;
	s25 =	sshrl.u32 s8, $0x3  }
0x9: {  	s28 =	sshrl.u32 s6, $0x1;
	s29 =	sshrl.u32 s26, $0x2;
	s10 =	sadd.s32 s7, s5  }
0xa: {  	s8 =	sadd.s32 s8, s9;
	s7 =	sadd.s32 s25, s5;
	s11 =	ssub.s32 s6, s28  }
0xb: {  	s12 =	sadd.s32 s29, s2;
	s6 =	sor.u32 $0x1C02, s31;
	s8 =	sshrl.u32 s8, $0x3  }
0xc: {  	s10 =	sadd.s32 s30, s10;
	s8 =	sadd.s32 s8, s5;
	s5 =	sadd.s32 $0xB9600, s7  }
0xd: {  	s9 =	sadd.s32 $0x13200, s10;
	s10 =	sadd.s32 $0x9400, s10;
	s7 =	sadd.s32 $0x44200, s8  }
0xe: {  	s8 =	smax.u32 s11, $0x1;
	s11 =	sshrl.u32 s12, $0x3;
	s12 =	simm.s32 $0x2  }
.LBB2_1:
0xf: {  	[spmem:s11], [sflag:s6] =	dma.local [hbm:s5], $0x2780  }
0x10: {  	_ =	swait.ge [sflag:s12], $0x2780  }
0x11: {  	[sflag:s12] =	ssyncset.done $0x0  }
0x12: {  	[sflag:s12] =	ssyncadd.s32 $0xFFFFD880  }
0x13: {  	s17 =	sadd.s32 $0x0, s10;
	[bflag:$0x0] =	sbarrier.arrive $0xFFFF  }
0x14: {  	[tilespmem:s3], [sflag:$0x2] =	stream.linear.gather [hbm4b:s17+s3], $0x80, $0x38;
	[tilespmem:$0x17D00] =	vst v63  }
0x15: {  	_ =	swait.ge [sflag:s12], $0x80  }
0x16: {  	[sflag:s12] =	ssyncset.done $0x0  }
0x17: {  	s31 =	sadd.s32 $0x0, s9;
	[sflag:s12] =	ssyncadd.s32 $0xFFFFFF80  }
0x18: {  	[tilespmem:s13], [sflag:$0x2] =	stream.linear.gather [hbm4b:s31+s3], $0x80, $0x38;
	[tilespmem:$0x17D00] =	vst v63  }
0x19: {  	_ =	swait.ge [sflag:s12], $0x80  }
0x1a: {  	[sflag:s12] =	ssyncset.done $0x0  }
0x1b: {  	[sflag:s12] =	ssyncadd.s32 $0xFFFFFF80  }
0x1c: {  	[tilespmem:s14], [sflag:$0x1] =	stream.indirect.gather [hbm4b:s4+s13], $0x80, s3, s13, $0xb8;
	[tilespmem:$0x17D00] =	vst v63  }
0x1d: {  	_ =	swait.ge [sflag:s15], $0x4000  }
0x1e: {  	[sflag:s15] =	ssyncset.done $0x0  }
0x1f: {  	[sflag:s15] =	ssyncadd.s32 $0xFFFFC000  }
0x20: {  	[spmem:s2] =	stream.indirect.scatter.add.f32 [tilespmem:s14], [sflag:$0x2], $0x80, s13, s13, $0xb8;
	[tilespmem:$0x17D00] =	vst v63  }
0x21: {  	_ =	swait.ge [sflag:s12], $0x4000  }
0x22: {  	s18 =	simm.s32 $0x20;
	s17 =	simm.s32 $0x10;
	[sflag:s12] =	ssyncset.done $0x0  }
.LBB2_2:
0x23: {  	s19 =	sadd.s32 s17, s10  }
0x24: {  	[sflag:s12] =	ssyncadd.s32 $0xFFFFC000;
	s20 =	smov.u32 s18;
	s21 =	sadd.s32 $0x10, s18  }
0x25: {  	[tilespmem:s3], [sflag:$0x2] =	stream.linear.gather [hbm4b:s19+s3], $0x80, $0x38;
	[tilespmem:$0x17D00] =	vst v63  }
0x26: {  	p0 =	sne.s32 s18, $0x4E0;
	_ =	swait.ge [sflag:s12], $0x80  }
0x27: {  	[sflag:s12] =	ssyncset.done $0x0  }
0x28: {  	s18 =	sadd.s32 s17, s9;
	s17 =	smov.u32 s20;
	[sflag:s12] =	ssyncadd.s32 $0xFFFFFF80  }
0x29: {  	[tilespmem:s13], [sflag:$0x2] =	stream.linear.gather [hbm4b:s18+s3], $0x80, $0x38;
	[tilespmem:$0x17D00] =	vst v63  }
0x2a: {  	_ =	swait.ge [sflag:s12], $0x80  }
0x2b: {  	[sflag:s12] =	ssyncset.done $0x0  }
0x2c: {  	[sflag:s12] =	ssyncadd.s32 $0xFFFFFF80  }
0x2d: {  	[tilespmem:s14], [sflag:$0x1] =	stream.indirect.gather [hbm4b:s4+s13], $0x80, s3, s13, $0xb8;
	[tilespmem:$0x17D00] =	vst v63  }
0x2e: {  	_ =	swait.ge [sflag:s15], $0x4000  }
.Ltmp0:
0x2f: {  	[sflag:s15] =	ssyncset.done $0x0;
	(pc) =	sbr.rel @p0 .LBB2_2-.Ltmp0, $4  }
0x30: {  	[sflag:s15] =	ssyncadd.s32 $0xFFFFC000  }
0x31: {  	[spmem:s2] =	stream.indirect.scatter.add.f32 [tilespmem:s14], [sflag:$0x2], $0x80, s13, s13, $0xb8;
	[tilespmem:$0x17D00] =	vst v63  }
0x32: {  	_ =	swait.ge [sflag:s12], $0x4000  }
0x33: {  	s18 =	smov.u32 s21;
	[sflag:s12] =	ssyncset.done $0x0  }
0x34: {  	s18 =	sadd.s32 s17, s10;
	[sflag:s12] =	ssyncadd.s32 $0xFFFFC000  }
0x35: {  	[tilespmem:s3], [sflag:$0x2] =	stream.linear.gather [hbm4b:s18+s3], $0x80, $0x38;
	[tilespmem:$0x17D00] =	vst v63  }
0x36: {  	_ =	swait.ge [sflag:s12], $0x80  }
0x37: {  	[sflag:s12] =	ssyncset.done $0x0  }
0x38: {  	s31 =	sadd.s32 s17, s9;
	[sflag:s12] =	ssyncadd.s32 $0xFFFFFF80  }
0x39: {  	[tilespmem:s13], [sflag:$0x2] =	stream.linear.gather [hbm4b:s31+s3], $0x80, $0x38;
	[tilespmem:$0x17D00] =	vst v63  }
0x3a: {  	_ =	swait.ge [sflag:s12], $0x80  }
0x3b: {  	[sflag:s12] =	ssyncset.done $0x0  }
0x3c: {  	[sflag:s12] =	ssyncadd.s32 $0xFFFFFF80  }
0x3d: {  	[tilespmem:s14], [sflag:$0x1] =	stream.indirect.gather [hbm4b:s4+s13], $0x80, s3, s13, $0xb8;
	[tilespmem:$0x17D00] =	vst v63  }
0x3e: {  	_ =	swait.ge [sflag:s15], $0x4000  }
0x3f: {  	[sflag:s15] =	ssyncset.done $0x0  }
0x40: {  	[sflag:s15] =	ssyncadd.s32 $0xFFFFC000  }
0x41: {  	[spmem:s2] =	stream.indirect.scatter.add.f32 [tilespmem:s14], [sflag:$0x2], $0x80, s13, s13, $0xb8;
	[tilespmem:$0x17D00] =	vst v63  }
0x42: {  	_ =	swait.ge [sflag:s12], $0x4000  }
0x43: {  	s16 =	sadd.s32 $0x1, s16;
	[sflag:s12] =	ssyncset.done $0x0  }
0x44: {  	p0 =	sne.s32 s16, s8;
	[sflag:s12] =	ssyncadd.s32 $0xFFFFC000  }
.Ltmp1:
0x45: {  	[bflag:$0x0] =	sbarrier.arrive $0xFFFF;
	(pc) =	sbr.rel @p0 .LBB2_1-.Ltmp1, $4  }
0x46: {  	[hbm:s7], [sflag:s6] =	dma.local [spmem:s11], $0x2780  }
0x47: {  	_ =	swait.ge [sflag:s12], $0x2780  }
0x48: {  	[sflag:s12] =	ssyncset.done $0x0  }
0x49: {  	[sflag:s12] =	ssyncadd.s32 $0xFFFFD880  }
0x4a: {  	_ =	sfence.sel $0x180000  }
0x4b: {  	[bflag:$0x0] =	sbarrier.arrive $0xFFFF  }
0x4c: {  	p0 =	sne.s32 s1, $0x0;
	_ =	strace $0x9000004D  }
0x4d: {  	s0 =	sadd.s32 @!p0 $0x100000, s0;
	[bflag:$0x2] =	sbarrier.arrive $0xFFFF  }
0x4e: {  	[sflag:s0] =	ssyncadd.tile.s32 @!p0 $0x1;
	_ =	shalt  }
.Lfunc_end2:
_tile_overlayer_lowered:
.L_overlay_start_2:
0x4f: {  	(tag) =	ssettag $0x2  }
0x50: {  	s0 =	rddreg [dreg:$0x0];
	s2 =	stileid.u32  }
0x51: {  	s1 =	rddreg [dreg:$0x1];
	p0 =	sne.s32 s2, $0x0  }
0x52: {  	s3 =	rddreg [dreg:$0x2];
	[bflag:$0x3] =	sbarrier.arrive $0xFFFF;
	s2 =	simm.s32 @!p0 $0x1C02  }
0x53: {  	[timem:s3], [sflag:s2] =	dma.local @!p0 [hbm:s0], s1  }
0x54: {  	s0 =	simm.s32 @!p0 $0x2  }
0x55: {  	_ =	swait.ge @!p0 [sflag:s0], s1  }
0x56: {  	s1 =	ssub.s32 @!p0 $0x0, s1;
	[sflag:s0] =	ssyncset.done @!p0 $0x0  }
0x57: {  	[sflag:s0] =	ssyncadd.s32 @!p0 s1  }
0x58: {  	[bflag:$0x3] =	sbarrier.arrive $0xFFFF  }
0x59: {  	_ =	shalt  }

// kernel: kernel.44.cloned.1.call-start
scs
__scs_entry_jumppad:
0x0: {  	(pc) =	sbr.rel $0x88, $3  }
0x1: {  	(tag) =	ssettag $0x0;
	lr =	simm.s32 $0x1  }
0x2: {  	[smem:$0x3F93] =	sst lr;
	_ =	strace $0xD0000000  }
0x3: {  	_ = 	snop  }
0x4: {  	_ = 	snop  }
0x5: {  	_ = 	snop  }
0x6: {  	_ = 	snop  }
0x7: {  	_ = 	snop  }
__scs_overlays_trampoline_lowered:
0x8: {  	[smem:$0x3FA2] =	sst s0  }
0x9: {  	[smem:$0x3FA3] =	sst s1  }
0xa: {  	[smem:$0x3FA4] =	sst s2  }
0xb: {  	[smem:$0x3FA5] =	sst s3  }
0xc: {  	[smem:$0x3FA6] =	sst s4  }
0xd: {  	[smem:$0x3FA7] =	sst s5  }
0xe: {  	[smem:$0x3FA8] =	sst s6  }
0xf: {  	[smem:$0x3FA9] =	sst s7  }
0x10: {  	[smem:$0x3FAA] =	sst s8  }
0x11: {  	[smem:$0x3FAB] =	sst s9;
	s0 =	simm.s32 @!p0 $0x0  }
0x12: {  	s1 =	sld [smem:$0x3F91];
	s0 =	simm.s32 @p0 $0x1  }
0x13: {  	[smem:$0x3FAC] =	sst s0;
	s0 =	simm.s32 @!p1 $0x0  }
0x14: {  	s2 =	sld [smem:$0x3F90];
	s0 =	simm.s32 @p1 $0x1  }
0x15: {  	[smem:$0x3FAD] =	sst s0;
	s0 =	simm.s32 @!p2 $0x0  }
0x16: {  	s3 =	sld [smem:$0x3FDB];
	s0 =	simm.s32 @p2 $0x1  }
0x17: {  	s4 =	simm.s32 $0x1BF5;
	[smem:$0x3FAF] =	sst s0  }
0x18: {  	s0 =	sld [smem:$0x3F92];
	_ =	swait.ge [sflag:s4], $0x0  }
0x19: {  	s7 =	sld [smem:$0x3F93]  }
0x1a: {  	s8 =	sadd.s32 $0xFFFFE003, lr  }
0x1b: {  	s9 =	sadd.s32 $0xFFFFFEF7, lr;
	s5 =	simm.s32 $0xFFFFFFFF;
	p2 =	slt.u32 s8, $0xFFFFF086  }
0x1c: {  	p1 =	slt.u32 s9, $0xF7A;
	s5 =	simm.s32 @!p2 $0x0  }
0x1d: {  	s5 =	simm.s32 @p1 $0x1;
	p0 =	seq.s32 s7, s2  }
0x1e: {  	s7 =	smul.u32 @!p0 $0xF7A, s2;
	p2 =	seq.s32 @!p0 s5, $0x0  }
0x1f: {  	s9 =	smul.u32 $0xF7A, s1;
	s8 =	simm.s32 @!p0 $0x1BF5;
	p2 =	por !p2, p0  }
0x20: {  	[sflag:s8] =	ssyncset.s32 @!p0 $0xFFFFF086;
	s6 =	sadd.s32 @!p0 s3, s7;
	s7 =	simm.s32 @!p0 $0x108  }
0x21: {  	s3 =	sadd.s32 s3, s9;
	s6 =	sadd.s32 @!p0 $0x88, s6;
	s7 =	simm.s32 @p2 $0x1082  }
0x22: {  	[simem:s7], [sflag:s8] =	dma.local @!p0 [hbm:s6], $0xF7A  }
0x23: {  	s9 =	sor.u32 $0xD0000000, s2;
	s6 =	simm.s32 $0x108;
	_ =	swait.ge @!p0 [sflag:s8], $0x0  }
0x24: {  	s3 =	sadd.s32 $0x88, s3;
	s6 =	simm.s32 @!p1 $0x1082;
	[sflag:s4] =	ssyncset.s32 $0xFFFFF086  }
0x25: {  	[simem:s6], [sflag:s4] =	dma.local [hbm:s3], $0xF7A  }
0x26: {  	[smem:$0x3F93] =	sst s1;
	(tag) =	ssettag s2;
	_ =	strace s9  }
0x27: {  	s1 =	sld [smem:$0x3FA3]  }
0x28: {  	s2 =	sld [smem:$0x3FA4]  }
0x29: {  	s4 =	sld [smem:$0x3FA6]  }
0x2a: {  	p0 =	seq.s32 s5, $0x0;
	s5 =	sld [smem:$0x3FA7]  }
0x2b: {  	s6 =	sld [smem:$0x3FA8]  }
0x2c: {  	s7 =	sld [smem:$0x3FA9]  }
0x2d: {  	s3 =	simm.s32 $0x108;
	s8 =	sld [smem:$0x3FAA]  }
0x2e: {  	s3 =	simm.s32 @!p0 $0x1082;
	s9 =	sld [smem:$0x3FAB]  }
0x2f: {  	lr =	sadd.s32 s0, s3;
	s0 =	sld [smem:$0x3FA2]  }
0x30: {  	s3 =	sld [smem:$0x3FA5]  }
0x31: {  	[smem:$0x3FAE] =	sst s10  }
0x32: {  	s10 =	sld [smem:$0x3FAC];
	_ =	sdelay $0x3  }
0x33: {  	p0 =	seq.s32 s10, $0x1;
	s10 =	sld [smem:$0x3FAE];
	_ =	sdelay $0x3  }
0x34: {  	[smem:$0x3FAE] =	sst s10  }
0x35: {  	s10 =	sld [smem:$0x3FAD];
	_ =	sdelay $0x3  }
0x36: {  	p1 =	seq.s32 s10, $0x1;
	s10 =	sld [smem:$0x3FAE];
	_ =	sdelay $0x3  }
0x37: {  	[smem:$0x3FAE] =	sst s10  }
0x38: {  	s10 =	sld [smem:$0x3FAF]  }
0x39: {  	_ = 	snop;
	(pc) =	sbr.ind lr, $3  }
0x3a: {  	_ = 	snop  }
0x3b: {  	_ = 	snop  }
0x3c: {  	p2 =	seq.s32 s10, $0x1;
	s10 =	sld [smem:$0x3FAE]  }
0x3d: {  	_ =	shalt  }
0x3e: {  	_ =	shalt  }
0x3f: {  	_ =	shalt  }
0x40: {  	_ =	shalt  }
0x41: {  	_ =	shalt  }
0x42: {  	_ =	shalt  }
0x43: {  	_ =	shalt  }
0x44: {  	_ =	shalt  }
0x45: {  	_ =	shalt  }
0x46: {  	_ =	shalt  }
0x47: {  	_ =	shalt  }
0x48: {  	_ =	shalt  }
0x49: {  	_ =	shalt  }
0x4a: {  	_ =	shalt  }
0x4b: {  	_ =	shalt  }
0x4c: {  	_ =	shalt  }
0x4d: {  	_ =	shalt  }
0x4e: {  	_ =	shalt  }
0x4f: {  	_ =	shalt  }
0x50: {  	_ =	shalt  }
0x51: {  	_ =	shalt  }
0x52: {  	_ =	shalt  }
0x53: {  	_ =	shalt  }
0x54: {  	_ =	shalt  }
0x55: {  	_ =	shalt  }
0x56: {  	_ =	shalt  }
0x57: {  	_ =	shalt  }
0x58: {  	_ =	shalt  }
0x59: {  	_ =	shalt  }
0x5a: {  	_ =	shalt  }
0x5b: {  	_ =	shalt  }
0x5c: {  	_ =	shalt  }
0x5d: {  	_ =	shalt  }
0x5e: {  	_ =	shalt  }
0x5f: {  	_ =	shalt  }
0x60: {  	_ =	shalt  }
0x61: {  	_ =	shalt  }
0x62: {  	_ =	shalt  }
0x63: {  	_ =	shalt  }
0x64: {  	_ =	shalt  }
0x65: {  	_ =	shalt  }
0x66: {  	_ =	shalt  }
0x67: {  	_ =	shalt  }
0x68: {  	_ =	shalt  }
0x69: {  	_ =	shalt  }
0x6a: {  	_ =	shalt  }
0x6b: {  	_ =	shalt  }
0x6c: {  	_ =	shalt  }
0x6d: {  	_ =	shalt  }
0x6e: {  	_ =	shalt  }
0x6f: {  	_ =	shalt  }
0x70: {  	_ =	shalt  }
0x71: {  	_ =	shalt  }
0x72: {  	_ =	shalt  }
0x73: {  	_ =	shalt  }
0x74: {  	_ =	shalt  }
0x75: {  	_ =	shalt  }
0x76: {  	_ =	shalt  }
0x77: {  	_ =	shalt  }
0x78: {  	_ =	shalt  }
0x79: {  	_ =	shalt  }
0x7a: {  	_ =	shalt  }
0x7b: {  	_ =	shalt  }
0x7c: {  	_ =	shalt  }
0x7d: {  	_ =	shalt  }
0x7e: {  	_ =	shalt  }
0x7f: {  	_ =	shalt  }
0x80: {  	_ =	shalt  }
0x81: {  	_ =	shalt  }
0x82: {  	_ =	shalt  }
0x83: {  	_ =	shalt  }
0x84: {  	_ =	shalt  }
0x85: {  	_ =	shalt  }
0x86: {  	_ =	shalt  }
0x87: {  	_ =	shalt  }
.Lfunc_end0:
.L_simem_size_0:
called_computation.3_lowered:
.L_overlay_start_0:
0x88: {  	s2 =	sld [smem:$0x3FD9]  }
0x89: {  	s3 =	sld [smem:$0x3FFE];
	_ =	sdelay $0x1  }
0x8a: {  	s1 =	srdreg.scid  }
0x8b: {  	s0 =	sand.u32 $0x1, s1  }
0x8c: {  	s16 =	sshll.u32 s0, $0xA;
	s2 =	sadd.s32 s3, s2  }
0x8d: {  	s2 =	sadd.s32 s2, s16  }
0x8e: {  	[smem:$0x3FBA] =	sst s2  }
0x8f: {  	_ = 	snop  }
0x90: {  	(tm) =	ssettm $0x1  }
0x91: {  	s17 =	sld [smem:$0x3FFB];
	_ =	sdelay $0x3  }
0x92: {  	_ =	strace s17  }
0x93: {  	s2 =	sld [smem:$0x3FFC];
	_ =	sdelay $0x3  }
0x94: {  	_ =	strace s2  }
0x95: {  	s2 =	sld [smem:$0x3FFD];
	_ =	sdelay $0x3  }
0x96: {  	_ =	strace s2  }
0x97: {  	_ =	strace $0x8FFFFFFF  }
0x98: {  	s18 =	sld [smem:$0x3FDB];
	_ =	sdelay $0x1  }
0x99: {  	s19 =	simm.s32 $_scs_section_size  }
0x9a: {  	s4 =	simm.s32 $_size__tile_overlayer_lowered;
	s5 =	simm.s32 $_tile_overlayer_lowered  }
0x9b: {  	s22 =	simm.s32 $0x1BFF;
	s21 =	sshll.u32 s5, $0x1;
	s2 =	sadd.s32 s19, s18  }
0x9c: {  	s6 =	simm.s32 $0x0;
	s20 =	sshll.u32 s4, $0x1;
	s4 =	sadd.s32 s21, s2  }
0x9d: {  	[timem:s6], [sflag:s22] =	dma.local [hbm:s4], s20  }
0x9e: {  	_ =	swait.ge [sflag:s22], s20  }
0x9f: {  	s3 =	ssub.s32 $0x0, s20;
	[sflag:s22] =	ssyncset.done $0x0  }
0xa0: {  	[sflag:s22] =	ssyncadd.s32 s3;
	_ =	sdelay $0x1  }
0xa1: {  	s23 =	simm.s32 $0x1B8B  }
0xa2: {  	_ =	swait.ge [sflag:s23], $0x1  }
0xa3: {  	[sflag:s23] =	ssyncset.done $0x0  }
0xa4: {  	s25 =	simm.s32 $0x1B8E;
	s24 =	sld [smem:$0x3FFE];
	[sflag:s23] =	ssyncadd.s32 $0xFFFFFFFF  }
0xa5: {  	s26 =	simm.s32 $execute0_lowered;
	[smem:$0x3FD2] =	sst s25  }
0xa6: {  	s4 =	sshll.u32 s26, $0x1;
	_ =	strace $0x8000004F;
	[dreg:$0x1] =	wrdreg $0xFFFFFFFF  }
0xa7: {  	s28 =	simm.s32 $_size_execute0_lowered;
	s2 =	sadd.s32 s2, s4;
	[dreg:$0x0] =	wrdreg $0x0  }
0xa8: {  	s4 =	sshll.u32 s28, $0x1;
	[dreg:$0x2] =	wrdreg s2  }
0xa9: {  	[dreg:$0x3] =	wrdreg s4  }
0xaa: {  	[dreg:$0x4] =	wrdreg $0xC0  }
0xab: {  	_ =	task [dreg:s6], $0x5FFFF  }
0xac: {  	[dreg:$0x1] =	wrdreg $0xFFFFFFFF  }
0xad: {  	[dreg:$0x0] =	wrdreg $0x60  }
0xae: {  	[dreg:$0x2] =	wrdreg s24  }
0xaf: {  	[dreg:$0x3] =	wrdreg $0x41000  }
0xb0: {  	[dreg:$0x4] =	wrdreg $0x9  }
0xb1: {  	_ =	task.clear_ibuf [dreg:s6], $0x5FFFF;
	_ =	strace $0x9000004F  }
0xb2: {  	s29 =	simm.s32 $0x9;
	_ =	strace $0x80000051  }
0xb3: {  	_ =	swait.ge [sflag:s29], $0x1  }
0xb4: {  	[sflag:s29] =	ssyncadd.s32 $0xFFFFFFFF  }
0xb5: {  	_ =	strace $0x90000051  }
0xb6: {  	_ =	sfence  }
0xb7: {  	s30 =	sld [smem:$0x0];
	_ =	sdelay $0x2  }
0xb8: {  	s31 =	sshll.u32 s1, $0xD;
	s1 =	sshrl.u32 s1, $0x2  }
0xb9: {  	s3 =	sand.u32 $0x4000, s31;
	s1 =	sadd.s32 s1, s30  }
0xba: {  	s0 =	sor.u32 s3, s0;
	s1 =	sshll.u32 s1, $0x11  }
0xbb: {  	s0 =	sor.u32 s1, s0  }
0xbc: {  	s0 =	sadd.s32 $0x8F2B, s0  }
0xbd: {  	[sflag:s0] =	ssyncadd.remote.s32 $0x1  }
0xbe: {  	_ =	sfence.sel $0xFFFF  }
0xbf: {  	[dreg:$0x0] =	wrdreg $0xFFFFFFFF;
	(pc) =	sbr.abs _section_cstart, $3  }
0xc0: {  	[dreg:$0x1] =	wrdreg $0xFFFFFFFF  }
0xc1: {  	_ =	task.clear_ibuf [dreg:s6], $0x2FFFF;
	_ =	strace $0x9FFFFFFF  }
0xc2: {  	(tm) =	ssettm $0x7FFFFFFF  }
0xc3: {  	_ =	shalt  }
tec
execute0_lowered:
.L_overlay_start_1:
0x0: {  	(tag) =	ssettag $0x1  }
0x1: {  	s5 =	rddreg [dreg:$0x0];
	s0 =	srdreg.scid  }
0x2: {  	s2 =	rddreg [dreg:$0x1];
	s1 =	stileid.u32  }
0x3: {  	s3 =	simm.s32 $0x0;
	s13 =	simm.s32 $0x80;
	s8 =	smul.u32 $0x13C00, s1  }
0x4: {  	s14 =	simm.s32 $0x100;
	s15 =	simm.s32 $0x1;
	s26 =	smul.u32 $0x4F000, s1  }
0x5: {  	s6 =	sand.u32 $0x1, s0;
	s0 =	rddreg [dreg:$0x2];
	s30 =	smul.u32 $0x4F0, s1  }
0x6: {  	s16 =	simm.s32 $0x0;
	[smem:$0x7FF] =	sst s3;
	s7 =	smul.u32 $0x4F00, s6  }
0x7: {  	s4 =	sadd.s32 $0x1D000, s5;
	s31 =	sshll.u32 s1, $0x6;
	s9 =	smul.u32 $0x13C000, s6  }
0x8: {  	_ =	strace $0x80000050;
	s6 =	ssub.s32 $0x2, s6;
	s25 =	sshrl.u32 s8, $0x3  }
0x9: {  	s28 =	sshrl.u32 s6, $0x1;
	s29 =	sshrl.u32 s26, $0x2;
	s10 =	sadd.s32 s7, s5  }
0xa: {  	s8 =	sadd.s32 s8, s9;
	s7 =	sadd.s32 s25, s5;
	s11 =	ssub.s32 s6, s28  }
0xb: {  	s12 =	sadd.s32 s29, s2;
	s6 =	sor.u32 $0x1C02, s31;
	s8 =	sshrl.u32 s8, $0x3  }
0xc: {  	s10 =	sadd.s32 s30, s10;
	s8 =	sadd.s32 s8, s5;
	s5 =	sadd.s32 $0xB9600, s7  }
0xd: {  	s9 =	sadd.s32 $0x13200, s10;
	s10 =	sadd.s32 $0x9400, s10;
	s7 =	sadd.s32 $0x44200, s8  }
0xe: {  	s8 =	smax.u32 s11, $0x1;
	s11 =	sshrl.u32 s12, $0x3;
	s12 =	simm.s32 $0x2  }
.LBB2_1:
0xf: {  	[spmem:s11], [sflag:s6] =	dma.local [hbm:s5], $0x2780  }
0x10: {  	_ =	swait.ge [sflag:s12], $0x2780  }
0x11: {  	[sflag:s12] =	ssyncset.done $0x0  }
0x12: {  	[sflag:s12] =	ssyncadd.s32 $0xFFFFD880  }
0x13: {  	s17 =	sadd.s32 $0x0, s10;
	[bflag:$0x0] =	sbarrier.arrive $0xFFFF  }
0x14: {  	[tilespmem:s3], [sflag:$0x2] =	stream.linear.gather [hbm4b:s17+s3], $0x80, $0x38;
	[tilespmem:$0x17D00] =	vst v63  }
0x15: {  	_ =	swait.ge [sflag:s12], $0x80  }
0x16: {  	[sflag:s12] =	ssyncset.done $0x0  }
0x17: {  	s31 =	sadd.s32 $0x0, s9;
	[sflag:s12] =	ssyncadd.s32 $0xFFFFFF80  }
0x18: {  	[tilespmem:s13], [sflag:$0x2] =	stream.linear.gather [hbm4b:s31+s3], $0x80, $0x38;
	[tilespmem:$0x17D00] =	vst v63  }
0x19: {  	_ =	swait.ge [sflag:s12], $0x80  }
0x1a: {  	[sflag:s12] =	ssyncset.done $0x0  }
0x1b: {  	[sflag:s12] =	ssyncadd.s32 $0xFFFFFF80  }
0x1c: {  	[tilespmem:s14], [sflag:$0x1] =	stream.indirect.gather [hbm4b:s4+s13], $0x80, s3, s13, $0xb8;
	[tilespmem:$0x17D00] =	vst v63  }
0x1d: {  	_ =	swait.ge [sflag:s15], $0x4000  }
0x1e: {  	[sflag:s15] =	ssyncset.done $0x0  }
0x1f: {  	[sflag:s15] =	ssyncadd.s32 $0xFFFFC000  }
0x20: {  	[spmem:s2] =	stream.indirect.scatter.add.f32 [tilespmem:s14], [sflag:$0x2], $0x80, s13, s13, $0xb8;
	[tilespmem:$0x17D00] =	vst v63  }
0x21: {  	_ =	swait.ge [sflag:s12], $0x4000  }
0x22: {  	s18 =	simm.s32 $0x20;
	s17 =	simm.s32 $0x10;
	[sflag:s12] =	ssyncset.done $0x0  }
.LBB2_2:
0x23: {  	s19 =	sadd.s32 s17, s10  }
0x24: {  	[sflag:s12] =	ssyncadd.s32 $0xFFFFC000;
	s20 =	smov.u32 s18;
	s21 =	sadd.s32 $0x10, s18  }
0x25: {  	[tilespmem:s3], [sflag:$0x2] =	stream.linear.gather [hbm4b:s19+s3], $0x80, $0x38;
	[tilespmem:$0x17D00] =	vst v63  }
0x26: {  	p0 =	sne.s32 s18, $0x4E0;
	_ =	swait.ge [sflag:s12], $0x80  }
0x27: {  	[sflag:s12] =	ssyncset.done $0x0  }
0x28: {  	s18 =	sadd.s32 s17, s9;
	s17 =	smov.u32 s20;
	[sflag:s12] =	ssyncadd.s32 $0xFFFFFF80  }
0x29: {  	[tilespmem:s13], [sflag:$0x2] =	stream.linear.gather [hbm4b:s18+s3], $0x80, $0x38;
	[tilespmem:$0x17D00] =	vst v63  }
0x2a: {  	_ =	swait.ge [sflag:s12], $0x80  }
0x2b: {  	[sflag:s12] =	ssyncset.done $0x0  }
0x2c: {  	[sflag:s12] =	ssyncadd.s32 $0xFFFFFF80  }
0x2d: {  	[tilespmem:s14], [sflag:$0x1] =	stream.indirect.gather [hbm4b:s4+s13], $0x80, s3, s13, $0xb8;
	[tilespmem:$0x17D00] =	vst v63  }
0x2e: {  	_ =	swait.ge [sflag:s15], $0x4000  }
.Ltmp0:
0x2f: {  	[sflag:s15] =	ssyncset.done $0x0;
	(pc) =	sbr.rel @p0 .LBB2_2-.Ltmp0, $4  }
0x30: {  	[sflag:s15] =	ssyncadd.s32 $0xFFFFC000  }
0x31: {  	[spmem:s2] =	stream.indirect.scatter.add.f32 [tilespmem:s14], [sflag:$0x2], $0x80, s13, s13, $0xb8;
	[tilespmem:$0x17D00] =	vst v63  }
0x32: {  	_ =	swait.ge [sflag:s12], $0x4000  }
0x33: {  	s18 =	smov.u32 s21;
	[sflag:s12] =	ssyncset.done $0x0  }
0x34: {  	s18 =	sadd.s32 s17, s10;
	[sflag:s12] =	ssyncadd.s32 $0xFFFFC000  }
0x35: {  	[tilespmem:s3], [sflag:$0x2] =	stream.linear.gather [hbm4b:s18+s3], $0x80, $0x38;
	[tilespmem:$0x17D00] =	vst v63  }
0x36: {  	_ =	swait.ge [sflag:s12], $0x80  }
0x37: {  	[sflag:s12] =	ssyncset.done $0x0  }
0x38: {  	s31 =	sadd.s32 s17, s9;
	[sflag:s12] =	ssyncadd.s32 $0xFFFFFF80  }
0x39: {  	[tilespmem:s13], [sflag:$0x2] =	stream.linear.gather [hbm4b:s31+s3], $0x80, $0x38;
	[tilespmem:$0x17D00] =	vst v63  }
0x3a: {  	_ =	swait.ge [sflag:s12], $0x80  }
0x3b: {  	[sflag:s12] =	ssyncset.done $0x0  }
0x3c: {  	[sflag:s12] =	ssyncadd.s32 $0xFFFFFF80  }
0x3d: {  	[tilespmem:s14], [sflag:$0x1] =	stream.indirect.gather [hbm4b:s4+s13], $0x80, s3, s13, $0xb8;
	[tilespmem:$0x17D00] =	vst v63  }
0x3e: {  	_ =	swait.ge [sflag:s15], $0x4000  }
0x3f: {  	[sflag:s15] =	ssyncset.done $0x0  }
0x40: {  	[sflag:s15] =	ssyncadd.s32 $0xFFFFC000  }
0x41: {  	[spmem:s2] =	stream.indirect.scatter.add.f32 [tilespmem:s14], [sflag:$0x2], $0x80, s13, s13, $0xb8;
	[tilespmem:$0x17D00] =	vst v63  }
0x42: {  	_ =	swait.ge [sflag:s12], $0x4000  }
0x43: {  	s16 =	sadd.s32 $0x1, s16;
	[sflag:s12] =	ssyncset.done $0x0  }
0x44: {  	p0 =	sne.s32 s16, s8;
	[sflag:s12] =	ssyncadd.s32 $0xFFFFC000  }
.Ltmp1:
0x45: {  	[bflag:$0x0] =	sbarrier.arrive $0xFFFF;
	(pc) =	sbr.rel @p0 .LBB2_1-.Ltmp1, $4  }
0x46: {  	[hbm:s7], [sflag:s6] =	dma.local [spmem:s11], $0x2780  }
0x47: {  	_ =	swait.ge [sflag:s12], $0x2780  }
0x48: {  	[sflag:s12] =	ssyncset.done $0x0  }
0x49: {  	[sflag:s12] =	ssyncadd.s32 $0xFFFFD880  }
0x4a: {  	_ =	sfence.sel $0x180000  }
0x4b: {  	[bflag:$0x0] =	sbarrier.arrive $0xFFFF  }
0x4c: {  	p0 =	sne.s32 s1, $0x0;
	_ =	strace $0x90000050  }
0x4d: {  	s0 =	sadd.s32 @!p0 $0x100000, s0;
	[bflag:$0x2] =	sbarrier.arrive $0xFFFF  }
0x4e: {  	[sflag:s0] =	ssyncadd.tile.s32 @!p0 $0x1;
	_ =	shalt  }
.Lfunc_end2:
_tile_overlayer_lowered:
.L_overlay_start_2:
0x4f: {  	(tag) =	ssettag $0x2  }
0x50: {  	s0 =	rddreg [dreg:$0x0];
	s2 =	stileid.u32  }
0x51: {  	s1 =	rddreg [dreg:$0x1];
	p0 =	sne.s32 s2, $0x0  }
0x52: {  	s3 =	rddreg [dreg:$0x2];
	[bflag:$0x3] =	sbarrier.arrive $0xFFFF;
	s2 =	simm.s32 @!p0 $0x1C02  }
0x53: {  	[timem:s3], [sflag:s2] =	dma.local @!p0 [hbm:s0], s1  }
0x54: {  	s0 =	simm.s32 @!p0 $0x2  }
0x55: {  	_ =	swait.ge @!p0 [sflag:s0], s1  }
0x56: {  	s1 =	ssub.s32 @!p0 $0x0, s1;
	[sflag:s0] =	ssyncset.done @!p0 $0x0  }
0x57: {  	[sflag:s0] =	ssyncadd.s32 @!p0 s1  }
0x58: {  	[bflag:$0x3] =	sbarrier.arrive $0xFFFF  }
0x59: {  	_ =	shalt  }

// kernel: kernel.47.cloned.1.call-start
scs
__scs_entry_jumppad:
0x0: {  	(pc) =	sbr.rel $0x88, $3  }
0x1: {  	(tag) =	ssettag $0x0;
	lr =	simm.s32 $0x1  }
0x2: {  	[smem:$0x3F93] =	sst lr;
	_ =	strace $0xD0000000  }
0x3: {  	_ = 	snop  }
0x4: {  	_ = 	snop  }
0x5: {  	_ = 	snop  }
0x6: {  	_ = 	snop  }
0x7: {  	_ = 	snop  }
__scs_overlays_trampoline_lowered:
0x8: {  	[smem:$0x3FA2] =	sst s0  }
0x9: {  	[smem:$0x3FA3] =	sst s1  }
0xa: {  	[smem:$0x3FA4] =	sst s2  }
0xb: {  	[smem:$0x3FA5] =	sst s3  }
0xc: {  	[smem:$0x3FA6] =	sst s4  }
0xd: {  	[smem:$0x3FA7] =	sst s5  }
0xe: {  	[smem:$0x3FA8] =	sst s6  }
0xf: {  	[smem:$0x3FA9] =	sst s7  }
0x10: {  	[smem:$0x3FAA] =	sst s8  }
0x11: {  	[smem:$0x3FAB] =	sst s9;
	s0 =	simm.s32 @!p0 $0x0  }
0x12: {  	s1 =	sld [smem:$0x3F91];
	s0 =	simm.s32 @p0 $0x1  }
0x13: {  	[smem:$0x3FAC] =	sst s0;
	s0 =	simm.s32 @!p1 $0x0  }
0x14: {  	s2 =	sld [smem:$0x3F90];
	s0 =	simm.s32 @p1 $0x1  }
0x15: {  	[smem:$0x3FAD] =	sst s0;
	s0 =	simm.s32 @!p2 $0x0  }
0x16: {  	s3 =	sld [smem:$0x3FDB];
	s0 =	simm.s32 @p2 $0x1  }
0x17: {  	s4 =	simm.s32 $0x1BF5;
	[smem:$0x3FAF] =	sst s0  }
0x18: {  	s0 =	sld [smem:$0x3F92];
	_ =	swait.ge [sflag:s4], $0x0  }
0x19: {  	s7 =	sld [smem:$0x3F93]  }
0x1a: {  	s8 =	sadd.s32 $0xFFFFE003, lr  }
0x1b: {  	s9 =	sadd.s32 $0xFFFFFEF7, lr;
	s5 =	simm.s32 $0xFFFFFFFF;
	p2 =	slt.u32 s8, $0xFFFFF086  }
0x1c: {  	p1 =	slt.u32 s9, $0xF7A;
	s5 =	simm.s32 @!p2 $0x0  }
0x1d: {  	s5 =	simm.s32 @p1 $0x1;
	p0 =	seq.s32 s7, s2  }
0x1e: {  	s7 =	smul.u32 @!p0 $0xF7A, s2;
	p2 =	seq.s32 @!p0 s5, $0x0  }
0x1f: {  	s9 =	smul.u32 $0xF7A, s1;
	s8 =	simm.s32 @!p0 $0x1BF5;
	p2 =	por !p2, p0  }
0x20: {  	[sflag:s8] =	ssyncset.s32 @!p0 $0xFFFFF086;
	s6 =	sadd.s32 @!p0 s3, s7;
	s7 =	simm.s32 @!p0 $0x108  }
0x21: {  	s3 =	sadd.s32 s3, s9;
	s6 =	sadd.s32 @!p0 $0x88, s6;
	s7 =	simm.s32 @p2 $0x1082  }
0x22: {  	[simem:s7], [sflag:s8] =	dma.local @!p0 [hbm:s6], $0xF7A  }
0x23: {  	s9 =	sor.u32 $0xD0000000, s2;
	s6 =	simm.s32 $0x108;
	_ =	swait.ge @!p0 [sflag:s8], $0x0  }
0x24: {  	s3 =	sadd.s32 $0x88, s3;
	s6 =	simm.s32 @!p1 $0x1082;
	[sflag:s4] =	ssyncset.s32 $0xFFFFF086  }
0x25: {  	[simem:s6], [sflag:s4] =	dma.local [hbm:s3], $0xF7A  }
0x26: {  	[smem:$0x3F93] =	sst s1;
	(tag) =	ssettag s2;
	_ =	strace s9  }
0x27: {  	s1 =	sld [smem:$0x3FA3]  }
0x28: {  	s2 =	sld [smem:$0x3FA4]  }
0x29: {  	s4 =	sld [smem:$0x3FA6]  }
0x2a: {  	p0 =	seq.s32 s5, $0x0;
	s5 =	sld [smem:$0x3FA7]  }
0x2b: {  	s6 =	sld [smem:$0x3FA8]  }
0x2c: {  	s7 =	sld [smem:$0x3FA9]  }
0x2d: {  	s3 =	simm.s32 $0x108;
	s8 =	sld [smem:$0x3FAA]  }
0x2e: {  	s3 =	simm.s32 @!p0 $0x1082;
	s9 =	sld [smem:$0x3FAB]  }
0x2f: {  	lr =	sadd.s32 s0, s3;
	s0 =	sld [smem:$0x3FA2]  }
0x30: {  	s3 =	sld [smem:$0x3FA5]  }
0x31: {  	[smem:$0x3FAE] =	sst s10  }
0x32: {  	s10 =	sld [smem:$0x3FAC];
	_ =	sdelay $0x3  }
0x33: {  	p0 =	seq.s32 s10, $0x1;
	s10 =	sld [smem:$0x3FAE];
	_ =	sdelay $0x3  }
0x34: {  	[smem:$0x3FAE] =	sst s10  }
0x35: {  	s10 =	sld [smem:$0x3FAD];
	_ =	sdelay $0x3  }
0x36: {  	p1 =	seq.s32 s10, $0x1;
	s10 =	sld [smem:$0x3FAE];
	_ =	sdelay $0x3  }
0x37: {  	[smem:$0x3FAE] =	sst s10  }
0x38: {  	s10 =	sld [smem:$0x3FAF]  }
0x39: {  	_ = 	snop;
	(pc) =	sbr.ind lr, $3  }
0x3a: {  	_ = 	snop  }
0x3b: {  	_ = 	snop  }
0x3c: {  	p2 =	seq.s32 s10, $0x1;
	s10 =	sld [smem:$0x3FAE]  }
0x3d: {  	_ =	shalt  }
0x3e: {  	_ =	shalt  }
0x3f: {  	_ =	shalt  }
0x40: {  	_ =	shalt  }
0x41: {  	_ =	shalt  }
0x42: {  	_ =	shalt  }
0x43: {  	_ =	shalt  }
0x44: {  	_ =	shalt  }
0x45: {  	_ =	shalt  }
0x46: {  	_ =	shalt  }
0x47: {  	_ =	shalt  }
0x48: {  	_ =	shalt  }
0x49: {  	_ =	shalt  }
0x4a: {  	_ =	shalt  }
0x4b: {  	_ =	shalt  }
0x4c: {  	_ =	shalt  }
0x4d: {  	_ =	shalt  }
0x4e: {  	_ =	shalt  }
0x4f: {  	_ =	shalt  }
0x50: {  	_ =	shalt  }
0x51: {  	_ =	shalt  }
0x52: {  	_ =	shalt  }
0x53: {  	_ =	shalt  }
0x54: {  	_ =	shalt  }
0x55: {  	_ =	shalt  }
0x56: {  	_ =	shalt  }
0x57: {  	_ =	shalt  }
0x58: {  	_ =	shalt  }
0x59: {  	_ =	shalt  }
0x5a: {  	_ =	shalt  }
0x5b: {  	_ =	shalt  }
0x5c: {  	_ =	shalt  }
0x5d: {  	_ =	shalt  }
0x5e: {  	_ =	shalt  }
0x5f: {  	_ =	shalt  }
0x60: {  	_ =	shalt  }
0x61: {  	_ =	shalt  }
0x62: {  	_ =	shalt  }
0x63: {  	_ =	shalt  }
0x64: {  	_ =	shalt  }
0x65: {  	_ =	shalt  }
0x66: {  	_ =	shalt  }
0x67: {  	_ =	shalt  }
0x68: {  	_ =	shalt  }
0x69: {  	_ =	shalt  }
0x6a: {  	_ =	shalt  }
0x6b: {  	_ =	shalt  }
0x6c: {  	_ =	shalt  }
0x6d: {  	_ =	shalt  }
0x6e: {  	_ =	shalt  }
0x6f: {  	_ =	shalt  }
0x70: {  	_ =	shalt  }
0x71: {  	_ =	shalt  }
0x72: {  	_ =	shalt  }
0x73: {  	_ =	shalt  }
0x74: {  	_ =	shalt  }
0x75: {  	_ =	shalt  }
0x76: {  	_ =	shalt  }
0x77: {  	_ =	shalt  }
0x78: {  	_ =	shalt  }
0x79: {  	_ =	shalt  }
0x7a: {  	_ =	shalt  }
0x7b: {  	_ =	shalt  }
0x7c: {  	_ =	shalt  }
0x7d: {  	_ =	shalt  }
0x7e: {  	_ =	shalt  }
0x7f: {  	_ =	shalt  }
0x80: {  	_ =	shalt  }
0x81: {  	_ =	shalt  }
0x82: {  	_ =	shalt  }
0x83: {  	_ =	shalt  }
0x84: {  	_ =	shalt  }
0x85: {  	_ =	shalt  }
0x86: {  	_ =	shalt  }
0x87: {  	_ =	shalt  }
.Lfunc_end0:
.L_simem_size_0:
called_computation.4_lowered:
.L_overlay_start_0:
0x88: {  	s2 =	sld [smem:$0x3FD9]  }
0x89: {  	s3 =	sld [smem:$0x3FFE];
	_ =	sdelay $0x1  }
0x8a: {  	s1 =	srdreg.scid  }
0x8b: {  	s0 =	sand.u32 $0x1, s1  }
0x8c: {  	s16 =	sshll.u32 s0, $0xA;
	s2 =	sadd.s32 s3, s2  }
0x8d: {  	s2 =	sadd.s32 s2, s16  }
0x8e: {  	[smem:$0x3FBA] =	sst s2  }
0x8f: {  	_ = 	snop  }
0x90: {  	(tm) =	ssettm $0x1  }
0x91: {  	s17 =	sld [smem:$0x3FFB];
	_ =	sdelay $0x3  }
0x92: {  	_ =	strace s17  }
0x93: {  	s2 =	sld [smem:$0x3FFC];
	_ =	sdelay $0x3  }
0x94: {  	_ =	strace s2  }
0x95: {  	s2 =	sld [smem:$0x3FFD];
	_ =	sdelay $0x3  }
0x96: {  	_ =	strace s2  }
0x97: {  	_ =	strace $0x8FFFFFFF  }
0x98: {  	s18 =	sld [smem:$0x3FDB];
	_ =	sdelay $0x1  }
0x99: {  	s19 =	simm.s32 $_scs_section_size  }
0x9a: {  	s4 =	simm.s32 $_size__tile_overlayer_lowered;
	s5 =	simm.s32 $_tile_overlayer_lowered  }
0x9b: {  	s22 =	simm.s32 $0x1BFF;
	s21 =	sshll.u32 s5, $0x1;
	s2 =	sadd.s32 s19, s18  }
0x9c: {  	s6 =	simm.s32 $0x0;
	s20 =	sshll.u32 s4, $0x1;
	s4 =	sadd.s32 s21, s2  }
0x9d: {  	[timem:s6], [sflag:s22] =	dma.local [hbm:s4], s20  }
0x9e: {  	_ =	swait.ge [sflag:s22], s20  }
0x9f: {  	s3 =	ssub.s32 $0x0, s20;
	[sflag:s22] =	ssyncset.done $0x0  }
0xa0: {  	[sflag:s22] =	ssyncadd.s32 s3;
	_ =	sdelay $0x1  }
0xa1: {  	s23 =	simm.s32 $0x1B8B  }
0xa2: {  	_ =	swait.ge [sflag:s23], $0x1  }
0xa3: {  	[sflag:s23] =	ssyncset.done $0x0  }
0xa4: {  	s25 =	simm.s32 $0x1B8E;
	s24 =	sld [smem:$0x3FFE];
	[sflag:s23] =	ssyncadd.s32 $0xFFFFFFFF  }
0xa5: {  	s26 =	simm.s32 $execute0_lowered;
	[smem:$0x3FD2] =	sst s25  }
0xa6: {  	s4 =	sshll.u32 s26, $0x1;
	_ =	strace $0x80000052;
	[dreg:$0x1] =	wrdreg $0xFFFFFFFF  }
0xa7: {  	s28 =	simm.s32 $_size_execute0_lowered;
	s2 =	sadd.s32 s2, s4;
	[dreg:$0x0] =	wrdreg $0x0  }
0xa8: {  	s4 =	sshll.u32 s28, $0x1;
	[dreg:$0x2] =	wrdreg s2  }
0xa9: {  	[dreg:$0x3] =	wrdreg s4  }
0xaa: {  	[dreg:$0x4] =	wrdreg $0xC0  }
0xab: {  	_ =	task [dreg:s6], $0x5FFFF  }
0xac: {  	[dreg:$0x1] =	wrdreg $0xFFFFFFFF  }
0xad: {  	[dreg:$0x0] =	wrdreg $0x60  }
0xae: {  	[dreg:$0x2] =	wrdreg s24  }
0xaf: {  	[dreg:$0x3] =	wrdreg $0x41000  }
0xb0: {  	[dreg:$0x4] =	wrdreg $0x9  }
0xb1: {  	_ =	task.clear_ibuf [dreg:s6], $0x5FFFF;
	_ =	strace $0x90000052  }
0xb2: {  	s29 =	simm.s32 $0x9;
	_ =	strace $0x80000054  }
0xb3: {  	_ =	swait.ge [sflag:s29], $0x1  }
0xb4: {  	[sflag:s29] =	ssyncadd.s32 $0xFFFFFFFF  }
0xb5: {  	_ =	strace $0x90000054  }
0xb6: {  	_ =	sfence  }
0xb7: {  	s30 =	sld [smem:$0x0];
	_ =	sdelay $0x2  }
0xb8: {  	s31 =	sshll.u32 s1, $0xD;
	s1 =	sshrl.u32 s1, $0x2  }
0xb9: {  	s3 =	sand.u32 $0x4000, s31;
	s1 =	sadd.s32 s1, s30  }
0xba: {  	s0 =	sor.u32 s3, s0;
	s1 =	sshll.u32 s1, $0x11  }
0xbb: {  	s0 =	sor.u32 s1, s0  }
0xbc: {  	s0 =	sadd.s32 $0x8F2B, s0  }
0xbd: {  	[sflag:s0] =	ssyncadd.remote.s32 $0x1  }
0xbe: {  	_ =	sfence.sel $0xFFFF  }
0xbf: {  	[dreg:$0x0] =	wrdreg $0xFFFFFFFF;
	(pc) =	sbr.abs _section_cstart, $3  }
0xc0: {  	[dreg:$0x1] =	wrdreg $0xFFFFFFFF  }
0xc1: {  	_ =	task.clear_ibuf [dreg:s6], $0x2FFFF;
	_ =	strace $0x9FFFFFFF  }
0xc2: {  	(tm) =	ssettm $0x7FFFFFFF  }
0xc3: {  	_ =	shalt  }
tec
execute0_lowered:
.L_overlay_start_1:
0x0: {  	(tag) =	ssettag $0x1  }
0x1: {  	s5 =	rddreg [dreg:$0x0];
	s0 =	srdreg.scid  }
0x2: {  	s2 =	rddreg [dreg:$0x1];
	s1 =	stileid.u32  }
0x3: {  	s3 =	simm.s32 $0x0;
	s13 =	simm.s32 $0x80;
	s8 =	smul.u32 $0x13C00, s1  }
0x4: {  	s14 =	simm.s32 $0x100;
	s15 =	simm.s32 $0x1;
	s26 =	smul.u32 $0x4F000, s1  }
0x5: {  	s6 =	sand.u32 $0x1, s0;
	s0 =	rddreg [dreg:$0x2];
	s30 =	smul.u32 $0x4F0, s1  }
0x6: {  	s16 =	simm.s32 $0x0;
	[smem:$0x7FF] =	sst s3;
	s7 =	smul.u32 $0x4F00, s6  }
0x7: {  	s4 =	sadd.s32 $0xE0E00, s5;
	s31 =	sshll.u32 s1, $0x6;
	s9 =	smul.u32 $0x13C000, s6  }
0x8: {  	_ =	strace $0x80000053;
	s6 =	ssub.s32 $0x2, s6;
	s25 =	sshrl.u32 s8, $0x3  }
0x9: {  	s28 =	sshrl.u32 s6, $0x1;
	s29 =	sshrl.u32 s26, $0x2;
	s10 =	sadd.s32 s7, s5  }
0xa: {  	s8 =	sadd.s32 s8, s9;
	s7 =	sadd.s32 s25, s5;
	s11 =	ssub.s32 s6, s28  }
0xb: {  	s12 =	sadd.s32 s29, s2;
	s6 =	sor.u32 $0x1C02, s31;
	s8 =	sshrl.u32 s8, $0x3  }
0xc: {  	s10 =	sadd.s32 s30, s10;
	s8 =	sadd.s32 s8, s5;
	s5 =	sadd.s32 $0xB9600, s7  }
0xd: {  	s9 =	sadd.s32 $0x13200, s10;
	s10 =	sadd.s32 $0x9400, s10;
	s7 =	sadd.s32 $0x1D000, s8  }
0xe: {  	s8 =	smax.u32 s11, $0x1;
	s11 =	sshrl.u32 s12, $0x3;
	s12 =	simm.s32 $0x2  }
.LBB2_1:
0xf: {  	[spmem:s11], [sflag:s6] =	dma.local [hbm:s5], $0x2780  }
0x10: {  	_ =	swait.ge [sflag:s12], $0x2780  }
0x11: {  	[sflag:s12] =	ssyncset.done $0x0  }
0x12: {  	[sflag:s12] =	ssyncadd.s32 $0xFFFFD880  }
0x13: {  	s17 =	sadd.s32 $0x0, s10;
	[bflag:$0x0] =	sbarrier.arrive $0xFFFF  }
0x14: {  	[tilespmem:s3], [sflag:$0x2] =	stream.linear.gather [hbm4b:s17+s3], $0x80, $0x38;
	[tilespmem:$0x17D00] =	vst v63  }
0x15: {  	_ =	swait.ge [sflag:s12], $0x80  }
0x16: {  	[sflag:s12] =	ssyncset.done $0x0  }
0x17: {  	s31 =	sadd.s32 $0x0, s9;
	[sflag:s12] =	ssyncadd.s32 $0xFFFFFF80  }
0x18: {  	[tilespmem:s13], [sflag:$0x2] =	stream.linear.gather [hbm4b:s31+s3], $0x80, $0x38;
	[tilespmem:$0x17D00] =	vst v63  }
0x19: {  	_ =	swait.ge [sflag:s12], $0x80  }
0x1a: {  	[sflag:s12] =	ssyncset.done $0x0  }
0x1b: {  	[sflag:s12] =	ssyncadd.s32 $0xFFFFFF80  }
0x1c: {  	[tilespmem:s14], [sflag:$0x1] =	stream.indirect.gather [hbm4b:s4+s13], $0x80, s3, s13, $0xb8;
	[tilespmem:$0x17D00] =	vst v63  }
0x1d: {  	_ =	swait.ge [sflag:s15], $0x4000  }
0x1e: {  	[sflag:s15] =	ssyncset.done $0x0  }
0x1f: {  	[sflag:s15] =	ssyncadd.s32 $0xFFFFC000  }
0x20: {  	[spmem:s2] =	stream.indirect.scatter.add.f32 [tilespmem:s14], [sflag:$0x2], $0x80, s13, s13, $0xb8;
	[tilespmem:$0x17D00] =	vst v63  }
0x21: {  	_ =	swait.ge [sflag:s12], $0x4000  }
0x22: {  	s18 =	simm.s32 $0x20;
	s17 =	simm.s32 $0x10;
	[sflag:s12] =	ssyncset.done $0x0  }
.LBB2_2:
0x23: {  	s19 =	sadd.s32 s17, s10  }
0x24: {  	[sflag:s12] =	ssyncadd.s32 $0xFFFFC000;
	s20 =	smov.u32 s18;
	s21 =	sadd.s32 $0x10, s18  }
0x25: {  	[tilespmem:s3], [sflag:$0x2] =	stream.linear.gather [hbm4b:s19+s3], $0x80, $0x38;
	[tilespmem:$0x17D00] =	vst v63  }
0x26: {  	p0 =	sne.s32 s18, $0x4E0;
	_ =	swait.ge [sflag:s12], $0x80  }
0x27: {  	[sflag:s12] =	ssyncset.done $0x0  }
0x28: {  	s18 =	sadd.s32 s17, s9;
	s17 =	smov.u32 s20;
	[sflag:s12] =	ssyncadd.s32 $0xFFFFFF80  }
0x29: {  	[tilespmem:s13], [sflag:$0x2] =	stream.linear.gather [hbm4b:s18+s3], $0x80, $0x38;
	[tilespmem:$0x17D00] =	vst v63  }
0x2a: {  	_ =	swait.ge [sflag:s12], $0x80  }
0x2b: {  	[sflag:s12] =	ssyncset.done $0x0  }
0x2c: {  	[sflag:s12] =	ssyncadd.s32 $0xFFFFFF80  }
0x2d: {  	[tilespmem:s14], [sflag:$0x1] =	stream.indirect.gather [hbm4b:s4+s13], $0x80, s3, s13, $0xb8;
	[tilespmem:$0x17D00] =	vst v63  }
0x2e: {  	_ =	swait.ge [sflag:s15], $0x4000  }
.Ltmp0:
0x2f: {  	[sflag:s15] =	ssyncset.done $0x0;
	(pc) =	sbr.rel @p0 .LBB2_2-.Ltmp0, $4  }
0x30: {  	[sflag:s15] =	ssyncadd.s32 $0xFFFFC000  }
0x31: {  	[spmem:s2] =	stream.indirect.scatter.add.f32 [tilespmem:s14], [sflag:$0x2], $0x80, s13, s13, $0xb8;
	[tilespmem:$0x17D00] =	vst v63  }
0x32: {  	_ =	swait.ge [sflag:s12], $0x4000  }
0x33: {  	s18 =	smov.u32 s21;
	[sflag:s12] =	ssyncset.done $0x0  }
0x34: {  	s18 =	sadd.s32 s17, s10;
	[sflag:s12] =	ssyncadd.s32 $0xFFFFC000  }
0x35: {  	[tilespmem:s3], [sflag:$0x2] =	stream.linear.gather [hbm4b:s18+s3], $0x80, $0x38;
	[tilespmem:$0x17D00] =	vst v63  }
0x36: {  	_ =	swait.ge [sflag:s12], $0x80  }
0x37: {  	[sflag:s12] =	ssyncset.done $0x0  }
0x38: {  	s31 =	sadd.s32 s17, s9;
	[sflag:s12] =	ssyncadd.s32 $0xFFFFFF80  }
0x39: {  	[tilespmem:s13], [sflag:$0x2] =	stream.linear.gather [hbm4b:s31+s3], $0x80, $0x38;
	[tilespmem:$0x17D00] =	vst v63  }
0x3a: {  	_ =	swait.ge [sflag:s12], $0x80  }
0x3b: {  	[sflag:s12] =	ssyncset.done $0x0  }
0x3c: {  	[sflag:s12] =	ssyncadd.s32 $0xFFFFFF80  }
0x3d: {  	[tilespmem:s14], [sflag:$0x1] =	stream.indirect.gather [hbm4b:s4+s13], $0x80, s3, s13, $0xb8;
	[tilespmem:$0x17D00] =	vst v63  }
0x3e: {  	_ =	swait.ge [sflag:s15], $0x4000  }
0x3f: {  	[sflag:s15] =	ssyncset.done $0x0  }
0x40: {  	[sflag:s15] =	ssyncadd.s32 $0xFFFFC000  }
0x41: {  	[spmem:s2] =	stream.indirect.scatter.add.f32 [tilespmem:s14], [sflag:$0x2], $0x80, s13, s13, $0xb8;
	[tilespmem:$0x17D00] =	vst v63  }
0x42: {  	_ =	swait.ge [sflag:s12], $0x4000  }
0x43: {  	s16 =	sadd.s32 $0x1, s16;
	[sflag:s12] =	ssyncset.done $0x0  }
0x44: {  	p0 =	sne.s32 s16, s8;
	[sflag:s12] =	ssyncadd.s32 $0xFFFFC000  }
.Ltmp1:
0x45: {  	[bflag:$0x0] =	sbarrier.arrive $0xFFFF;
	(pc) =	sbr.rel @p0 .LBB2_1-.Ltmp1, $4  }
0x46: {  	[hbm:s7], [sflag:s6] =	dma.local [spmem:s11], $0x2780  }
0x47: {  	_ =	swait.ge [sflag:s12], $0x2780  }
0x48: {  	[sflag:s12] =	ssyncset.done $0x0  }
0x49: {  	[sflag:s12] =	ssyncadd.s32 $0xFFFFD880  }
0x4a: {  	_ =	sfence.sel $0x180000  }
0x4b: {  	[bflag:$0x0] =	sbarrier.arrive $0xFFFF  }
0x4c: {  	p0 =	sne.s32 s1, $0x0;
	_ =	strace $0x90000053  }
0x4d: {  	s0 =	sadd.s32 @!p0 $0x100000, s0;
	[bflag:$0x2] =	sbarrier.arrive $0xFFFF  }
0x4e: {  	[sflag:s0] =	ssyncadd.tile.s32 @!p0 $0x1;
	_ =	shalt  }
.Lfunc_end2:
_tile_overlayer_lowered:
.L_overlay_start_2:
0x4f: {  	(tag) =	ssettag $0x2  }
0x50: {  	s0 =	rddreg [dreg:$0x0];
	s2 =	stileid.u32  }
0x51: {  	s1 =	rddreg [dreg:$0x1];
	p0 =	sne.s32 s2, $0x0  }
0x52: {  	s3 =	rddreg [dreg:$0x2];
	[bflag:$0x3] =	sbarrier.arrive $0xFFFF;
	s2 =	simm.s32 @!p0 $0x1C02  }
0x53: {  	[timem:s3], [sflag:s2] =	dma.local @!p0 [hbm:s0], s1  }
0x54: {  	s0 =	simm.s32 @!p0 $0x2  }
0x55: {  	_ =	swait.ge @!p0 [sflag:s0], s1  }
0x56: {  	s1 =	ssub.s32 @!p0 $0x0, s1;
	[sflag:s0] =	ssyncset.done @!p0 $0x0  }
0x57: {  	[sflag:s0] =	ssyncadd.s32 @!p0 s1  }
0x58: {  	[bflag:$0x3] =	sbarrier.arrive $0xFFFF  }
0x59: {  	_ =	shalt  }

// kernel: kernel.50.cloned.1.call-start
scs
__scs_entry_jumppad:
0x0: {  	(pc) =	sbr.rel $0x88, $3  }
0x1: {  	(tag) =	ssettag $0x0;
	lr =	simm.s32 $0x1  }
0x2: {  	[smem:$0x3F93] =	sst lr;
	_ =	strace $0xD0000000  }
0x3: {  	_ = 	snop  }
0x4: {  	_ = 	snop  }
0x5: {  	_ = 	snop  }
0x6: {  	_ = 	snop  }
0x7: {  	_ = 	snop  }
__scs_overlays_trampoline_lowered:
0x8: {  	[smem:$0x3FA2] =	sst s0  }
0x9: {  	[smem:$0x3FA3] =	sst s1  }
0xa: {  	[smem:$0x3FA4] =	sst s2  }
0xb: {  	[smem:$0x3FA5] =	sst s3  }
0xc: {  	[smem:$0x3FA6] =	sst s4  }
0xd: {  	[smem:$0x3FA7] =	sst s5  }
0xe: {  	[smem:$0x3FA8] =	sst s6  }
0xf: {  	[smem:$0x3FA9] =	sst s7  }
0x10: {  	[smem:$0x3FAA] =	sst s8  }
0x11: {  	[smem:$0x3FAB] =	sst s9;
	s0 =	simm.s32 @!p0 $0x0  }
0x12: {  	s1 =	sld [smem:$0x3F91];
	s0 =	simm.s32 @p0 $0x1  }
0x13: {  	[smem:$0x3FAC] =	sst s0;
	s0 =	simm.s32 @!p1 $0x0  }
0x14: {  	s2 =	sld [smem:$0x3F90];
	s0 =	simm.s32 @p1 $0x1  }
0x15: {  	[smem:$0x3FAD] =	sst s0;
	s0 =	simm.s32 @!p2 $0x0  }
0x16: {  	s3 =	sld [smem:$0x3FDB];
	s0 =	simm.s32 @p2 $0x1  }
0x17: {  	s4 =	simm.s32 $0x1BF5;
	[smem:$0x3FAF] =	sst s0  }
0x18: {  	s0 =	sld [smem:$0x3F92];
	_ =	swait.ge [sflag:s4], $0x0  }
0x19: {  	s7 =	sld [smem:$0x3F93]  }
0x1a: {  	s8 =	sadd.s32 $0xFFFFE003, lr  }
0x1b: {  	s9 =	sadd.s32 $0xFFFFFEF7, lr;
	s5 =	simm.s32 $0xFFFFFFFF;
	p2 =	slt.u32 s8, $0xFFFFF086  }
0x1c: {  	p1 =	slt.u32 s9, $0xF7A;
	s5 =	simm.s32 @!p2 $0x0  }
0x1d: {  	s5 =	simm.s32 @p1 $0x1;
	p0 =	seq.s32 s7, s2  }
0x1e: {  	s7 =	smul.u32 @!p0 $0xF7A, s2;
	p2 =	seq.s32 @!p0 s5, $0x0  }
0x1f: {  	s9 =	smul.u32 $0xF7A, s1;
	s8 =	simm.s32 @!p0 $0x1BF5;
	p2 =	por !p2, p0  }
0x20: {  	[sflag:s8] =	ssyncset.s32 @!p0 $0xFFFFF086;
	s6 =	sadd.s32 @!p0 s3, s7;
	s7 =	simm.s32 @!p0 $0x108  }
0x21: {  	s3 =	sadd.s32 s3, s9;
	s6 =	sadd.s32 @!p0 $0x88, s6;
	s7 =	simm.s32 @p2 $0x1082  }
0x22: {  	[simem:s7], [sflag:s8] =	dma.local @!p0 [hbm:s6], $0xF7A  }
0x23: {  	s9 =	sor.u32 $0xD0000000, s2;
	s6 =	simm.s32 $0x108;
	_ =	swait.ge @!p0 [sflag:s8], $0x0  }
0x24: {  	s3 =	sadd.s32 $0x88, s3;
	s6 =	simm.s32 @!p1 $0x1082;
	[sflag:s4] =	ssyncset.s32 $0xFFFFF086  }
0x25: {  	[simem:s6], [sflag:s4] =	dma.local [hbm:s3], $0xF7A  }
0x26: {  	[smem:$0x3F93] =	sst s1;
	(tag) =	ssettag s2;
	_ =	strace s9  }
0x27: {  	s1 =	sld [smem:$0x3FA3]  }
0x28: {  	s2 =	sld [smem:$0x3FA4]  }
0x29: {  	s4 =	sld [smem:$0x3FA6]  }
0x2a: {  	p0 =	seq.s32 s5, $0x0;
	s5 =	sld [smem:$0x3FA7]  }
0x2b: {  	s6 =	sld [smem:$0x3FA8]  }
0x2c: {  	s7 =	sld [smem:$0x3FA9]  }
0x2d: {  	s3 =	simm.s32 $0x108;
	s8 =	sld [smem:$0x3FAA]  }
0x2e: {  	s3 =	simm.s32 @!p0 $0x1082;
	s9 =	sld [smem:$0x3FAB]  }
0x2f: {  	lr =	sadd.s32 s0, s3;
	s0 =	sld [smem:$0x3FA2]  }
0x30: {  	s3 =	sld [smem:$0x3FA5]  }
0x31: {  	[smem:$0x3FAE] =	sst s10  }
0x32: {  	s10 =	sld [smem:$0x3FAC];
	_ =	sdelay $0x3  }
0x33: {  	p0 =	seq.s32 s10, $0x1;
	s10 =	sld [smem:$0x3FAE];
	_ =	sdelay $0x3  }
0x34: {  	[smem:$0x3FAE] =	sst s10  }
0x35: {  	s10 =	sld [smem:$0x3FAD];
	_ =	sdelay $0x3  }
0x36: {  	p1 =	seq.s32 s10, $0x1;
	s10 =	sld [smem:$0x3FAE];
	_ =	sdelay $0x3  }
0x37: {  	[smem:$0x3FAE] =	sst s10  }
0x38: {  	s10 =	sld [smem:$0x3FAF]  }
0x39: {  	_ = 	snop;
	(pc) =	sbr.ind lr, $3  }
0x3a: {  	_ = 	snop  }
0x3b: {  	_ = 	snop  }
0x3c: {  	p2 =	seq.s32 s10, $0x1;
	s10 =	sld [smem:$0x3FAE]  }
0x3d: {  	_ =	shalt  }
0x3e: {  	_ =	shalt  }
0x3f: {  	_ =	shalt  }
0x40: {  	_ =	shalt  }
0x41: {  	_ =	shalt  }
0x42: {  	_ =	shalt  }
0x43: {  	_ =	shalt  }
0x44: {  	_ =	shalt  }
0x45: {  	_ =	shalt  }
0x46: {  	_ =	shalt  }
0x47: {  	_ =	shalt  }
0x48: {  	_ =	shalt  }
0x49: {  	_ =	shalt  }
0x4a: {  	_ =	shalt  }
0x4b: {  	_ =	shalt  }
0x4c: {  	_ =	shalt  }
0x4d: {  	_ =	shalt  }
0x4e: {  	_ =	shalt  }
0x4f: {  	_ =	shalt  }
0x50: {  	_ =	shalt  }
0x51: {  	_ =	shalt  }
0x52: {  	_ =	shalt  }
0x53: {  	_ =	shalt  }
0x54: {  	_ =	shalt  }
0x55: {  	_ =	shalt  }
0x56: {  	_ =	shalt  }
0x57: {  	_ =	shalt  }
0x58: {  	_ =	shalt  }
0x59: {  	_ =	shalt  }
0x5a: {  	_ =	shalt  }
0x5b: {  	_ =	shalt  }
0x5c: {  	_ =	shalt  }
0x5d: {  	_ =	shalt  }
0x5e: {  	_ =	shalt  }
0x5f: {  	_ =	shalt  }
0x60: {  	_ =	shalt  }
0x61: {  	_ =	shalt  }
0x62: {  	_ =	shalt  }
0x63: {  	_ =	shalt  }
0x64: {  	_ =	shalt  }
0x65: {  	_ =	shalt  }
0x66: {  	_ =	shalt  }
0x67: {  	_ =	shalt  }
0x68: {  	_ =	shalt  }
0x69: {  	_ =	shalt  }
0x6a: {  	_ =	shalt  }
0x6b: {  	_ =	shalt  }
0x6c: {  	_ =	shalt  }
0x6d: {  	_ =	shalt  }
0x6e: {  	_ =	shalt  }
0x6f: {  	_ =	shalt  }
0x70: {  	_ =	shalt  }
0x71: {  	_ =	shalt  }
0x72: {  	_ =	shalt  }
0x73: {  	_ =	shalt  }
0x74: {  	_ =	shalt  }
0x75: {  	_ =	shalt  }
0x76: {  	_ =	shalt  }
0x77: {  	_ =	shalt  }
0x78: {  	_ =	shalt  }
0x79: {  	_ =	shalt  }
0x7a: {  	_ =	shalt  }
0x7b: {  	_ =	shalt  }
0x7c: {  	_ =	shalt  }
0x7d: {  	_ =	shalt  }
0x7e: {  	_ =	shalt  }
0x7f: {  	_ =	shalt  }
0x80: {  	_ =	shalt  }
0x81: {  	_ =	shalt  }
0x82: {  	_ =	shalt  }
0x83: {  	_ =	shalt  }
0x84: {  	_ =	shalt  }
0x85: {  	_ =	shalt  }
0x86: {  	_ =	shalt  }
0x87: {  	_ =	shalt  }
.Lfunc_end0:
.L_simem_size_0:
called_computation.5_lowered:
.L_overlay_start_0:
0x88: {  	s2 =	sld [smem:$0x3FD9]  }
0x89: {  	s3 =	sld [smem:$0x3FFE];
	_ =	sdelay $0x1  }
0x8a: {  	s1 =	srdreg.scid  }
0x8b: {  	s0 =	sand.u32 $0x1, s1  }
0x8c: {  	s16 =	sshll.u32 s0, $0xA;
	s2 =	sadd.s32 s3, s2  }
0x8d: {  	s2 =	sadd.s32 s2, s16  }
0x8e: {  	[smem:$0x3FBA] =	sst s2  }
0x8f: {  	_ = 	snop  }
0x90: {  	(tm) =	ssettm $0x1  }
0x91: {  	s17 =	sld [smem:$0x3FFB];
	_ =	sdelay $0x3  }
0x92: {  	_ =	strace s17  }
0x93: {  	s2 =	sld [smem:$0x3FFC];
	_ =	sdelay $0x3  }
0x94: {  	_ =	strace s2  }
0x95: {  	s2 =	sld [smem:$0x3FFD];
	_ =	sdelay $0x3  }
0x96: {  	_ =	strace s2  }
0x97: {  	_ =	strace $0x8FFFFFFF  }
0x98: {  	s18 =	sld [smem:$0x3FDB];
	_ =	sdelay $0x1  }
0x99: {  	s19 =	simm.s32 $_scs_section_size  }
0x9a: {  	s4 =	simm.s32 $_size__tile_overlayer_lowered;
	s5 =	simm.s32 $_tile_overlayer_lowered  }
0x9b: {  	s22 =	simm.s32 $0x1BFF;
	s21 =	sshll.u32 s5, $0x1;
	s2 =	sadd.s32 s19, s18  }
0x9c: {  	s6 =	simm.s32 $0x0;
	s20 =	sshll.u32 s4, $0x1;
	s4 =	sadd.s32 s21, s2  }
0x9d: {  	[timem:s6], [sflag:s22] =	dma.local [hbm:s4], s20  }
0x9e: {  	_ =	swait.ge [sflag:s22], s20  }
0x9f: {  	s3 =	ssub.s32 $0x0, s20;
	[sflag:s22] =	ssyncset.done $0x0  }
0xa0: {  	[sflag:s22] =	ssyncadd.s32 s3;
	_ =	sdelay $0x1  }
0xa1: {  	s23 =	simm.s32 $0x1B8B  }
0xa2: {  	_ =	swait.ge [sflag:s23], $0x1  }
0xa3: {  	[sflag:s23] =	ssyncset.done $0x0  }
0xa4: {  	s25 =	simm.s32 $0x1B8E;
	s24 =	sld [smem:$0x3FFE];
	[sflag:s23] =	ssyncadd.s32 $0xFFFFFFFF  }
0xa5: {  	s26 =	simm.s32 $execute0_lowered;
	[smem:$0x3FD2] =	sst s25  }
0xa6: {  	s4 =	sshll.u32 s26, $0x1;
	_ =	strace $0x80000055;
	[dreg:$0x1] =	wrdreg $0xFFFFFFFF  }
0xa7: {  	s28 =	simm.s32 $_size_execute0_lowered;
	s2 =	sadd.s32 s2, s4;
	[dreg:$0x0] =	wrdreg $0x0  }
0xa8: {  	s4 =	sshll.u32 s28, $0x1;
	[dreg:$0x2] =	wrdreg s2  }
0xa9: {  	[dreg:$0x3] =	wrdreg s4  }
0xaa: {  	[dreg:$0x4] =	wrdreg $0xC0  }
0xab: {  	_ =	task [dreg:s6], $0x5FFFF  }
0xac: {  	[dreg:$0x1] =	wrdreg $0xFFFFFFFF  }
0xad: {  	[dreg:$0x0] =	wrdreg $0x60  }
0xae: {  	[dreg:$0x2] =	wrdreg s24  }
0xaf: {  	[dreg:$0x3] =	wrdreg $0x41000  }
0xb0: {  	[dreg:$0x4] =	wrdreg $0x9  }
0xb1: {  	_ =	task.clear_ibuf [dreg:s6], $0x5FFFF;
	_ =	strace $0x90000055  }
0xb2: {  	s29 =	simm.s32 $0x9;
	_ =	strace $0x80000057  }
0xb3: {  	_ =	swait.ge [sflag:s29], $0x1  }
0xb4: {  	[sflag:s29] =	ssyncadd.s32 $0xFFFFFFFF  }
0xb5: {  	_ =	strace $0x90000057  }
0xb6: {  	_ =	sfence  }
0xb7: {  	s30 =	sld [smem:$0x0];
	_ =	sdelay $0x2  }
0xb8: {  	s31 =	sshll.u32 s1, $0xD;
	s1 =	sshrl.u32 s1, $0x2  }
0xb9: {  	s3 =	sand.u32 $0x4000, s31;
	s1 =	sadd.s32 s1, s30  }
0xba: {  	s0 =	sor.u32 s3, s0;
	s1 =	sshll.u32 s1, $0x11  }
0xbb: {  	s0 =	sor.u32 s1, s0  }
0xbc: {  	s0 =	sadd.s32 $0x8F2B, s0  }
0xbd: {  	[sflag:s0] =	ssyncadd.remote.s32 $0x1  }
0xbe: {  	_ =	sfence.sel $0xFFFF  }
0xbf: {  	[dreg:$0x0] =	wrdreg $0xFFFFFFFF;
	(pc) =	sbr.abs _section_cstart, $3  }
0xc0: {  	[dreg:$0x1] =	wrdreg $0xFFFFFFFF  }
0xc1: {  	_ =	task.clear_ibuf [dreg:s6], $0x2FFFF;
	_ =	strace $0x9FFFFFFF  }
0xc2: {  	(tm) =	ssettm $0x7FFFFFFF  }
0xc3: {  	_ =	shalt  }
tec
execute0_lowered:
.L_overlay_start_1:
0x0: {  	(tag) =	ssettag $0x1  }
0x1: {  	s5 =	rddreg [dreg:$0x0];
	s0 =	srdreg.scid  }
0x2: {  	s2 =	rddreg [dreg:$0x1];
	s1 =	stileid.u32  }
0x3: {  	s3 =	simm.s32 $0x0;
	s13 =	simm.s32 $0x80;
	s8 =	smul.u32 $0x13C00, s1  }
0x4: {  	s14 =	simm.s32 $0x100;
	s15 =	simm.s32 $0x1;
	s26 =	smul.u32 $0x4F000, s1  }
0x5: {  	s6 =	sand.u32 $0x1, s0;
	s0 =	rddreg [dreg:$0x2];
	s30 =	smul.u32 $0x4F0, s1  }
0x6: {  	s16 =	simm.s32 $0x0;
	[smem:$0x7FF] =	sst s3;
	s7 =	smul.u32 $0x4F00, s6  }
0x7: {  	s4 =	sadd.s32 $0x1D000, s5;
	s31 =	sshll.u32 s1, $0x6;
	s9 =	smul.u32 $0x13C000, s6  }
0x8: {  	_ =	strace $0x80000056;
	s6 =	ssub.s32 $0x2, s6;
	s25 =	sshrl.u32 s8, $0x3  }
0x9: {  	s28 =	sshrl.u32 s6, $0x1;
	s29 =	sshrl.u32 s26, $0x2;
	s10 =	sadd.s32 s7, s5  }
0xa: {  	s8 =	sadd.s32 s8, s9;
	s7 =	sadd.s32 s25, s5;
	s11 =	ssub.s32 s6, s28  }
0xb: {  	s12 =	sadd.s32 s29, s2;
	s6 =	sor.u32 $0x1C02, s31;
	s8 =	sshrl.u32 s8, $0x3  }
0xc: {  	s10 =	sadd.s32 s30, s10;
	s8 =	sadd.s32 s8, s5;
	s5 =	sadd.s32 $0xB9600, s7  }
0xd: {  	s9 =	sadd.s32 $0x13200, s10;
	s10 =	sadd.s32 $0x9400, s10;
	s7 =	sadd.s32 $0x44200, s8  }
0xe: {  	s8 =	smax.u32 s11, $0x1;
	s11 =	sshrl.u32 s12, $0x3;
	s12 =	simm.s32 $0x2  }
.LBB2_1:
0xf: {  	[spmem:s11], [sflag:s6] =	dma.local [hbm:s5], $0x2780  }
0x10: {  	_ =	swait.ge [sflag:s12], $0x2780  }
0x11: {  	[sflag:s12] =	ssyncset.done $0x0  }
0x12: {  	[sflag:s12] =	ssyncadd.s32 $0xFFFFD880  }
0x13: {  	s17 =	sadd.s32 $0x0, s10;
	[bflag:$0x0] =	sbarrier.arrive $0xFFFF  }
0x14: {  	[tilespmem:s3], [sflag:$0x2] =	stream.linear.gather [hbm4b:s17+s3], $0x80, $0x38;
	[tilespmem:$0x17D00] =	vst v63  }
0x15: {  	_ =	swait.ge [sflag:s12], $0x80  }
0x16: {  	[sflag:s12] =	ssyncset.done $0x0  }
0x17: {  	s31 =	sadd.s32 $0x0, s9;
	[sflag:s12] =	ssyncadd.s32 $0xFFFFFF80  }
0x18: {  	[tilespmem:s13], [sflag:$0x2] =	stream.linear.gather [hbm4b:s31+s3], $0x80, $0x38;
	[tilespmem:$0x17D00] =	vst v63  }
0x19: {  	_ =	swait.ge [sflag:s12], $0x80  }
0x1a: {  	[sflag:s12] =	ssyncset.done $0x0  }
0x1b: {  	[sflag:s12] =	ssyncadd.s32 $0xFFFFFF80  }
0x1c: {  	[tilespmem:s14], [sflag:$0x1] =	stream.indirect.gather [hbm4b:s4+s13], $0x80, s3, s13, $0xb8;
	[tilespmem:$0x17D00] =	vst v63  }
0x1d: {  	_ =	swait.ge [sflag:s15], $0x4000  }
0x1e: {  	[sflag:s15] =	ssyncset.done $0x0  }
0x1f: {  	[sflag:s15] =	ssyncadd.s32 $0xFFFFC000  }
0x20: {  	[spmem:s2] =	stream.indirect.scatter.add.f32 [tilespmem:s14], [sflag:$0x2], $0x80, s13, s13, $0xb8;
	[tilespmem:$0x17D00] =	vst v63  }
0x21: {  	_ =	swait.ge [sflag:s12], $0x4000  }
0x22: {  	s18 =	simm.s32 $0x20;
	s17 =	simm.s32 $0x10;
	[sflag:s12] =	ssyncset.done $0x0  }
.LBB2_2:
0x23: {  	s19 =	sadd.s32 s17, s10  }
0x24: {  	[sflag:s12] =	ssyncadd.s32 $0xFFFFC000;
	s20 =	smov.u32 s18;
	s21 =	sadd.s32 $0x10, s18  }
0x25: {  	[tilespmem:s3], [sflag:$0x2] =	stream.linear.gather [hbm4b:s19+s3], $0x80, $0x38;
	[tilespmem:$0x17D00] =	vst v63  }
0x26: {  	p0 =	sne.s32 s18, $0x4E0;
	_ =	swait.ge [sflag:s12], $0x80  }
0x27: {  	[sflag:s12] =	ssyncset.done $0x0  }
0x28: {  	s18 =	sadd.s32 s17, s9;
	s17 =	smov.u32 s20;
	[sflag:s12] =	ssyncadd.s32 $0xFFFFFF80  }
0x29: {  	[tilespmem:s13], [sflag:$0x2] =	stream.linear.gather [hbm4b:s18+s3], $0x80, $0x38;
	[tilespmem:$0x17D00] =	vst v63  }
0x2a: {  	_ =	swait.ge [sflag:s12], $0x80  }
0x2b: {  	[sflag:s12] =	ssyncset.done $0x0  }
0x2c: {  	[sflag:s12] =	ssyncadd.s32 $0xFFFFFF80  }
0x2d: {  	[tilespmem:s14], [sflag:$0x1] =	stream.indirect.gather [hbm4b:s4+s13], $0x80, s3, s13, $0xb8;
	[tilespmem:$0x17D00] =	vst v63  }
0x2e: {  	_ =	swait.ge [sflag:s15], $0x4000  }
.Ltmp0:
0x2f: {  	[sflag:s15] =	ssyncset.done $0x0;
	(pc) =	sbr.rel @p0 .LBB2_2-.Ltmp0, $4  }
0x30: {  	[sflag:s15] =	ssyncadd.s32 $0xFFFFC000  }
0x31: {  	[spmem:s2] =	stream.indirect.scatter.add.f32 [tilespmem:s14], [sflag:$0x2], $0x80, s13, s13, $0xb8;
	[tilespmem:$0x17D00] =	vst v63  }
0x32: {  	_ =	swait.ge [sflag:s12], $0x4000  }
0x33: {  	s18 =	smov.u32 s21;
	[sflag:s12] =	ssyncset.done $0x0  }
0x34: {  	s18 =	sadd.s32 s17, s10;
	[sflag:s12] =	ssyncadd.s32 $0xFFFFC000  }
0x35: {  	[tilespmem:s3], [sflag:$0x2] =	stream.linear.gather [hbm4b:s18+s3], $0x80, $0x38;
	[tilespmem:$0x17D00] =	vst v63  }
0x36: {  	_ =	swait.ge [sflag:s12], $0x80  }
0x37: {  	[sflag:s12] =	ssyncset.done $0x0  }
0x38: {  	s31 =	sadd.s32 s17, s9;
	[sflag:s12] =	ssyncadd.s32 $0xFFFFFF80  }
0x39: {  	[tilespmem:s13], [sflag:$0x2] =	stream.linear.gather [hbm4b:s31+s3], $0x80, $0x38;
	[tilespmem:$0x17D00] =	vst v63  }
0x3a: {  	_ =	swait.ge [sflag:s12], $0x80  }
0x3b: {  	[sflag:s12] =	ssyncset.done $0x0  }
0x3c: {  	[sflag:s12] =	ssyncadd.s32 $0xFFFFFF80  }
0x3d: {  	[tilespmem:s14], [sflag:$0x1] =	stream.indirect.gather [hbm4b:s4+s13], $0x80, s3, s13, $0xb8;
	[tilespmem:$0x17D00] =	vst v63  }
0x3e: {  	_ =	swait.ge [sflag:s15], $0x4000  }
0x3f: {  	[sflag:s15] =	ssyncset.done $0x0  }
0x40: {  	[sflag:s15] =	ssyncadd.s32 $0xFFFFC000  }
0x41: {  	[spmem:s2] =	stream.indirect.scatter.add.f32 [tilespmem:s14], [sflag:$0x2], $0x80, s13, s13, $0xb8;
	[tilespmem:$0x17D00] =	vst v63  }
0x42: {  	_ =	swait.ge [sflag:s12], $0x4000  }
0x43: {  	s16 =	sadd.s32 $0x1, s16;
	[sflag:s12] =	ssyncset.done $0x0  }
0x44: {  	p0 =	sne.s32 s16, s8;
	[sflag:s12] =	ssyncadd.s32 $0xFFFFC000  }
.Ltmp1:
0x45: {  	[bflag:$0x0] =	sbarrier.arrive $0xFFFF;
	(pc) =	sbr.rel @p0 .LBB2_1-.Ltmp1, $4  }
0x46: {  	[hbm:s7], [sflag:s6] =	dma.local [spmem:s11], $0x2780  }
0x47: {  	_ =	swait.ge [sflag:s12], $0x2780  }
0x48: {  	[sflag:s12] =	ssyncset.done $0x0  }
0x49: {  	[sflag:s12] =	ssyncadd.s32 $0xFFFFD880  }
0x4a: {  	_ =	sfence.sel $0x180000  }
0x4b: {  	[bflag:$0x0] =	sbarrier.arrive $0xFFFF  }
0x4c: {  	p0 =	sne.s32 s1, $0x0;
	_ =	strace $0x90000056  }
0x4d: {  	s0 =	sadd.s32 @!p0 $0x100000, s0;
	[bflag:$0x2] =	sbarrier.arrive $0xFFFF  }
0x4e: {  	[sflag:s0] =	ssyncadd.tile.s32 @!p0 $0x1;
	_ =	shalt  }
.Lfunc_end2:
_tile_overlayer_lowered:
.L_overlay_start_2:
0x4f: {  	(tag) =	ssettag $0x2  }
0x50: {  	s0 =	rddreg [dreg:$0x0];
	s2 =	stileid.u32  }
0x51: {  	s1 =	rddreg [dreg:$0x1];
	p0 =	sne.s32 s2, $0x0  }
0x52: {  	s3 =	rddreg [dreg:$0x2];
	[bflag:$0x3] =	sbarrier.arrive $0xFFFF;
	s2 =	simm.s32 @!p0 $0x1C02  }
0x53: {  	[timem:s3], [sflag:s2] =	dma.local @!p0 [hbm:s0], s1  }
0x54: {  	s0 =	simm.s32 @!p0 $0x2  }
0x55: {  	_ =	swait.ge @!p0 [sflag:s0], s1  }
0x56: {  	s1 =	ssub.s32 @!p0 $0x0, s1;
	[sflag:s0] =	ssyncset.done @!p0 $0x0  }
0x57: {  	[sflag:s0] =	ssyncadd.s32 @!p0 s1  }
0x58: {  	[bflag:$0x3] =	sbarrier.arrive $0xFFFF  }
0x59: {  	_ =	shalt  }

// kernel: kernel.53.cloned.1.call-start
scs
__scs_entry_jumppad:
0x0: {  	(pc) =	sbr.rel $0x88, $3  }
0x1: {  	(tag) =	ssettag $0x0;
	lr =	simm.s32 $0x1  }
0x2: {  	[smem:$0x3F93] =	sst lr;
	_ =	strace $0xD0000000  }
0x3: {  	_ = 	snop  }
0x4: {  	_ = 	snop  }
0x5: {  	_ = 	snop  }
0x6: {  	_ = 	snop  }
0x7: {  	_ = 	snop  }
__scs_overlays_trampoline_lowered:
0x8: {  	[smem:$0x3FA2] =	sst s0  }
0x9: {  	[smem:$0x3FA3] =	sst s1  }
0xa: {  	[smem:$0x3FA4] =	sst s2  }
0xb: {  	[smem:$0x3FA5] =	sst s3  }
0xc: {  	[smem:$0x3FA6] =	sst s4  }
0xd: {  	[smem:$0x3FA7] =	sst s5  }
0xe: {  	[smem:$0x3FA8] =	sst s6  }
0xf: {  	[smem:$0x3FA9] =	sst s7  }
0x10: {  	[smem:$0x3FAA] =	sst s8  }
0x11: {  	[smem:$0x3FAB] =	sst s9;
	s0 =	simm.s32 @!p0 $0x0  }
0x12: {  	s1 =	sld [smem:$0x3F91];
	s0 =	simm.s32 @p0 $0x1  }
0x13: {  	[smem:$0x3FAC] =	sst s0;
	s0 =	simm.s32 @!p1 $0x0  }
0x14: {  	s2 =	sld [smem:$0x3F90];
	s0 =	simm.s32 @p1 $0x1  }
0x15: {  	[smem:$0x3FAD] =	sst s0;
	s0 =	simm.s32 @!p2 $0x0  }
0x16: {  	s3 =	sld [smem:$0x3FDB];
	s0 =	simm.s32 @p2 $0x1  }
0x17: {  	s4 =	simm.s32 $0x1BF5;
	[smem:$0x3FAF] =	sst s0  }
0x18: {  	s0 =	sld [smem:$0x3F92];
	_ =	swait.ge [sflag:s4], $0x0  }
0x19: {  	s7 =	sld [smem:$0x3F93]  }
0x1a: {  	s8 =	sadd.s32 $0xFFFFE003, lr  }
0x1b: {  	s9 =	sadd.s32 $0xFFFFFEF7, lr;
	s5 =	simm.s32 $0xFFFFFFFF;
	p2 =	slt.u32 s8, $0xFFFFF086  }
0x1c: {  	p1 =	slt.u32 s9, $0xF7A;
	s5 =	simm.s32 @!p2 $0x0  }
0x1d: {  	s5 =	simm.s32 @p1 $0x1;
	p0 =	seq.s32 s7, s2  }
0x1e: {  	s7 =	smul.u32 @!p0 $0xF7A, s2;
	p2 =	seq.s32 @!p0 s5, $0x0  }
0x1f: {  	s9 =	smul.u32 $0xF7A, s1;
	s8 =	simm.s32 @!p0 $0x1BF5;
	p2 =	por !p2, p0  }
0x20: {  	[sflag:s8] =	ssyncset.s32 @!p0 $0xFFFFF086;
	s6 =	sadd.s32 @!p0 s3, s7;
	s7 =	simm.s32 @!p0 $0x108  }
0x21: {  	s3 =	sadd.s32 s3, s9;
	s6 =	sadd.s32 @!p0 $0x88, s6;
	s7 =	simm.s32 @p2 $0x1082  }
0x22: {  	[simem:s7], [sflag:s8] =	dma.local @!p0 [hbm:s6], $0xF7A  }
0x23: {  	s9 =	sor.u32 $0xD0000000, s2;
	s6 =	simm.s32 $0x108;
	_ =	swait.ge @!p0 [sflag:s8], $0x0  }
0x24: {  	s3 =	sadd.s32 $0x88, s3;
	s6 =	simm.s32 @!p1 $0x1082;
	[sflag:s4] =	ssyncset.s32 $0xFFFFF086  }
0x25: {  	[simem:s6], [sflag:s4] =	dma.local [hbm:s3], $0xF7A  }
0x26: {  	[smem:$0x3F93] =	sst s1;
	(tag) =	ssettag s2;
	_ =	strace s9  }
0x27: {  	s1 =	sld [smem:$0x3FA3]  }
0x28: {  	s2 =	sld [smem:$0x3FA4]  }
0x29: {  	s4 =	sld [smem:$0x3FA6]  }
0x2a: {  	p0 =	seq.s32 s5, $0x0;
	s5 =	sld [smem:$0x3FA7]  }
0x2b: {  	s6 =	sld [smem:$0x3FA8]  }
0x2c: {  	s7 =	sld [smem:$0x3FA9]  }
0x2d: {  	s3 =	simm.s32 $0x108;
	s8 =	sld [smem:$0x3FAA]  }
0x2e: {  	s3 =	simm.s32 @!p0 $0x1082;
	s9 =	sld [smem:$0x3FAB]  }
0x2f: {  	lr =	sadd.s32 s0, s3;
	s0 =	sld [smem:$0x3FA2]  }
0x30: {  	s3 =	sld [smem:$0x3FA5]  }
0x31: {  	[smem:$0x3FAE] =	sst s10  }
0x32: {  	s10 =	sld [smem:$0x3FAC];
	_ =	sdelay $0x3  }
0x33: {  	p0 =	seq.s32 s10, $0x1;
	s10 =	sld [smem:$0x3FAE];
	_ =	sdelay $0x3  }
0x34: {  	[smem:$0x3FAE] =	sst s10  }
0x35: {  	s10 =	sld [smem:$0x3FAD];
	_ =	sdelay $0x3  }
0x36: {  	p1 =	seq.s32 s10, $0x1;
	s10 =	sld [smem:$0x3FAE];
	_ =	sdelay $0x3  }
0x37: {  	[smem:$0x3FAE] =	sst s10  }
0x38: {  	s10 =	sld [smem:$0x3FAF]  }
0x39: {  	_ = 	snop;
	(pc) =	sbr.ind lr, $3  }
0x3a: {  	_ = 	snop  }
0x3b: {  	_ = 	snop  }
0x3c: {  	p2 =	seq.s32 s10, $0x1;
	s10 =	sld [smem:$0x3FAE]  }
0x3d: {  	_ =	shalt  }
0x3e: {  	_ =	shalt  }
0x3f: {  	_ =	shalt  }
0x40: {  	_ =	shalt  }
0x41: {  	_ =	shalt  }
0x42: {  	_ =	shalt  }
0x43: {  	_ =	shalt  }
0x44: {  	_ =	shalt  }
0x45: {  	_ =	shalt  }
0x46: {  	_ =	shalt  }
0x47: {  	_ =	shalt  }
0x48: {  	_ =	shalt  }
0x49: {  	_ =	shalt  }
0x4a: {  	_ =	shalt  }
0x4b: {  	_ =	shalt  }
0x4c: {  	_ =	shalt  }
0x4d: {  	_ =	shalt  }
0x4e: {  	_ =	shalt  }
0x4f: {  	_ =	shalt  }
0x50: {  	_ =	shalt  }
0x51: {  	_ =	shalt  }
0x52: {  	_ =	shalt  }
0x53: {  	_ =	shalt  }
0x54: {  	_ =	shalt  }
0x55: {  	_ =	shalt  }
0x56: {  	_ =	shalt  }
0x57: {  	_ =	shalt  }
0x58: {  	_ =	shalt  }
0x59: {  	_ =	shalt  }
0x5a: {  	_ =	shalt  }
0x5b: {  	_ =	shalt  }
0x5c: {  	_ =	shalt  }
0x5d: {  	_ =	shalt  }
0x5e: {  	_ =	shalt  }
0x5f: {  	_ =	shalt  }
0x60: {  	_ =	shalt  }
0x61: {  	_ =	shalt  }
0x62: {  	_ =	shalt  }
0x63: {  	_ =	shalt  }
0x64: {  	_ =	shalt  }
0x65: {  	_ =	shalt  }
0x66: {  	_ =	shalt  }
0x67: {  	_ =	shalt  }
0x68: {  	_ =	shalt  }
0x69: {  	_ =	shalt  }
0x6a: {  	_ =	shalt  }
0x6b: {  	_ =	shalt  }
0x6c: {  	_ =	shalt  }
0x6d: {  	_ =	shalt  }
0x6e: {  	_ =	shalt  }
0x6f: {  	_ =	shalt  }
0x70: {  	_ =	shalt  }
0x71: {  	_ =	shalt  }
0x72: {  	_ =	shalt  }
0x73: {  	_ =	shalt  }
0x74: {  	_ =	shalt  }
0x75: {  	_ =	shalt  }
0x76: {  	_ =	shalt  }
0x77: {  	_ =	shalt  }
0x78: {  	_ =	shalt  }
0x79: {  	_ =	shalt  }
0x7a: {  	_ =	shalt  }
0x7b: {  	_ =	shalt  }
0x7c: {  	_ =	shalt  }
0x7d: {  	_ =	shalt  }
0x7e: {  	_ =	shalt  }
0x7f: {  	_ =	shalt  }
0x80: {  	_ =	shalt  }
0x81: {  	_ =	shalt  }
0x82: {  	_ =	shalt  }
0x83: {  	_ =	shalt  }
0x84: {  	_ =	shalt  }
0x85: {  	_ =	shalt  }
0x86: {  	_ =	shalt  }
0x87: {  	_ =	shalt  }
.Lfunc_end0:
.L_simem_size_0:
called_computation.6_lowered:
.L_overlay_start_0:
0x88: {  	s2 =	sld [smem:$0x3FD9]  }
0x89: {  	s3 =	sld [smem:$0x3FFE];
	_ =	sdelay $0x1  }
0x8a: {  	s1 =	srdreg.scid  }
0x8b: {  	s0 =	sand.u32 $0x1, s1  }
0x8c: {  	s16 =	sshll.u32 s0, $0xA;
	s2 =	sadd.s32 s3, s2  }
0x8d: {  	s2 =	sadd.s32 s2, s16  }
0x8e: {  	[smem:$0x3FBA] =	sst s2  }
0x8f: {  	_ = 	snop  }
0x90: {  	(tm) =	ssettm $0x1  }
0x91: {  	s17 =	sld [smem:$0x3FFB];
	_ =	sdelay $0x3  }
0x92: {  	_ =	strace s17  }
0x93: {  	s2 =	sld [smem:$0x3FFC];
	_ =	sdelay $0x3  }
0x94: {  	_ =	strace s2  }
0x95: {  	s2 =	sld [smem:$0x3FFD];
	_ =	sdelay $0x3  }
0x96: {  	_ =	strace s2  }
0x97: {  	_ =	strace $0x8FFFFFFF  }
0x98: {  	s18 =	sld [smem:$0x3FDB];
	_ =	sdelay $0x1  }
0x99: {  	s19 =	simm.s32 $_scs_section_size  }
0x9a: {  	s4 =	simm.s32 $_size__tile_overlayer_lowered;
	s5 =	simm.s32 $_tile_overlayer_lowered  }
0x9b: {  	s22 =	simm.s32 $0x1BFF;
	s21 =	sshll.u32 s5, $0x1;
	s2 =	sadd.s32 s19, s18  }
0x9c: {  	s6 =	simm.s32 $0x0;
	s20 =	sshll.u32 s4, $0x1;
	s4 =	sadd.s32 s21, s2  }
0x9d: {  	[timem:s6], [sflag:s22] =	dma.local [hbm:s4], s20  }
0x9e: {  	_ =	swait.ge [sflag:s22], s20  }
0x9f: {  	s3 =	ssub.s32 $0x0, s20;
	[sflag:s22] =	ssyncset.done $0x0  }
0xa0: {  	[sflag:s22] =	ssyncadd.s32 s3;
	_ =	sdelay $0x1  }
0xa1: {  	s23 =	simm.s32 $0x1B8B  }
0xa2: {  	_ =	swait.ge [sflag:s23], $0x1  }
0xa3: {  	[sflag:s23] =	ssyncset.done $0x0  }
0xa4: {  	s25 =	simm.s32 $0x1B8E;
	s24 =	sld [smem:$0x3FFE];
	[sflag:s23] =	ssyncadd.s32 $0xFFFFFFFF  }
0xa5: {  	s26 =	simm.s32 $execute0_lowered;
	[smem:$0x3FD2] =	sst s25  }
0xa6: {  	s4 =	sshll.u32 s26, $0x1;
	_ =	strace $0x80000058;
	[dreg:$0x1] =	wrdreg $0xFFFFFFFF  }
0xa7: {  	s28 =	simm.s32 $_size_execute0_lowered;
	s2 =	sadd.s32 s2, s4;
	[dreg:$0x0] =	wrdreg $0x0  }
0xa8: {  	s4 =	sshll.u32 s28, $0x1;
	[dreg:$0x2] =	wrdreg s2  }
0xa9: {  	[dreg:$0x3] =	wrdreg s4  }
0xaa: {  	[dreg:$0x4] =	wrdreg $0xC0  }
0xab: {  	_ =	task [dreg:s6], $0x5FFFF  }
0xac: {  	[dreg:$0x1] =	wrdreg $0xFFFFFFFF  }
0xad: {  	[dreg:$0x0] =	wrdreg $0x60  }
0xae: {  	[dreg:$0x2] =	wrdreg s24  }
0xaf: {  	[dreg:$0x3] =	wrdreg $0x41000  }
0xb0: {  	[dreg:$0x4] =	wrdreg $0x9  }
0xb1: {  	_ =	task.clear_ibuf [dreg:s6], $0x5FFFF;
	_ =	strace $0x90000058  }
0xb2: {  	s29 =	simm.s32 $0x9;
	_ =	strace $0x8000005A  }
0xb3: {  	_ =	swait.ge [sflag:s29], $0x1  }
0xb4: {  	[sflag:s29] =	ssyncadd.s32 $0xFFFFFFFF  }
0xb5: {  	_ =	strace $0x9000005A  }
0xb6: {  	_ =	sfence  }
0xb7: {  	s30 =	sld [smem:$0x0];
	_ =	sdelay $0x2  }
0xb8: {  	s31 =	sshll.u32 s1, $0xD;
	s1 =	sshrl.u32 s1, $0x2  }
0xb9: {  	s3 =	sand.u32 $0x4000, s31;
	s1 =	sadd.s32 s1, s30  }
0xba: {  	s0 =	sor.u32 s3, s0;
	s1 =	sshll.u32 s1, $0x11  }
0xbb: {  	s0 =	sor.u32 s1, s0  }
0xbc: {  	s0 =	sadd.s32 $0x8F2B, s0  }
0xbd: {  	[sflag:s0] =	ssyncadd.remote.s32 $0x1  }
0xbe: {  	_ =	sfence.sel $0xFFFF  }
0xbf: {  	[dreg:$0x0] =	wrdreg $0xFFFFFFFF;
	(pc) =	sbr.abs _section_cstart, $3  }
0xc0: {  	[dreg:$0x1] =	wrdreg $0xFFFFFFFF  }
0xc1: {  	_ =	task.clear_ibuf [dreg:s6], $0x2FFFF;
	_ =	strace $0x9FFFFFFF  }
0xc2: {  	(tm) =	ssettm $0x7FFFFFFF  }
0xc3: {  	_ =	shalt  }
tec
execute0_lowered:
.L_overlay_start_1:
0x0: {  	(tag) =	ssettag $0x1  }
0x1: {  	s5 =	rddreg [dreg:$0x0];
	s0 =	srdreg.scid  }
0x2: {  	s2 =	rddreg [dreg:$0x1];
	s1 =	stileid.u32  }
0x3: {  	s3 =	simm.s32 $0x0;
	s13 =	simm.s32 $0x80;
	s8 =	smul.u32 $0x13C00, s1  }
0x4: {  	s14 =	simm.s32 $0x100;
	s15 =	simm.s32 $0x1;
	s26 =	smul.u32 $0x4F000, s1  }
0x5: {  	s6 =	sand.u32 $0x1, s0;
	s0 =	rddreg [dreg:$0x2];
	s30 =	smul.u32 $0x4F0, s1  }
0x6: {  	s16 =	simm.s32 $0x0;
	[smem:$0x7FF] =	sst s3;
	s7 =	smul.u32 $0x4F00, s6  }
0x7: {  	s4 =	sadd.s32 $0xE0E00, s5;
	s31 =	sshll.u32 s1, $0x6;
	s9 =	smul.u32 $0x13C000, s6  }
0x8: {  	_ =	strace $0x80000059;
	s6 =	ssub.s32 $0x2, s6;
	s25 =	sshrl.u32 s8, $0x3  }
0x9: {  	s28 =	sshrl.u32 s6, $0x1;
	s29 =	sshrl.u32 s26, $0x2;
	s10 =	sadd.s32 s7, s5  }
0xa: {  	s8 =	sadd.s32 s8, s9;
	s7 =	sadd.s32 s25, s5;
	s11 =	ssub.s32 s6, s28  }
0xb: {  	s12 =	sadd.s32 s29, s2;
	s6 =	sor.u32 $0x1C02, s31;
	s8 =	sshrl.u32 s8, $0x3  }
0xc: {  	s10 =	sadd.s32 s30, s10;
	s8 =	sadd.s32 s8, s5;
	s5 =	sadd.s32 $0xB9600, s7  }
0xd: {  	s9 =	sadd.s32 $0x13200, s10;
	s10 =	sadd.s32 $0x9400, s10;
	s7 =	sadd.s32 $0x1D000, s8  }
0xe: {  	s8 =	smax.u32 s11, $0x1;
	s11 =	sshrl.u32 s12, $0x3;
	s12 =	simm.s32 $0x2  }
.LBB2_1:
0xf: {  	[spmem:s11], [sflag:s6] =	dma.local [hbm:s5], $0x2780  }
0x10: {  	_ =	swait.ge [sflag:s12], $0x2780  }
0x11: {  	[sflag:s12] =	ssyncset.done $0x0  }
0x12: {  	[sflag:s12] =	ssyncadd.s32 $0xFFFFD880  }
0x13: {  	s17 =	sadd.s32 $0x0, s10;
	[bflag:$0x0] =	sbarrier.arrive $0xFFFF  }
0x14: {  	[tilespmem:s3], [sflag:$0x2] =	stream.linear.gather [hbm4b:s17+s3], $0x80, $0x38;
	[tilespmem:$0x17D00] =	vst v63  }
0x15: {  	_ =	swait.ge [sflag:s12], $0x80  }
0x16: {  	[sflag:s12] =	ssyncset.done $0x0  }
0x17: {  	s31 =	sadd.s32 $0x0, s9;
	[sflag:s12] =	ssyncadd.s32 $0xFFFFFF80  }
0x18: {  	[tilespmem:s13], [sflag:$0x2] =	stream.linear.gather [hbm4b:s31+s3], $0x80, $0x38;
	[tilespmem:$0x17D00] =	vst v63  }
0x19: {  	_ =	swait.ge [sflag:s12], $0x80  }
0x1a: {  	[sflag:s12] =	ssyncset.done $0x0  }
0x1b: {  	[sflag:s12] =	ssyncadd.s32 $0xFFFFFF80  }
0x1c: {  	[tilespmem:s14], [sflag:$0x1] =	stream.indirect.gather [hbm4b:s4+s13], $0x80, s3, s13, $0xb8;
	[tilespmem:$0x17D00] =	vst v63  }
0x1d: {  	_ =	swait.ge [sflag:s15], $0x4000  }
0x1e: {  	[sflag:s15] =	ssyncset.done $0x0  }
0x1f: {  	[sflag:s15] =	ssyncadd.s32 $0xFFFFC000  }
0x20: {  	[spmem:s2] =	stream.indirect.scatter.add.f32 [tilespmem:s14], [sflag:$0x2], $0x80, s13, s13, $0xb8;
	[tilespmem:$0x17D00] =	vst v63  }
0x21: {  	_ =	swait.ge [sflag:s12], $0x4000  }
0x22: {  	s18 =	simm.s32 $0x20;
	s17 =	simm.s32 $0x10;
	[sflag:s12] =	ssyncset.done $0x0  }
.LBB2_2:
0x23: {  	s19 =	sadd.s32 s17, s10  }
0x24: {  	[sflag:s12] =	ssyncadd.s32 $0xFFFFC000;
	s20 =	smov.u32 s18;
	s21 =	sadd.s32 $0x10, s18  }
0x25: {  	[tilespmem:s3], [sflag:$0x2] =	stream.linear.gather [hbm4b:s19+s3], $0x80, $0x38;
	[tilespmem:$0x17D00] =	vst v63  }
0x26: {  	p0 =	sne.s32 s18, $0x4E0;
	_ =	swait.ge [sflag:s12], $0x80  }
0x27: {  	[sflag:s12] =	ssyncset.done $0x0  }
0x28: {  	s18 =	sadd.s32 s17, s9;
	s17 =	smov.u32 s20;
	[sflag:s12] =	ssyncadd.s32 $0xFFFFFF80  }
0x29: {  	[tilespmem:s13], [sflag:$0x2] =	stream.linear.gather [hbm4b:s18+s3], $0x80, $0x38;
	[tilespmem:$0x17D00] =	vst v63  }
0x2a: {  	_ =	swait.ge [sflag:s12], $0x80  }
0x2b: {  	[sflag:s12] =	ssyncset.done $0x0  }
0x2c: {  	[sflag:s12] =	ssyncadd.s32 $0xFFFFFF80  }
0x2d: {  	[tilespmem:s14], [sflag:$0x1] =	stream.indirect.gather [hbm4b:s4+s13], $0x80, s3, s13, $0xb8;
	[tilespmem:$0x17D00] =	vst v63  }
0x2e: {  	_ =	swait.ge [sflag:s15], $0x4000  }
.Ltmp0:
0x2f: {  	[sflag:s15] =	ssyncset.done $0x0;
	(pc) =	sbr.rel @p0 .LBB2_2-.Ltmp0, $4  }
0x30: {  	[sflag:s15] =	ssyncadd.s32 $0xFFFFC000  }
0x31: {  	[spmem:s2] =	stream.indirect.scatter.add.f32 [tilespmem:s14], [sflag:$0x2], $0x80, s13, s13, $0xb8;
	[tilespmem:$0x17D00] =	vst v63  }
0x32: {  	_ =	swait.ge [sflag:s12], $0x4000  }
0x33: {  	s18 =	smov.u32 s21;
	[sflag:s12] =	ssyncset.done $0x0  }
0x34: {  	s18 =	sadd.s32 s17, s10;
	[sflag:s12] =	ssyncadd.s32 $0xFFFFC000  }
0x35: {  	[tilespmem:s3], [sflag:$0x2] =	stream.linear.gather [hbm4b:s18+s3], $0x80, $0x38;
	[tilespmem:$0x17D00] =	vst v63  }
0x36: {  	_ =	swait.ge [sflag:s12], $0x80  }
0x37: {  	[sflag:s12] =	ssyncset.done $0x0  }
0x38: {  	s31 =	sadd.s32 s17, s9;
	[sflag:s12] =	ssyncadd.s32 $0xFFFFFF80  }
0x39: {  	[tilespmem:s13], [sflag:$0x2] =	stream.linear.gather [hbm4b:s31+s3], $0x80, $0x38;
	[tilespmem:$0x17D00] =	vst v63  }
0x3a: {  	_ =	swait.ge [sflag:s12], $0x80  }
0x3b: {  	[sflag:s12] =	ssyncset.done $0x0  }
0x3c: {  	[sflag:s12] =	ssyncadd.s32 $0xFFFFFF80  }
0x3d: {  	[tilespmem:s14], [sflag:$0x1] =	stream.indirect.gather [hbm4b:s4+s13], $0x80, s3, s13, $0xb8;
	[tilespmem:$0x17D00] =	vst v63  }
0x3e: {  	_ =	swait.ge [sflag:s15], $0x4000  }
0x3f: {  	[sflag:s15] =	ssyncset.done $0x0  }
0x40: {  	[sflag:s15] =	ssyncadd.s32 $0xFFFFC000  }
0x41: {  	[spmem:s2] =	stream.indirect.scatter.add.f32 [tilespmem:s14], [sflag:$0x2], $0x80, s13, s13, $0xb8;
	[tilespmem:$0x17D00] =	vst v63  }
0x42: {  	_ =	swait.ge [sflag:s12], $0x4000  }
0x43: {  	s16 =	sadd.s32 $0x1, s16;
	[sflag:s12] =	ssyncset.done $0x0  }
0x44: {  	p0 =	sne.s32 s16, s8;
	[sflag:s12] =	ssyncadd.s32 $0xFFFFC000  }
.Ltmp1:
0x45: {  	[bflag:$0x0] =	sbarrier.arrive $0xFFFF;
	(pc) =	sbr.rel @p0 .LBB2_1-.Ltmp1, $4  }
0x46: {  	[hbm:s7], [sflag:s6] =	dma.local [spmem:s11], $0x2780  }
0x47: {  	_ =	swait.ge [sflag:s12], $0x2780  }
0x48: {  	[sflag:s12] =	ssyncset.done $0x0  }
0x49: {  	[sflag:s12] =	ssyncadd.s32 $0xFFFFD880  }
0x4a: {  	_ =	sfence.sel $0x180000  }
0x4b: {  	[bflag:$0x0] =	sbarrier.arrive $0xFFFF  }
0x4c: {  	p0 =	sne.s32 s1, $0x0;
	_ =	strace $0x90000059  }
0x4d: {  	s0 =	sadd.s32 @!p0 $0x100000, s0;
	[bflag:$0x2] =	sbarrier.arrive $0xFFFF  }
0x4e: {  	[sflag:s0] =	ssyncadd.tile.s32 @!p0 $0x1;
	_ =	shalt  }
.Lfunc_end2:
_tile_overlayer_lowered:
.L_overlay_start_2:
0x4f: {  	(tag) =	ssettag $0x2  }
0x50: {  	s0 =	rddreg [dreg:$0x0];
	s2 =	stileid.u32  }
0x51: {  	s1 =	rddreg [dreg:$0x1];
	p0 =	sne.s32 s2, $0x0  }
0x52: {  	s3 =	rddreg [dreg:$0x2];
	[bflag:$0x3] =	sbarrier.arrive $0xFFFF;
	s2 =	simm.s32 @!p0 $0x1C02  }
0x53: {  	[timem:s3], [sflag:s2] =	dma.local @!p0 [hbm:s0], s1  }
0x54: {  	s0 =	simm.s32 @!p0 $0x2  }
0x55: {  	_ =	swait.ge @!p0 [sflag:s0], s1  }
0x56: {  	s1 =	ssub.s32 @!p0 $0x0, s1;
	[sflag:s0] =	ssyncset.done @!p0 $0x0  }
0x57: {  	[sflag:s0] =	ssyncadd.s32 @!p0 s1  }
0x58: {  	[bflag:$0x3] =	sbarrier.arrive $0xFFFF  }
0x59: {  	_ =	shalt  }

// kernel: kernel.56.cloned.1.call-start
scs
__scs_entry_jumppad:
0x0: {  	(pc) =	sbr.rel $0x88, $3  }
0x1: {  	(tag) =	ssettag $0x0;
	lr =	simm.s32 $0x1  }
0x2: {  	[smem:$0x3F93] =	sst lr;
	_ =	strace $0xD0000000  }
0x3: {  	_ = 	snop  }
0x4: {  	_ = 	snop  }
0x5: {  	_ = 	snop  }
0x6: {  	_ = 	snop  }
0x7: {  	_ = 	snop  }
__scs_overlays_trampoline_lowered:
0x8: {  	[smem:$0x3FA2] =	sst s0  }
0x9: {  	[smem:$0x3FA3] =	sst s1  }
0xa: {  	[smem:$0x3FA4] =	sst s2  }
0xb: {  	[smem:$0x3FA5] =	sst s3  }
0xc: {  	[smem:$0x3FA6] =	sst s4  }
0xd: {  	[smem:$0x3FA7] =	sst s5  }
0xe: {  	[smem:$0x3FA8] =	sst s6  }
0xf: {  	[smem:$0x3FA9] =	sst s7  }
0x10: {  	[smem:$0x3FAA] =	sst s8  }
0x11: {  	[smem:$0x3FAB] =	sst s9;
	s0 =	simm.s32 @!p0 $0x0  }
0x12: {  	s1 =	sld [smem:$0x3F91];
	s0 =	simm.s32 @p0 $0x1  }
0x13: {  	[smem:$0x3FAC] =	sst s0;
	s0 =	simm.s32 @!p1 $0x0  }
0x14: {  	s2 =	sld [smem:$0x3F90];
	s0 =	simm.s32 @p1 $0x1  }
0x15: {  	[smem:$0x3FAD] =	sst s0;
	s0 =	simm.s32 @!p2 $0x0  }
0x16: {  	s3 =	sld [smem:$0x3FDB];
	s0 =	simm.s32 @p2 $0x1  }
0x17: {  	s4 =	simm.s32 $0x1BF5;
	[smem:$0x3FAF] =	sst s0  }
0x18: {  	s0 =	sld [smem:$0x3F92];
	_ =	swait.ge [sflag:s4], $0x0  }
0x19: {  	s7 =	sld [smem:$0x3F93]  }
0x1a: {  	s8 =	sadd.s32 $0xFFFFE003, lr  }
0x1b: {  	s9 =	sadd.s32 $0xFFFFFEF7, lr;
	s5 =	simm.s32 $0xFFFFFFFF;
	p2 =	slt.u32 s8, $0xFFFFF086  }
0x1c: {  	p1 =	slt.u32 s9, $0xF7A;
	s5 =	simm.s32 @!p2 $0x0  }
0x1d: {  	s5 =	simm.s32 @p1 $0x1;
	p0 =	seq.s32 s7, s2  }
0x1e: {  	s7 =	smul.u32 @!p0 $0xF7A, s2;
	p2 =	seq.s32 @!p0 s5, $0x0  }
0x1f: {  	s9 =	smul.u32 $0xF7A, s1;
	s8 =	simm.s32 @!p0 $0x1BF5;
	p2 =	por !p2, p0  }
0x20: {  	[sflag:s8] =	ssyncset.s32 @!p0 $0xFFFFF086;
	s6 =	sadd.s32 @!p0 s3, s7;
	s7 =	simm.s32 @!p0 $0x108  }
0x21: {  	s3 =	sadd.s32 s3, s9;
	s6 =	sadd.s32 @!p0 $0x88, s6;
	s7 =	simm.s32 @p2 $0x1082  }
0x22: {  	[simem:s7], [sflag:s8] =	dma.local @!p0 [hbm:s6], $0xF7A  }
0x23: {  	s9 =	sor.u32 $0xD0000000, s2;
	s6 =	simm.s32 $0x108;
	_ =	swait.ge @!p0 [sflag:s8], $0x0  }
0x24: {  	s3 =	sadd.s32 $0x88, s3;
	s6 =	simm.s32 @!p1 $0x1082;
	[sflag:s4] =	ssyncset.s32 $0xFFFFF086  }
0x25: {  	[simem:s6], [sflag:s4] =	dma.local [hbm:s3], $0xF7A  }
0x26: {  	[smem:$0x3F93] =	sst s1;
	(tag) =	ssettag s2;
	_ =	strace s9  }
0x27: {  	s1 =	sld [smem:$0x3FA3]  }
0x28: {  	s2 =	sld [smem:$0x3FA4]  }
0x29: {  	s4 =	sld [smem:$0x3FA6]  }
0x2a: {  	p0 =	seq.s32 s5, $0x0;
	s5 =	sld [smem:$0x3FA7]  }
0x2b: {  	s6 =	sld [smem:$0x3FA8]  }
0x2c: {  	s7 =	sld [smem:$0x3FA9]  }
0x2d: {  	s3 =	simm.s32 $0x108;
	s8 =	sld [smem:$0x3FAA]  }
0x2e: {  	s3 =	simm.s32 @!p0 $0x1082;
	s9 =	sld [smem:$0x3FAB]  }
0x2f: {  	lr =	sadd.s32 s0, s3;
	s0 =	sld [smem:$0x3FA2]  }
0x30: {  	s3 =	sld [smem:$0x3FA5]  }
0x31: {  	[smem:$0x3FAE] =	sst s10  }
0x32: {  	s10 =	sld [smem:$0x3FAC];
	_ =	sdelay $0x3  }
0x33: {  	p0 =	seq.s32 s10, $0x1;
	s10 =	sld [smem:$0x3FAE];
	_ =	sdelay $0x3  }
0x34: {  	[smem:$0x3FAE] =	sst s10  }
0x35: {  	s10 =	sld [smem:$0x3FAD];
	_ =	sdelay $0x3  }
0x36: {  	p1 =	seq.s32 s10, $0x1;
	s10 =	sld [smem:$0x3FAE];
	_ =	sdelay $0x3  }
0x37: {  	[smem:$0x3FAE] =	sst s10  }
0x38: {  	s10 =	sld [smem:$0x3FAF]  }
0x39: {  	_ = 	snop;
	(pc) =	sbr.ind lr, $3  }
0x3a: {  	_ = 	snop  }
0x3b: {  	_ = 	snop  }
0x3c: {  	p2 =	seq.s32 s10, $0x1;
	s10 =	sld [smem:$0x3FAE]  }
0x3d: {  	_ =	shalt  }
0x3e: {  	_ =	shalt  }
0x3f: {  	_ =	shalt  }
0x40: {  	_ =	shalt  }
0x41: {  	_ =	shalt  }
0x42: {  	_ =	shalt  }
0x43: {  	_ =	shalt  }
0x44: {  	_ =	shalt  }
0x45: {  	_ =	shalt  }
0x46: {  	_ =	shalt  }
0x47: {  	_ =	shalt  }
0x48: {  	_ =	shalt  }
0x49: {  	_ =	shalt  }
0x4a: {  	_ =	shalt  }
0x4b: {  	_ =	shalt  }
0x4c: {  	_ =	shalt  }
0x4d: {  	_ =	shalt  }
0x4e: {  	_ =	shalt  }
0x4f: {  	_ =	shalt  }
0x50: {  	_ =	shalt  }
0x51: {  	_ =	shalt  }
0x52: {  	_ =	shalt  }
0x53: {  	_ =	shalt  }
0x54: {  	_ =	shalt  }
0x55: {  	_ =	shalt  }
0x56: {  	_ =	shalt  }
0x57: {  	_ =	shalt  }
0x58: {  	_ =	shalt  }
0x59: {  	_ =	shalt  }
0x5a: {  	_ =	shalt  }
0x5b: {  	_ =	shalt  }
0x5c: {  	_ =	shalt  }
0x5d: {  	_ =	shalt  }
0x5e: {  	_ =	shalt  }
0x5f: {  	_ =	shalt  }
0x60: {  	_ =	shalt  }
0x61: {  	_ =	shalt  }
0x62: {  	_ =	shalt  }
0x63: {  	_ =	shalt  }
0x64: {  	_ =	shalt  }
0x65: {  	_ =	shalt  }
0x66: {  	_ =	shalt  }
0x67: {  	_ =	shalt  }
0x68: {  	_ =	shalt  }
0x69: {  	_ =	shalt  }
0x6a: {  	_ =	shalt  }
0x6b: {  	_ =	shalt  }
0x6c: {  	_ =	shalt  }
0x6d: {  	_ =	shalt  }
0x6e: {  	_ =	shalt  }
0x6f: {  	_ =	shalt  }
0x70: {  	_ =	shalt  }
0x71: {  	_ =	shalt  }
0x72: {  	_ =	shalt  }
0x73: {  	_ =	shalt  }
0x74: {  	_ =	shalt  }
0x75: {  	_ =	shalt  }
0x76: {  	_ =	shalt  }
0x77: {  	_ =	shalt  }
0x78: {  	_ =	shalt  }
0x79: {  	_ =	shalt  }
0x7a: {  	_ =	shalt  }
0x7b: {  	_ =	shalt  }
0x7c: {  	_ =	shalt  }
0x7d: {  	_ =	shalt  }
0x7e: {  	_ =	shalt  }
0x7f: {  	_ =	shalt  }
0x80: {  	_ =	shalt  }
0x81: {  	_ =	shalt  }
0x82: {  	_ =	shalt  }
0x83: {  	_ =	shalt  }
0x84: {  	_ =	shalt  }
0x85: {  	_ =	shalt  }
0x86: {  	_ =	shalt  }
0x87: {  	_ =	shalt  }
.Lfunc_end0:
.L_simem_size_0:
called_computation.7_lowered:
.L_overlay_start_0:
0x88: {  	s2 =	sld [smem:$0x3FD9]  }
0x89: {  	s3 =	sld [smem:$0x3FFE];
	_ =	sdelay $0x1  }
0x8a: {  	s1 =	srdreg.scid  }
0x8b: {  	s0 =	sand.u32 $0x1, s1  }
0x8c: {  	s16 =	sshll.u32 s0, $0xA;
	s2 =	sadd.s32 s3, s2  }
0x8d: {  	s2 =	sadd.s32 s2, s16  }
0x8e: {  	[smem:$0x3FBA] =	sst s2  }
0x8f: {  	_ = 	snop  }
0x90: {  	(tm) =	ssettm $0x1  }
0x91: {  	s17 =	sld [smem:$0x3FFB];
	_ =	sdelay $0x3  }
0x92: {  	_ =	strace s17  }
0x93: {  	s2 =	sld [smem:$0x3FFC];
	_ =	sdelay $0x3  }
0x94: {  	_ =	strace s2  }
0x95: {  	s2 =	sld [smem:$0x3FFD];
	_ =	sdelay $0x3  }
0x96: {  	_ =	strace s2  }
0x97: {  	_ =	strace $0x8FFFFFFF  }
0x98: {  	s18 =	sld [smem:$0x3FDB];
	_ =	sdelay $0x1  }
0x99: {  	s19 =	simm.s32 $_scs_section_size  }
0x9a: {  	s4 =	simm.s32 $_size__tile_overlayer_lowered;
	s5 =	simm.s32 $_tile_overlayer_lowered  }
0x9b: {  	s22 =	simm.s32 $0x1BFF;
	s21 =	sshll.u32 s5, $0x1;
	s2 =	sadd.s32 s19, s18  }
0x9c: {  	s6 =	simm.s32 $0x0;
	s20 =	sshll.u32 s4, $0x1;
	s4 =	sadd.s32 s21, s2  }
0x9d: {  	[timem:s6], [sflag:s22] =	dma.local [hbm:s4], s20  }
0x9e: {  	_ =	swait.ge [sflag:s22], s20  }
0x9f: {  	s3 =	ssub.s32 $0x0, s20;
	[sflag:s22] =	ssyncset.done $0x0  }
0xa0: {  	[sflag:s22] =	ssyncadd.s32 s3;
	_ =	sdelay $0x1  }
0xa1: {  	s23 =	simm.s32 $0x1B8B  }
0xa2: {  	_ =	swait.ge [sflag:s23], $0x1  }
0xa3: {  	[sflag:s23] =	ssyncset.done $0x0  }
0xa4: {  	s25 =	simm.s32 $0x1B8E;
	s24 =	sld [smem:$0x3FFE];
	[sflag:s23] =	ssyncadd.s32 $0xFFFFFFFF  }
0xa5: {  	s26 =	simm.s32 $execute0_lowered;
	[smem:$0x3FD2] =	sst s25  }
0xa6: {  	s4 =	sshll.u32 s26, $0x1;
	_ =	strace $0x8000005B;
	[dreg:$0x1] =	wrdreg $0xFFFFFFFF  }
0xa7: {  	s28 =	simm.s32 $_size_execute0_lowered;
	s2 =	sadd.s32 s2, s4;
	[dreg:$0x0] =	wrdreg $0x0  }
0xa8: {  	s4 =	sshll.u32 s28, $0x1;
	[dreg:$0x2] =	wrdreg s2  }
0xa9: {  	[dreg:$0x3] =	wrdreg s4  }
0xaa: {  	[dreg:$0x4] =	wrdreg $0xC0  }
0xab: {  	_ =	task [dreg:s6], $0x5FFFF  }
0xac: {  	[dreg:$0x1] =	wrdreg $0xFFFFFFFF  }
0xad: {  	[dreg:$0x0] =	wrdreg $0x60  }
0xae: {  	[dreg:$0x2] =	wrdreg s24  }
0xaf: {  	[dreg:$0x3] =	wrdreg $0x41000  }
0xb0: {  	[dreg:$0x4] =	wrdreg $0x9  }
0xb1: {  	_ =	task.clear_ibuf [dreg:s6], $0x5FFFF;
	_ =	strace $0x9000005B  }
0xb2: {  	s29 =	simm.s32 $0x9;
	_ =	strace $0x8000005D  }
0xb3: {  	_ =	swait.ge [sflag:s29], $0x1  }
0xb4: {  	[sflag:s29] =	ssyncadd.s32 $0xFFFFFFFF  }
0xb5: {  	_ =	strace $0x9000005D  }
0xb6: {  	_ =	sfence  }
0xb7: {  	s30 =	sld [smem:$0x0];
	_ =	sdelay $0x2  }
0xb8: {  	s31 =	sshll.u32 s1, $0xD;
	s1 =	sshrl.u32 s1, $0x2  }
0xb9: {  	s3 =	sand.u32 $0x4000, s31;
	s1 =	sadd.s32 s1, s30  }
0xba: {  	s0 =	sor.u32 s3, s0;
	s1 =	sshll.u32 s1, $0x11  }
0xbb: {  	s0 =	sor.u32 s1, s0  }
0xbc: {  	s0 =	sadd.s32 $0x8F2B, s0  }
0xbd: {  	[sflag:s0] =	ssyncadd.remote.s32 $0x1  }
0xbe: {  	_ =	sfence.sel $0xFFFF  }
0xbf: {  	[dreg:$0x0] =	wrdreg $0xFFFFFFFF;
	(pc) =	sbr.abs _section_cstart, $3  }
0xc0: {  	[dreg:$0x1] =	wrdreg $0xFFFFFFFF  }
0xc1: {  	_ =	task.clear_ibuf [dreg:s6], $0x2FFFF;
	_ =	strace $0x9FFFFFFF  }
0xc2: {  	(tm) =	ssettm $0x7FFFFFFF  }
0xc3: {  	_ =	shalt  }
tec
execute0_lowered:
.L_overlay_start_1:
0x0: {  	(tag) =	ssettag $0x1  }
0x1: {  	s5 =	rddreg [dreg:$0x0];
	s0 =	srdreg.scid  }
0x2: {  	s2 =	rddreg [dreg:$0x1];
	s1 =	stileid.u32  }
0x3: {  	s3 =	simm.s32 $0x0;
	s13 =	simm.s32 $0x80;
	s8 =	smul.u32 $0x13C00, s1  }
0x4: {  	s14 =	simm.s32 $0x100;
	s15 =	simm.s32 $0x1;
	s26 =	smul.u32 $0x4F000, s1  }
0x5: {  	s6 =	sand.u32 $0x1, s0;
	s0 =	rddreg [dreg:$0x2];
	s30 =	smul.u32 $0x4F0, s1  }
0x6: {  	s16 =	simm.s32 $0x0;
	[smem:$0x7FF] =	sst s3;
	s7 =	smul.u32 $0x4F00, s6  }
0x7: {  	s4 =	sadd.s32 $0x1D000, s5;
	s31 =	sshll.u32 s1, $0x6;
	s9 =	smul.u32 $0x13C000, s6  }
0x8: {  	_ =	strace $0x8000005C;
	s6 =	ssub.s32 $0x2, s6;
	s25 =	sshrl.u32 s8, $0x3  }
0x9: {  	s28 =	sshrl.u32 s6, $0x1;
	s29 =	sshrl.u32 s26, $0x2;
	s10 =	sadd.s32 s7, s5  }
0xa: {  	s8 =	sadd.s32 s8, s9;
	s7 =	sadd.s32 s25, s5;
	s11 =	ssub.s32 s6, s28  }
0xb: {  	s12 =	sadd.s32 s29, s2;
	s6 =	sor.u32 $0x1C02, s31;
	s8 =	sshrl.u32 s8, $0x3  }
0xc: {  	s10 =	sadd.s32 s30, s10;
	s8 =	sadd.s32 s8, s5;
	s5 =	sadd.s32 $0xB9600, s7  }
0xd: {  	s9 =	sadd.s32 $0x13200, s10;
	s10 =	sadd.s32 $0x9400, s10;
	s7 =	sadd.s32 $0x44200, s8  }
0xe: {  	s8 =	smax.u32 s11, $0x1;
	s11 =	sshrl.u32 s12, $0x3;
	s12 =	simm.s32 $0x2  }
.LBB2_1:
0xf: {  	[spmem:s11], [sflag:s6] =	dma.local [hbm:s5], $0x2780  }
0x10: {  	_ =	swait.ge [sflag:s12], $0x2780  }
0x11: {  	[sflag:s12] =	ssyncset.done $0x0  }
0x12: {  	[sflag:s12] =	ssyncadd.s32 $0xFFFFD880  }
0x13: {  	s17 =	sadd.s32 $0x0, s10;
	[bflag:$0x0] =	sbarrier.arrive $0xFFFF  }
0x14: {  	[tilespmem:s3], [sflag:$0x2] =	stream.linear.gather [hbm4b:s17+s3], $0x80, $0x38;
	[tilespmem:$0x17D00] =	vst v63  }
0x15: {  	_ =	swait.ge [sflag:s12], $0x80  }
0x16: {  	[sflag:s12] =	ssyncset.done $0x0  }
0x17: {  	s31 =	sadd.s32 $0x0, s9;
	[sflag:s12] =	ssyncadd.s32 $0xFFFFFF80  }
0x18: {  	[tilespmem:s13], [sflag:$0x2] =	stream.linear.gather [hbm4b:s31+s3], $0x80, $0x38;
	[tilespmem:$0x17D00] =	vst v63  }
0x19: {  	_ =	swait.ge [sflag:s12], $0x80  }
0x1a: {  	[sflag:s12] =	ssyncset.done $0x0  }
0x1b: {  	[sflag:s12] =	ssyncadd.s32 $0xFFFFFF80  }
0x1c: {  	[tilespmem:s14], [sflag:$0x1] =	stream.indirect.gather [hbm4b:s4+s13], $0x80, s3, s13, $0xb8;
	[tilespmem:$0x17D00] =	vst v63  }
0x1d: {  	_ =	swait.ge [sflag:s15], $0x4000  }
0x1e: {  	[sflag:s15] =	ssyncset.done $0x0  }
0x1f: {  	[sflag:s15] =	ssyncadd.s32 $0xFFFFC000  }
0x20: {  	[spmem:s2] =	stream.indirect.scatter.add.f32 [tilespmem:s14], [sflag:$0x2], $0x80, s13, s13, $0xb8;
	[tilespmem:$0x17D00] =	vst v63  }
0x21: {  	_ =	swait.ge [sflag:s12], $0x4000  }
0x22: {  	s18 =	simm.s32 $0x20;
	s17 =	simm.s32 $0x10;
	[sflag:s12] =	ssyncset.done $0x0  }
.LBB2_2:
0x23: {  	s19 =	sadd.s32 s17, s10  }
0x24: {  	[sflag:s12] =	ssyncadd.s32 $0xFFFFC000;
	s20 =	smov.u32 s18;
	s21 =	sadd.s32 $0x10, s18  }
0x25: {  	[tilespmem:s3], [sflag:$0x2] =	stream.linear.gather [hbm4b:s19+s3], $0x80, $0x38;
	[tilespmem:$0x17D00] =	vst v63  }
0x26: {  	p0 =	sne.s32 s18, $0x4E0;
	_ =	swait.ge [sflag:s12], $0x80  }
0x27: {  	[sflag:s12] =	ssyncset.done $0x0  }
0x28: {  	s18 =	sadd.s32 s17, s9;
	s17 =	smov.u32 s20;
	[sflag:s12] =	ssyncadd.s32 $0xFFFFFF80  }
0x29: {  	[tilespmem:s13], [sflag:$0x2] =	stream.linear.gather [hbm4b:s18+s3], $0x80, $0x38;
	[tilespmem:$0x17D00] =	vst v63  }
0x2a: {  	_ =	swait.ge [sflag:s12], $0x80  }
0x2b: {  	[sflag:s12] =	ssyncset.done $0x0  }
0x2c: {  	[sflag:s12] =	ssyncadd.s32 $0xFFFFFF80  }
0x2d: {  	[tilespmem:s14], [sflag:$0x1] =	stream.indirect.gather [hbm4b:s4+s13], $0x80, s3, s13, $0xb8;
	[tilespmem:$0x17D00] =	vst v63  }
0x2e: {  	_ =	swait.ge [sflag:s15], $0x4000  }
.Ltmp0:
0x2f: {  	[sflag:s15] =	ssyncset.done $0x0;
	(pc) =	sbr.rel @p0 .LBB2_2-.Ltmp0, $4  }
0x30: {  	[sflag:s15] =	ssyncadd.s32 $0xFFFFC000  }
0x31: {  	[spmem:s2] =	stream.indirect.scatter.add.f32 [tilespmem:s14], [sflag:$0x2], $0x80, s13, s13, $0xb8;
	[tilespmem:$0x17D00] =	vst v63  }
0x32: {  	_ =	swait.ge [sflag:s12], $0x4000  }
0x33: {  	s18 =	smov.u32 s21;
	[sflag:s12] =	ssyncset.done $0x0  }
0x34: {  	s18 =	sadd.s32 s17, s10;
	[sflag:s12] =	ssyncadd.s32 $0xFFFFC000  }
0x35: {  	[tilespmem:s3], [sflag:$0x2] =	stream.linear.gather [hbm4b:s18+s3], $0x80, $0x38;
	[tilespmem:$0x17D00] =	vst v63  }
0x36: {  	_ =	swait.ge [sflag:s12], $0x80  }
0x37: {  	[sflag:s12] =	ssyncset.done $0x0  }
0x38: {  	s31 =	sadd.s32 s17, s9;
	[sflag:s12] =	ssyncadd.s32 $0xFFFFFF80  }
0x39: {  	[tilespmem:s13], [sflag:$0x2] =	stream.linear.gather [hbm4b:s31+s3], $0x80, $0x38;
	[tilespmem:$0x17D00] =	vst v63  }
0x3a: {  	_ =	swait.ge [sflag:s12], $0x80  }
0x3b: {  	[sflag:s12] =	ssyncset.done $0x0  }
0x3c: {  	[sflag:s12] =	ssyncadd.s32 $0xFFFFFF80  }
0x3d: {  	[tilespmem:s14], [sflag:$0x1] =	stream.indirect.gather [hbm4b:s4+s13], $0x80, s3, s13, $0xb8;
	[tilespmem:$0x17D00] =	vst v63  }
0x3e: {  	_ =	swait.ge [sflag:s15], $0x4000  }
0x3f: {  	[sflag:s15] =	ssyncset.done $0x0  }
0x40: {  	[sflag:s15] =	ssyncadd.s32 $0xFFFFC000  }
0x41: {  	[spmem:s2] =	stream.indirect.scatter.add.f32 [tilespmem:s14], [sflag:$0x2], $0x80, s13, s13, $0xb8;
	[tilespmem:$0x17D00] =	vst v63  }
0x42: {  	_ =	swait.ge [sflag:s12], $0x4000  }
0x43: {  	s16 =	sadd.s32 $0x1, s16;
	[sflag:s12] =	ssyncset.done $0x0  }
0x44: {  	p0 =	sne.s32 s16, s8;
	[sflag:s12] =	ssyncadd.s32 $0xFFFFC000  }
.Ltmp1:
0x45: {  	[bflag:$0x0] =	sbarrier.arrive $0xFFFF;
	(pc) =	sbr.rel @p0 .LBB2_1-.Ltmp1, $4  }
0x46: {  	[hbm:s7], [sflag:s6] =	dma.local [spmem:s11], $0x2780  }
0x47: {  	_ =	swait.ge [sflag:s12], $0x2780  }
0x48: {  	[sflag:s12] =	ssyncset.done $0x0  }
0x49: {  	[sflag:s12] =	ssyncadd.s32 $0xFFFFD880  }
0x4a: {  	_ =	sfence.sel $0x180000  }
0x4b: {  	[bflag:$0x0] =	sbarrier.arrive $0xFFFF  }
0x4c: {  	p0 =	sne.s32 s1, $0x0;
	_ =	strace $0x9000005C  }
0x4d: {  	s0 =	sadd.s32 @!p0 $0x100000, s0;
	[bflag:$0x2] =	sbarrier.arrive $0xFFFF  }
0x4e: {  	[sflag:s0] =	ssyncadd.tile.s32 @!p0 $0x1;
	_ =	shalt  }
.Lfunc_end2:
_tile_overlayer_lowered:
.L_overlay_start_2:
0x4f: {  	(tag) =	ssettag $0x2  }
0x50: {  	s0 =	rddreg [dreg:$0x0];
	s2 =	stileid.u32  }
0x51: {  	s1 =	rddreg [dreg:$0x1];
	p0 =	sne.s32 s2, $0x0  }
0x52: {  	s3 =	rddreg [dreg:$0x2];
	[bflag:$0x3] =	sbarrier.arrive $0xFFFF;
	s2 =	simm.s32 @!p0 $0x1C02  }
0x53: {  	[timem:s3], [sflag:s2] =	dma.local @!p0 [hbm:s0], s1  }
0x54: {  	s0 =	simm.s32 @!p0 $0x2  }
0x55: {  	_ =	swait.ge @!p0 [sflag:s0], s1  }
0x56: {  	s1 =	ssub.s32 @!p0 $0x0, s1;
	[sflag:s0] =	ssyncset.done @!p0 $0x0  }
0x57: {  	[sflag:s0] =	ssyncadd.s32 @!p0 s1  }
0x58: {  	[bflag:$0x3] =	sbarrier.arrive $0xFFFF  }
0x59: {  	_ =	shalt  }

// kernel: kernel.59.cloned.1.call-start
scs
__scs_entry_jumppad:
0x0: {  	(pc) =	sbr.rel $0x88, $3  }
0x1: {  	(tag) =	ssettag $0x0;
	lr =	simm.s32 $0x1  }
0x2: {  	[smem:$0x3F93] =	sst lr;
	_ =	strace $0xD0000000  }
0x3: {  	_ = 	snop  }
0x4: {  	_ = 	snop  }
0x5: {  	_ = 	snop  }
0x6: {  	_ = 	snop  }
0x7: {  	_ = 	snop  }
__scs_overlays_trampoline_lowered:
0x8: {  	[smem:$0x3FA2] =	sst s0  }
0x9: {  	[smem:$0x3FA3] =	sst s1  }
0xa: {  	[smem:$0x3FA4] =	sst s2  }
0xb: {  	[smem:$0x3FA5] =	sst s3  }
0xc: {  	[smem:$0x3FA6] =	sst s4  }
0xd: {  	[smem:$0x3FA7] =	sst s5  }
0xe: {  	[smem:$0x3FA8] =	sst s6  }
0xf: {  	[smem:$0x3FA9] =	sst s7  }
0x10: {  	[smem:$0x3FAA] =	sst s8  }
0x11: {  	[smem:$0x3FAB] =	sst s9;
	s0 =	simm.s32 @!p0 $0x0  }
0x12: {  	s1 =	sld [smem:$0x3F91];
	s0 =	simm.s32 @p0 $0x1  }
0x13: {  	[smem:$0x3FAC] =	sst s0;
	s0 =	simm.s32 @!p1 $0x0  }
0x14: {  	s2 =	sld [smem:$0x3F90];
	s0 =	simm.s32 @p1 $0x1  }
0x15: {  	[smem:$0x3FAD] =	sst s0;
	s0 =	simm.s32 @!p2 $0x0  }
0x16: {  	s3 =	sld [smem:$0x3FDB];
	s0 =	simm.s32 @p2 $0x1  }
0x17: {  	s4 =	simm.s32 $0x1BF5;
	[smem:$0x3FAF] =	sst s0  }
0x18: {  	s0 =	sld [smem:$0x3F92];
	_ =	swait.ge [sflag:s4], $0x0  }
0x19: {  	s7 =	sld [smem:$0x3F93]  }
0x1a: {  	s8 =	sadd.s32 $0xFFFFE003, lr  }
0x1b: {  	s9 =	sadd.s32 $0xFFFFFEF7, lr;
	s5 =	simm.s32 $0xFFFFFFFF;
	p2 =	slt.u32 s8, $0xFFFFF086  }
0x1c: {  	p1 =	slt.u32 s9, $0xF7A;
	s5 =	simm.s32 @!p2 $0x0  }
0x1d: {  	s5 =	simm.s32 @p1 $0x1;
	p0 =	seq.s32 s7, s2  }
0x1e: {  	s7 =	smul.u32 @!p0 $0xF7A, s2;
	p2 =	seq.s32 @!p0 s5, $0x0  }
0x1f: {  	s9 =	smul.u32 $0xF7A, s1;
	s8 =	simm.s32 @!p0 $0x1BF5;
	p2 =	por !p2, p0  }
0x20: {  	[sflag:s8] =	ssyncset.s32 @!p0 $0xFFFFF086;
	s6 =	sadd.s32 @!p0 s3, s7;
	s7 =	simm.s32 @!p0 $0x108  }
0x21: {  	s3 =	sadd.s32 s3, s9;
	s6 =	sadd.s32 @!p0 $0x88, s6;
	s7 =	simm.s32 @p2 $0x1082  }
0x22: {  	[simem:s7], [sflag:s8] =	dma.local @!p0 [hbm:s6], $0xF7A  }
0x23: {  	s9 =	sor.u32 $0xD0000000, s2;
	s6 =	simm.s32 $0x108;
	_ =	swait.ge @!p0 [sflag:s8], $0x0  }
0x24: {  	s3 =	sadd.s32 $0x88, s3;
	s6 =	simm.s32 @!p1 $0x1082;
	[sflag:s4] =	ssyncset.s32 $0xFFFFF086  }
0x25: {  	[simem:s6], [sflag:s4] =	dma.local [hbm:s3], $0xF7A  }
0x26: {  	[smem:$0x3F93] =	sst s1;
	(tag) =	ssettag s2;
	_ =	strace s9  }
0x27: {  	s1 =	sld [smem:$0x3FA3]  }
0x28: {  	s2 =	sld [smem:$0x3FA4]  }
0x29: {  	s4 =	sld [smem:$0x3FA6]  }
0x2a: {  	p0 =	seq.s32 s5, $0x0;
	s5 =	sld [smem:$0x3FA7]  }
0x2b: {  	s6 =	sld [smem:$0x3FA8]  }
0x2c: {  	s7 =	sld [smem:$0x3FA9]  }
0x2d: {  	s3 =	simm.s32 $0x108;
	s8 =	sld [smem:$0x3FAA]  }
0x2e: {  	s3 =	simm.s32 @!p0 $0x1082;
	s9 =	sld [smem:$0x3FAB]  }
0x2f: {  	lr =	sadd.s32 s0, s3;
	s0 =	sld [smem:$0x3FA2]  }
0x30: {  	s3 =	sld [smem:$0x3FA5]  }
0x31: {  	[smem:$0x3FAE] =	sst s10  }
0x32: {  	s10 =	sld [smem:$0x3FAC];
	_ =	sdelay $0x3  }
0x33: {  	p0 =	seq.s32 s10, $0x1;
	s10 =	sld [smem:$0x3FAE];
	_ =	sdelay $0x3  }
0x34: {  	[smem:$0x3FAE] =	sst s10  }
0x35: {  	s10 =	sld [smem:$0x3FAD];
	_ =	sdelay $0x3  }
0x36: {  	p1 =	seq.s32 s10, $0x1;
	s10 =	sld [smem:$0x3FAE];
	_ =	sdelay $0x3  }
0x37: {  	[smem:$0x3FAE] =	sst s10  }
0x38: {  	s10 =	sld [smem:$0x3FAF]  }
0x39: {  	_ = 	snop;
	(pc) =	sbr.ind lr, $3  }
0x3a: {  	_ = 	snop  }
0x3b: {  	_ = 	snop  }
0x3c: {  	p2 =	seq.s32 s10, $0x1;
	s10 =	sld [smem:$0x3FAE]  }
0x3d: {  	_ =	shalt  }
0x3e: {  	_ =	shalt  }
0x3f: {  	_ =	shalt  }
0x40: {  	_ =	shalt  }
0x41: {  	_ =	shalt  }
0x42: {  	_ =	shalt  }
0x43: {  	_ =	shalt  }
0x44: {  	_ =	shalt  }
0x45: {  	_ =	shalt  }
0x46: {  	_ =	shalt  }
0x47: {  	_ =	shalt  }
0x48: {  	_ =	shalt  }
0x49: {  	_ =	shalt  }
0x4a: {  	_ =	shalt  }
0x4b: {  	_ =	shalt  }
0x4c: {  	_ =	shalt  }
0x4d: {  	_ =	shalt  }
0x4e: {  	_ =	shalt  }
0x4f: {  	_ =	shalt  }
0x50: {  	_ =	shalt  }
0x51: {  	_ =	shalt  }
0x52: {  	_ =	shalt  }
0x53: {  	_ =	shalt  }
0x54: {  	_ =	shalt  }
0x55: {  	_ =	shalt  }
0x56: {  	_ =	shalt  }
0x57: {  	_ =	shalt  }
0x58: {  	_ =	shalt  }
0x59: {  	_ =	shalt  }
0x5a: {  	_ =	shalt  }
0x5b: {  	_ =	shalt  }
0x5c: {  	_ =	shalt  }
0x5d: {  	_ =	shalt  }
0x5e: {  	_ =	shalt  }
0x5f: {  	_ =	shalt  }
0x60: {  	_ =	shalt  }
0x61: {  	_ =	shalt  }
0x62: {  	_ =	shalt  }
0x63: {  	_ =	shalt  }
0x64: {  	_ =	shalt  }
0x65: {  	_ =	shalt  }
0x66: {  	_ =	shalt  }
0x67: {  	_ =	shalt  }
0x68: {  	_ =	shalt  }
0x69: {  	_ =	shalt  }
0x6a: {  	_ =	shalt  }
0x6b: {  	_ =	shalt  }
0x6c: {  	_ =	shalt  }
0x6d: {  	_ =	shalt  }
0x6e: {  	_ =	shalt  }
0x6f: {  	_ =	shalt  }
0x70: {  	_ =	shalt  }
0x71: {  	_ =	shalt  }
0x72: {  	_ =	shalt  }
0x73: {  	_ =	shalt  }
0x74: {  	_ =	shalt  }
0x75: {  	_ =	shalt  }
0x76: {  	_ =	shalt  }
0x77: {  	_ =	shalt  }
0x78: {  	_ =	shalt  }
0x79: {  	_ =	shalt  }
0x7a: {  	_ =	shalt  }
0x7b: {  	_ =	shalt  }
0x7c: {  	_ =	shalt  }
0x7d: {  	_ =	shalt  }
0x7e: {  	_ =	shalt  }
0x7f: {  	_ =	shalt  }
0x80: {  	_ =	shalt  }
0x81: {  	_ =	shalt  }
0x82: {  	_ =	shalt  }
0x83: {  	_ =	shalt  }
0x84: {  	_ =	shalt  }
0x85: {  	_ =	shalt  }
0x86: {  	_ =	shalt  }
0x87: {  	_ =	shalt  }
.Lfunc_end0:
.L_simem_size_0:
called_computation.8_lowered:
.L_overlay_start_0:
0x88: {  	s2 =	sld [smem:$0x3FD9]  }
0x89: {  	s3 =	sld [smem:$0x3FFE];
	_ =	sdelay $0x1  }
0x8a: {  	s1 =	srdreg.scid  }
0x8b: {  	s0 =	sand.u32 $0x1, s1  }
0x8c: {  	s16 =	sshll.u32 s0, $0xA;
	s2 =	sadd.s32 s3, s2  }
0x8d: {  	s2 =	sadd.s32 s2, s16  }
0x8e: {  	[smem:$0x3FBA] =	sst s2  }
0x8f: {  	_ = 	snop  }
0x90: {  	(tm) =	ssettm $0x1  }
0x91: {  	s17 =	sld [smem:$0x3FFB];
	_ =	sdelay $0x3  }
0x92: {  	_ =	strace s17  }
0x93: {  	s2 =	sld [smem:$0x3FFC];
	_ =	sdelay $0x3  }
0x94: {  	_ =	strace s2  }
0x95: {  	s2 =	sld [smem:$0x3FFD];
	_ =	sdelay $0x3  }
0x96: {  	_ =	strace s2  }
0x97: {  	_ =	strace $0x8FFFFFFF  }
0x98: {  	s18 =	sld [smem:$0x3FDB];
	_ =	sdelay $0x1  }
0x99: {  	s19 =	simm.s32 $_scs_section_size  }
0x9a: {  	s4 =	simm.s32 $_size__tile_overlayer_lowered;
	s5 =	simm.s32 $_tile_overlayer_lowered  }
0x9b: {  	s22 =	simm.s32 $0x1BFF;
	s21 =	sshll.u32 s5, $0x1;
	s2 =	sadd.s32 s19, s18  }
0x9c: {  	s6 =	simm.s32 $0x0;
	s20 =	sshll.u32 s4, $0x1;
	s4 =	sadd.s32 s21, s2  }
0x9d: {  	[timem:s6], [sflag:s22] =	dma.local [hbm:s4], s20  }
0x9e: {  	_ =	swait.ge [sflag:s22], s20  }
0x9f: {  	s3 =	ssub.s32 $0x0, s20;
	[sflag:s22] =	ssyncset.done $0x0  }
0xa0: {  	[sflag:s22] =	ssyncadd.s32 s3;
	_ =	sdelay $0x1  }
0xa1: {  	s23 =	simm.s32 $0x1B8B  }
0xa2: {  	_ =	swait.ge [sflag:s23], $0x1  }
0xa3: {  	[sflag:s23] =	ssyncset.done $0x0  }
0xa4: {  	s25 =	simm.s32 $0x1B8E;
	s24 =	sld [smem:$0x3FFE];
	[sflag:s23] =	ssyncadd.s32 $0xFFFFFFFF  }
0xa5: {  	s26 =	simm.s32 $execute0_lowered;
	[smem:$0x3FD2] =	sst s25  }
0xa6: {  	s4 =	sshll.u32 s26, $0x1;
	_ =	strace $0x8000005E;
	[dreg:$0x1] =	wrdreg $0xFFFFFFFF  }
0xa7: {  	s28 =	simm.s32 $_size_execute0_lowered;
	s2 =	sadd.s32 s2, s4;
	[dreg:$0x0] =	wrdreg $0x0  }
0xa8: {  	s4 =	sshll.u32 s28, $0x1;
	[dreg:$0x2] =	wrdreg s2  }
0xa9: {  	[dreg:$0x3] =	wrdreg s4  }
0xaa: {  	[dreg:$0x4] =	wrdreg $0xC0  }
0xab: {  	_ =	task [dreg:s6], $0x5FFFF  }
0xac: {  	[dreg:$0x1] =	wrdreg $0xFFFFFFFF  }
0xad: {  	[dreg:$0x0] =	wrdreg $0x60  }
0xae: {  	[dreg:$0x2] =	wrdreg s24  }
0xaf: {  	[dreg:$0x3] =	wrdreg $0x41000  }
0xb0: {  	[dreg:$0x4] =	wrdreg $0x9  }
0xb1: {  	_ =	task.clear_ibuf [dreg:s6], $0x5FFFF;
	_ =	strace $0x9000005E  }
0xb2: {  	s29 =	simm.s32 $0x9;
	_ =	strace $0x80000060  }
0xb3: {  	_ =	swait.ge [sflag:s29], $0x1  }
0xb4: {  	[sflag:s29] =	ssyncadd.s32 $0xFFFFFFFF  }
0xb5: {  	_ =	strace $0x90000060  }
0xb6: {  	_ =	sfence  }
0xb7: {  	s30 =	sld [smem:$0x0];
	_ =	sdelay $0x2  }
0xb8: {  	s31 =	sshll.u32 s1, $0xD;
	s1 =	sshrl.u32 s1, $0x2  }
0xb9: {  	s3 =	sand.u32 $0x4000, s31;
	s1 =	sadd.s32 s1, s30  }
0xba: {  	s0 =	sor.u32 s3, s0;
	s1 =	sshll.u32 s1, $0x11  }
0xbb: {  	s0 =	sor.u32 s1, s0  }
0xbc: {  	s0 =	sadd.s32 $0x8F2B, s0  }
0xbd: {  	[sflag:s0] =	ssyncadd.remote.s32 $0x1  }
0xbe: {  	_ =	sfence.sel $0xFFFF  }
0xbf: {  	[dreg:$0x0] =	wrdreg $0xFFFFFFFF;
	(pc) =	sbr.abs _section_cstart, $3  }
0xc0: {  	[dreg:$0x1] =	wrdreg $0xFFFFFFFF  }
0xc1: {  	_ =	task.clear_ibuf [dreg:s6], $0x2FFFF;
	_ =	strace $0x9FFFFFFF  }
0xc2: {  	(tm) =	ssettm $0x7FFFFFFF  }
0xc3: {  	_ =	shalt  }
tec
execute0_lowered:
.L_overlay_start_1:
0x0: {  	(tag) =	ssettag $0x1  }
0x1: {  	s5 =	rddreg [dreg:$0x0];
	s0 =	srdreg.scid  }
0x2: {  	s2 =	rddreg [dreg:$0x1];
	s1 =	stileid.u32  }
0x3: {  	s3 =	simm.s32 $0x0;
	s13 =	simm.s32 $0x80;
	s8 =	smul.u32 $0x13C00, s1  }
0x4: {  	s14 =	simm.s32 $0x100;
	s15 =	simm.s32 $0x1;
	s26 =	smul.u32 $0x4F000, s1  }
0x5: {  	s6 =	sand.u32 $0x1, s0;
	s0 =	rddreg [dreg:$0x2];
	s30 =	smul.u32 $0x4F0, s1  }
0x6: {  	s16 =	simm.s32 $0x0;
	[smem:$0x7FF] =	sst s3;
	s7 =	smul.u32 $0x4F00, s6  }
0x7: {  	s4 =	sadd.s32 $0xE0E00, s5;
	s31 =	sshll.u32 s1, $0x6;
	s9 =	smul.u32 $0x13C000, s6  }
0x8: {  	_ =	strace $0x8000005F;
	s6 =	ssub.s32 $0x2, s6;
	s25 =	sshrl.u32 s8, $0x3  }
0x9: {  	s28 =	sshrl.u32 s6, $0x1;
	s29 =	sshrl.u32 s26, $0x2;
	s10 =	sadd.s32 s7, s5  }
0xa: {  	s8 =	sadd.s32 s8, s9;
	s7 =	sadd.s32 s25, s5;
	s11 =	ssub.s32 s6, s28  }
0xb: {  	s12 =	sadd.s32 s29, s2;
	s6 =	sor.u32 $0x1C02, s31;
	s8 =	sshrl.u32 s8, $0x3  }
0xc: {  	s10 =	sadd.s32 s30, s10;
	s8 =	sadd.s32 s8, s5;
	s5 =	sadd.s32 $0xB9600, s7  }
0xd: {  	s9 =	sadd.s32 $0x13200, s10;
	s10 =	sadd.s32 $0x9400, s10;
	s7 =	sadd.s32 $0x1D000, s8  }
0xe: {  	s8 =	smax.u32 s11, $0x1;
	s11 =	sshrl.u32 s12, $0x3;
	s12 =	simm.s32 $0x2  }
.LBB2_1:
0xf: {  	[spmem:s11], [sflag:s6] =	dma.local [hbm:s5], $0x2780  }
0x10: {  	_ =	swait.ge [sflag:s12], $0x2780  }
0x11: {  	[sflag:s12] =	ssyncset.done $0x0  }
0x12: {  	[sflag:s12] =	ssyncadd.s32 $0xFFFFD880  }
0x13: {  	s17 =	sadd.s32 $0x0, s10;
	[bflag:$0x0] =	sbarrier.arrive $0xFFFF  }
0x14: {  	[tilespmem:s3], [sflag:$0x2] =	stream.linear.gather [hbm4b:s17+s3], $0x80, $0x38;
	[tilespmem:$0x17D00] =	vst v63  }
0x15: {  	_ =	swait.ge [sflag:s12], $0x80  }
0x16: {  	[sflag:s12] =	ssyncset.done $0x0  }
0x17: {  	s31 =	sadd.s32 $0x0, s9;
	[sflag:s12] =	ssyncadd.s32 $0xFFFFFF80  }
0x18: {  	[tilespmem:s13], [sflag:$0x2] =	stream.linear.gather [hbm4b:s31+s3], $0x80, $0x38;
	[tilespmem:$0x17D00] =	vst v63  }
0x19: {  	_ =	swait.ge [sflag:s12], $0x80  }
0x1a: {  	[sflag:s12] =	ssyncset.done $0x0  }
0x1b: {  	[sflag:s12] =	ssyncadd.s32 $0xFFFFFF80  }
0x1c: {  	[tilespmem:s14], [sflag:$0x1] =	stream.indirect.gather [hbm4b:s4+s13], $0x80, s3, s13, $0xb8;
	[tilespmem:$0x17D00] =	vst v63  }
0x1d: {  	_ =	swait.ge [sflag:s15], $0x4000  }
0x1e: {  	[sflag:s15] =	ssyncset.done $0x0  }
0x1f: {  	[sflag:s15] =	ssyncadd.s32 $0xFFFFC000  }
0x20: {  	[spmem:s2] =	stream.indirect.scatter.add.f32 [tilespmem:s14], [sflag:$0x2], $0x80, s13, s13, $0xb8;
	[tilespmem:$0x17D00] =	vst v63  }
0x21: {  	_ =	swait.ge [sflag:s12], $0x4000  }
0x22: {  	s18 =	simm.s32 $0x20;
	s17 =	simm.s32 $0x10;
	[sflag:s12] =	ssyncset.done $0x0  }
.LBB2_2:
0x23: {  	s19 =	sadd.s32 s17, s10  }
0x24: {  	[sflag:s12] =	ssyncadd.s32 $0xFFFFC000;
	s20 =	smov.u32 s18;
	s21 =	sadd.s32 $0x10, s18  }
0x25: {  	[tilespmem:s3], [sflag:$0x2] =	stream.linear.gather [hbm4b:s19+s3], $0x80, $0x38;
	[tilespmem:$0x17D00] =	vst v63  }
0x26: {  	p0 =	sne.s32 s18, $0x4E0;
	_ =	swait.ge [sflag:s12], $0x80  }
0x27: {  	[sflag:s12] =	ssyncset.done $0x0  }
0x28: {  	s18 =	sadd.s32 s17, s9;
	s17 =	smov.u32 s20;
	[sflag:s12] =	ssyncadd.s32 $0xFFFFFF80  }
0x29: {  	[tilespmem:s13], [sflag:$0x2] =	stream.linear.gather [hbm4b:s18+s3], $0x80, $0x38;
	[tilespmem:$0x17D00] =	vst v63  }
0x2a: {  	_ =	swait.ge [sflag:s12], $0x80  }
0x2b: {  	[sflag:s12] =	ssyncset.done $0x0  }
0x2c: {  	[sflag:s12] =	ssyncadd.s32 $0xFFFFFF80  }
0x2d: {  	[tilespmem:s14], [sflag:$0x1] =	stream.indirect.gather [hbm4b:s4+s13], $0x80, s3, s13, $0xb8;
	[tilespmem:$0x17D00] =	vst v63  }
0x2e: {  	_ =	swait.ge [sflag:s15], $0x4000  }
.Ltmp0:
0x2f: {  	[sflag:s15] =	ssyncset.done $0x0;
	(pc) =	sbr.rel @p0 .LBB2_2-.Ltmp0, $4  }
0x30: {  	[sflag:s15] =	ssyncadd.s32 $0xFFFFC000  }
0x31: {  	[spmem:s2] =	stream.indirect.scatter.add.f32 [tilespmem:s14], [sflag:$0x2], $0x80, s13, s13, $0xb8;
	[tilespmem:$0x17D00] =	vst v63  }
0x32: {  	_ =	swait.ge [sflag:s12], $0x4000  }
0x33: {  	s18 =	smov.u32 s21;
	[sflag:s12] =	ssyncset.done $0x0  }
0x34: {  	s18 =	sadd.s32 s17, s10;
	[sflag:s12] =	ssyncadd.s32 $0xFFFFC000  }
0x35: {  	[tilespmem:s3], [sflag:$0x2] =	stream.linear.gather [hbm4b:s18+s3], $0x80, $0x38;
	[tilespmem:$0x17D00] =	vst v63  }
0x36: {  	_ =	swait.ge [sflag:s12], $0x80  }
0x37: {  	[sflag:s12] =	ssyncset.done $0x0  }
0x38: {  	s31 =	sadd.s32 s17, s9;
	[sflag:s12] =	ssyncadd.s32 $0xFFFFFF80  }
0x39: {  	[tilespmem:s13], [sflag:$0x2] =	stream.linear.gather [hbm4b:s31+s3], $0x80, $0x38;
	[tilespmem:$0x17D00] =	vst v63  }
0x3a: {  	_ =	swait.ge [sflag:s12], $0x80  }
0x3b: {  	[sflag:s12] =	ssyncset.done $0x0  }
0x3c: {  	[sflag:s12] =	ssyncadd.s32 $0xFFFFFF80  }
0x3d: {  	[tilespmem:s14], [sflag:$0x1] =	stream.indirect.gather [hbm4b:s4+s13], $0x80, s3, s13, $0xb8;
	[tilespmem:$0x17D00] =	vst v63  }
0x3e: {  	_ =	swait.ge [sflag:s15], $0x4000  }
0x3f: {  	[sflag:s15] =	ssyncset.done $0x0  }
0x40: {  	[sflag:s15] =	ssyncadd.s32 $0xFFFFC000  }
0x41: {  	[spmem:s2] =	stream.indirect.scatter.add.f32 [tilespmem:s14], [sflag:$0x2], $0x80, s13, s13, $0xb8;
	[tilespmem:$0x17D00] =	vst v63  }
0x42: {  	_ =	swait.ge [sflag:s12], $0x4000  }
0x43: {  	s16 =	sadd.s32 $0x1, s16;
	[sflag:s12] =	ssyncset.done $0x0  }
0x44: {  	p0 =	sne.s32 s16, s8;
	[sflag:s12] =	ssyncadd.s32 $0xFFFFC000  }
.Ltmp1:
0x45: {  	[bflag:$0x0] =	sbarrier.arrive $0xFFFF;
	(pc) =	sbr.rel @p0 .LBB2_1-.Ltmp1, $4  }
0x46: {  	[hbm:s7], [sflag:s6] =	dma.local [spmem:s11], $0x2780  }
0x47: {  	_ =	swait.ge [sflag:s12], $0x2780  }
0x48: {  	[sflag:s12] =	ssyncset.done $0x0  }
0x49: {  	[sflag:s12] =	ssyncadd.s32 $0xFFFFD880  }
0x4a: {  	_ =	sfence.sel $0x180000  }
0x4b: {  	[bflag:$0x0] =	sbarrier.arrive $0xFFFF  }
0x4c: {  	p0 =	sne.s32 s1, $0x0;
	_ =	strace $0x9000005F  }
0x4d: {  	s0 =	sadd.s32 @!p0 $0x100000, s0;
	[bflag:$0x2] =	sbarrier.arrive $0xFFFF  }
0x4e: {  	[sflag:s0] =	ssyncadd.tile.s32 @!p0 $0x1;
	_ =	shalt  }
.Lfunc_end2:
_tile_overlayer_lowered:
.L_overlay_start_2:
0x4f: {  	(tag) =	ssettag $0x2  }
0x50: {  	s0 =	rddreg [dreg:$0x0];
	s2 =	stileid.u32  }
0x51: {  	s1 =	rddreg [dreg:$0x1];
	p0 =	sne.s32 s2, $0x0  }
0x52: {  	s3 =	rddreg [dreg:$0x2];
	[bflag:$0x3] =	sbarrier.arrive $0xFFFF;
	s2 =	simm.s32 @!p0 $0x1C02  }
0x53: {  	[timem:s3], [sflag:s2] =	dma.local @!p0 [hbm:s0], s1  }
0x54: {  	s0 =	simm.s32 @!p0 $0x2  }
0x55: {  	_ =	swait.ge @!p0 [sflag:s0], s1  }
0x56: {  	s1 =	ssub.s32 @!p0 $0x0, s1;
	[sflag:s0] =	ssyncset.done @!p0 $0x0  }
0x57: {  	[sflag:s0] =	ssyncadd.s32 @!p0 s1  }
0x58: {  	[bflag:$0x3] =	sbarrier.arrive $0xFFFF  }
0x59: {  	_ =	shalt  }

// kernel: kernel.62.cloned.1.call-start
scs
__scs_entry_jumppad:
0x0: {  	(pc) =	sbr.rel $0x88, $3  }
0x1: {  	(tag) =	ssettag $0x0;
	lr =	simm.s32 $0x1  }
0x2: {  	[smem:$0x3F93] =	sst lr;
	_ =	strace $0xD0000000  }
0x3: {  	_ = 	snop  }
0x4: {  	_ = 	snop  }
0x5: {  	_ = 	snop  }
0x6: {  	_ = 	snop  }
0x7: {  	_ = 	snop  }
__scs_overlays_trampoline_lowered:
0x8: {  	[smem:$0x3FA2] =	sst s0  }
0x9: {  	[smem:$0x3FA3] =	sst s1  }
0xa: {  	[smem:$0x3FA4] =	sst s2  }
0xb: {  	[smem:$0x3FA5] =	sst s3  }
0xc: {  	[smem:$0x3FA6] =	sst s4  }
0xd: {  	[smem:$0x3FA7] =	sst s5  }
0xe: {  	[smem:$0x3FA8] =	sst s6  }
0xf: {  	[smem:$0x3FA9] =	sst s7  }
0x10: {  	[smem:$0x3FAA] =	sst s8  }
0x11: {  	[smem:$0x3FAB] =	sst s9;
	s0 =	simm.s32 @!p0 $0x0  }
0x12: {  	s1 =	sld [smem:$0x3F91];
	s0 =	simm.s32 @p0 $0x1  }
0x13: {  	[smem:$0x3FAC] =	sst s0;
	s0 =	simm.s32 @!p1 $0x0  }
0x14: {  	s2 =	sld [smem:$0x3F90];
	s0 =	simm.s32 @p1 $0x1  }
0x15: {  	[smem:$0x3FAD] =	sst s0;
	s0 =	simm.s32 @!p2 $0x0  }
0x16: {  	s3 =	sld [smem:$0x3FDB];
	s0 =	simm.s32 @p2 $0x1  }
0x17: {  	s4 =	simm.s32 $0x1BF5;
	[smem:$0x3FAF] =	sst s0  }
0x18: {  	s0 =	sld [smem:$0x3F92];
	_ =	swait.ge [sflag:s4], $0x0  }
0x19: {  	s7 =	sld [smem:$0x3F93]  }
0x1a: {  	s8 =	sadd.s32 $0xFFFFE003, lr  }
0x1b: {  	s9 =	sadd.s32 $0xFFFFFEF7, lr;
	s5 =	simm.s32 $0xFFFFFFFF;
	p2 =	slt.u32 s8, $0xFFFFF086  }
0x1c: {  	p1 =	slt.u32 s9, $0xF7A;
	s5 =	simm.s32 @!p2 $0x0  }
0x1d: {  	s5 =	simm.s32 @p1 $0x1;
	p0 =	seq.s32 s7, s2  }
0x1e: {  	s7 =	smul.u32 @!p0 $0xF7A, s2;
	p2 =	seq.s32 @!p0 s5, $0x0  }
0x1f: {  	s9 =	smul.u32 $0xF7A, s1;
	s8 =	simm.s32 @!p0 $0x1BF5;
	p2 =	por !p2, p0  }
0x20: {  	[sflag:s8] =	ssyncset.s32 @!p0 $0xFFFFF086;
	s6 =	sadd.s32 @!p0 s3, s7;
	s7 =	simm.s32 @!p0 $0x108  }
0x21: {  	s3 =	sadd.s32 s3, s9;
	s6 =	sadd.s32 @!p0 $0x88, s6;
	s7 =	simm.s32 @p2 $0x1082  }
0x22: {  	[simem:s7], [sflag:s8] =	dma.local @!p0 [hbm:s6], $0xF7A  }
0x23: {  	s9 =	sor.u32 $0xD0000000, s2;
	s6 =	simm.s32 $0x108;
	_ =	swait.ge @!p0 [sflag:s8], $0x0  }
0x24: {  	s3 =	sadd.s32 $0x88, s3;
	s6 =	simm.s32 @!p1 $0x1082;
	[sflag:s4] =	ssyncset.s32 $0xFFFFF086  }
0x25: {  	[simem:s6], [sflag:s4] =	dma.local [hbm:s3], $0xF7A  }
0x26: {  	[smem:$0x3F93] =	sst s1;
	(tag) =	ssettag s2;
	_ =	strace s9  }
0x27: {  	s1 =	sld [smem:$0x3FA3]  }
0x28: {  	s2 =	sld [smem:$0x3FA4]  }
0x29: {  	s4 =	sld [smem:$0x3FA6]  }
0x2a: {  	p0 =	seq.s32 s5, $0x0;
	s5 =	sld [smem:$0x3FA7]  }
0x2b: {  	s6 =	sld [smem:$0x3FA8]  }
0x2c: {  	s7 =	sld [smem:$0x3FA9]  }
0x2d: {  	s3 =	simm.s32 $0x108;
	s8 =	sld [smem:$0x3FAA]  }
0x2e: {  	s3 =	simm.s32 @!p0 $0x1082;
	s9 =	sld [smem:$0x3FAB]  }
0x2f: {  	lr =	sadd.s32 s0, s3;
	s0 =	sld [smem:$0x3FA2]  }
0x30: {  	s3 =	sld [smem:$0x3FA5]  }
0x31: {  	[smem:$0x3FAE] =	sst s10  }
0x32: {  	s10 =	sld [smem:$0x3FAC];
	_ =	sdelay $0x3  }
0x33: {  	p0 =	seq.s32 s10, $0x1;
	s10 =	sld [smem:$0x3FAE];
	_ =	sdelay $0x3  }
0x34: {  	[smem:$0x3FAE] =	sst s10  }
0x35: {  	s10 =	sld [smem:$0x3FAD];
	_ =	sdelay $0x3  }
0x36: {  	p1 =	seq.s32 s10, $0x1;
	s10 =	sld [smem:$0x3FAE];
	_ =	sdelay $0x3  }
0x37: {  	[smem:$0x3FAE] =	sst s10  }
0x38: {  	s10 =	sld [smem:$0x3FAF]  }
0x39: {  	_ = 	snop;
	(pc) =	sbr.ind lr, $3  }
0x3a: {  	_ = 	snop  }
0x3b: {  	_ = 	snop  }
0x3c: {  	p2 =	seq.s32 s10, $0x1;
	s10 =	sld [smem:$0x3FAE]  }
0x3d: {  	_ =	shalt  }
0x3e: {  	_ =	shalt  }
0x3f: {  	_ =	shalt  }
0x40: {  	_ =	shalt  }
0x41: {  	_ =	shalt  }
0x42: {  	_ =	shalt  }
0x43: {  	_ =	shalt  }
0x44: {  	_ =	shalt  }
0x45: {  	_ =	shalt  }
0x46: {  	_ =	shalt  }
0x47: {  	_ =	shalt  }
0x48: {  	_ =	shalt  }
0x49: {  	_ =	shalt  }
0x4a: {  	_ =	shalt  }
0x4b: {  	_ =	shalt  }
0x4c: {  	_ =	shalt  }
0x4d: {  	_ =	shalt  }
0x4e: {  	_ =	shalt  }
0x4f: {  	_ =	shalt  }
0x50: {  	_ =	shalt  }
0x51: {  	_ =	shalt  }
0x52: {  	_ =	shalt  }
0x53: {  	_ =	shalt  }
0x54: {  	_ =	shalt  }
0x55: {  	_ =	shalt  }
0x56: {  	_ =	shalt  }
0x57: {  	_ =	shalt  }
0x58: {  	_ =	shalt  }
0x59: {  	_ =	shalt  }
0x5a: {  	_ =	shalt  }
0x5b: {  	_ =	shalt  }
0x5c: {  	_ =	shalt  }
0x5d: {  	_ =	shalt  }
0x5e: {  	_ =	shalt  }
0x5f: {  	_ =	shalt  }
0x60: {  	_ =	shalt  }
0x61: {  	_ =	shalt  }
0x62: {  	_ =	shalt  }
0x63: {  	_ =	shalt  }
0x64: {  	_ =	shalt  }
0x65: {  	_ =	shalt  }
0x66: {  	_ =	shalt  }
0x67: {  	_ =	shalt  }
0x68: {  	_ =	shalt  }
0x69: {  	_ =	shalt  }
0x6a: {  	_ =	shalt  }
0x6b: {  	_ =	shalt  }
0x6c: {  	_ =	shalt  }
0x6d: {  	_ =	shalt  }
0x6e: {  	_ =	shalt  }
0x6f: {  	_ =	shalt  }
0x70: {  	_ =	shalt  }
0x71: {  	_ =	shalt  }
0x72: {  	_ =	shalt  }
0x73: {  	_ =	shalt  }
0x74: {  	_ =	shalt  }
0x75: {  	_ =	shalt  }
0x76: {  	_ =	shalt  }
0x77: {  	_ =	shalt  }
0x78: {  	_ =	shalt  }
0x79: {  	_ =	shalt  }
0x7a: {  	_ =	shalt  }
0x7b: {  	_ =	shalt  }
0x7c: {  	_ =	shalt  }
0x7d: {  	_ =	shalt  }
0x7e: {  	_ =	shalt  }
0x7f: {  	_ =	shalt  }
0x80: {  	_ =	shalt  }
0x81: {  	_ =	shalt  }
0x82: {  	_ =	shalt  }
0x83: {  	_ =	shalt  }
0x84: {  	_ =	shalt  }
0x85: {  	_ =	shalt  }
0x86: {  	_ =	shalt  }
0x87: {  	_ =	shalt  }
.Lfunc_end0:
.L_simem_size_0:
called_computation.9_lowered:
.L_overlay_start_0:
0x88: {  	s2 =	sld [smem:$0x3FD9]  }
0x89: {  	s3 =	sld [smem:$0x3FFE];
	_ =	sdelay $0x1  }
0x8a: {  	s1 =	srdreg.scid  }
0x8b: {  	s0 =	sand.u32 $0x1, s1  }
0x8c: {  	s16 =	sshll.u32 s0, $0xA;
	s2 =	sadd.s32 s3, s2  }
0x8d: {  	s2 =	sadd.s32 s2, s16  }
0x8e: {  	[smem:$0x3FBA] =	sst s2  }
0x8f: {  	_ = 	snop  }
0x90: {  	(tm) =	ssettm $0x1  }
0x91: {  	s17 =	sld [smem:$0x3FFB];
	_ =	sdelay $0x3  }
0x92: {  	_ =	strace s17  }
0x93: {  	s2 =	sld [smem:$0x3FFC];
	_ =	sdelay $0x3  }
0x94: {  	_ =	strace s2  }
0x95: {  	s2 =	sld [smem:$0x3FFD];
	_ =	sdelay $0x3  }
0x96: {  	_ =	strace s2  }
0x97: {  	_ =	strace $0x8FFFFFFF  }
0x98: {  	s18 =	sld [smem:$0x3FDB];
	_ =	sdelay $0x1  }
0x99: {  	s19 =	simm.s32 $_scs_section_size  }
0x9a: {  	s4 =	simm.s32 $_size__tile_overlayer_lowered;
	s5 =	simm.s32 $_tile_overlayer_lowered  }
0x9b: {  	s22 =	simm.s32 $0x1BFF;
	s21 =	sshll.u32 s5, $0x1;
	s2 =	sadd.s32 s19, s18  }
0x9c: {  	s6 =	simm.s32 $0x0;
	s20 =	sshll.u32 s4, $0x1;
	s4 =	sadd.s32 s21, s2  }
0x9d: {  	[timem:s6], [sflag:s22] =	dma.local [hbm:s4], s20  }
0x9e: {  	_ =	swait.ge [sflag:s22], s20  }
0x9f: {  	s3 =	ssub.s32 $0x0, s20;
	[sflag:s22] =	ssyncset.done $0x0  }
0xa0: {  	[sflag:s22] =	ssyncadd.s32 s3;
	_ =	sdelay $0x1  }
0xa1: {  	s23 =	simm.s32 $0x1B8B  }
0xa2: {  	_ =	swait.ge [sflag:s23], $0x1  }
0xa3: {  	[sflag:s23] =	ssyncset.done $0x0  }
0xa4: {  	s25 =	simm.s32 $0x1B8E;
	s24 =	sld [smem:$0x3FFE];
	[sflag:s23] =	ssyncadd.s32 $0xFFFFFFFF  }
0xa5: {  	s26 =	simm.s32 $execute0_lowered;
	[smem:$0x3FD2] =	sst s25  }
0xa6: {  	s4 =	sshll.u32 s26, $0x1;
	_ =	strace $0x80000061;
	[dreg:$0x1] =	wrdreg $0xFFFFFFFF  }
0xa7: {  	s28 =	simm.s32 $_size_execute0_lowered;
	s2 =	sadd.s32 s2, s4;
	[dreg:$0x0] =	wrdreg $0x0  }
0xa8: {  	s4 =	sshll.u32 s28, $0x1;
	[dreg:$0x2] =	wrdreg s2  }
0xa9: {  	[dreg:$0x3] =	wrdreg s4  }
0xaa: {  	[dreg:$0x4] =	wrdreg $0xC0  }
0xab: {  	_ =	task [dreg:s6], $0x5FFFF  }
0xac: {  	[dreg:$0x1] =	wrdreg $0xFFFFFFFF  }
0xad: {  	[dreg:$0x0] =	wrdreg $0x60  }
0xae: {  	[dreg:$0x2] =	wrdreg s24  }
0xaf: {  	[dreg:$0x3] =	wrdreg $0x41000  }
0xb0: {  	[dreg:$0x4] =	wrdreg $0x9  }
0xb1: {  	_ =	task.clear_ibuf [dreg:s6], $0x5FFFF;
	_ =	strace $0x90000061  }
0xb2: {  	s29 =	simm.s32 $0x9;
	_ =	strace $0x80000063  }
0xb3: {  	_ =	swait.ge [sflag:s29], $0x1  }
0xb4: {  	[sflag:s29] =	ssyncadd.s32 $0xFFFFFFFF  }
0xb5: {  	_ =	strace $0x90000063  }
0xb6: {  	_ =	sfence  }
0xb7: {  	s30 =	sld [smem:$0x0];
	_ =	sdelay $0x2  }
0xb8: {  	s31 =	sshll.u32 s1, $0xD;
	s1 =	sshrl.u32 s1, $0x2  }
0xb9: {  	s3 =	sand.u32 $0x4000, s31;
	s1 =	sadd.s32 s1, s30  }
0xba: {  	s0 =	sor.u32 s3, s0;
	s1 =	sshll.u32 s1, $0x11  }
0xbb: {  	s0 =	sor.u32 s1, s0  }
0xbc: {  	s0 =	sadd.s32 $0x8F2B, s0  }
0xbd: {  	[sflag:s0] =	ssyncadd.remote.s32 $0x1  }
0xbe: {  	_ =	sfence.sel $0xFFFF  }
0xbf: {  	[dreg:$0x0] =	wrdreg $0xFFFFFFFF;
	(pc) =	sbr.abs _section_cstart, $3  }
0xc0: {  	[dreg:$0x1] =	wrdreg $0xFFFFFFFF  }
0xc1: {  	_ =	task.clear_ibuf [dreg:s6], $0x2FFFF;
	_ =	strace $0x9FFFFFFF  }
0xc2: {  	(tm) =	ssettm $0x7FFFFFFF  }
0xc3: {  	_ =	shalt  }
tec
execute0_lowered:
.L_overlay_start_1:
0x0: {  	(tag) =	ssettag $0x1  }
0x1: {  	s5 =	rddreg [dreg:$0x0];
	s0 =	srdreg.scid  }
0x2: {  	s2 =	rddreg [dreg:$0x1];
	s1 =	stileid.u32  }
0x3: {  	s3 =	simm.s32 $0x0;
	s13 =	simm.s32 $0x80;
	s8 =	smul.u32 $0x13C00, s1  }
0x4: {  	s14 =	simm.s32 $0x100;
	s15 =	simm.s32 $0x1;
	s26 =	smul.u32 $0x4F000, s1  }
0x5: {  	s6 =	sand.u32 $0x1, s0;
	s0 =	rddreg [dreg:$0x2];
	s30 =	smul.u32 $0x4F0, s1  }
0x6: {  	s16 =	simm.s32 $0x0;
	[smem:$0x7FF] =	sst s3;
	s7 =	smul.u32 $0x4F00, s6  }
0x7: {  	s4 =	sadd.s32 $0x1D000, s5;
	s31 =	sshll.u32 s1, $0x6;
	s9 =	smul.u32 $0x13C000, s6  }
0x8: {  	_ =	strace $0x80000062;
	s6 =	ssub.s32 $0x2, s6;
	s25 =	sshrl.u32 s8, $0x3  }
0x9: {  	s28 =	sshrl.u32 s6, $0x1;
	s29 =	sshrl.u32 s26, $0x2;
	s10 =	sadd.s32 s7, s5  }
0xa: {  	s8 =	sadd.s32 s8, s9;
	s7 =	sadd.s32 s25, s5;
	s11 =	ssub.s32 s6, s28  }
0xb: {  	s12 =	sadd.s32 s29, s2;
	s6 =	sor.u32 $0x1C02, s31;
	s8 =	sshrl.u32 s8, $0x3  }
0xc: {  	s10 =	sadd.s32 s30, s10;
	s8 =	sadd.s32 s8, s5;
	s5 =	sadd.s32 $0xB9600, s7  }
0xd: {  	s9 =	sadd.s32 $0x13200, s10;
	s10 =	sadd.s32 $0x9400, s10;
	s7 =	sadd.s32 $0x44200, s8  }
0xe: {  	s8 =	smax.u32 s11, $0x1;
	s11 =	sshrl.u32 s12, $0x3;
	s12 =	simm.s32 $0x2  }
.LBB2_1:
0xf: {  	[spmem:s11], [sflag:s6] =	dma.local [hbm:s5], $0x2780  }
0x10: {  	_ =	swait.ge [sflag:s12], $0x2780  }
0x11: {  	[sflag:s12] =	ssyncset.done $0x0  }
0x12: {  	[sflag:s12] =	ssyncadd.s32 $0xFFFFD880  }
0x13: {  	s17 =	sadd.s32 $0x0, s10;
	[bflag:$0x0] =	sbarrier.arrive $0xFFFF  }
0x14: {  	[tilespmem:s3], [sflag:$0x2] =	stream.linear.gather [hbm4b:s17+s3], $0x80, $0x38;
	[tilespmem:$0x17D00] =	vst v63  }
0x15: {  	_ =	swait.ge [sflag:s12], $0x80  }
0x16: {  	[sflag:s12] =	ssyncset.done $0x0  }
0x17: {  	s31 =	sadd.s32 $0x0, s9;
	[sflag:s12] =	ssyncadd.s32 $0xFFFFFF80  }
0x18: {  	[tilespmem:s13], [sflag:$0x2] =	stream.linear.gather [hbm4b:s31+s3], $0x80, $0x38;
	[tilespmem:$0x17D00] =	vst v63  }
0x19: {  	_ =	swait.ge [sflag:s12], $0x80  }
0x1a: {  	[sflag:s12] =	ssyncset.done $0x0  }
0x1b: {  	[sflag:s12] =	ssyncadd.s32 $0xFFFFFF80  }
0x1c: {  	[tilespmem:s14], [sflag:$0x1] =	stream.indirect.gather [hbm4b:s4+s13], $0x80, s3, s13, $0xb8;
	[tilespmem:$0x17D00] =	vst v63  }
0x1d: {  	_ =	swait.ge [sflag:s15], $0x4000  }
0x1e: {  	[sflag:s15] =	ssyncset.done $0x0  }
0x1f: {  	[sflag:s15] =	ssyncadd.s32 $0xFFFFC000  }
0x20: {  	[spmem:s2] =	stream.indirect.scatter.add.f32 [tilespmem:s14], [sflag:$0x2], $0x80, s13, s13, $0xb8;
	[tilespmem:$0x17D00] =	vst v63  }
0x21: {  	_ =	swait.ge [sflag:s12], $0x4000  }
0x22: {  	s18 =	simm.s32 $0x20;
	s17 =	simm.s32 $0x10;
	[sflag:s12] =	ssyncset.done $0x0  }
.LBB2_2:
0x23: {  	s19 =	sadd.s32 s17, s10  }
0x24: {  	[sflag:s12] =	ssyncadd.s32 $0xFFFFC000;
	s20 =	smov.u32 s18;
	s21 =	sadd.s32 $0x10, s18  }
0x25: {  	[tilespmem:s3], [sflag:$0x2] =	stream.linear.gather [hbm4b:s19+s3], $0x80, $0x38;
	[tilespmem:$0x17D00] =	vst v63  }
0x26: {  	p0 =	sne.s32 s18, $0x4E0;
	_ =	swait.ge [sflag:s12], $0x80  }
0x27: {  	[sflag:s12] =	ssyncset.done $0x0  }
0x28: {  	s18 =	sadd.s32 s17, s9;
	s17 =	smov.u32 s20;
	[sflag:s12] =	ssyncadd.s32 $0xFFFFFF80  }
0x29: {  	[tilespmem:s13], [sflag:$0x2] =	stream.linear.gather [hbm4b:s18+s3], $0x80, $0x38;
	[tilespmem:$0x17D00] =	vst v63  }
0x2a: {  	_ =	swait.ge [sflag:s12], $0x80  }
0x2b: {  	[sflag:s12] =	ssyncset.done $0x0  }
0x2c: {  	[sflag:s12] =	ssyncadd.s32 $0xFFFFFF80  }
0x2d: {  	[tilespmem:s14], [sflag:$0x1] =	stream.indirect.gather [hbm4b:s4+s13], $0x80, s3, s13, $0xb8;
	[tilespmem:$0x17D00] =	vst v63  }
0x2e: {  	_ =	swait.ge [sflag:s15], $0x4000  }
.Ltmp0:
0x2f: {  	[sflag:s15] =	ssyncset.done $0x0;
	(pc) =	sbr.rel @p0 .LBB2_2-.Ltmp0, $4  }
0x30: {  	[sflag:s15] =	ssyncadd.s32 $0xFFFFC000  }
0x31: {  	[spmem:s2] =	stream.indirect.scatter.add.f32 [tilespmem:s14], [sflag:$0x2], $0x80, s13, s13, $0xb8;
	[tilespmem:$0x17D00] =	vst v63  }
0x32: {  	_ =	swait.ge [sflag:s12], $0x4000  }
0x33: {  	s18 =	smov.u32 s21;
	[sflag:s12] =	ssyncset.done $0x0  }
0x34: {  	s18 =	sadd.s32 s17, s10;
	[sflag:s12] =	ssyncadd.s32 $0xFFFFC000  }
0x35: {  	[tilespmem:s3], [sflag:$0x2] =	stream.linear.gather [hbm4b:s18+s3], $0x80, $0x38;
	[tilespmem:$0x17D00] =	vst v63  }
0x36: {  	_ =	swait.ge [sflag:s12], $0x80  }
0x37: {  	[sflag:s12] =	ssyncset.done $0x0  }
0x38: {  	s31 =	sadd.s32 s17, s9;
	[sflag:s12] =	ssyncadd.s32 $0xFFFFFF80  }
0x39: {  	[tilespmem:s13], [sflag:$0x2] =	stream.linear.gather [hbm4b:s31+s3], $0x80, $0x38;
	[tilespmem:$0x17D00] =	vst v63  }
0x3a: {  	_ =	swait.ge [sflag:s12], $0x80  }
0x3b: {  	[sflag:s12] =	ssyncset.done $0x0  }
0x3c: {  	[sflag:s12] =	ssyncadd.s32 $0xFFFFFF80  }
0x3d: {  	[tilespmem:s14], [sflag:$0x1] =	stream.indirect.gather [hbm4b:s4+s13], $0x80, s3, s13, $0xb8;
	[tilespmem:$0x17D00] =	vst v63  }
0x3e: {  	_ =	swait.ge [sflag:s15], $0x4000  }
0x3f: {  	[sflag:s15] =	ssyncset.done $0x0  }
0x40: {  	[sflag:s15] =	ssyncadd.s32 $0xFFFFC000  }
0x41: {  	[spmem:s2] =	stream.indirect.scatter.add.f32 [tilespmem:s14], [sflag:$0x2], $0x80, s13, s13, $0xb8;
	[tilespmem:$0x17D00] =	vst v63  }
0x42: {  	_ =	swait.ge [sflag:s12], $0x4000  }
0x43: {  	s16 =	sadd.s32 $0x1, s16;
	[sflag:s12] =	ssyncset.done $0x0  }
0x44: {  	p0 =	sne.s32 s16, s8;
	[sflag:s12] =	ssyncadd.s32 $0xFFFFC000  }
.Ltmp1:
0x45: {  	[bflag:$0x0] =	sbarrier.arrive $0xFFFF;
	(pc) =	sbr.rel @p0 .LBB2_1-.Ltmp1, $4  }
0x46: {  	[hbm:s7], [sflag:s6] =	dma.local [spmem:s11], $0x2780  }
0x47: {  	_ =	swait.ge [sflag:s12], $0x2780  }
0x48: {  	[sflag:s12] =	ssyncset.done $0x0  }
0x49: {  	[sflag:s12] =	ssyncadd.s32 $0xFFFFD880  }
0x4a: {  	_ =	sfence.sel $0x180000  }
0x4b: {  	[bflag:$0x0] =	sbarrier.arrive $0xFFFF  }
0x4c: {  	p0 =	sne.s32 s1, $0x0;
	_ =	strace $0x90000062  }
0x4d: {  	s0 =	sadd.s32 @!p0 $0x100000, s0;
	[bflag:$0x2] =	sbarrier.arrive $0xFFFF  }
0x4e: {  	[sflag:s0] =	ssyncadd.tile.s32 @!p0 $0x1;
	_ =	shalt  }
.Lfunc_end2:
_tile_overlayer_lowered:
.L_overlay_start_2:
0x4f: {  	(tag) =	ssettag $0x2  }
0x50: {  	s0 =	rddreg [dreg:$0x0];
	s2 =	stileid.u32  }
0x51: {  	s1 =	rddreg [dreg:$0x1];
	p0 =	sne.s32 s2, $0x0  }
0x52: {  	s3 =	rddreg [dreg:$0x2];
	[bflag:$0x3] =	sbarrier.arrive $0xFFFF;
	s2 =	simm.s32 @!p0 $0x1C02  }
0x53: {  	[timem:s3], [sflag:s2] =	dma.local @!p0 [hbm:s0], s1  }
0x54: {  	s0 =	simm.s32 @!p0 $0x2  }
0x55: {  	_ =	swait.ge @!p0 [sflag:s0], s1  }
0x56: {  	s1 =	ssub.s32 @!p0 $0x0, s1;
	[sflag:s0] =	ssyncset.done @!p0 $0x0  }
0x57: {  	[sflag:s0] =	ssyncadd.s32 @!p0 s1  }
0x58: {  	[bflag:$0x3] =	sbarrier.arrive $0xFFFF  }
0x59: {  	_ =	shalt  }

// kernel: kernel.65.cloned.1.call-start
scs
__scs_entry_jumppad:
0x0: {  	(pc) =	sbr.rel $0x88, $3  }
0x1: {  	(tag) =	ssettag $0x0;
	lr =	simm.s32 $0x1  }
0x2: {  	[smem:$0x3F93] =	sst lr;
	_ =	strace $0xD0000000  }
0x3: {  	_ = 	snop  }
0x4: {  	_ = 	snop  }
0x5: {  	_ = 	snop  }
0x6: {  	_ = 	snop  }
0x7: {  	_ = 	snop  }
__scs_overlays_trampoline_lowered:
0x8: {  	[smem:$0x3FA2] =	sst s0  }
0x9: {  	[smem:$0x3FA3] =	sst s1  }
0xa: {  	[smem:$0x3FA4] =	sst s2  }
0xb: {  	[smem:$0x3FA5] =	sst s3  }
0xc: {  	[smem:$0x3FA6] =	sst s4  }
0xd: {  	[smem:$0x3FA7] =	sst s5  }
0xe: {  	[smem:$0x3FA8] =	sst s6  }
0xf: {  	[smem:$0x3FA9] =	sst s7  }
0x10: {  	[smem:$0x3FAA] =	sst s8  }
0x11: {  	[smem:$0x3FAB] =	sst s9;
	s0 =	simm.s32 @!p0 $0x0  }
0x12: {  	s1 =	sld [smem:$0x3F91];
	s0 =	simm.s32 @p0 $0x1  }
0x13: {  	[smem:$0x3FAC] =	sst s0;
	s0 =	simm.s32 @!p1 $0x0  }
0x14: {  	s2 =	sld [smem:$0x3F90];
	s0 =	simm.s32 @p1 $0x1  }
0x15: {  	[smem:$0x3FAD] =	sst s0;
	s0 =	simm.s32 @!p2 $0x0  }
0x16: {  	s3 =	sld [smem:$0x3FDB];
	s0 =	simm.s32 @p2 $0x1  }
0x17: {  	s4 =	simm.s32 $0x1BF5;
	[smem:$0x3FAF] =	sst s0  }
0x18: {  	s0 =	sld [smem:$0x3F92];
	_ =	swait.ge [sflag:s4], $0x0  }
0x19: {  	s7 =	sld [smem:$0x3F93]  }
0x1a: {  	s8 =	sadd.s32 $0xFFFFE003, lr  }
0x1b: {  	s9 =	sadd.s32 $0xFFFFFEF7, lr;
	s5 =	simm.s32 $0xFFFFFFFF;
	p2 =	slt.u32 s8, $0xFFFFF086  }
0x1c: {  	p1 =	slt.u32 s9, $0xF7A;
	s5 =	simm.s32 @!p2 $0x0  }
0x1d: {  	s5 =	simm.s32 @p1 $0x1;
	p0 =	seq.s32 s7, s2  }
0x1e: {  	s7 =	smul.u32 @!p0 $0xF7A, s2;
	p2 =	seq.s32 @!p0 s5, $0x0  }
0x1f: {  	s9 =	smul.u32 $0xF7A, s1;
	s8 =	simm.s32 @!p0 $0x1BF5;
	p2 =	por !p2, p0  }
0x20: {  	[sflag:s8] =	ssyncset.s32 @!p0 $0xFFFFF086;
	s6 =	sadd.s32 @!p0 s3, s7;
	s7 =	simm.s32 @!p0 $0x108  }
0x21: {  	s3 =	sadd.s32 s3, s9;
	s6 =	sadd.s32 @!p0 $0x88, s6;
	s7 =	simm.s32 @p2 $0x1082  }
0x22: {  	[simem:s7], [sflag:s8] =	dma.local @!p0 [hbm:s6], $0xF7A  }
0x23: {  	s9 =	sor.u32 $0xD0000000, s2;
	s6 =	simm.s32 $0x108;
	_ =	swait.ge @!p0 [sflag:s8], $0x0  }
0x24: {  	s3 =	sadd.s32 $0x88, s3;
	s6 =	simm.s32 @!p1 $0x1082;
	[sflag:s4] =	ssyncset.s32 $0xFFFFF086  }
0x25: {  	[simem:s6], [sflag:s4] =	dma.local [hbm:s3], $0xF7A  }
0x26: {  	[smem:$0x3F93] =	sst s1;
	(tag) =	ssettag s2;
	_ =	strace s9  }
0x27: {  	s1 =	sld [smem:$0x3FA3]  }
0x28: {  	s2 =	sld [smem:$0x3FA4]  }
0x29: {  	s4 =	sld [smem:$0x3FA6]  }
0x2a: {  	p0 =	seq.s32 s5, $0x0;
	s5 =	sld [smem:$0x3FA7]  }
0x2b: {  	s6 =	sld [smem:$0x3FA8]  }
0x2c: {  	s7 =	sld [smem:$0x3FA9]  }
0x2d: {  	s3 =	simm.s32 $0x108;
	s8 =	sld [smem:$0x3FAA]  }
0x2e: {  	s3 =	simm.s32 @!p0 $0x1082;
	s9 =	sld [smem:$0x3FAB]  }
0x2f: {  	lr =	sadd.s32 s0, s3;
	s0 =	sld [smem:$0x3FA2]  }
0x30: {  	s3 =	sld [smem:$0x3FA5]  }
0x31: {  	[smem:$0x3FAE] =	sst s10  }
0x32: {  	s10 =	sld [smem:$0x3FAC];
	_ =	sdelay $0x3  }
0x33: {  	p0 =	seq.s32 s10, $0x1;
	s10 =	sld [smem:$0x3FAE];
	_ =	sdelay $0x3  }
0x34: {  	[smem:$0x3FAE] =	sst s10  }
0x35: {  	s10 =	sld [smem:$0x3FAD];
	_ =	sdelay $0x3  }
0x36: {  	p1 =	seq.s32 s10, $0x1;
	s10 =	sld [smem:$0x3FAE];
	_ =	sdelay $0x3  }
0x37: {  	[smem:$0x3FAE] =	sst s10  }
0x38: {  	s10 =	sld [smem:$0x3FAF]  }
0x39: {  	_ = 	snop;
	(pc) =	sbr.ind lr, $3  }
0x3a: {  	_ = 	snop  }
0x3b: {  	_ = 	snop  }
0x3c: {  	p2 =	seq.s32 s10, $0x1;
	s10 =	sld [smem:$0x3FAE]  }
0x3d: {  	_ =	shalt  }
0x3e: {  	_ =	shalt  }
0x3f: {  	_ =	shalt  }
0x40: {  	_ =	shalt  }
0x41: {  	_ =	shalt  }
0x42: {  	_ =	shalt  }
0x43: {  	_ =	shalt  }
0x44: {  	_ =	shalt  }
0x45: {  	_ =	shalt  }
0x46: {  	_ =	shalt  }
0x47: {  	_ =	shalt  }
0x48: {  	_ =	shalt  }
0x49: {  	_ =	shalt  }
0x4a: {  	_ =	shalt  }
0x4b: {  	_ =	shalt  }
0x4c: {  	_ =	shalt  }
0x4d: {  	_ =	shalt  }
0x4e: {  	_ =	shalt  }
0x4f: {  	_ =	shalt  }
0x50: {  	_ =	shalt  }
0x51: {  	_ =	shalt  }
0x52: {  	_ =	shalt  }
0x53: {  	_ =	shalt  }
0x54: {  	_ =	shalt  }
0x55: {  	_ =	shalt  }
0x56: {  	_ =	shalt  }
0x57: {  	_ =	shalt  }
0x58: {  	_ =	shalt  }
0x59: {  	_ =	shalt  }
0x5a: {  	_ =	shalt  }
0x5b: {  	_ =	shalt  }
0x5c: {  	_ =	shalt  }
0x5d: {  	_ =	shalt  }
0x5e: {  	_ =	shalt  }
0x5f: {  	_ =	shalt  }
0x60: {  	_ =	shalt  }
0x61: {  	_ =	shalt  }
0x62: {  	_ =	shalt  }
0x63: {  	_ =	shalt  }
0x64: {  	_ =	shalt  }
0x65: {  	_ =	shalt  }
0x66: {  	_ =	shalt  }
0x67: {  	_ =	shalt  }
0x68: {  	_ =	shalt  }
0x69: {  	_ =	shalt  }
0x6a: {  	_ =	shalt  }
0x6b: {  	_ =	shalt  }
0x6c: {  	_ =	shalt  }
0x6d: {  	_ =	shalt  }
0x6e: {  	_ =	shalt  }
0x6f: {  	_ =	shalt  }
0x70: {  	_ =	shalt  }
0x71: {  	_ =	shalt  }
0x72: {  	_ =	shalt  }
0x73: {  	_ =	shalt  }
0x74: {  	_ =	shalt  }
0x75: {  	_ =	shalt  }
0x76: {  	_ =	shalt  }
0x77: {  	_ =	shalt  }
0x78: {  	_ =	shalt  }
0x79: {  	_ =	shalt  }
0x7a: {  	_ =	shalt  }
0x7b: {  	_ =	shalt  }
0x7c: {  	_ =	shalt  }
0x7d: {  	_ =	shalt  }
0x7e: {  	_ =	shalt  }
0x7f: {  	_ =	shalt  }
0x80: {  	_ =	shalt  }
0x81: {  	_ =	shalt  }
0x82: {  	_ =	shalt  }
0x83: {  	_ =	shalt  }
0x84: {  	_ =	shalt  }
0x85: {  	_ =	shalt  }
0x86: {  	_ =	shalt  }
0x87: {  	_ =	shalt  }
.Lfunc_end0:
.L_simem_size_0:
called_computation.10_lowered:
.L_overlay_start_0:
0x88: {  	s2 =	sld [smem:$0x3FD9]  }
0x89: {  	s3 =	sld [smem:$0x3FFE];
	_ =	sdelay $0x1  }
0x8a: {  	s1 =	srdreg.scid  }
0x8b: {  	s0 =	sand.u32 $0x1, s1  }
0x8c: {  	s16 =	sshll.u32 s0, $0xA;
	s2 =	sadd.s32 s3, s2  }
0x8d: {  	s2 =	sadd.s32 s2, s16  }
0x8e: {  	[smem:$0x3FBA] =	sst s2  }
0x8f: {  	_ = 	snop  }
0x90: {  	(tm) =	ssettm $0x1  }
0x91: {  	s17 =	sld [smem:$0x3FFB];
	_ =	sdelay $0x3  }
0x92: {  	_ =	strace s17  }
0x93: {  	s2 =	sld [smem:$0x3FFC];
	_ =	sdelay $0x3  }
0x94: {  	_ =	strace s2  }
0x95: {  	s2 =	sld [smem:$0x3FFD];
	_ =	sdelay $0x3  }
0x96: {  	_ =	strace s2  }
0x97: {  	_ =	strace $0x8FFFFFFF  }
0x98: {  	s18 =	sld [smem:$0x3FDB];
	_ =	sdelay $0x1  }
0x99: {  	s19 =	simm.s32 $_scs_section_size  }
0x9a: {  	s4 =	simm.s32 $_size__tile_overlayer_lowered;
	s5 =	simm.s32 $_tile_overlayer_lowered  }
0x9b: {  	s22 =	simm.s32 $0x1BFF;
	s21 =	sshll.u32 s5, $0x1;
	s2 =	sadd.s32 s19, s18  }
0x9c: {  	s6 =	simm.s32 $0x0;
	s20 =	sshll.u32 s4, $0x1;
	s4 =	sadd.s32 s21, s2  }
0x9d: {  	[timem:s6], [sflag:s22] =	dma.local [hbm:s4], s20  }
0x9e: {  	_ =	swait.ge [sflag:s22], s20  }
0x9f: {  	s3 =	ssub.s32 $0x0, s20;
	[sflag:s22] =	ssyncset.done $0x0  }
0xa0: {  	[sflag:s22] =	ssyncadd.s32 s3;
	_ =	sdelay $0x1  }
0xa1: {  	s23 =	simm.s32 $0x1B8B  }
0xa2: {  	_ =	swait.ge [sflag:s23], $0x1  }
0xa3: {  	[sflag:s23] =	ssyncset.done $0x0  }
0xa4: {  	s25 =	simm.s32 $0x1B8E;
	s24 =	sld [smem:$0x3FFE];
	[sflag:s23] =	ssyncadd.s32 $0xFFFFFFFF  }
0xa5: {  	s26 =	simm.s32 $execute0_lowered;
	[smem:$0x3FD2] =	sst s25  }
0xa6: {  	s4 =	sshll.u32 s26, $0x1;
	_ =	strace $0x80000064;
	[dreg:$0x1] =	wrdreg $0xFFFFFFFF  }
0xa7: {  	s28 =	simm.s32 $_size_execute0_lowered;
	s2 =	sadd.s32 s2, s4;
	[dreg:$0x0] =	wrdreg $0x0  }
0xa8: {  	s4 =	sshll.u32 s28, $0x1;
	[dreg:$0x2] =	wrdreg s2  }
0xa9: {  	[dreg:$0x3] =	wrdreg s4  }
0xaa: {  	[dreg:$0x4] =	wrdreg $0xC0  }
0xab: {  	_ =	task [dreg:s6], $0x5FFFF  }
0xac: {  	[dreg:$0x1] =	wrdreg $0xFFFFFFFF  }
0xad: {  	[dreg:$0x0] =	wrdreg $0x60  }
0xae: {  	[dreg:$0x2] =	wrdreg s24  }
0xaf: {  	[dreg:$0x3] =	wrdreg $0x41000  }
0xb0: {  	[dreg:$0x4] =	wrdreg $0x9  }
0xb1: {  	_ =	task.clear_ibuf [dreg:s6], $0x5FFFF;
	_ =	strace $0x90000064  }
0xb2: {  	s29 =	simm.s32 $0x9;
	_ =	strace $0x80000066  }
0xb3: {  	_ =	swait.ge [sflag:s29], $0x1  }
0xb4: {  	[sflag:s29] =	ssyncadd.s32 $0xFFFFFFFF  }
0xb5: {  	_ =	strace $0x90000066  }
0xb6: {  	_ =	sfence  }
0xb7: {  	s30 =	sld [smem:$0x0];
	_ =	sdelay $0x2  }
0xb8: {  	s31 =	sshll.u32 s1, $0xD;
	s1 =	sshrl.u32 s1, $0x2  }
0xb9: {  	s3 =	sand.u32 $0x4000, s31;
	s1 =	sadd.s32 s1, s30  }
0xba: {  	s0 =	sor.u32 s3, s0;
	s1 =	sshll.u32 s1, $0x11  }
0xbb: {  	s0 =	sor.u32 s1, s0  }
0xbc: {  	s0 =	sadd.s32 $0x8F2B, s0  }
0xbd: {  	[sflag:s0] =	ssyncadd.remote.s32 $0x1  }
0xbe: {  	_ =	sfence.sel $0xFFFF  }
0xbf: {  	[dreg:$0x0] =	wrdreg $0xFFFFFFFF;
	(pc) =	sbr.abs _section_cstart, $3  }
0xc0: {  	[dreg:$0x1] =	wrdreg $0xFFFFFFFF  }
0xc1: {  	_ =	task.clear_ibuf [dreg:s6], $0x2FFFF;
	_ =	strace $0x9FFFFFFF  }
0xc2: {  	(tm) =	ssettm $0x7FFFFFFF  }
0xc3: {  	_ =	shalt  }
tec
execute0_lowered:
.L_overlay_start_1:
0x0: {  	(tag) =	ssettag $0x1  }
0x1: {  	s5 =	rddreg [dreg:$0x0];
	s0 =	srdreg.scid  }
0x2: {  	s2 =	rddreg [dreg:$0x1];
	s1 =	stileid.u32  }
0x3: {  	s3 =	simm.s32 $0x0;
	s13 =	simm.s32 $0x80;
	s8 =	smul.u32 $0x13C00, s1  }
0x4: {  	s14 =	simm.s32 $0x100;
	s15 =	simm.s32 $0x1;
	s26 =	smul.u32 $0x4F000, s1  }
0x5: {  	s6 =	sand.u32 $0x1, s0;
	s0 =	rddreg [dreg:$0x2];
	s30 =	smul.u32 $0x4F0, s1  }
0x6: {  	s16 =	simm.s32 $0x0;
	[smem:$0x7FF] =	sst s3;
	s7 =	smul.u32 $0x4F00, s6  }
0x7: {  	s4 =	sadd.s32 $0xE0E00, s5;
	s31 =	sshll.u32 s1, $0x6;
	s9 =	smul.u32 $0x13C000, s6  }
0x8: {  	_ =	strace $0x80000065;
	s6 =	ssub.s32 $0x2, s6;
	s25 =	sshrl.u32 s8, $0x3  }
0x9: {  	s28 =	sshrl.u32 s6, $0x1;
	s29 =	sshrl.u32 s26, $0x2;
	s10 =	sadd.s32 s7, s5  }
0xa: {  	s8 =	sadd.s32 s8, s9;
	s7 =	sadd.s32 s25, s5;
	s11 =	ssub.s32 s6, s28  }
0xb: {  	s12 =	sadd.s32 s29, s2;
	s6 =	sor.u32 $0x1C02, s31;
	s8 =	sshrl.u32 s8, $0x3  }
0xc: {  	s10 =	sadd.s32 s30, s10;
	s8 =	sadd.s32 s8, s5;
	s5 =	sadd.s32 $0xB9600, s7  }
0xd: {  	s9 =	sadd.s32 $0x13200, s10;
	s10 =	sadd.s32 $0x9400, s10;
	s7 =	sadd.s32 $0x1D000, s8  }
0xe: {  	s8 =	smax.u32 s11, $0x1;
	s11 =	sshrl.u32 s12, $0x3;
	s12 =	simm.s32 $0x2  }
.LBB2_1:
0xf: {  	[spmem:s11], [sflag:s6] =	dma.local [hbm:s5], $0x2780  }
0x10: {  	_ =	swait.ge [sflag:s12], $0x2780  }
0x11: {  	[sflag:s12] =	ssyncset.done $0x0  }
0x12: {  	[sflag:s12] =	ssyncadd.s32 $0xFFFFD880  }
0x13: {  	s17 =	sadd.s32 $0x0, s10;
	[bflag:$0x0] =	sbarrier.arrive $0xFFFF  }
0x14: {  	[tilespmem:s3], [sflag:$0x2] =	stream.linear.gather [hbm4b:s17+s3], $0x80, $0x38;
	[tilespmem:$0x17D00] =	vst v63  }
0x15: {  	_ =	swait.ge [sflag:s12], $0x80  }
0x16: {  	[sflag:s12] =	ssyncset.done $0x0  }
0x17: {  	s31 =	sadd.s32 $0x0, s9;
	[sflag:s12] =	ssyncadd.s32 $0xFFFFFF80  }
0x18: {  	[tilespmem:s13], [sflag:$0x2] =	stream.linear.gather [hbm4b:s31+s3], $0x80, $0x38;
	[tilespmem:$0x17D00] =	vst v63  }
0x19: {  	_ =	swait.ge [sflag:s12], $0x80  }
0x1a: {  	[sflag:s12] =	ssyncset.done $0x0  }
0x1b: {  	[sflag:s12] =	ssyncadd.s32 $0xFFFFFF80  }
0x1c: {  	[tilespmem:s14], [sflag:$0x1] =	stream.indirect.gather [hbm4b:s4+s13], $0x80, s3, s13, $0xb8;
	[tilespmem:$0x17D00] =	vst v63  }
0x1d: {  	_ =	swait.ge [sflag:s15], $0x4000  }
0x1e: {  	[sflag:s15] =	ssyncset.done $0x0  }
0x1f: {  	[sflag:s15] =	ssyncadd.s32 $0xFFFFC000  }
0x20: {  	[spmem:s2] =	stream.indirect.scatter.add.f32 [tilespmem:s14], [sflag:$0x2], $0x80, s13, s13, $0xb8;
	[tilespmem:$0x17D00] =	vst v63  }
0x21: {  	_ =	swait.ge [sflag:s12], $0x4000  }
0x22: {  	s18 =	simm.s32 $0x20;
	s17 =	simm.s32 $0x10;
	[sflag:s12] =	ssyncset.done $0x0  }
.LBB2_2:
0x23: {  	s19 =	sadd.s32 s17, s10  }
0x24: {  	[sflag:s12] =	ssyncadd.s32 $0xFFFFC000;
	s20 =	smov.u32 s18;
	s21 =	sadd.s32 $0x10, s18  }
0x25: {  	[tilespmem:s3], [sflag:$0x2] =	stream.linear.gather [hbm4b:s19+s3], $0x80, $0x38;
	[tilespmem:$0x17D00] =	vst v63  }
0x26: {  	p0 =	sne.s32 s18, $0x4E0;
	_ =	swait.ge [sflag:s12], $0x80  }
0x27: {  	[sflag:s12] =	ssyncset.done $0x0  }
0x28: {  	s18 =	sadd.s32 s17, s9;
	s17 =	smov.u32 s20;
	[sflag:s12] =	ssyncadd.s32 $0xFFFFFF80  }
0x29: {  	[tilespmem:s13], [sflag:$0x2] =	stream.linear.gather [hbm4b:s18+s3], $0x80, $0x38;
	[tilespmem:$0x17D00] =	vst v63  }
0x2a: {  	_ =	swait.ge [sflag:s12], $0x80  }
0x2b: {  	[sflag:s12] =	ssyncset.done $0x0  }
0x2c: {  	[sflag:s12] =	ssyncadd.s32 $0xFFFFFF80  }
0x2d: {  	[tilespmem:s14], [sflag:$0x1] =	stream.indirect.gather [hbm4b:s4+s13], $0x80, s3, s13, $0xb8;
	[tilespmem:$0x17D00] =	vst v63  }
0x2e: {  	_ =	swait.ge [sflag:s15], $0x4000  }
.Ltmp0:
0x2f: {  	[sflag:s15] =	ssyncset.done $0x0;
	(pc) =	sbr.rel @p0 .LBB2_2-.Ltmp0, $4  }
0x30: {  	[sflag:s15] =	ssyncadd.s32 $0xFFFFC000  }
0x31: {  	[spmem:s2] =	stream.indirect.scatter.add.f32 [tilespmem:s14], [sflag:$0x2], $0x80, s13, s13, $0xb8;
	[tilespmem:$0x17D00] =	vst v63  }
0x32: {  	_ =	swait.ge [sflag:s12], $0x4000  }
0x33: {  	s18 =	smov.u32 s21;
	[sflag:s12] =	ssyncset.done $0x0  }
0x34: {  	s18 =	sadd.s32 s17, s10;
	[sflag:s12] =	ssyncadd.s32 $0xFFFFC000  }
0x35: {  	[tilespmem:s3], [sflag:$0x2] =	stream.linear.gather [hbm4b:s18+s3], $0x80, $0x38;
	[tilespmem:$0x17D00] =	vst v63  }
0x36: {  	_ =	swait.ge [sflag:s12], $0x80  }
0x37: {  	[sflag:s12] =	ssyncset.done $0x0  }
0x38: {  	s31 =	sadd.s32 s17, s9;
	[sflag:s12] =	ssyncadd.s32 $0xFFFFFF80  }
0x39: {  	[tilespmem:s13], [sflag:$0x2] =	stream.linear.gather [hbm4b:s31+s3], $0x80, $0x38;
	[tilespmem:$0x17D00] =	vst v63  }
0x3a: {  	_ =	swait.ge [sflag:s12], $0x80  }
0x3b: {  	[sflag:s12] =	ssyncset.done $0x0  }
0x3c: {  	[sflag:s12] =	ssyncadd.s32 $0xFFFFFF80  }
0x3d: {  	[tilespmem:s14], [sflag:$0x1] =	stream.indirect.gather [hbm4b:s4+s13], $0x80, s3, s13, $0xb8;
	[tilespmem:$0x17D00] =	vst v63  }
0x3e: {  	_ =	swait.ge [sflag:s15], $0x4000  }
0x3f: {  	[sflag:s15] =	ssyncset.done $0x0  }
0x40: {  	[sflag:s15] =	ssyncadd.s32 $0xFFFFC000  }
0x41: {  	[spmem:s2] =	stream.indirect.scatter.add.f32 [tilespmem:s14], [sflag:$0x2], $0x80, s13, s13, $0xb8;
	[tilespmem:$0x17D00] =	vst v63  }
0x42: {  	_ =	swait.ge [sflag:s12], $0x4000  }
0x43: {  	s16 =	sadd.s32 $0x1, s16;
	[sflag:s12] =	ssyncset.done $0x0  }
0x44: {  	p0 =	sne.s32 s16, s8;
	[sflag:s12] =	ssyncadd.s32 $0xFFFFC000  }
.Ltmp1:
0x45: {  	[bflag:$0x0] =	sbarrier.arrive $0xFFFF;
	(pc) =	sbr.rel @p0 .LBB2_1-.Ltmp1, $4  }
0x46: {  	[hbm:s7], [sflag:s6] =	dma.local [spmem:s11], $0x2780  }
0x47: {  	_ =	swait.ge [sflag:s12], $0x2780  }
0x48: {  	[sflag:s12] =	ssyncset.done $0x0  }
0x49: {  	[sflag:s12] =	ssyncadd.s32 $0xFFFFD880  }
0x4a: {  	_ =	sfence.sel $0x180000  }
0x4b: {  	[bflag:$0x0] =	sbarrier.arrive $0xFFFF  }
0x4c: {  	p0 =	sne.s32 s1, $0x0;
	_ =	strace $0x90000065  }
0x4d: {  	s0 =	sadd.s32 @!p0 $0x100000, s0;
	[bflag:$0x2] =	sbarrier.arrive $0xFFFF  }
0x4e: {  	[sflag:s0] =	ssyncadd.tile.s32 @!p0 $0x1;
	_ =	shalt  }
.Lfunc_end2:
_tile_overlayer_lowered:
.L_overlay_start_2:
0x4f: {  	(tag) =	ssettag $0x2  }
0x50: {  	s0 =	rddreg [dreg:$0x0];
	s2 =	stileid.u32  }
0x51: {  	s1 =	rddreg [dreg:$0x1];
	p0 =	sne.s32 s2, $0x0  }
0x52: {  	s3 =	rddreg [dreg:$0x2];
	[bflag:$0x3] =	sbarrier.arrive $0xFFFF;
	s2 =	simm.s32 @!p0 $0x1C02  }
0x53: {  	[timem:s3], [sflag:s2] =	dma.local @!p0 [hbm:s0], s1  }
0x54: {  	s0 =	simm.s32 @!p0 $0x2  }
0x55: {  	_ =	swait.ge @!p0 [sflag:s0], s1  }
0x56: {  	s1 =	ssub.s32 @!p0 $0x0, s1;
	[sflag:s0] =	ssyncset.done @!p0 $0x0  }
0x57: {  	[sflag:s0] =	ssyncadd.s32 @!p0 s1  }
0x58: {  	[bflag:$0x3] =	sbarrier.arrive $0xFFFF  }
0x59: {  	_ =	shalt  }

// kernel: kernel.68.cloned.1.call-start
scs
__scs_entry_jumppad:
0x0: {  	(pc) =	sbr.rel $0x88, $3  }
0x1: {  	(tag) =	ssettag $0x0;
	lr =	simm.s32 $0x1  }
0x2: {  	[smem:$0x3F93] =	sst lr;
	_ =	strace $0xD0000000  }
0x3: {  	_ = 	snop  }
0x4: {  	_ = 	snop  }
0x5: {  	_ = 	snop  }
0x6: {  	_ = 	snop  }
0x7: {  	_ = 	snop  }
__scs_overlays_trampoline_lowered:
0x8: {  	[smem:$0x3FA2] =	sst s0  }
0x9: {  	[smem:$0x3FA3] =	sst s1  }
0xa: {  	[smem:$0x3FA4] =	sst s2  }
0xb: {  	[smem:$0x3FA5] =	sst s3  }
0xc: {  	[smem:$0x3FA6] =	sst s4  }
0xd: {  	[smem:$0x3FA7] =	sst s5  }
0xe: {  	[smem:$0x3FA8] =	sst s6  }
0xf: {  	[smem:$0x3FA9] =	sst s7  }
0x10: {  	[smem:$0x3FAA] =	sst s8  }
0x11: {  	[smem:$0x3FAB] =	sst s9;
	s0 =	simm.s32 @!p0 $0x0  }
0x12: {  	s1 =	sld [smem:$0x3F91];
	s0 =	simm.s32 @p0 $0x1  }
0x13: {  	[smem:$0x3FAC] =	sst s0;
	s0 =	simm.s32 @!p1 $0x0  }
0x14: {  	s2 =	sld [smem:$0x3F90];
	s0 =	simm.s32 @p1 $0x1  }
0x15: {  	[smem:$0x3FAD] =	sst s0;
	s0 =	simm.s32 @!p2 $0x0  }
0x16: {  	s3 =	sld [smem:$0x3FDB];
	s0 =	simm.s32 @p2 $0x1  }
0x17: {  	s4 =	simm.s32 $0x1BF5;
	[smem:$0x3FAF] =	sst s0  }
0x18: {  	s0 =	sld [smem:$0x3F92];
	_ =	swait.ge [sflag:s4], $0x0  }
0x19: {  	s7 =	sld [smem:$0x3F93]  }
0x1a: {  	s8 =	sadd.s32 $0xFFFFE003, lr  }
0x1b: {  	s9 =	sadd.s32 $0xFFFFFEF7, lr;
	s5 =	simm.s32 $0xFFFFFFFF;
	p2 =	slt.u32 s8, $0xFFFFF086  }
0x1c: {  	p1 =	slt.u32 s9, $0xF7A;
	s5 =	simm.s32 @!p2 $0x0  }
0x1d: {  	s5 =	simm.s32 @p1 $0x1;
	p0 =	seq.s32 s7, s2  }
0x1e: {  	s7 =	smul.u32 @!p0 $0xF7A, s2;
	p2 =	seq.s32 @!p0 s5, $0x0  }
0x1f: {  	s9 =	smul.u32 $0xF7A, s1;
	s8 =	simm.s32 @!p0 $0x1BF5;
	p2 =	por !p2, p0  }
0x20: {  	[sflag:s8] =	ssyncset.s32 @!p0 $0xFFFFF086;
	s6 =	sadd.s32 @!p0 s3, s7;
	s7 =	simm.s32 @!p0 $0x108  }
0x21: {  	s3 =	sadd.s32 s3, s9;
	s6 =	sadd.s32 @!p0 $0x88, s6;
	s7 =	simm.s32 @p2 $0x1082  }
0x22: {  	[simem:s7], [sflag:s8] =	dma.local @!p0 [hbm:s6], $0xF7A  }
0x23: {  	s9 =	sor.u32 $0xD0000000, s2;
	s6 =	simm.s32 $0x108;
	_ =	swait.ge @!p0 [sflag:s8], $0x0  }
0x24: {  	s3 =	sadd.s32 $0x88, s3;
	s6 =	simm.s32 @!p1 $0x1082;
	[sflag:s4] =	ssyncset.s32 $0xFFFFF086  }
0x25: {  	[simem:s6], [sflag:s4] =	dma.local [hbm:s3], $0xF7A  }
0x26: {  	[smem:$0x3F93] =	sst s1;
	(tag) =	ssettag s2;
	_ =	strace s9  }
0x27: {  	s1 =	sld [smem:$0x3FA3]  }
0x28: {  	s2 =	sld [smem:$0x3FA4]  }
0x29: {  	s4 =	sld [smem:$0x3FA6]  }
0x2a: {  	p0 =	seq.s32 s5, $0x0;
	s5 =	sld [smem:$0x3FA7]  }
0x2b: {  	s6 =	sld [smem:$0x3FA8]  }
0x2c: {  	s7 =	sld [smem:$0x3FA9]  }
0x2d: {  	s3 =	simm.s32 $0x108;
	s8 =	sld [smem:$0x3FAA]  }
0x2e: {  	s3 =	simm.s32 @!p0 $0x1082;
	s9 =	sld [smem:$0x3FAB]  }
0x2f: {  	lr =	sadd.s32 s0, s3;
	s0 =	sld [smem:$0x3FA2]  }
0x30: {  	s3 =	sld [smem:$0x3FA5]  }
0x31: {  	[smem:$0x3FAE] =	sst s10  }
0x32: {  	s10 =	sld [smem:$0x3FAC];
	_ =	sdelay $0x3  }
0x33: {  	p0 =	seq.s32 s10, $0x1;
	s10 =	sld [smem:$0x3FAE];
	_ =	sdelay $0x3  }
0x34: {  	[smem:$0x3FAE] =	sst s10  }
0x35: {  	s10 =	sld [smem:$0x3FAD];
	_ =	sdelay $0x3  }
0x36: {  	p1 =	seq.s32 s10, $0x1;
	s10 =	sld [smem:$0x3FAE];
	_ =	sdelay $0x3  }
0x37: {  	[smem:$0x3FAE] =	sst s10  }
0x38: {  	s10 =	sld [smem:$0x3FAF]  }
0x39: {  	_ = 	snop;
	(pc) =	sbr.ind lr, $3  }
0x3a: {  	_ = 	snop  }
0x3b: {  	_ = 	snop  }
0x3c: {  	p2 =	seq.s32 s10, $0x1;
	s10 =	sld [smem:$0x3FAE]  }
0x3d: {  	_ =	shalt  }
0x3e: {  	_ =	shalt  }
0x3f: {  	_ =	shalt  }
0x40: {  	_ =	shalt  }
0x41: {  	_ =	shalt  }
0x42: {  	_ =	shalt  }
0x43: {  	_ =	shalt  }
0x44: {  	_ =	shalt  }
0x45: {  	_ =	shalt  }
0x46: {  	_ =	shalt  }
0x47: {  	_ =	shalt  }
0x48: {  	_ =	shalt  }
0x49: {  	_ =	shalt  }
0x4a: {  	_ =	shalt  }
0x4b: {  	_ =	shalt  }
0x4c: {  	_ =	shalt  }
0x4d: {  	_ =	shalt  }
0x4e: {  	_ =	shalt  }
0x4f: {  	_ =	shalt  }
0x50: {  	_ =	shalt  }
0x51: {  	_ =	shalt  }
0x52: {  	_ =	shalt  }
0x53: {  	_ =	shalt  }
0x54: {  	_ =	shalt  }
0x55: {  	_ =	shalt  }
0x56: {  	_ =	shalt  }
0x57: {  	_ =	shalt  }
0x58: {  	_ =	shalt  }
0x59: {  	_ =	shalt  }
0x5a: {  	_ =	shalt  }
0x5b: {  	_ =	shalt  }
0x5c: {  	_ =	shalt  }
0x5d: {  	_ =	shalt  }
0x5e: {  	_ =	shalt  }
0x5f: {  	_ =	shalt  }
0x60: {  	_ =	shalt  }
0x61: {  	_ =	shalt  }
0x62: {  	_ =	shalt  }
0x63: {  	_ =	shalt  }
0x64: {  	_ =	shalt  }
0x65: {  	_ =	shalt  }
0x66: {  	_ =	shalt  }
0x67: {  	_ =	shalt  }
0x68: {  	_ =	shalt  }
0x69: {  	_ =	shalt  }
0x6a: {  	_ =	shalt  }
0x6b: {  	_ =	shalt  }
0x6c: {  	_ =	shalt  }
0x6d: {  	_ =	shalt  }
0x6e: {  	_ =	shalt  }
0x6f: {  	_ =	shalt  }
0x70: {  	_ =	shalt  }
0x71: {  	_ =	shalt  }
0x72: {  	_ =	shalt  }
0x73: {  	_ =	shalt  }
0x74: {  	_ =	shalt  }
0x75: {  	_ =	shalt  }
0x76: {  	_ =	shalt  }
0x77: {  	_ =	shalt  }
0x78: {  	_ =	shalt  }
0x79: {  	_ =	shalt  }
0x7a: {  	_ =	shalt  }
0x7b: {  	_ =	shalt  }
0x7c: {  	_ =	shalt  }
0x7d: {  	_ =	shalt  }
0x7e: {  	_ =	shalt  }
0x7f: {  	_ =	shalt  }
0x80: {  	_ =	shalt  }
0x81: {  	_ =	shalt  }
0x82: {  	_ =	shalt  }
0x83: {  	_ =	shalt  }
0x84: {  	_ =	shalt  }
0x85: {  	_ =	shalt  }
0x86: {  	_ =	shalt  }
0x87: {  	_ =	shalt  }
.Lfunc_end0:
.L_simem_size_0:
called_computation.11_lowered:
.L_overlay_start_0:
0x88: {  	s2 =	sld [smem:$0x3FD9]  }
0x89: {  	s3 =	sld [smem:$0x3FFE];
	_ =	sdelay $0x1  }
0x8a: {  	s1 =	srdreg.scid  }
0x8b: {  	s0 =	sand.u32 $0x1, s1  }
0x8c: {  	s16 =	sshll.u32 s0, $0xA;
	s2 =	sadd.s32 s3, s2  }
0x8d: {  	s2 =	sadd.s32 s2, s16  }
0x8e: {  	[smem:$0x3FBA] =	sst s2  }
0x8f: {  	_ = 	snop  }
0x90: {  	(tm) =	ssettm $0x1  }
0x91: {  	s17 =	sld [smem:$0x3FFB];
	_ =	sdelay $0x3  }
0x92: {  	_ =	strace s17  }
0x93: {  	s2 =	sld [smem:$0x3FFC];
	_ =	sdelay $0x3  }
0x94: {  	_ =	strace s2  }
0x95: {  	s2 =	sld [smem:$0x3FFD];
	_ =	sdelay $0x3  }
0x96: {  	_ =	strace s2  }
0x97: {  	_ =	strace $0x8FFFFFFF  }
0x98: {  	s18 =	sld [smem:$0x3FDB];
	_ =	sdelay $0x1  }
0x99: {  	s19 =	simm.s32 $_scs_section_size  }
0x9a: {  	s4 =	simm.s32 $_size__tile_overlayer_lowered;
	s5 =	simm.s32 $_tile_overlayer_lowered  }
0x9b: {  	s22 =	simm.s32 $0x1BFF;
	s21 =	sshll.u32 s5, $0x1;
	s2 =	sadd.s32 s19, s18  }
0x9c: {  	s6 =	simm.s32 $0x0;
	s20 =	sshll.u32 s4, $0x1;
	s4 =	sadd.s32 s21, s2  }
0x9d: {  	[timem:s6], [sflag:s22] =	dma.local [hbm:s4], s20  }
0x9e: {  	_ =	swait.ge [sflag:s22], s20  }
0x9f: {  	s3 =	ssub.s32 $0x0, s20;
	[sflag:s22] =	ssyncset.done $0x0  }
0xa0: {  	[sflag:s22] =	ssyncadd.s32 s3;
	_ =	sdelay $0x1  }
0xa1: {  	s23 =	simm.s32 $0x1B8B  }
0xa2: {  	_ =	swait.ge [sflag:s23], $0x1  }
0xa3: {  	[sflag:s23] =	ssyncset.done $0x0  }
0xa4: {  	s25 =	simm.s32 $0x1B8E;
	s24 =	sld [smem:$0x3FFE];
	[sflag:s23] =	ssyncadd.s32 $0xFFFFFFFF  }
0xa5: {  	s26 =	simm.s32 $execute0_lowered;
	[smem:$0x3FD2] =	sst s25  }
0xa6: {  	s4 =	sshll.u32 s26, $0x1;
	_ =	strace $0x80000067;
	[dreg:$0x1] =	wrdreg $0xFFFFFFFF  }
0xa7: {  	s28 =	simm.s32 $_size_execute0_lowered;
	s2 =	sadd.s32 s2, s4;
	[dreg:$0x0] =	wrdreg $0x0  }
0xa8: {  	s4 =	sshll.u32 s28, $0x1;
	[dreg:$0x2] =	wrdreg s2  }
0xa9: {  	[dreg:$0x3] =	wrdreg s4  }
0xaa: {  	[dreg:$0x4] =	wrdreg $0xC0  }
0xab: {  	_ =	task [dreg:s6], $0x5FFFF  }
0xac: {  	[dreg:$0x1] =	wrdreg $0xFFFFFFFF  }
0xad: {  	[dreg:$0x0] =	wrdreg $0x60  }
0xae: {  	[dreg:$0x2] =	wrdreg s24  }
0xaf: {  	[dreg:$0x3] =	wrdreg $0x41000  }
0xb0: {  	[dreg:$0x4] =	wrdreg $0x9  }
0xb1: {  	_ =	task.clear_ibuf [dreg:s6], $0x5FFFF;
	_ =	strace $0x90000067  }
0xb2: {  	s29 =	simm.s32 $0x9;
	_ =	strace $0x80000069  }
0xb3: {  	_ =	swait.ge [sflag:s29], $0x1  }
0xb4: {  	[sflag:s29] =	ssyncadd.s32 $0xFFFFFFFF  }
0xb5: {  	_ =	strace $0x90000069  }
0xb6: {  	_ =	sfence  }
0xb7: {  	s30 =	sld [smem:$0x0];
	_ =	sdelay $0x2  }
0xb8: {  	s31 =	sshll.u32 s1, $0xD;
	s1 =	sshrl.u32 s1, $0x2  }
0xb9: {  	s3 =	sand.u32 $0x4000, s31;
	s1 =	sadd.s32 s1, s30  }
0xba: {  	s0 =	sor.u32 s3, s0;
	s1 =	sshll.u32 s1, $0x11  }
0xbb: {  	s0 =	sor.u32 s1, s0  }
0xbc: {  	s0 =	sadd.s32 $0x8F2B, s0  }
0xbd: {  	[sflag:s0] =	ssyncadd.remote.s32 $0x1  }
0xbe: {  	_ =	sfence.sel $0xFFFF  }
0xbf: {  	[dreg:$0x0] =	wrdreg $0xFFFFFFFF;
	(pc) =	sbr.abs _section_cstart, $3  }
0xc0: {  	[dreg:$0x1] =	wrdreg $0xFFFFFFFF  }
0xc1: {  	_ =	task.clear_ibuf [dreg:s6], $0x2FFFF;
	_ =	strace $0x9FFFFFFF  }
0xc2: {  	(tm) =	ssettm $0x7FFFFFFF  }
0xc3: {  	_ =	shalt  }
tec
execute0_lowered:
.L_overlay_start_1:
0x0: {  	(tag) =	ssettag $0x1  }
0x1: {  	s5 =	rddreg [dreg:$0x0];
	s0 =	srdreg.scid  }
0x2: {  	s2 =	rddreg [dreg:$0x1];
	s1 =	stileid.u32  }
0x3: {  	s3 =	simm.s32 $0x0;
	s13 =	simm.s32 $0x80;
	s8 =	smul.u32 $0x13C00, s1  }
0x4: {  	s14 =	simm.s32 $0x100;
	s15 =	simm.s32 $0x1;
	s26 =	smul.u32 $0x4F000, s1  }
0x5: {  	s6 =	sand.u32 $0x1, s0;
	s0 =	rddreg [dreg:$0x2];
	s30 =	smul.u32 $0x4F0, s1  }
0x6: {  	s16 =	simm.s32 $0x0;
	[smem:$0x7FF] =	sst s3;
	s7 =	smul.u32 $0x4F00, s6  }
0x7: {  	s4 =	sadd.s32 $0x1D000, s5;
	s31 =	sshll.u32 s1, $0x6;
	s9 =	smul.u32 $0x13C000, s6  }
0x8: {  	_ =	strace $0x80000068;
	s6 =	ssub.s32 $0x2, s6;
	s25 =	sshrl.u32 s8, $0x3  }
0x9: {  	s28 =	sshrl.u32 s6, $0x1;
	s29 =	sshrl.u32 s26, $0x2;
	s10 =	sadd.s32 s7, s5  }
0xa: {  	s8 =	sadd.s32 s8, s9;
	s7 =	sadd.s32 s25, s5;
	s11 =	ssub.s32 s6, s28  }
0xb: {  	s12 =	sadd.s32 s29, s2;
	s6 =	sor.u32 $0x1C02, s31;
	s8 =	sshrl.u32 s8, $0x3  }
0xc: {  	s10 =	sadd.s32 s30, s10;
	s8 =	sadd.s32 s8, s5;
	s5 =	sadd.s32 $0xB9600, s7  }
0xd: {  	s9 =	sadd.s32 $0x13200, s10;
	s10 =	sadd.s32 $0x9400, s10;
	s7 =	sadd.s32 $0x44200, s8  }
0xe: {  	s8 =	smax.u32 s11, $0x1;
	s11 =	sshrl.u32 s12, $0x3;
	s12 =	simm.s32 $0x2  }
.LBB2_1:
0xf: {  	[spmem:s11], [sflag:s6] =	dma.local [hbm:s5], $0x2780  }
0x10: {  	_ =	swait.ge [sflag:s12], $0x2780  }
0x11: {  	[sflag:s12] =	ssyncset.done $0x0  }
0x12: {  	[sflag:s12] =	ssyncadd.s32 $0xFFFFD880  }
0x13: {  	s17 =	sadd.s32 $0x0, s10;
	[bflag:$0x0] =	sbarrier.arrive $0xFFFF  }
0x14: {  	[tilespmem:s3], [sflag:$0x2] =	stream.linear.gather [hbm4b:s17+s3], $0x80, $0x38;
	[tilespmem:$0x17D00] =	vst v63  }
0x15: {  	_ =	swait.ge [sflag:s12], $0x80  }
0x16: {  	[sflag:s12] =	ssyncset.done $0x0  }
0x17: {  	s31 =	sadd.s32 $0x0, s9;
	[sflag:s12] =	ssyncadd.s32 $0xFFFFFF80  }
0x18: {  	[tilespmem:s13], [sflag:$0x2] =	stream.linear.gather [hbm4b:s31+s3], $0x80, $0x38;
	[tilespmem:$0x17D00] =	vst v63  }
0x19: {  	_ =	swait.ge [sflag:s12], $0x80  }
0x1a: {  	[sflag:s12] =	ssyncset.done $0x0  }
0x1b: {  	[sflag:s12] =	ssyncadd.s32 $0xFFFFFF80  }
0x1c: {  	[tilespmem:s14], [sflag:$0x1] =	stream.indirect.gather [hbm4b:s4+s13], $0x80, s3, s13, $0xb8;
	[tilespmem:$0x17D00] =	vst v63  }
0x1d: {  	_ =	swait.ge [sflag:s15], $0x4000  }
0x1e: {  	[sflag:s15] =	ssyncset.done $0x0  }
0x1f: {  	[sflag:s15] =	ssyncadd.s32 $0xFFFFC000  }
0x20: {  	[spmem:s2] =	stream.indirect.scatter.add.f32 [tilespmem:s14], [sflag:$0x2], $0x80, s13, s13, $0xb8;
	[tilespmem:$0x17D00] =	vst v63  }
0x21: {  	_ =	swait.ge [sflag:s12], $0x4000  }
0x22: {  	s18 =	simm.s32 $0x20;
	s17 =	simm.s32 $0x10;
	[sflag:s12] =	ssyncset.done $0x0  }
.LBB2_2:
0x23: {  	s19 =	sadd.s32 s17, s10  }
0x24: {  	[sflag:s12] =	ssyncadd.s32 $0xFFFFC000;
	s20 =	smov.u32 s18;
	s21 =	sadd.s32 $0x10, s18  }
0x25: {  	[tilespmem:s3], [sflag:$0x2] =	stream.linear.gather [hbm4b:s19+s3], $0x80, $0x38;
	[tilespmem:$0x17D00] =	vst v63  }
0x26: {  	p0 =	sne.s32 s18, $0x4E0;
	_ =	swait.ge [sflag:s12], $0x80  }
0x27: {  	[sflag:s12] =	ssyncset.done $0x0  }
0x28: {  	s18 =	sadd.s32 s17, s9;
	s17 =	smov.u32 s20;
	[sflag:s12] =	ssyncadd.s32 $0xFFFFFF80  }
0x29: {  	[tilespmem:s13], [sflag:$0x2] =	stream.linear.gather [hbm4b:s18+s3], $0x80, $0x38;
	[tilespmem:$0x17D00] =	vst v63  }
0x2a: {  	_ =	swait.ge [sflag:s12], $0x80  }
0x2b: {  	[sflag:s12] =	ssyncset.done $0x0  }
0x2c: {  	[sflag:s12] =	ssyncadd.s32 $0xFFFFFF80  }
0x2d: {  	[tilespmem:s14], [sflag:$0x1] =	stream.indirect.gather [hbm4b:s4+s13], $0x80, s3, s13, $0xb8;
	[tilespmem:$0x17D00] =	vst v63  }
0x2e: {  	_ =	swait.ge [sflag:s15], $0x4000  }
.Ltmp0:
0x2f: {  	[sflag:s15] =	ssyncset.done $0x0;
	(pc) =	sbr.rel @p0 .LBB2_2-.Ltmp0, $4  }
0x30: {  	[sflag:s15] =	ssyncadd.s32 $0xFFFFC000  }
0x31: {  	[spmem:s2] =	stream.indirect.scatter.add.f32 [tilespmem:s14], [sflag:$0x2], $0x80, s13, s13, $0xb8;
	[tilespmem:$0x17D00] =	vst v63  }
0x32: {  	_ =	swait.ge [sflag:s12], $0x4000  }
0x33: {  	s18 =	smov.u32 s21;
	[sflag:s12] =	ssyncset.done $0x0  }
0x34: {  	s18 =	sadd.s32 s17, s10;
	[sflag:s12] =	ssyncadd.s32 $0xFFFFC000  }
0x35: {  	[tilespmem:s3], [sflag:$0x2] =	stream.linear.gather [hbm4b:s18+s3], $0x80, $0x38;
	[tilespmem:$0x17D00] =	vst v63  }
0x36: {  	_ =	swait.ge [sflag:s12], $0x80  }
0x37: {  	[sflag:s12] =	ssyncset.done $0x0  }
0x38: {  	s31 =	sadd.s32 s17, s9;
	[sflag:s12] =	ssyncadd.s32 $0xFFFFFF80  }
0x39: {  	[tilespmem:s13], [sflag:$0x2] =	stream.linear.gather [hbm4b:s31+s3], $0x80, $0x38;
	[tilespmem:$0x17D00] =	vst v63  }
0x3a: {  	_ =	swait.ge [sflag:s12], $0x80  }
0x3b: {  	[sflag:s12] =	ssyncset.done $0x0  }
0x3c: {  	[sflag:s12] =	ssyncadd.s32 $0xFFFFFF80  }
0x3d: {  	[tilespmem:s14], [sflag:$0x1] =	stream.indirect.gather [hbm4b:s4+s13], $0x80, s3, s13, $0xb8;
	[tilespmem:$0x17D00] =	vst v63  }
0x3e: {  	_ =	swait.ge [sflag:s15], $0x4000  }
0x3f: {  	[sflag:s15] =	ssyncset.done $0x0  }
0x40: {  	[sflag:s15] =	ssyncadd.s32 $0xFFFFC000  }
0x41: {  	[spmem:s2] =	stream.indirect.scatter.add.f32 [tilespmem:s14], [sflag:$0x2], $0x80, s13, s13, $0xb8;
	[tilespmem:$0x17D00] =	vst v63  }
0x42: {  	_ =	swait.ge [sflag:s12], $0x4000  }
0x43: {  	s16 =	sadd.s32 $0x1, s16;
	[sflag:s12] =	ssyncset.done $0x0  }
0x44: {  	p0 =	sne.s32 s16, s8;
	[sflag:s12] =	ssyncadd.s32 $0xFFFFC000  }
.Ltmp1:
0x45: {  	[bflag:$0x0] =	sbarrier.arrive $0xFFFF;
	(pc) =	sbr.rel @p0 .LBB2_1-.Ltmp1, $4  }
0x46: {  	[hbm:s7], [sflag:s6] =	dma.local [spmem:s11], $0x2780  }
0x47: {  	_ =	swait.ge [sflag:s12], $0x2780  }
0x48: {  	[sflag:s12] =	ssyncset.done $0x0  }
0x49: {  	[sflag:s12] =	ssyncadd.s32 $0xFFFFD880  }
0x4a: {  	_ =	sfence.sel $0x180000  }
0x4b: {  	[bflag:$0x0] =	sbarrier.arrive $0xFFFF  }
0x4c: {  	p0 =	sne.s32 s1, $0x0;
	_ =	strace $0x90000068  }
0x4d: {  	s0 =	sadd.s32 @!p0 $0x100000, s0;
	[bflag:$0x2] =	sbarrier.arrive $0xFFFF  }
0x4e: {  	[sflag:s0] =	ssyncadd.tile.s32 @!p0 $0x1;
	_ =	shalt  }
.Lfunc_end2:
_tile_overlayer_lowered:
.L_overlay_start_2:
0x4f: {  	(tag) =	ssettag $0x2  }
0x50: {  	s0 =	rddreg [dreg:$0x0];
	s2 =	stileid.u32  }
0x51: {  	s1 =	rddreg [dreg:$0x1];
	p0 =	sne.s32 s2, $0x0  }
0x52: {  	s3 =	rddreg [dreg:$0x2];
	[bflag:$0x3] =	sbarrier.arrive $0xFFFF;
	s2 =	simm.s32 @!p0 $0x1C02  }
0x53: {  	[timem:s3], [sflag:s2] =	dma.local @!p0 [hbm:s0], s1  }
0x54: {  	s0 =	simm.s32 @!p0 $0x2  }
0x55: {  	_ =	swait.ge @!p0 [sflag:s0], s1  }
0x56: {  	s1 =	ssub.s32 @!p0 $0x0, s1;
	[sflag:s0] =	ssyncset.done @!p0 $0x0  }
0x57: {  	[sflag:s0] =	ssyncadd.s32 @!p0 s1  }
0x58: {  	[bflag:$0x3] =	sbarrier.arrive $0xFFFF  }
0x59: {  	_ =	shalt  }

// kernel: kernel.71.cloned.1.call-start
scs
__scs_entry_jumppad:
0x0: {  	(pc) =	sbr.rel $0x88, $3  }
0x1: {  	(tag) =	ssettag $0x0;
	lr =	simm.s32 $0x1  }
0x2: {  	[smem:$0x3F93] =	sst lr;
	_ =	strace $0xD0000000  }
0x3: {  	_ = 	snop  }
0x4: {  	_ = 	snop  }
0x5: {  	_ = 	snop  }
0x6: {  	_ = 	snop  }
0x7: {  	_ = 	snop  }
__scs_overlays_trampoline_lowered:
0x8: {  	[smem:$0x3FA2] =	sst s0  }
0x9: {  	[smem:$0x3FA3] =	sst s1  }
0xa: {  	[smem:$0x3FA4] =	sst s2  }
0xb: {  	[smem:$0x3FA5] =	sst s3  }
0xc: {  	[smem:$0x3FA6] =	sst s4  }
0xd: {  	[smem:$0x3FA7] =	sst s5  }
0xe: {  	[smem:$0x3FA8] =	sst s6  }
0xf: {  	[smem:$0x3FA9] =	sst s7  }
0x10: {  	[smem:$0x3FAA] =	sst s8  }
0x11: {  	[smem:$0x3FAB] =	sst s9;
	s0 =	simm.s32 @!p0 $0x0  }
0x12: {  	s1 =	sld [smem:$0x3F91];
	s0 =	simm.s32 @p0 $0x1  }
0x13: {  	[smem:$0x3FAC] =	sst s0;
	s0 =	simm.s32 @!p1 $0x0  }
0x14: {  	s2 =	sld [smem:$0x3F90];
	s0 =	simm.s32 @p1 $0x1  }
0x15: {  	[smem:$0x3FAD] =	sst s0;
	s0 =	simm.s32 @!p2 $0x0  }
0x16: {  	s3 =	sld [smem:$0x3FDB];
	s0 =	simm.s32 @p2 $0x1  }
0x17: {  	s4 =	simm.s32 $0x1BF5;
	[smem:$0x3FAF] =	sst s0  }
0x18: {  	s0 =	sld [smem:$0x3F92];
	_ =	swait.ge [sflag:s4], $0x0  }
0x19: {  	s7 =	sld [smem:$0x3F93]  }
0x1a: {  	s8 =	sadd.s32 $0xFFFFE003, lr  }
0x1b: {  	s9 =	sadd.s32 $0xFFFFFEF7, lr;
	s5 =	simm.s32 $0xFFFFFFFF;
	p2 =	slt.u32 s8, $0xFFFFF086  }
0x1c: {  	p1 =	slt.u32 s9, $0xF7A;
	s5 =	simm.s32 @!p2 $0x0  }
0x1d: {  	s5 =	simm.s32 @p1 $0x1;
	p0 =	seq.s32 s7, s2  }
0x1e: {  	s7 =	smul.u32 @!p0 $0xF7A, s2;
	p2 =	seq.s32 @!p0 s5, $0x0  }
0x1f: {  	s9 =	smul.u32 $0xF7A, s1;
	s8 =	simm.s32 @!p0 $0x1BF5;
	p2 =	por !p2, p0  }
0x20: {  	[sflag:s8] =	ssyncset.s32 @!p0 $0xFFFFF086;
	s6 =	sadd.s32 @!p0 s3, s7;
	s7 =	simm.s32 @!p0 $0x108  }
0x21: {  	s3 =	sadd.s32 s3, s9;
	s6 =	sadd.s32 @!p0 $0x88, s6;
	s7 =	simm.s32 @p2 $0x1082  }
0x22: {  	[simem:s7], [sflag:s8] =	dma.local @!p0 [hbm:s6], $0xF7A  }
0x23: {  	s9 =	sor.u32 $0xD0000000, s2;
	s6 =	simm.s32 $0x108;
	_ =	swait.ge @!p0 [sflag:s8], $0x0  }
0x24: {  	s3 =	sadd.s32 $0x88, s3;
	s6 =	simm.s32 @!p1 $0x1082;
	[sflag:s4] =	ssyncset.s32 $0xFFFFF086  }
0x25: {  	[simem:s6], [sflag:s4] =	dma.local [hbm:s3], $0xF7A  }
0x26: {  	[smem:$0x3F93] =	sst s1;
	(tag) =	ssettag s2;
	_ =	strace s9  }
0x27: {  	s1 =	sld [smem:$0x3FA3]  }
0x28: {  	s2 =	sld [smem:$0x3FA4]  }
0x29: {  	s4 =	sld [smem:$0x3FA6]  }
0x2a: {  	p0 =	seq.s32 s5, $0x0;
	s5 =	sld [smem:$0x3FA7]  }
0x2b: {  	s6 =	sld [smem:$0x3FA8]  }
0x2c: {  	s7 =	sld [smem:$0x3FA9]  }
0x2d: {  	s3 =	simm.s32 $0x108;
	s8 =	sld [smem:$0x3FAA]  }
0x2e: {  	s3 =	simm.s32 @!p0 $0x1082;
	s9 =	sld [smem:$0x3FAB]  }
0x2f: {  	lr =	sadd.s32 s0, s3;
	s0 =	sld [smem:$0x3FA2]  }
0x30: {  	s3 =	sld [smem:$0x3FA5]  }
0x31: {  	[smem:$0x3FAE] =	sst s10  }
0x32: {  	s10 =	sld [smem:$0x3FAC];
	_ =	sdelay $0x3  }
0x33: {  	p0 =	seq.s32 s10, $0x1;
	s10 =	sld [smem:$0x3FAE];
	_ =	sdelay $0x3  }
0x34: {  	[smem:$0x3FAE] =	sst s10  }
0x35: {  	s10 =	sld [smem:$0x3FAD];
	_ =	sdelay $0x3  }
0x36: {  	p1 =	seq.s32 s10, $0x1;
	s10 =	sld [smem:$0x3FAE];
	_ =	sdelay $0x3  }
0x37: {  	[smem:$0x3FAE] =	sst s10  }
0x38: {  	s10 =	sld [smem:$0x3FAF]  }
0x39: {  	_ = 	snop;
	(pc) =	sbr.ind lr, $3  }
0x3a: {  	_ = 	snop  }
0x3b: {  	_ = 	snop  }
0x3c: {  	p2 =	seq.s32 s10, $0x1;
	s10 =	sld [smem:$0x3FAE]  }
0x3d: {  	_ =	shalt  }
0x3e: {  	_ =	shalt  }
0x3f: {  	_ =	shalt  }
0x40: {  	_ =	shalt  }
0x41: {  	_ =	shalt  }
0x42: {  	_ =	shalt  }
0x43: {  	_ =	shalt  }
0x44: {  	_ =	shalt  }
0x45: {  	_ =	shalt  }
0x46: {  	_ =	shalt  }
0x47: {  	_ =	shalt  }
0x48: {  	_ =	shalt  }
0x49: {  	_ =	shalt  }
0x4a: {  	_ =	shalt  }
0x4b: {  	_ =	shalt  }
0x4c: {  	_ =	shalt  }
0x4d: {  	_ =	shalt  }
0x4e: {  	_ =	shalt  }
0x4f: {  	_ =	shalt  }
0x50: {  	_ =	shalt  }
0x51: {  	_ =	shalt  }
0x52: {  	_ =	shalt  }
0x53: {  	_ =	shalt  }
0x54: {  	_ =	shalt  }
0x55: {  	_ =	shalt  }
0x56: {  	_ =	shalt  }
0x57: {  	_ =	shalt  }
0x58: {  	_ =	shalt  }
0x59: {  	_ =	shalt  }
0x5a: {  	_ =	shalt  }
0x5b: {  	_ =	shalt  }
0x5c: {  	_ =	shalt  }
0x5d: {  	_ =	shalt  }
0x5e: {  	_ =	shalt  }
0x5f: {  	_ =	shalt  }
0x60: {  	_ =	shalt  }
0x61: {  	_ =	shalt  }
0x62: {  	_ =	shalt  }
0x63: {  	_ =	shalt  }
0x64: {  	_ =	shalt  }
0x65: {  	_ =	shalt  }
0x66: {  	_ =	shalt  }
0x67: {  	_ =	shalt  }
0x68: {  	_ =	shalt  }
0x69: {  	_ =	shalt  }
0x6a: {  	_ =	shalt  }
0x6b: {  	_ =	shalt  }
0x6c: {  	_ =	shalt  }
0x6d: {  	_ =	shalt  }
0x6e: {  	_ =	shalt  }
0x6f: {  	_ =	shalt  }
0x70: {  	_ =	shalt  }
0x71: {  	_ =	shalt  }
0x72: {  	_ =	shalt  }
0x73: {  	_ =	shalt  }
0x74: {  	_ =	shalt  }
0x75: {  	_ =	shalt  }
0x76: {  	_ =	shalt  }
0x77: {  	_ =	shalt  }
0x78: {  	_ =	shalt  }
0x79: {  	_ =	shalt  }
0x7a: {  	_ =	shalt  }
0x7b: {  	_ =	shalt  }
0x7c: {  	_ =	shalt  }
0x7d: {  	_ =	shalt  }
0x7e: {  	_ =	shalt  }
0x7f: {  	_ =	shalt  }
0x80: {  	_ =	shalt  }
0x81: {  	_ =	shalt  }
0x82: {  	_ =	shalt  }
0x83: {  	_ =	shalt  }
0x84: {  	_ =	shalt  }
0x85: {  	_ =	shalt  }
0x86: {  	_ =	shalt  }
0x87: {  	_ =	shalt  }
.Lfunc_end0:
.L_simem_size_0:
called_computation.12_lowered:
.L_overlay_start_0:
0x88: {  	s2 =	sld [smem:$0x3FD9]  }
0x89: {  	s3 =	sld [smem:$0x3FFE];
	_ =	sdelay $0x1  }
0x8a: {  	s1 =	srdreg.scid  }
0x8b: {  	s0 =	sand.u32 $0x1, s1  }
0x8c: {  	s16 =	sshll.u32 s0, $0xA;
	s2 =	sadd.s32 s3, s2  }
0x8d: {  	s2 =	sadd.s32 s2, s16  }
0x8e: {  	[smem:$0x3FBA] =	sst s2  }
0x8f: {  	_ = 	snop  }
0x90: {  	(tm) =	ssettm $0x1  }
0x91: {  	s17 =	sld [smem:$0x3FFB];
	_ =	sdelay $0x3  }
0x92: {  	_ =	strace s17  }
0x93: {  	s2 =	sld [smem:$0x3FFC];
	_ =	sdelay $0x3  }
0x94: {  	_ =	strace s2  }
0x95: {  	s2 =	sld [smem:$0x3FFD];
	_ =	sdelay $0x3  }
0x96: {  	_ =	strace s2  }
0x97: {  	_ =	strace $0x8FFFFFFF  }
0x98: {  	s18 =	sld [smem:$0x3FDB];
	_ =	sdelay $0x1  }
0x99: {  	s19 =	simm.s32 $_scs_section_size  }
0x9a: {  	s4 =	simm.s32 $_size__tile_overlayer_lowered;
	s5 =	simm.s32 $_tile_overlayer_lowered  }
0x9b: {  	s22 =	simm.s32 $0x1BFF;
	s21 =	sshll.u32 s5, $0x1;
	s2 =	sadd.s32 s19, s18  }
0x9c: {  	s6 =	simm.s32 $0x0;
	s20 =	sshll.u32 s4, $0x1;
	s4 =	sadd.s32 s21, s2  }
0x9d: {  	[timem:s6], [sflag:s22] =	dma.local [hbm:s4], s20  }
0x9e: {  	_ =	swait.ge [sflag:s22], s20  }
0x9f: {  	s3 =	ssub.s32 $0x0, s20;
	[sflag:s22] =	ssyncset.done $0x0  }
0xa0: {  	[sflag:s22] =	ssyncadd.s32 s3;
	_ =	sdelay $0x1  }
0xa1: {  	s23 =	simm.s32 $0x1B8B  }
0xa2: {  	_ =	swait.ge [sflag:s23], $0x1  }
0xa3: {  	[sflag:s23] =	ssyncset.done $0x0  }
0xa4: {  	s25 =	simm.s32 $0x1B8E;
	s24 =	sld [smem:$0x3FFE];
	[sflag:s23] =	ssyncadd.s32 $0xFFFFFFFF  }
0xa5: {  	s26 =	simm.s32 $execute0_lowered;
	[smem:$0x3FD2] =	sst s25  }
0xa6: {  	s4 =	sshll.u32 s26, $0x1;
	_ =	strace $0x8000006A;
	[dreg:$0x1] =	wrdreg $0xFFFFFFFF  }
0xa7: {  	s28 =	simm.s32 $_size_execute0_lowered;
	s2 =	sadd.s32 s2, s4;
	[dreg:$0x0] =	wrdreg $0x0  }
0xa8: {  	s4 =	sshll.u32 s28, $0x1;
	[dreg:$0x2] =	wrdreg s2  }
0xa9: {  	[dreg:$0x3] =	wrdreg s4  }
0xaa: {  	[dreg:$0x4] =	wrdreg $0xC0  }
0xab: {  	_ =	task [dreg:s6], $0x5FFFF  }
0xac: {  	[dreg:$0x1] =	wrdreg $0xFFFFFFFF  }
0xad: {  	[dreg:$0x0] =	wrdreg $0x60  }
0xae: {  	[dreg:$0x2] =	wrdreg s24  }
0xaf: {  	[dreg:$0x3] =	wrdreg $0x41000  }
0xb0: {  	[dreg:$0x4] =	wrdreg $0x9  }
0xb1: {  	_ =	task.clear_ibuf [dreg:s6], $0x5FFFF;
	_ =	strace $0x9000006A  }
0xb2: {  	s29 =	simm.s32 $0x9;
	_ =	strace $0x8000006C  }
0xb3: {  	_ =	swait.ge [sflag:s29], $0x1  }
0xb4: {  	[sflag:s29] =	ssyncadd.s32 $0xFFFFFFFF  }
0xb5: {  	_ =	strace $0x9000006C  }
0xb6: {  	_ =	sfence  }
0xb7: {  	s30 =	sld [smem:$0x0];
	_ =	sdelay $0x2  }
0xb8: {  	s31 =	sshll.u32 s1, $0xD;
	s1 =	sshrl.u32 s1, $0x2  }
0xb9: {  	s3 =	sand.u32 $0x4000, s31;
	s1 =	sadd.s32 s1, s30  }
0xba: {  	s0 =	sor.u32 s3, s0;
	s1 =	sshll.u32 s1, $0x11  }
0xbb: {  	s0 =	sor.u32 s1, s0  }
0xbc: {  	s0 =	sadd.s32 $0x8F2B, s0  }
0xbd: {  	[sflag:s0] =	ssyncadd.remote.s32 $0x1  }
0xbe: {  	_ =	sfence.sel $0xFFFF  }
0xbf: {  	[dreg:$0x0] =	wrdreg $0xFFFFFFFF;
	(pc) =	sbr.abs _section_cstart, $3  }
0xc0: {  	[dreg:$0x1] =	wrdreg $0xFFFFFFFF  }
0xc1: {  	_ =	task.clear_ibuf [dreg:s6], $0x2FFFF;
	_ =	strace $0x9FFFFFFF  }
0xc2: {  	(tm) =	ssettm $0x7FFFFFFF  }
0xc3: {  	_ =	shalt  }
tec
execute0_lowered:
.L_overlay_start_1:
0x0: {  	(tag) =	ssettag $0x1  }
0x1: {  	s5 =	rddreg [dreg:$0x0];
	s0 =	srdreg.scid  }
0x2: {  	s2 =	rddreg [dreg:$0x1];
	s1 =	stileid.u32  }
0x3: {  	s3 =	simm.s32 $0x0;
	s13 =	simm.s32 $0x80;
	s8 =	smul.u32 $0x13C00, s1  }
0x4: {  	s14 =	simm.s32 $0x100;
	s15 =	simm.s32 $0x1;
	s26 =	smul.u32 $0x4F000, s1  }
0x5: {  	s6 =	sand.u32 $0x1, s0;
	s0 =	rddreg [dreg:$0x2];
	s30 =	smul.u32 $0x4F0, s1  }
0x6: {  	s16 =	simm.s32 $0x0;
	[smem:$0x7FF] =	sst s3;
	s7 =	smul.u32 $0x4F00, s6  }
0x7: {  	s4 =	sadd.s32 $0xE0E00, s5;
	s31 =	sshll.u32 s1, $0x6;
	s9 =	smul.u32 $0x13C000, s6  }
0x8: {  	_ =	strace $0x8000006B;
	s6 =	ssub.s32 $0x2, s6;
	s25 =	sshrl.u32 s8, $0x3  }
0x9: {  	s28 =	sshrl.u32 s6, $0x1;
	s29 =	sshrl.u32 s26, $0x2;
	s10 =	sadd.s32 s7, s5  }
0xa: {  	s8 =	sadd.s32 s8, s9;
	s7 =	sadd.s32 s25, s5;
	s11 =	ssub.s32 s6, s28  }
0xb: {  	s12 =	sadd.s32 s29, s2;
	s6 =	sor.u32 $0x1C02, s31;
	s8 =	sshrl.u32 s8, $0x3  }
0xc: {  	s10 =	sadd.s32 s30, s10;
	s8 =	sadd.s32 s8, s5;
	s5 =	sadd.s32 $0xB9600, s7  }
0xd: {  	s9 =	sadd.s32 $0x13200, s10;
	s10 =	sadd.s32 $0x9400, s10;
	s7 =	sadd.s32 $0x1D000, s8  }
0xe: {  	s8 =	smax.u32 s11, $0x1;
	s11 =	sshrl.u32 s12, $0x3;
	s12 =	simm.s32 $0x2  }
.LBB2_1:
0xf: {  	[spmem:s11], [sflag:s6] =	dma.local [hbm:s5], $0x2780  }
0x10: {  	_ =	swait.ge [sflag:s12], $0x2780  }
0x11: {  	[sflag:s12] =	ssyncset.done $0x0  }
0x12: {  	[sflag:s12] =	ssyncadd.s32 $0xFFFFD880  }
0x13: {  	s17 =	sadd.s32 $0x0, s10;
	[bflag:$0x0] =	sbarrier.arrive $0xFFFF  }
0x14: {  	[tilespmem:s3], [sflag:$0x2] =	stream.linear.gather [hbm4b:s17+s3], $0x80, $0x38;
	[tilespmem:$0x17D00] =	vst v63  }
0x15: {  	_ =	swait.ge [sflag:s12], $0x80  }
0x16: {  	[sflag:s12] =	ssyncset.done $0x0  }
0x17: {  	s31 =	sadd.s32 $0x0, s9;
	[sflag:s12] =	ssyncadd.s32 $0xFFFFFF80  }
0x18: {  	[tilespmem:s13], [sflag:$0x2] =	stream.linear.gather [hbm4b:s31+s3], $0x80, $0x38;
	[tilespmem:$0x17D00] =	vst v63  }
0x19: {  	_ =	swait.ge [sflag:s12], $0x80  }
0x1a: {  	[sflag:s12] =	ssyncset.done $0x0  }
0x1b: {  	[sflag:s12] =	ssyncadd.s32 $0xFFFFFF80  }
0x1c: {  	[tilespmem:s14], [sflag:$0x1] =	stream.indirect.gather [hbm4b:s4+s13], $0x80, s3, s13, $0xb8;
	[tilespmem:$0x17D00] =	vst v63  }
0x1d: {  	_ =	swait.ge [sflag:s15], $0x4000  }
0x1e: {  	[sflag:s15] =	ssyncset.done $0x0  }
0x1f: {  	[sflag:s15] =	ssyncadd.s32 $0xFFFFC000  }
0x20: {  	[spmem:s2] =	stream.indirect.scatter.add.f32 [tilespmem:s14], [sflag:$0x2], $0x80, s13, s13, $0xb8;
	[tilespmem:$0x17D00] =	vst v63  }
0x21: {  	_ =	swait.ge [sflag:s12], $0x4000  }
0x22: {  	s18 =	simm.s32 $0x20;
	s17 =	simm.s32 $0x10;
	[sflag:s12] =	ssyncset.done $0x0  }
.LBB2_2:
0x23: {  	s19 =	sadd.s32 s17, s10  }
0x24: {  	[sflag:s12] =	ssyncadd.s32 $0xFFFFC000;
	s20 =	smov.u32 s18;
	s21 =	sadd.s32 $0x10, s18  }
0x25: {  	[tilespmem:s3], [sflag:$0x2] =	stream.linear.gather [hbm4b:s19+s3], $0x80, $0x38;
	[tilespmem:$0x17D00] =	vst v63  }
0x26: {  	p0 =	sne.s32 s18, $0x4E0;
	_ =	swait.ge [sflag:s12], $0x80  }
0x27: {  	[sflag:s12] =	ssyncset.done $0x0  }
0x28: {  	s18 =	sadd.s32 s17, s9;
	s17 =	smov.u32 s20;
	[sflag:s12] =	ssyncadd.s32 $0xFFFFFF80  }
0x29: {  	[tilespmem:s13], [sflag:$0x2] =	stream.linear.gather [hbm4b:s18+s3], $0x80, $0x38;
	[tilespmem:$0x17D00] =	vst v63  }
0x2a: {  	_ =	swait.ge [sflag:s12], $0x80  }
0x2b: {  	[sflag:s12] =	ssyncset.done $0x0  }
0x2c: {  	[sflag:s12] =	ssyncadd.s32 $0xFFFFFF80  }
0x2d: {  	[tilespmem:s14], [sflag:$0x1] =	stream.indirect.gather [hbm4b:s4+s13], $0x80, s3, s13, $0xb8;
	[tilespmem:$0x17D00] =	vst v63  }
0x2e: {  	_ =	swait.ge [sflag:s15], $0x4000  }
.Ltmp0:
0x2f: {  	[sflag:s15] =	ssyncset.done $0x0;
	(pc) =	sbr.rel @p0 .LBB2_2-.Ltmp0, $4  }
0x30: {  	[sflag:s15] =	ssyncadd.s32 $0xFFFFC000  }
0x31: {  	[spmem:s2] =	stream.indirect.scatter.add.f32 [tilespmem:s14], [sflag:$0x2], $0x80, s13, s13, $0xb8;
	[tilespmem:$0x17D00] =	vst v63  }
0x32: {  	_ =	swait.ge [sflag:s12], $0x4000  }
0x33: {  	s18 =	smov.u32 s21;
	[sflag:s12] =	ssyncset.done $0x0  }
0x34: {  	s18 =	sadd.s32 s17, s10;
	[sflag:s12] =	ssyncadd.s32 $0xFFFFC000  }
0x35: {  	[tilespmem:s3], [sflag:$0x2] =	stream.linear.gather [hbm4b:s18+s3], $0x80, $0x38;
	[tilespmem:$0x17D00] =	vst v63  }
0x36: {  	_ =	swait.ge [sflag:s12], $0x80  }
0x37: {  	[sflag:s12] =	ssyncset.done $0x0  }
0x38: {  	s31 =	sadd.s32 s17, s9;
	[sflag:s12] =	ssyncadd.s32 $0xFFFFFF80  }
0x39: {  	[tilespmem:s13], [sflag:$0x2] =	stream.linear.gather [hbm4b:s31+s3], $0x80, $0x38;
	[tilespmem:$0x17D00] =	vst v63  }
0x3a: {  	_ =	swait.ge [sflag:s12], $0x80  }
0x3b: {  	[sflag:s12] =	ssyncset.done $0x0  }
0x3c: {  	[sflag:s12] =	ssyncadd.s32 $0xFFFFFF80  }
0x3d: {  	[tilespmem:s14], [sflag:$0x1] =	stream.indirect.gather [hbm4b:s4+s13], $0x80, s3, s13, $0xb8;
	[tilespmem:$0x17D00] =	vst v63  }
0x3e: {  	_ =	swait.ge [sflag:s15], $0x4000  }
0x3f: {  	[sflag:s15] =	ssyncset.done $0x0  }
0x40: {  	[sflag:s15] =	ssyncadd.s32 $0xFFFFC000  }
0x41: {  	[spmem:s2] =	stream.indirect.scatter.add.f32 [tilespmem:s14], [sflag:$0x2], $0x80, s13, s13, $0xb8;
	[tilespmem:$0x17D00] =	vst v63  }
0x42: {  	_ =	swait.ge [sflag:s12], $0x4000  }
0x43: {  	s16 =	sadd.s32 $0x1, s16;
	[sflag:s12] =	ssyncset.done $0x0  }
0x44: {  	p0 =	sne.s32 s16, s8;
	[sflag:s12] =	ssyncadd.s32 $0xFFFFC000  }
.Ltmp1:
0x45: {  	[bflag:$0x0] =	sbarrier.arrive $0xFFFF;
	(pc) =	sbr.rel @p0 .LBB2_1-.Ltmp1, $4  }
0x46: {  	[hbm:s7], [sflag:s6] =	dma.local [spmem:s11], $0x2780  }
0x47: {  	_ =	swait.ge [sflag:s12], $0x2780  }
0x48: {  	[sflag:s12] =	ssyncset.done $0x0  }
0x49: {  	[sflag:s12] =	ssyncadd.s32 $0xFFFFD880  }
0x4a: {  	_ =	sfence.sel $0x180000  }
0x4b: {  	[bflag:$0x0] =	sbarrier.arrive $0xFFFF  }
0x4c: {  	p0 =	sne.s32 s1, $0x0;
	_ =	strace $0x9000006B  }
0x4d: {  	s0 =	sadd.s32 @!p0 $0x100000, s0;
	[bflag:$0x2] =	sbarrier.arrive $0xFFFF  }
0x4e: {  	[sflag:s0] =	ssyncadd.tile.s32 @!p0 $0x1;
	_ =	shalt  }
.Lfunc_end2:
_tile_overlayer_lowered:
.L_overlay_start_2:
0x4f: {  	(tag) =	ssettag $0x2  }
0x50: {  	s0 =	rddreg [dreg:$0x0];
	s2 =	stileid.u32  }
0x51: {  	s1 =	rddreg [dreg:$0x1];
	p0 =	sne.s32 s2, $0x0  }
0x52: {  	s3 =	rddreg [dreg:$0x2];
	[bflag:$0x3] =	sbarrier.arrive $0xFFFF;
	s2 =	simm.s32 @!p0 $0x1C02  }
0x53: {  	[timem:s3], [sflag:s2] =	dma.local @!p0 [hbm:s0], s1  }
0x54: {  	s0 =	simm.s32 @!p0 $0x2  }
0x55: {  	_ =	swait.ge @!p0 [sflag:s0], s1  }
0x56: {  	s1 =	ssub.s32 @!p0 $0x0, s1;
	[sflag:s0] =	ssyncset.done @!p0 $0x0  }
0x57: {  	[sflag:s0] =	ssyncadd.s32 @!p0 s1  }
0x58: {  	[bflag:$0x3] =	sbarrier.arrive $0xFFFF  }
0x59: {  	_ =	shalt  }

// kernel: kernel.74.cloned.1.call-start
scs
__scs_entry_jumppad:
0x0: {  	(pc) =	sbr.rel $0x88, $3  }
0x1: {  	(tag) =	ssettag $0x0;
	lr =	simm.s32 $0x1  }
0x2: {  	[smem:$0x3F93] =	sst lr;
	_ =	strace $0xD0000000  }
0x3: {  	_ = 	snop  }
0x4: {  	_ = 	snop  }
0x5: {  	_ = 	snop  }
0x6: {  	_ = 	snop  }
0x7: {  	_ = 	snop  }
__scs_overlays_trampoline_lowered:
0x8: {  	[smem:$0x3FA2] =	sst s0  }
0x9: {  	[smem:$0x3FA3] =	sst s1  }
0xa: {  	[smem:$0x3FA4] =	sst s2  }
0xb: {  	[smem:$0x3FA5] =	sst s3  }
0xc: {  	[smem:$0x3FA6] =	sst s4  }
0xd: {  	[smem:$0x3FA7] =	sst s5  }
0xe: {  	[smem:$0x3FA8] =	sst s6  }
0xf: {  	[smem:$0x3FA9] =	sst s7  }
0x10: {  	[smem:$0x3FAA] =	sst s8  }
0x11: {  	[smem:$0x3FAB] =	sst s9;
	s0 =	simm.s32 @!p0 $0x0  }
0x12: {  	s1 =	sld [smem:$0x3F91];
	s0 =	simm.s32 @p0 $0x1  }
0x13: {  	[smem:$0x3FAC] =	sst s0;
	s0 =	simm.s32 @!p1 $0x0  }
0x14: {  	s2 =	sld [smem:$0x3F90];
	s0 =	simm.s32 @p1 $0x1  }
0x15: {  	[smem:$0x3FAD] =	sst s0;
	s0 =	simm.s32 @!p2 $0x0  }
0x16: {  	s3 =	sld [smem:$0x3FDB];
	s0 =	simm.s32 @p2 $0x1  }
0x17: {  	s4 =	simm.s32 $0x1BF5;
	[smem:$0x3FAF] =	sst s0  }
0x18: {  	s0 =	sld [smem:$0x3F92];
	_ =	swait.ge [sflag:s4], $0x0  }
0x19: {  	s7 =	sld [smem:$0x3F93]  }
0x1a: {  	s8 =	sadd.s32 $0xFFFFE003, lr  }
0x1b: {  	s9 =	sadd.s32 $0xFFFFFEF7, lr;
	s5 =	simm.s32 $0xFFFFFFFF;
	p2 =	slt.u32 s8, $0xFFFFF086  }
0x1c: {  	p1 =	slt.u32 s9, $0xF7A;
	s5 =	simm.s32 @!p2 $0x0  }
0x1d: {  	s5 =	simm.s32 @p1 $0x1;
	p0 =	seq.s32 s7, s2  }
0x1e: {  	s7 =	smul.u32 @!p0 $0xF7A, s2;
	p2 =	seq.s32 @!p0 s5, $0x0  }
0x1f: {  	s9 =	smul.u32 $0xF7A, s1;
	s8 =	simm.s32 @!p0 $0x1BF5;
	p2 =	por !p2, p0  }
0x20: {  	[sflag:s8] =	ssyncset.s32 @!p0 $0xFFFFF086;
	s6 =	sadd.s32 @!p0 s3, s7;
	s7 =	simm.s32 @!p0 $0x108  }
0x21: {  	s3 =	sadd.s32 s3, s9;
	s6 =	sadd.s32 @!p0 $0x88, s6;
	s7 =	simm.s32 @p2 $0x1082  }
0x22: {  	[simem:s7], [sflag:s8] =	dma.local @!p0 [hbm:s6], $0xF7A  }
0x23: {  	s9 =	sor.u32 $0xD0000000, s2;
	s6 =	simm.s32 $0x108;
	_ =	swait.ge @!p0 [sflag:s8], $0x0  }
0x24: {  	s3 =	sadd.s32 $0x88, s3;
	s6 =	simm.s32 @!p1 $0x1082;
	[sflag:s4] =	ssyncset.s32 $0xFFFFF086  }
0x25: {  	[simem:s6], [sflag:s4] =	dma.local [hbm:s3], $0xF7A  }
0x26: {  	[smem:$0x3F93] =	sst s1;
	(tag) =	ssettag s2;
	_ =	strace s9  }
0x27: {  	s1 =	sld [smem:$0x3FA3]  }
0x28: {  	s2 =	sld [smem:$0x3FA4]  }
0x29: {  	s4 =	sld [smem:$0x3FA6]  }
0x2a: {  	p0 =	seq.s32 s5, $0x0;
	s5 =	sld [smem:$0x3FA7]  }
0x2b: {  	s6 =	sld [smem:$0x3FA8]  }
0x2c: {  	s7 =	sld [smem:$0x3FA9]  }
0x2d: {  	s3 =	simm.s32 $0x108;
	s8 =	sld [smem:$0x3FAA]  }
0x2e: {  	s3 =	simm.s32 @!p0 $0x1082;
	s9 =	sld [smem:$0x3FAB]  }
0x2f: {  	lr =	sadd.s32 s0, s3;
	s0 =	sld [smem:$0x3FA2]  }
0x30: {  	s3 =	sld [smem:$0x3FA5]  }
0x31: {  	[smem:$0x3FAE] =	sst s10  }
0x32: {  	s10 =	sld [smem:$0x3FAC];
	_ =	sdelay $0x3  }
0x33: {  	p0 =	seq.s32 s10, $0x1;
	s10 =	sld [smem:$0x3FAE];
	_ =	sdelay $0x3  }
0x34: {  	[smem:$0x3FAE] =	sst s10  }
0x35: {  	s10 =	sld [smem:$0x3FAD];
	_ =	sdelay $0x3  }
0x36: {  	p1 =	seq.s32 s10, $0x1;
	s10 =	sld [smem:$0x3FAE];
	_ =	sdelay $0x3  }
0x37: {  	[smem:$0x3FAE] =	sst s10  }
0x38: {  	s10 =	sld [smem:$0x3FAF]  }
0x39: {  	_ = 	snop;
	(pc) =	sbr.ind lr, $3  }
0x3a: {  	_ = 	snop  }
0x3b: {  	_ = 	snop  }
0x3c: {  	p2 =	seq.s32 s10, $0x1;
	s10 =	sld [smem:$0x3FAE]  }
0x3d: {  	_ =	shalt  }
0x3e: {  	_ =	shalt  }
0x3f: {  	_ =	shalt  }
0x40: {  	_ =	shalt  }
0x41: {  	_ =	shalt  }
0x42: {  	_ =	shalt  }
0x43: {  	_ =	shalt  }
0x44: {  	_ =	shalt  }
0x45: {  	_ =	shalt  }
0x46: {  	_ =	shalt  }
0x47: {  	_ =	shalt  }
0x48: {  	_ =	shalt  }
0x49: {  	_ =	shalt  }
0x4a: {  	_ =	shalt  }
0x4b: {  	_ =	shalt  }
0x4c: {  	_ =	shalt  }
0x4d: {  	_ =	shalt  }
0x4e: {  	_ =	shalt  }
0x4f: {  	_ =	shalt  }
0x50: {  	_ =	shalt  }
0x51: {  	_ =	shalt  }
0x52: {  	_ =	shalt  }
0x53: {  	_ =	shalt  }
0x54: {  	_ =	shalt  }
0x55: {  	_ =	shalt  }
0x56: {  	_ =	shalt  }
0x57: {  	_ =	shalt  }
0x58: {  	_ =	shalt  }
0x59: {  	_ =	shalt  }
0x5a: {  	_ =	shalt  }
0x5b: {  	_ =	shalt  }
0x5c: {  	_ =	shalt  }
0x5d: {  	_ =	shalt  }
0x5e: {  	_ =	shalt  }
0x5f: {  	_ =	shalt  }
0x60: {  	_ =	shalt  }
0x61: {  	_ =	shalt  }
0x62: {  	_ =	shalt  }
0x63: {  	_ =	shalt  }
0x64: {  	_ =	shalt  }
0x65: {  	_ =	shalt  }
0x66: {  	_ =	shalt  }
0x67: {  	_ =	shalt  }
0x68: {  	_ =	shalt  }
0x69: {  	_ =	shalt  }
0x6a: {  	_ =	shalt  }
0x6b: {  	_ =	shalt  }
0x6c: {  	_ =	shalt  }
0x6d: {  	_ =	shalt  }
0x6e: {  	_ =	shalt  }
0x6f: {  	_ =	shalt  }
0x70: {  	_ =	shalt  }
0x71: {  	_ =	shalt  }
0x72: {  	_ =	shalt  }
0x73: {  	_ =	shalt  }
0x74: {  	_ =	shalt  }
0x75: {  	_ =	shalt  }
0x76: {  	_ =	shalt  }
0x77: {  	_ =	shalt  }
0x78: {  	_ =	shalt  }
0x79: {  	_ =	shalt  }
0x7a: {  	_ =	shalt  }
0x7b: {  	_ =	shalt  }
0x7c: {  	_ =	shalt  }
0x7d: {  	_ =	shalt  }
0x7e: {  	_ =	shalt  }
0x7f: {  	_ =	shalt  }
0x80: {  	_ =	shalt  }
0x81: {  	_ =	shalt  }
0x82: {  	_ =	shalt  }
0x83: {  	_ =	shalt  }
0x84: {  	_ =	shalt  }
0x85: {  	_ =	shalt  }
0x86: {  	_ =	shalt  }
0x87: {  	_ =	shalt  }
.Lfunc_end0:
.L_simem_size_0:
called_computation.13_lowered:
.L_overlay_start_0:
0x88: {  	s2 =	sld [smem:$0x3FD9]  }
0x89: {  	s3 =	sld [smem:$0x3FFE];
	_ =	sdelay $0x1  }
0x8a: {  	s1 =	srdreg.scid  }
0x8b: {  	s0 =	sand.u32 $0x1, s1  }
0x8c: {  	s16 =	sshll.u32 s0, $0xA;
	s2 =	sadd.s32 s3, s2  }
0x8d: {  	s2 =	sadd.s32 s2, s16  }
0x8e: {  	[smem:$0x3FBA] =	sst s2  }
0x8f: {  	_ = 	snop  }
0x90: {  	(tm) =	ssettm $0x1  }
0x91: {  	s17 =	sld [smem:$0x3FFB];
	_ =	sdelay $0x3  }
0x92: {  	_ =	strace s17  }
0x93: {  	s2 =	sld [smem:$0x3FFC];
	_ =	sdelay $0x3  }
0x94: {  	_ =	strace s2  }
0x95: {  	s2 =	sld [smem:$0x3FFD];
	_ =	sdelay $0x3  }
0x96: {  	_ =	strace s2  }
0x97: {  	_ =	strace $0x8FFFFFFF  }
0x98: {  	s18 =	sld [smem:$0x3FDB];
	_ =	sdelay $0x1  }
0x99: {  	s19 =	simm.s32 $_scs_section_size  }
0x9a: {  	s4 =	simm.s32 $_size__tile_overlayer_lowered;
	s5 =	simm.s32 $_tile_overlayer_lowered  }
0x9b: {  	s22 =	simm.s32 $0x1BFF;
	s21 =	sshll.u32 s5, $0x1;
	s2 =	sadd.s32 s19, s18  }
0x9c: {  	s6 =	simm.s32 $0x0;
	s20 =	sshll.u32 s4, $0x1;
	s4 =	sadd.s32 s21, s2  }
0x9d: {  	[timem:s6], [sflag:s22] =	dma.local [hbm:s4], s20  }
0x9e: {  	_ =	swait.ge [sflag:s22], s20  }
0x9f: {  	s3 =	ssub.s32 $0x0, s20;
	[sflag:s22] =	ssyncset.done $0x0  }
0xa0: {  	[sflag:s22] =	ssyncadd.s32 s3;
	_ =	sdelay $0x1  }
0xa1: {  	s23 =	simm.s32 $0x1B8B  }
0xa2: {  	_ =	swait.ge [sflag:s23], $0x1  }
0xa3: {  	[sflag:s23] =	ssyncset.done $0x0  }
0xa4: {  	s25 =	simm.s32 $0x1B8E;
	s24 =	sld [smem:$0x3FFE];
	[sflag:s23] =	ssyncadd.s32 $0xFFFFFFFF  }
0xa5: {  	s26 =	simm.s32 $execute0_lowered;
	[smem:$0x3FD2] =	sst s25  }
0xa6: {  	s4 =	sshll.u32 s26, $0x1;
	_ =	strace $0x8000006D;
	[dreg:$0x1] =	wrdreg $0xFFFFFFFF  }
0xa7: {  	s28 =	simm.s32 $_size_execute0_lowered;
	s2 =	sadd.s32 s2, s4;
	[dreg:$0x0] =	wrdreg $0x0  }
0xa8: {  	s4 =	sshll.u32 s28, $0x1;
	[dreg:$0x2] =	wrdreg s2  }
0xa9: {  	[dreg:$0x3] =	wrdreg s4  }
0xaa: {  	[dreg:$0x4] =	wrdreg $0xC0  }
0xab: {  	_ =	task [dreg:s6], $0x5FFFF  }
0xac: {  	[dreg:$0x1] =	wrdreg $0xFFFFFFFF  }
0xad: {  	[dreg:$0x0] =	wrdreg $0x60  }
0xae: {  	[dreg:$0x2] =	wrdreg s24  }
0xaf: {  	[dreg:$0x3] =	wrdreg $0x41000  }
0xb0: {  	[dreg:$0x4] =	wrdreg $0x9  }
0xb1: {  	_ =	task.clear_ibuf [dreg:s6], $0x5FFFF;
	_ =	strace $0x9000006D  }
0xb2: {  	s29 =	simm.s32 $0x9;
	_ =	strace $0x8000006F  }
0xb3: {  	_ =	swait.ge [sflag:s29], $0x1  }
0xb4: {  	[sflag:s29] =	ssyncadd.s32 $0xFFFFFFFF  }
0xb5: {  	_ =	strace $0x9000006F  }
0xb6: {  	_ =	sfence  }
0xb7: {  	s30 =	sld [smem:$0x0];
	_ =	sdelay $0x2  }
0xb8: {  	s31 =	sshll.u32 s1, $0xD;
	s1 =	sshrl.u32 s1, $0x2  }
0xb9: {  	s3 =	sand.u32 $0x4000, s31;
	s1 =	sadd.s32 s1, s30  }
0xba: {  	s0 =	sor.u32 s3, s0;
	s1 =	sshll.u32 s1, $0x11  }
0xbb: {  	s0 =	sor.u32 s1, s0  }
0xbc: {  	s0 =	sadd.s32 $0x8F2B, s0  }
0xbd: {  	[sflag:s0] =	ssyncadd.remote.s32 $0x1  }
0xbe: {  	_ =	sfence.sel $0xFFFF  }
0xbf: {  	[dreg:$0x0] =	wrdreg $0xFFFFFFFF;
	(pc) =	sbr.abs _section_cstart, $3  }
0xc0: {  	[dreg:$0x1] =	wrdreg $0xFFFFFFFF  }
0xc1: {  	_ =	task.clear_ibuf [dreg:s6], $0x2FFFF;
	_ =	strace $0x9FFFFFFF  }
0xc2: {  	(tm) =	ssettm $0x7FFFFFFF  }
0xc3: {  	_ =	shalt  }
tec
execute0_lowered:
.L_overlay_start_1:
0x0: {  	(tag) =	ssettag $0x1  }
0x1: {  	s5 =	rddreg [dreg:$0x0];
	s0 =	srdreg.scid  }
0x2: {  	s2 =	rddreg [dreg:$0x1];
	s1 =	stileid.u32  }
0x3: {  	s3 =	simm.s32 $0x0;
	s13 =	simm.s32 $0x80;
	s8 =	smul.u32 $0x13C00, s1  }
0x4: {  	s14 =	simm.s32 $0x100;
	s15 =	simm.s32 $0x1;
	s26 =	smul.u32 $0x4F000, s1  }
0x5: {  	s6 =	sand.u32 $0x1, s0;
	s0 =	rddreg [dreg:$0x2];
	s30 =	smul.u32 $0x4F0, s1  }
0x6: {  	s16 =	simm.s32 $0x0;
	[smem:$0x7FF] =	sst s3;
	s7 =	smul.u32 $0x4F00, s6  }
0x7: {  	s4 =	sadd.s32 $0x1D000, s5;
	s31 =	sshll.u32 s1, $0x6;
	s9 =	smul.u32 $0x13C000, s6  }
0x8: {  	_ =	strace $0x8000006E;
	s6 =	ssub.s32 $0x2, s6;
	s25 =	sshrl.u32 s8, $0x3  }
0x9: {  	s28 =	sshrl.u32 s6, $0x1;
	s29 =	sshrl.u32 s26, $0x2;
	s10 =	sadd.s32 s7, s5  }
0xa: {  	s8 =	sadd.s32 s8, s9;
	s7 =	sadd.s32 s25, s5;
	s11 =	ssub.s32 s6, s28  }
0xb: {  	s12 =	sadd.s32 s29, s2;
	s6 =	sor.u32 $0x1C02, s31;
	s8 =	sshrl.u32 s8, $0x3  }
0xc: {  	s10 =	sadd.s32 s30, s10;
	s8 =	sadd.s32 s8, s5;
	s5 =	sadd.s32 $0xB9600, s7  }
0xd: {  	s9 =	sadd.s32 $0x13200, s10;
	s10 =	sadd.s32 $0x9400, s10;
	s7 =	sadd.s32 $0x44200, s8  }
0xe: {  	s8 =	smax.u32 s11, $0x1;
	s11 =	sshrl.u32 s12, $0x3;
	s12 =	simm.s32 $0x2  }
.LBB2_1:
0xf: {  	[spmem:s11], [sflag:s6] =	dma.local [hbm:s5], $0x2780  }
0x10: {  	_ =	swait.ge [sflag:s12], $0x2780  }
0x11: {  	[sflag:s12] =	ssyncset.done $0x0  }
0x12: {  	[sflag:s12] =	ssyncadd.s32 $0xFFFFD880  }
0x13: {  	s17 =	sadd.s32 $0x0, s10;
	[bflag:$0x0] =	sbarrier.arrive $0xFFFF  }
0x14: {  	[tilespmem:s3], [sflag:$0x2] =	stream.linear.gather [hbm4b:s17+s3], $0x80, $0x38;
	[tilespmem:$0x17D00] =	vst v63  }
0x15: {  	_ =	swait.ge [sflag:s12], $0x80  }
0x16: {  	[sflag:s12] =	ssyncset.done $0x0  }
0x17: {  	s31 =	sadd.s32 $0x0, s9;
	[sflag:s12] =	ssyncadd.s32 $0xFFFFFF80  }
0x18: {  	[tilespmem:s13], [sflag:$0x2] =	stream.linear.gather [hbm4b:s31+s3], $0x80, $0x38;
	[tilespmem:$0x17D00] =	vst v63  }
0x19: {  	_ =	swait.ge [sflag:s12], $0x80  }
0x1a: {  	[sflag:s12] =	ssyncset.done $0x0  }
0x1b: {  	[sflag:s12] =	ssyncadd.s32 $0xFFFFFF80  }
0x1c: {  	[tilespmem:s14], [sflag:$0x1] =	stream.indirect.gather [hbm4b:s4+s13], $0x80, s3, s13, $0xb8;
	[tilespmem:$0x17D00] =	vst v63  }
0x1d: {  	_ =	swait.ge [sflag:s15], $0x4000  }
0x1e: {  	[sflag:s15] =	ssyncset.done $0x0  }
0x1f: {  	[sflag:s15] =	ssyncadd.s32 $0xFFFFC000  }
0x20: {  	[spmem:s2] =	stream.indirect.scatter.add.f32 [tilespmem:s14], [sflag:$0x2], $0x80, s13, s13, $0xb8;
	[tilespmem:$0x17D00] =	vst v63  }
0x21: {  	_ =	swait.ge [sflag:s12], $0x4000  }
0x22: {  	s18 =	simm.s32 $0x20;
	s17 =	simm.s32 $0x10;
	[sflag:s12] =	ssyncset.done $0x0  }
.LBB2_2:
0x23: {  	s19 =	sadd.s32 s17, s10  }
0x24: {  	[sflag:s12] =	ssyncadd.s32 $0xFFFFC000;
	s20 =	smov.u32 s18;
	s21 =	sadd.s32 $0x10, s18  }
0x25: {  	[tilespmem:s3], [sflag:$0x2] =	stream.linear.gather [hbm4b:s19+s3], $0x80, $0x38;
	[tilespmem:$0x17D00] =	vst v63  }
0x26: {  	p0 =	sne.s32 s18, $0x4E0;
	_ =	swait.ge [sflag:s12], $0x80  }
0x27: {  	[sflag:s12] =	ssyncset.done $0x0  }
0x28: {  	s18 =	sadd.s32 s17, s9;
	s17 =	smov.u32 s20;
	[sflag:s12] =	ssyncadd.s32 $0xFFFFFF80  }
0x29: {  	[tilespmem:s13], [sflag:$0x2] =	stream.linear.gather [hbm4b:s18+s3], $0x80, $0x38;
	[tilespmem:$0x17D00] =	vst v63  }
0x2a: {  	_ =	swait.ge [sflag:s12], $0x80  }
0x2b: {  	[sflag:s12] =	ssyncset.done $0x0  }
0x2c: {  	[sflag:s12] =	ssyncadd.s32 $0xFFFFFF80  }
0x2d: {  	[tilespmem:s14], [sflag:$0x1] =	stream.indirect.gather [hbm4b:s4+s13], $0x80, s3, s13, $0xb8;
	[tilespmem:$0x17D00] =	vst v63  }
0x2e: {  	_ =	swait.ge [sflag:s15], $0x4000  }
.Ltmp0:
0x2f: {  	[sflag:s15] =	ssyncset.done $0x0;
	(pc) =	sbr.rel @p0 .LBB2_2-.Ltmp0, $4  }
0x30: {  	[sflag:s15] =	ssyncadd.s32 $0xFFFFC000  }
0x31: {  	[spmem:s2] =	stream.indirect.scatter.add.f32 [tilespmem:s14], [sflag:$0x2], $0x80, s13, s13, $0xb8;
	[tilespmem:$0x17D00] =	vst v63  }
0x32: {  	_ =	swait.ge [sflag:s12], $0x4000  }
0x33: {  	s18 =	smov.u32 s21;
	[sflag:s12] =	ssyncset.done $0x0  }
0x34: {  	s18 =	sadd.s32 s17, s10;
	[sflag:s12] =	ssyncadd.s32 $0xFFFFC000  }
0x35: {  	[tilespmem:s3], [sflag:$0x2] =	stream.linear.gather [hbm4b:s18+s3], $0x80, $0x38;
	[tilespmem:$0x17D00] =	vst v63  }
0x36: {  	_ =	swait.ge [sflag:s12], $0x80  }
0x37: {  	[sflag:s12] =	ssyncset.done $0x0  }
0x38: {  	s31 =	sadd.s32 s17, s9;
	[sflag:s12] =	ssyncadd.s32 $0xFFFFFF80  }
0x39: {  	[tilespmem:s13], [sflag:$0x2] =	stream.linear.gather [hbm4b:s31+s3], $0x80, $0x38;
	[tilespmem:$0x17D00] =	vst v63  }
0x3a: {  	_ =	swait.ge [sflag:s12], $0x80  }
0x3b: {  	[sflag:s12] =	ssyncset.done $0x0  }
0x3c: {  	[sflag:s12] =	ssyncadd.s32 $0xFFFFFF80  }
0x3d: {  	[tilespmem:s14], [sflag:$0x1] =	stream.indirect.gather [hbm4b:s4+s13], $0x80, s3, s13, $0xb8;
	[tilespmem:$0x17D00] =	vst v63  }
0x3e: {  	_ =	swait.ge [sflag:s15], $0x4000  }
0x3f: {  	[sflag:s15] =	ssyncset.done $0x0  }
0x40: {  	[sflag:s15] =	ssyncadd.s32 $0xFFFFC000  }
0x41: {  	[spmem:s2] =	stream.indirect.scatter.add.f32 [tilespmem:s14], [sflag:$0x2], $0x80, s13, s13, $0xb8;
	[tilespmem:$0x17D00] =	vst v63  }
0x42: {  	_ =	swait.ge [sflag:s12], $0x4000  }
0x43: {  	s16 =	sadd.s32 $0x1, s16;
	[sflag:s12] =	ssyncset.done $0x0  }
0x44: {  	p0 =	sne.s32 s16, s8;
	[sflag:s12] =	ssyncadd.s32 $0xFFFFC000  }
.Ltmp1:
0x45: {  	[bflag:$0x0] =	sbarrier.arrive $0xFFFF;
	(pc) =	sbr.rel @p0 .LBB2_1-.Ltmp1, $4  }
0x46: {  	[hbm:s7], [sflag:s6] =	dma.local [spmem:s11], $0x2780  }
0x47: {  	_ =	swait.ge [sflag:s12], $0x2780  }
0x48: {  	[sflag:s12] =	ssyncset.done $0x0  }
0x49: {  	[sflag:s12] =	ssyncadd.s32 $0xFFFFD880  }
0x4a: {  	_ =	sfence.sel $0x180000  }
0x4b: {  	[bflag:$0x0] =	sbarrier.arrive $0xFFFF  }
0x4c: {  	p0 =	sne.s32 s1, $0x0;
	_ =	strace $0x9000006E  }
0x4d: {  	s0 =	sadd.s32 @!p0 $0x100000, s0;
	[bflag:$0x2] =	sbarrier.arrive $0xFFFF  }
0x4e: {  	[sflag:s0] =	ssyncadd.tile.s32 @!p0 $0x1;
	_ =	shalt  }
.Lfunc_end2:
_tile_overlayer_lowered:
.L_overlay_start_2:
0x4f: {  	(tag) =	ssettag $0x2  }
0x50: {  	s0 =	rddreg [dreg:$0x0];
	s2 =	stileid.u32  }
0x51: {  	s1 =	rddreg [dreg:$0x1];
	p0 =	sne.s32 s2, $0x0  }
0x52: {  	s3 =	rddreg [dreg:$0x2];
	[bflag:$0x3] =	sbarrier.arrive $0xFFFF;
	s2 =	simm.s32 @!p0 $0x1C02  }
0x53: {  	[timem:s3], [sflag:s2] =	dma.local @!p0 [hbm:s0], s1  }
0x54: {  	s0 =	simm.s32 @!p0 $0x2  }
0x55: {  	_ =	swait.ge @!p0 [sflag:s0], s1  }
0x56: {  	s1 =	ssub.s32 @!p0 $0x0, s1;
	[sflag:s0] =	ssyncset.done @!p0 $0x0  }
0x57: {  	[sflag:s0] =	ssyncadd.s32 @!p0 s1  }
0x58: {  	[bflag:$0x3] =	sbarrier.arrive $0xFFFF  }
0x59: {  	_ =	shalt  }

// kernel: kernel.77.cloned.1.call-start
scs
__scs_entry_jumppad:
0x0: {  	(pc) =	sbr.rel $0x88, $3  }
0x1: {  	(tag) =	ssettag $0x0;
	lr =	simm.s32 $0x1  }
0x2: {  	[smem:$0x3F93] =	sst lr;
	_ =	strace $0xD0000000  }
0x3: {  	_ = 	snop  }
0x4: {  	_ = 	snop  }
0x5: {  	_ = 	snop  }
0x6: {  	_ = 	snop  }
0x7: {  	_ = 	snop  }
__scs_overlays_trampoline_lowered:
0x8: {  	[smem:$0x3FA2] =	sst s0  }
0x9: {  	[smem:$0x3FA3] =	sst s1  }
0xa: {  	[smem:$0x3FA4] =	sst s2  }
0xb: {  	[smem:$0x3FA5] =	sst s3  }
0xc: {  	[smem:$0x3FA6] =	sst s4  }
0xd: {  	[smem:$0x3FA7] =	sst s5  }
0xe: {  	[smem:$0x3FA8] =	sst s6  }
0xf: {  	[smem:$0x3FA9] =	sst s7  }
0x10: {  	[smem:$0x3FAA] =	sst s8  }
0x11: {  	[smem:$0x3FAB] =	sst s9;
	s0 =	simm.s32 @!p0 $0x0  }
0x12: {  	s1 =	sld [smem:$0x3F91];
	s0 =	simm.s32 @p0 $0x1  }
0x13: {  	[smem:$0x3FAC] =	sst s0;
	s0 =	simm.s32 @!p1 $0x0  }
0x14: {  	s2 =	sld [smem:$0x3F90];
	s0 =	simm.s32 @p1 $0x1  }
0x15: {  	[smem:$0x3FAD] =	sst s0;
	s0 =	simm.s32 @!p2 $0x0  }
0x16: {  	s3 =	sld [smem:$0x3FDB];
	s0 =	simm.s32 @p2 $0x1  }
0x17: {  	s4 =	simm.s32 $0x1BF5;
	[smem:$0x3FAF] =	sst s0  }
0x18: {  	s0 =	sld [smem:$0x3F92];
	_ =	swait.ge [sflag:s4], $0x0  }
0x19: {  	s7 =	sld [smem:$0x3F93]  }
0x1a: {  	s8 =	sadd.s32 $0xFFFFE003, lr  }
0x1b: {  	s9 =	sadd.s32 $0xFFFFFEF7, lr;
	s5 =	simm.s32 $0xFFFFFFFF;
	p2 =	slt.u32 s8, $0xFFFFF086  }
0x1c: {  	p1 =	slt.u32 s9, $0xF7A;
	s5 =	simm.s32 @!p2 $0x0  }
0x1d: {  	s5 =	simm.s32 @p1 $0x1;
	p0 =	seq.s32 s7, s2  }
0x1e: {  	s7 =	smul.u32 @!p0 $0xF7A, s2;
	p2 =	seq.s32 @!p0 s5, $0x0  }
0x1f: {  	s9 =	smul.u32 $0xF7A, s1;
	s8 =	simm.s32 @!p0 $0x1BF5;
	p2 =	por !p2, p0  }
0x20: {  	[sflag:s8] =	ssyncset.s32 @!p0 $0xFFFFF086;
	s6 =	sadd.s32 @!p0 s3, s7;
	s7 =	simm.s32 @!p0 $0x108  }
0x21: {  	s3 =	sadd.s32 s3, s9;
	s6 =	sadd.s32 @!p0 $0x88, s6;
	s7 =	simm.s32 @p2 $0x1082  }
0x22: {  	[simem:s7], [sflag:s8] =	dma.local @!p0 [hbm:s6], $0xF7A  }
0x23: {  	s9 =	sor.u32 $0xD0000000, s2;
	s6 =	simm.s32 $0x108;
	_ =	swait.ge @!p0 [sflag:s8], $0x0  }
0x24: {  	s3 =	sadd.s32 $0x88, s3;
	s6 =	simm.s32 @!p1 $0x1082;
	[sflag:s4] =	ssyncset.s32 $0xFFFFF086  }
0x25: {  	[simem:s6], [sflag:s4] =	dma.local [hbm:s3], $0xF7A  }
0x26: {  	[smem:$0x3F93] =	sst s1;
	(tag) =	ssettag s2;
	_ =	strace s9  }
0x27: {  	s1 =	sld [smem:$0x3FA3]  }
0x28: {  	s2 =	sld [smem:$0x3FA4]  }
0x29: {  	s4 =	sld [smem:$0x3FA6]  }
0x2a: {  	p0 =	seq.s32 s5, $0x0;
	s5 =	sld [smem:$0x3FA7]  }
0x2b: {  	s6 =	sld [smem:$0x3FA8]  }
0x2c: {  	s7 =	sld [smem:$0x3FA9]  }
0x2d: {  	s3 =	simm.s32 $0x108;
	s8 =	sld [smem:$0x3FAA]  }
0x2e: {  	s3 =	simm.s32 @!p0 $0x1082;
	s9 =	sld [smem:$0x3FAB]  }
0x2f: {  	lr =	sadd.s32 s0, s3;
	s0 =	sld [smem:$0x3FA2]  }
0x30: {  	s3 =	sld [smem:$0x3FA5]  }
0x31: {  	[smem:$0x3FAE] =	sst s10  }
0x32: {  	s10 =	sld [smem:$0x3FAC];
	_ =	sdelay $0x3  }
0x33: {  	p0 =	seq.s32 s10, $0x1;
	s10 =	sld [smem:$0x3FAE];
	_ =	sdelay $0x3  }
0x34: {  	[smem:$0x3FAE] =	sst s10  }
0x35: {  	s10 =	sld [smem:$0x3FAD];
	_ =	sdelay $0x3  }
0x36: {  	p1 =	seq.s32 s10, $0x1;
	s10 =	sld [smem:$0x3FAE];
	_ =	sdelay $0x3  }
0x37: {  	[smem:$0x3FAE] =	sst s10  }
0x38: {  	s10 =	sld [smem:$0x3FAF]  }
0x39: {  	_ = 	snop;
	(pc) =	sbr.ind lr, $3  }
0x3a: {  	_ = 	snop  }
0x3b: {  	_ = 	snop  }
0x3c: {  	p2 =	seq.s32 s10, $0x1;
	s10 =	sld [smem:$0x3FAE]  }
0x3d: {  	_ =	shalt  }
0x3e: {  	_ =	shalt  }
0x3f: {  	_ =	shalt  }
0x40: {  	_ =	shalt  }
0x41: {  	_ =	shalt  }
0x42: {  	_ =	shalt  }
0x43: {  	_ =	shalt  }
0x44: {  	_ =	shalt  }
0x45: {  	_ =	shalt  }
0x46: {  	_ =	shalt  }
0x47: {  	_ =	shalt  }
0x48: {  	_ =	shalt  }
0x49: {  	_ =	shalt  }
0x4a: {  	_ =	shalt  }
0x4b: {  	_ =	shalt  }
0x4c: {  	_ =	shalt  }
0x4d: {  	_ =	shalt  }
0x4e: {  	_ =	shalt  }
0x4f: {  	_ =	shalt  }
0x50: {  	_ =	shalt  }
0x51: {  	_ =	shalt  }
0x52: {  	_ =	shalt  }
0x53: {  	_ =	shalt  }
0x54: {  	_ =	shalt  }
0x55: {  	_ =	shalt  }
0x56: {  	_ =	shalt  }
0x57: {  	_ =	shalt  }
0x58: {  	_ =	shalt  }
0x59: {  	_ =	shalt  }
0x5a: {  	_ =	shalt  }
0x5b: {  	_ =	shalt  }
0x5c: {  	_ =	shalt  }
0x5d: {  	_ =	shalt  }
0x5e: {  	_ =	shalt  }
0x5f: {  	_ =	shalt  }
0x60: {  	_ =	shalt  }
0x61: {  	_ =	shalt  }
0x62: {  	_ =	shalt  }
0x63: {  	_ =	shalt  }
0x64: {  	_ =	shalt  }
0x65: {  	_ =	shalt  }
0x66: {  	_ =	shalt  }
0x67: {  	_ =	shalt  }
0x68: {  	_ =	shalt  }
0x69: {  	_ =	shalt  }
0x6a: {  	_ =	shalt  }
0x6b: {  	_ =	shalt  }
0x6c: {  	_ =	shalt  }
0x6d: {  	_ =	shalt  }
0x6e: {  	_ =	shalt  }
0x6f: {  	_ =	shalt  }
0x70: {  	_ =	shalt  }
0x71: {  	_ =	shalt  }
0x72: {  	_ =	shalt  }
0x73: {  	_ =	shalt  }
0x74: {  	_ =	shalt  }
0x75: {  	_ =	shalt  }
0x76: {  	_ =	shalt  }
0x77: {  	_ =	shalt  }
0x78: {  	_ =	shalt  }
0x79: {  	_ =	shalt  }
0x7a: {  	_ =	shalt  }
0x7b: {  	_ =	shalt  }
0x7c: {  	_ =	shalt  }
0x7d: {  	_ =	shalt  }
0x7e: {  	_ =	shalt  }
0x7f: {  	_ =	shalt  }
0x80: {  	_ =	shalt  }
0x81: {  	_ =	shalt  }
0x82: {  	_ =	shalt  }
0x83: {  	_ =	shalt  }
0x84: {  	_ =	shalt  }
0x85: {  	_ =	shalt  }
0x86: {  	_ =	shalt  }
0x87: {  	_ =	shalt  }
.Lfunc_end0:
.L_simem_size_0:
called_computation.14_lowered:
.L_overlay_start_0:
0x88: {  	s2 =	sld [smem:$0x3FD9]  }
0x89: {  	s3 =	sld [smem:$0x3FFE];
	_ =	sdelay $0x1  }
0x8a: {  	s1 =	srdreg.scid  }
0x8b: {  	s0 =	sand.u32 $0x1, s1  }
0x8c: {  	s16 =	sshll.u32 s0, $0xA;
	s2 =	sadd.s32 s3, s2  }
0x8d: {  	s2 =	sadd.s32 s2, s16  }
0x8e: {  	[smem:$0x3FBA] =	sst s2  }
0x8f: {  	_ = 	snop  }
0x90: {  	(tm) =	ssettm $0x1  }
0x91: {  	s17 =	sld [smem:$0x3FFB];
	_ =	sdelay $0x3  }
0x92: {  	_ =	strace s17  }
0x93: {  	s2 =	sld [smem:$0x3FFC];
	_ =	sdelay $0x3  }
0x94: {  	_ =	strace s2  }
0x95: {  	s2 =	sld [smem:$0x3FFD];
	_ =	sdelay $0x3  }
0x96: {  	_ =	strace s2  }
0x97: {  	_ =	strace $0x8FFFFFFF  }
0x98: {  	s18 =	sld [smem:$0x3FDB];
	_ =	sdelay $0x1  }
0x99: {  	s19 =	simm.s32 $_scs_section_size  }
0x9a: {  	s4 =	simm.s32 $_size__tile_overlayer_lowered;
	s5 =	simm.s32 $_tile_overlayer_lowered  }
0x9b: {  	s22 =	simm.s32 $0x1BFF;
	s21 =	sshll.u32 s5, $0x1;
	s2 =	sadd.s32 s19, s18  }
0x9c: {  	s6 =	simm.s32 $0x0;
	s20 =	sshll.u32 s4, $0x1;
	s4 =	sadd.s32 s21, s2  }
0x9d: {  	[timem:s6], [sflag:s22] =	dma.local [hbm:s4], s20  }
0x9e: {  	_ =	swait.ge [sflag:s22], s20  }
0x9f: {  	s3 =	ssub.s32 $0x0, s20;
	[sflag:s22] =	ssyncset.done $0x0  }
0xa0: {  	[sflag:s22] =	ssyncadd.s32 s3;
	_ =	sdelay $0x1  }
0xa1: {  	s23 =	simm.s32 $0x1B8B  }
0xa2: {  	_ =	swait.ge [sflag:s23], $0x1  }
0xa3: {  	[sflag:s23] =	ssyncset.done $0x0  }
0xa4: {  	s25 =	simm.s32 $0x1B8E;
	s24 =	sld [smem:$0x3FFE];
	[sflag:s23] =	ssyncadd.s32 $0xFFFFFFFF  }
0xa5: {  	s26 =	simm.s32 $execute0_lowered;
	[smem:$0x3FD2] =	sst s25  }
0xa6: {  	s4 =	sshll.u32 s26, $0x1;
	_ =	strace $0x80000070;
	[dreg:$0x1] =	wrdreg $0xFFFFFFFF  }
0xa7: {  	s28 =	simm.s32 $_size_execute0_lowered;
	s2 =	sadd.s32 s2, s4;
	[dreg:$0x0] =	wrdreg $0x0  }
0xa8: {  	s4 =	sshll.u32 s28, $0x1;
	[dreg:$0x2] =	wrdreg s2  }
0xa9: {  	[dreg:$0x3] =	wrdreg s4  }
0xaa: {  	[dreg:$0x4] =	wrdreg $0xC0  }
0xab: {  	_ =	task [dreg:s6], $0x5FFFF  }
0xac: {  	[dreg:$0x1] =	wrdreg $0xFFFFFFFF  }
0xad: {  	[dreg:$0x0] =	wrdreg $0x60  }
0xae: {  	[dreg:$0x2] =	wrdreg s24  }
0xaf: {  	[dreg:$0x3] =	wrdreg $0x41000  }
0xb0: {  	[dreg:$0x4] =	wrdreg $0x9  }
0xb1: {  	_ =	task.clear_ibuf [dreg:s6], $0x5FFFF;
	_ =	strace $0x90000070  }
0xb2: {  	s29 =	simm.s32 $0x9;
	_ =	strace $0x80000072  }
0xb3: {  	_ =	swait.ge [sflag:s29], $0x1  }
0xb4: {  	[sflag:s29] =	ssyncadd.s32 $0xFFFFFFFF  }
0xb5: {  	_ =	strace $0x90000072  }
0xb6: {  	_ =	sfence  }
0xb7: {  	s30 =	sld [smem:$0x0];
	_ =	sdelay $0x2  }
0xb8: {  	s31 =	sshll.u32 s1, $0xD;
	s1 =	sshrl.u32 s1, $0x2  }
0xb9: {  	s3 =	sand.u32 $0x4000, s31;
	s1 =	sadd.s32 s1, s30  }
0xba: {  	s0 =	sor.u32 s3, s0;
	s1 =	sshll.u32 s1, $0x11  }
0xbb: {  	s0 =	sor.u32 s1, s0  }
0xbc: {  	s0 =	sadd.s32 $0x8F2B, s0  }
0xbd: {  	[sflag:s0] =	ssyncadd.remote.s32 $0x1  }
0xbe: {  	_ =	sfence.sel $0xFFFF  }
0xbf: {  	[dreg:$0x0] =	wrdreg $0xFFFFFFFF;
	(pc) =	sbr.abs _section_cstart, $3  }
0xc0: {  	[dreg:$0x1] =	wrdreg $0xFFFFFFFF  }
0xc1: {  	_ =	task.clear_ibuf [dreg:s6], $0x2FFFF;
	_ =	strace $0x9FFFFFFF  }
0xc2: {  	(tm) =	ssettm $0x7FFFFFFF  }
0xc3: {  	_ =	shalt  }
tec
execute0_lowered:
.L_overlay_start_1:
0x0: {  	(tag) =	ssettag $0x1  }
0x1: {  	s5 =	rddreg [dreg:$0x0];
	s0 =	srdreg.scid  }
0x2: {  	s2 =	rddreg [dreg:$0x1];
	s1 =	stileid.u32  }
0x3: {  	s3 =	simm.s32 $0x0;
	s13 =	simm.s32 $0x80;
	s8 =	smul.u32 $0x13C00, s1  }
0x4: {  	s14 =	simm.s32 $0x100;
	s15 =	simm.s32 $0x1;
	s26 =	smul.u32 $0x4F000, s1  }
0x5: {  	s6 =	sand.u32 $0x1, s0;
	s0 =	rddreg [dreg:$0x2];
	s30 =	smul.u32 $0x4F0, s1  }
0x6: {  	s16 =	simm.s32 $0x0;
	[smem:$0x7FF] =	sst s3;
	s7 =	smul.u32 $0x4F00, s6  }
0x7: {  	s4 =	sadd.s32 $0xE0E00, s5;
	s31 =	sshll.u32 s1, $0x6;
	s9 =	smul.u32 $0x13C000, s6  }
0x8: {  	_ =	strace $0x80000071;
	s6 =	ssub.s32 $0x2, s6;
	s25 =	sshrl.u32 s8, $0x3  }
0x9: {  	s28 =	sshrl.u32 s6, $0x1;
	s29 =	sshrl.u32 s26, $0x2;
	s10 =	sadd.s32 s7, s5  }
0xa: {  	s8 =	sadd.s32 s8, s9;
	s7 =	sadd.s32 s25, s5;
	s11 =	ssub.s32 s6, s28  }
0xb: {  	s12 =	sadd.s32 s29, s2;
	s6 =	sor.u32 $0x1C02, s31;
	s8 =	sshrl.u32 s8, $0x3  }
0xc: {  	s10 =	sadd.s32 s30, s10;
	s8 =	sadd.s32 s8, s5;
	s5 =	sadd.s32 $0xB9600, s7  }
0xd: {  	s9 =	sadd.s32 $0x13200, s10;
	s10 =	sadd.s32 $0x9400, s10;
	s7 =	sadd.s32 $0x1D000, s8  }
0xe: {  	s8 =	smax.u32 s11, $0x1;
	s11 =	sshrl.u32 s12, $0x3;
	s12 =	simm.s32 $0x2  }
.LBB2_1:
0xf: {  	[spmem:s11], [sflag:s6] =	dma.local [hbm:s5], $0x2780  }
0x10: {  	_ =	swait.ge [sflag:s12], $0x2780  }
0x11: {  	[sflag:s12] =	ssyncset.done $0x0  }
0x12: {  	[sflag:s12] =	ssyncadd.s32 $0xFFFFD880  }
0x13: {  	s17 =	sadd.s32 $0x0, s10;
	[bflag:$0x0] =	sbarrier.arrive $0xFFFF  }
0x14: {  	[tilespmem:s3], [sflag:$0x2] =	stream.linear.gather [hbm4b:s17+s3], $0x80, $0x38;
	[tilespmem:$0x17D00] =	vst v63  }
0x15: {  	_ =	swait.ge [sflag:s12], $0x80  }
0x16: {  	[sflag:s12] =	ssyncset.done $0x0  }
0x17: {  	s31 =	sadd.s32 $0x0, s9;
	[sflag:s12] =	ssyncadd.s32 $0xFFFFFF80  }
0x18: {  	[tilespmem:s13], [sflag:$0x2] =	stream.linear.gather [hbm4b:s31+s3], $0x80, $0x38;
	[tilespmem:$0x17D00] =	vst v63  }
0x19: {  	_ =	swait.ge [sflag:s12], $0x80  }
0x1a: {  	[sflag:s12] =	ssyncset.done $0x0  }
0x1b: {  	[sflag:s12] =	ssyncadd.s32 $0xFFFFFF80  }
0x1c: {  	[tilespmem:s14], [sflag:$0x1] =	stream.indirect.gather [hbm4b:s4+s13], $0x80, s3, s13, $0xb8;
	[tilespmem:$0x17D00] =	vst v63  }
0x1d: {  	_ =	swait.ge [sflag:s15], $0x4000  }
0x1e: {  	[sflag:s15] =	ssyncset.done $0x0  }
0x1f: {  	[sflag:s15] =	ssyncadd.s32 $0xFFFFC000  }
0x20: {  	[spmem:s2] =	stream.indirect.scatter.add.f32 [tilespmem:s14], [sflag:$0x2], $0x80, s13, s13, $0xb8;
	[tilespmem:$0x17D00] =	vst v63  }
0x21: {  	_ =	swait.ge [sflag:s12], $0x4000  }
0x22: {  	s18 =	simm.s32 $0x20;
	s17 =	simm.s32 $0x10;
	[sflag:s12] =	ssyncset.done $0x0  }
.LBB2_2:
0x23: {  	s19 =	sadd.s32 s17, s10  }
0x24: {  	[sflag:s12] =	ssyncadd.s32 $0xFFFFC000;
	s20 =	smov.u32 s18;
	s21 =	sadd.s32 $0x10, s18  }
0x25: {  	[tilespmem:s3], [sflag:$0x2] =	stream.linear.gather [hbm4b:s19+s3], $0x80, $0x38;
	[tilespmem:$0x17D00] =	vst v63  }
0x26: {  	p0 =	sne.s32 s18, $0x4E0;
	_ =	swait.ge [sflag:s12], $0x80  }
0x27: {  	[sflag:s12] =	ssyncset.done $0x0  }
0x28: {  	s18 =	sadd.s32 s17, s9;
	s17 =	smov.u32 s20;
	[sflag:s12] =	ssyncadd.s32 $0xFFFFFF80  }
0x29: {  	[tilespmem:s13], [sflag:$0x2] =	stream.linear.gather [hbm4b:s18+s3], $0x80, $0x38;
	[tilespmem:$0x17D00] =	vst v63  }
0x2a: {  	_ =	swait.ge [sflag:s12], $0x80  }
0x2b: {  	[sflag:s12] =	ssyncset.done $0x0  }
0x2c: {  	[sflag:s12] =	ssyncadd.s32 $0xFFFFFF80  }
0x2d: {  	[tilespmem:s14], [sflag:$0x1] =	stream.indirect.gather [hbm4b:s4+s13], $0x80, s3, s13, $0xb8;
	[tilespmem:$0x17D00] =	vst v63  }
0x2e: {  	_ =	swait.ge [sflag:s15], $0x4000  }
.Ltmp0:
0x2f: {  	[sflag:s15] =	ssyncset.done $0x0;
	(pc) =	sbr.rel @p0 .LBB2_2-.Ltmp0, $4  }
0x30: {  	[sflag:s15] =	ssyncadd.s32 $0xFFFFC000  }
0x31: {  	[spmem:s2] =	stream.indirect.scatter.add.f32 [tilespmem:s14], [sflag:$0x2], $0x80, s13, s13, $0xb8;
	[tilespmem:$0x17D00] =	vst v63  }
0x32: {  	_ =	swait.ge [sflag:s12], $0x4000  }
0x33: {  	s18 =	smov.u32 s21;
	[sflag:s12] =	ssyncset.done $0x0  }
0x34: {  	s18 =	sadd.s32 s17, s10;
	[sflag:s12] =	ssyncadd.s32 $0xFFFFC000  }
0x35: {  	[tilespmem:s3], [sflag:$0x2] =	stream.linear.gather [hbm4b:s18+s3], $0x80, $0x38;
	[tilespmem:$0x17D00] =	vst v63  }
0x36: {  	_ =	swait.ge [sflag:s12], $0x80  }
0x37: {  	[sflag:s12] =	ssyncset.done $0x0  }
0x38: {  	s31 =	sadd.s32 s17, s9;
	[sflag:s12] =	ssyncadd.s32 $0xFFFFFF80  }
0x39: {  	[tilespmem:s13], [sflag:$0x2] =	stream.linear.gather [hbm4b:s31+s3], $0x80, $0x38;
	[tilespmem:$0x17D00] =	vst v63  }
0x3a: {  	_ =	swait.ge [sflag:s12], $0x80  }
0x3b: {  	[sflag:s12] =	ssyncset.done $0x0  }
0x3c: {  	[sflag:s12] =	ssyncadd.s32 $0xFFFFFF80  }
0x3d: {  	[tilespmem:s14], [sflag:$0x1] =	stream.indirect.gather [hbm4b:s4+s13], $0x80, s3, s13, $0xb8;
	[tilespmem:$0x17D00] =	vst v63  }
0x3e: {  	_ =	swait.ge [sflag:s15], $0x4000  }
0x3f: {  	[sflag:s15] =	ssyncset.done $0x0  }
0x40: {  	[sflag:s15] =	ssyncadd.s32 $0xFFFFC000  }
0x41: {  	[spmem:s2] =	stream.indirect.scatter.add.f32 [tilespmem:s14], [sflag:$0x2], $0x80, s13, s13, $0xb8;
	[tilespmem:$0x17D00] =	vst v63  }
0x42: {  	_ =	swait.ge [sflag:s12], $0x4000  }
0x43: {  	s16 =	sadd.s32 $0x1, s16;
	[sflag:s12] =	ssyncset.done $0x0  }
0x44: {  	p0 =	sne.s32 s16, s8;
	[sflag:s12] =	ssyncadd.s32 $0xFFFFC000  }
.Ltmp1:
0x45: {  	[bflag:$0x0] =	sbarrier.arrive $0xFFFF;
	(pc) =	sbr.rel @p0 .LBB2_1-.Ltmp1, $4  }
0x46: {  	[hbm:s7], [sflag:s6] =	dma.local [spmem:s11], $0x2780  }
0x47: {  	_ =	swait.ge [sflag:s12], $0x2780  }
0x48: {  	[sflag:s12] =	ssyncset.done $0x0  }
0x49: {  	[sflag:s12] =	ssyncadd.s32 $0xFFFFD880  }
0x4a: {  	_ =	sfence.sel $0x180000  }
0x4b: {  	[bflag:$0x0] =	sbarrier.arrive $0xFFFF  }
0x4c: {  	p0 =	sne.s32 s1, $0x0;
	_ =	strace $0x90000071  }
0x4d: {  	s0 =	sadd.s32 @!p0 $0x100000, s0;
	[bflag:$0x2] =	sbarrier.arrive $0xFFFF  }
0x4e: {  	[sflag:s0] =	ssyncadd.tile.s32 @!p0 $0x1;
	_ =	shalt  }
.Lfunc_end2:
_tile_overlayer_lowered:
.L_overlay_start_2:
0x4f: {  	(tag) =	ssettag $0x2  }
0x50: {  	s0 =	rddreg [dreg:$0x0];
	s2 =	stileid.u32  }
0x51: {  	s1 =	rddreg [dreg:$0x1];
	p0 =	sne.s32 s2, $0x0  }
0x52: {  	s3 =	rddreg [dreg:$0x2];
	[bflag:$0x3] =	sbarrier.arrive $0xFFFF;
	s2 =	simm.s32 @!p0 $0x1C02  }
0x53: {  	[timem:s3], [sflag:s2] =	dma.local @!p0 [hbm:s0], s1  }
0x54: {  	s0 =	simm.s32 @!p0 $0x2  }
0x55: {  	_ =	swait.ge @!p0 [sflag:s0], s1  }
0x56: {  	s1 =	ssub.s32 @!p0 $0x0, s1;
	[sflag:s0] =	ssyncset.done @!p0 $0x0  }
0x57: {  	[sflag:s0] =	ssyncadd.s32 @!p0 s1  }
0x58: {  	[bflag:$0x3] =	sbarrier.arrive $0xFFFF  }
0x59: {  	_ =	shalt  }

// kernel: kernel.80.cloned.1.call-start
scs
__scs_entry_jumppad:
0x0: {  	(pc) =	sbr.rel $0x88, $3  }
0x1: {  	(tag) =	ssettag $0x0;
	lr =	simm.s32 $0x1  }
0x2: {  	[smem:$0x3F93] =	sst lr;
	_ =	strace $0xD0000000  }
0x3: {  	_ = 	snop  }
0x4: {  	_ = 	snop  }
0x5: {  	_ = 	snop  }
0x6: {  	_ = 	snop  }
0x7: {  	_ = 	snop  }
__scs_overlays_trampoline_lowered:
0x8: {  	[smem:$0x3FA2] =	sst s0  }
0x9: {  	[smem:$0x3FA3] =	sst s1  }
0xa: {  	[smem:$0x3FA4] =	sst s2  }
0xb: {  	[smem:$0x3FA5] =	sst s3  }
0xc: {  	[smem:$0x3FA6] =	sst s4  }
0xd: {  	[smem:$0x3FA7] =	sst s5  }
0xe: {  	[smem:$0x3FA8] =	sst s6  }
0xf: {  	[smem:$0x3FA9] =	sst s7  }
0x10: {  	[smem:$0x3FAA] =	sst s8  }
0x11: {  	[smem:$0x3FAB] =	sst s9;
	s0 =	simm.s32 @!p0 $0x0  }
0x12: {  	s1 =	sld [smem:$0x3F91];
	s0 =	simm.s32 @p0 $0x1  }
0x13: {  	[smem:$0x3FAC] =	sst s0;
	s0 =	simm.s32 @!p1 $0x0  }
0x14: {  	s2 =	sld [smem:$0x3F90];
	s0 =	simm.s32 @p1 $0x1  }
0x15: {  	[smem:$0x3FAD] =	sst s0;
	s0 =	simm.s32 @!p2 $0x0  }
0x16: {  	s3 =	sld [smem:$0x3FDB];
	s0 =	simm.s32 @p2 $0x1  }
0x17: {  	s4 =	simm.s32 $0x1BF5;
	[smem:$0x3FAF] =	sst s0  }
0x18: {  	s0 =	sld [smem:$0x3F92];
	_ =	swait.ge [sflag:s4], $0x0  }
0x19: {  	s7 =	sld [smem:$0x3F93]  }
0x1a: {  	s8 =	sadd.s32 $0xFFFFE003, lr  }
0x1b: {  	s9 =	sadd.s32 $0xFFFFFEF7, lr;
	s5 =	simm.s32 $0xFFFFFFFF;
	p2 =	slt.u32 s8, $0xFFFFF086  }
0x1c: {  	p1 =	slt.u32 s9, $0xF7A;
	s5 =	simm.s32 @!p2 $0x0  }
0x1d: {  	s5 =	simm.s32 @p1 $0x1;
	p0 =	seq.s32 s7, s2  }
0x1e: {  	s7 =	smul.u32 @!p0 $0xF7A, s2;
	p2 =	seq.s32 @!p0 s5, $0x0  }
0x1f: {  	s9 =	smul.u32 $0xF7A, s1;
	s8 =	simm.s32 @!p0 $0x1BF5;
	p2 =	por !p2, p0  }
0x20: {  	[sflag:s8] =	ssyncset.s32 @!p0 $0xFFFFF086;
	s6 =	sadd.s32 @!p0 s3, s7;
	s7 =	simm.s32 @!p0 $0x108  }
0x21: {  	s3 =	sadd.s32 s3, s9;
	s6 =	sadd.s32 @!p0 $0x88, s6;
	s7 =	simm.s32 @p2 $0x1082  }
0x22: {  	[simem:s7], [sflag:s8] =	dma.local @!p0 [hbm:s6], $0xF7A  }
0x23: {  	s9 =	sor.u32 $0xD0000000, s2;
	s6 =	simm.s32 $0x108;
	_ =	swait.ge @!p0 [sflag:s8], $0x0  }
0x24: {  	s3 =	sadd.s32 $0x88, s3;
	s6 =	simm.s32 @!p1 $0x1082;
	[sflag:s4] =	ssyncset.s32 $0xFFFFF086  }
0x25: {  	[simem:s6], [sflag:s4] =	dma.local [hbm:s3], $0xF7A  }
0x26: {  	[smem:$0x3F93] =	sst s1;
	(tag) =	ssettag s2;
	_ =	strace s9  }
0x27: {  	s1 =	sld [smem:$0x3FA3]  }
0x28: {  	s2 =	sld [smem:$0x3FA4]  }
0x29: {  	s4 =	sld [smem:$0x3FA6]  }
0x2a: {  	p0 =	seq.s32 s5, $0x0;
	s5 =	sld [smem:$0x3FA7]  }
0x2b: {  	s6 =	sld [smem:$0x3FA8]  }
0x2c: {  	s7 =	sld [smem:$0x3FA9]  }
0x2d: {  	s3 =	simm.s32 $0x108;
	s8 =	sld [smem:$0x3FAA]  }
0x2e: {  	s3 =	simm.s32 @!p0 $0x1082;
	s9 =	sld [smem:$0x3FAB]  }
0x2f: {  	lr =	sadd.s32 s0, s3;
	s0 =	sld [smem:$0x3FA2]  }
0x30: {  	s3 =	sld [smem:$0x3FA5]  }
0x31: {  	[smem:$0x3FAE] =	sst s10  }
0x32: {  	s10 =	sld [smem:$0x3FAC];
	_ =	sdelay $0x3  }
0x33: {  	p0 =	seq.s32 s10, $0x1;
	s10 =	sld [smem:$0x3FAE];
	_ =	sdelay $0x3  }
0x34: {  	[smem:$0x3FAE] =	sst s10  }
0x35: {  	s10 =	sld [smem:$0x3FAD];
	_ =	sdelay $0x3  }
0x36: {  	p1 =	seq.s32 s10, $0x1;
	s10 =	sld [smem:$0x3FAE];
	_ =	sdelay $0x3  }
0x37: {  	[smem:$0x3FAE] =	sst s10  }
0x38: {  	s10 =	sld [smem:$0x3FAF]  }
0x39: {  	_ = 	snop;
	(pc) =	sbr.ind lr, $3  }
0x3a: {  	_ = 	snop  }
0x3b: {  	_ = 	snop  }
0x3c: {  	p2 =	seq.s32 s10, $0x1;
	s10 =	sld [smem:$0x3FAE]  }
0x3d: {  	_ =	shalt  }
0x3e: {  	_ =	shalt  }
0x3f: {  	_ =	shalt  }
0x40: {  	_ =	shalt  }
0x41: {  	_ =	shalt  }
0x42: {  	_ =	shalt  }
0x43: {  	_ =	shalt  }
0x44: {  	_ =	shalt  }
0x45: {  	_ =	shalt  }
0x46: {  	_ =	shalt  }
0x47: {  	_ =	shalt  }
0x48: {  	_ =	shalt  }
0x49: {  	_ =	shalt  }
0x4a: {  	_ =	shalt  }
0x4b: {  	_ =	shalt  }
0x4c: {  	_ =	shalt  }
0x4d: {  	_ =	shalt  }
0x4e: {  	_ =	shalt  }
0x4f: {  	_ =	shalt  }
0x50: {  	_ =	shalt  }
0x51: {  	_ =	shalt  }
0x52: {  	_ =	shalt  }
0x53: {  	_ =	shalt  }
0x54: {  	_ =	shalt  }
0x55: {  	_ =	shalt  }
0x56: {  	_ =	shalt  }
0x57: {  	_ =	shalt  }
0x58: {  	_ =	shalt  }
0x59: {  	_ =	shalt  }
0x5a: {  	_ =	shalt  }
0x5b: {  	_ =	shalt  }
0x5c: {  	_ =	shalt  }
0x5d: {  	_ =	shalt  }
0x5e: {  	_ =	shalt  }
0x5f: {  	_ =	shalt  }
0x60: {  	_ =	shalt  }
0x61: {  	_ =	shalt  }
0x62: {  	_ =	shalt  }
0x63: {  	_ =	shalt  }
0x64: {  	_ =	shalt  }
0x65: {  	_ =	shalt  }
0x66: {  	_ =	shalt  }
0x67: {  	_ =	shalt  }
0x68: {  	_ =	shalt  }
0x69: {  	_ =	shalt  }
0x6a: {  	_ =	shalt  }
0x6b: {  	_ =	shalt  }
0x6c: {  	_ =	shalt  }
0x6d: {  	_ =	shalt  }
0x6e: {  	_ =	shalt  }
0x6f: {  	_ =	shalt  }
0x70: {  	_ =	shalt  }
0x71: {  	_ =	shalt  }
0x72: {  	_ =	shalt  }
0x73: {  	_ =	shalt  }
0x74: {  	_ =	shalt  }
0x75: {  	_ =	shalt  }
0x76: {  	_ =	shalt  }
0x77: {  	_ =	shalt  }
0x78: {  	_ =	shalt  }
0x79: {  	_ =	shalt  }
0x7a: {  	_ =	shalt  }
0x7b: {  	_ =	shalt  }
0x7c: {  	_ =	shalt  }
0x7d: {  	_ =	shalt  }
0x7e: {  	_ =	shalt  }
0x7f: {  	_ =	shalt  }
0x80: {  	_ =	shalt  }
0x81: {  	_ =	shalt  }
0x82: {  	_ =	shalt  }
0x83: {  	_ =	shalt  }
0x84: {  	_ =	shalt  }
0x85: {  	_ =	shalt  }
0x86: {  	_ =	shalt  }
0x87: {  	_ =	shalt  }
.Lfunc_end0:
.L_simem_size_0:
called_computation.15_lowered:
.L_overlay_start_0:
0x88: {  	s2 =	sld [smem:$0x3FD9]  }
0x89: {  	s3 =	sld [smem:$0x3FFE];
	_ =	sdelay $0x1  }
0x8a: {  	s1 =	srdreg.scid  }
0x8b: {  	s0 =	sand.u32 $0x1, s1  }
0x8c: {  	s16 =	sshll.u32 s0, $0xA;
	s2 =	sadd.s32 s3, s2  }
0x8d: {  	s2 =	sadd.s32 s2, s16  }
0x8e: {  	[smem:$0x3FBA] =	sst s2  }
0x8f: {  	_ = 	snop  }
0x90: {  	(tm) =	ssettm $0x1  }
0x91: {  	s17 =	sld [smem:$0x3FFB];
	_ =	sdelay $0x3  }
0x92: {  	_ =	strace s17  }
0x93: {  	s2 =	sld [smem:$0x3FFC];
	_ =	sdelay $0x3  }
0x94: {  	_ =	strace s2  }
0x95: {  	s2 =	sld [smem:$0x3FFD];
	_ =	sdelay $0x3  }
0x96: {  	_ =	strace s2  }
0x97: {  	_ =	strace $0x8FFFFFFF  }
0x98: {  	s18 =	sld [smem:$0x3FDB];
	_ =	sdelay $0x1  }
0x99: {  	s19 =	simm.s32 $_scs_section_size  }
0x9a: {  	s4 =	simm.s32 $_size__tile_overlayer_lowered;
	s5 =	simm.s32 $_tile_overlayer_lowered  }
0x9b: {  	s22 =	simm.s32 $0x1BFF;
	s21 =	sshll.u32 s5, $0x1;
	s2 =	sadd.s32 s19, s18  }
0x9c: {  	s6 =	simm.s32 $0x0;
	s20 =	sshll.u32 s4, $0x1;
	s4 =	sadd.s32 s21, s2  }
0x9d: {  	[timem:s6], [sflag:s22] =	dma.local [hbm:s4], s20  }
0x9e: {  	_ =	swait.ge [sflag:s22], s20  }
0x9f: {  	s3 =	ssub.s32 $0x0, s20;
	[sflag:s22] =	ssyncset.done $0x0  }
0xa0: {  	[sflag:s22] =	ssyncadd.s32 s3;
	_ =	sdelay $0x1  }
0xa1: {  	s23 =	simm.s32 $0x1B8B  }
0xa2: {  	_ =	swait.ge [sflag:s23], $0x1  }
0xa3: {  	[sflag:s23] =	ssyncset.done $0x0  }
0xa4: {  	s25 =	simm.s32 $0x1B8E;
	s24 =	sld [smem:$0x3FFE];
	[sflag:s23] =	ssyncadd.s32 $0xFFFFFFFF  }
0xa5: {  	s26 =	simm.s32 $execute0_lowered;
	[smem:$0x3FD2] =	sst s25  }
0xa6: {  	s4 =	sshll.u32 s26, $0x1;
	_ =	strace $0x80000073;
	[dreg:$0x1] =	wrdreg $0xFFFFFFFF  }
0xa7: {  	s28 =	simm.s32 $_size_execute0_lowered;
	s2 =	sadd.s32 s2, s4;
	[dreg:$0x0] =	wrdreg $0x0  }
0xa8: {  	s4 =	sshll.u32 s28, $0x1;
	[dreg:$0x2] =	wrdreg s2  }
0xa9: {  	[dreg:$0x3] =	wrdreg s4  }
0xaa: {  	[dreg:$0x4] =	wrdreg $0xC0  }
0xab: {  	_ =	task [dreg:s6], $0x5FFFF  }
0xac: {  	[dreg:$0x1] =	wrdreg $0xFFFFFFFF  }
0xad: {  	[dreg:$0x0] =	wrdreg $0x60  }
0xae: {  	[dreg:$0x2] =	wrdreg s24  }
0xaf: {  	[dreg:$0x3] =	wrdreg $0x41000  }
0xb0: {  	[dreg:$0x4] =	wrdreg $0x9  }
0xb1: {  	_ =	task.clear_ibuf [dreg:s6], $0x5FFFF;
	_ =	strace $0x90000073  }
0xb2: {  	s29 =	simm.s32 $0x9;
	_ =	strace $0x80000075  }
0xb3: {  	_ =	swait.ge [sflag:s29], $0x1  }
0xb4: {  	[sflag:s29] =	ssyncadd.s32 $0xFFFFFFFF  }
0xb5: {  	_ =	strace $0x90000075  }
0xb6: {  	_ =	sfence  }
0xb7: {  	s30 =	sld [smem:$0x0];
	_ =	sdelay $0x2  }
0xb8: {  	s31 =	sshll.u32 s1, $0xD;
	s1 =	sshrl.u32 s1, $0x2  }
0xb9: {  	s3 =	sand.u32 $0x4000, s31;
	s1 =	sadd.s32 s1, s30  }
0xba: {  	s0 =	sor.u32 s3, s0;
	s1 =	sshll.u32 s1, $0x11  }
0xbb: {  	s0 =	sor.u32 s1, s0  }
0xbc: {  	s0 =	sadd.s32 $0x8F2B, s0  }
0xbd: {  	[sflag:s0] =	ssyncadd.remote.s32 $0x1  }
0xbe: {  	_ =	sfence.sel $0xFFFF  }
0xbf: {  	[dreg:$0x0] =	wrdreg $0xFFFFFFFF;
	(pc) =	sbr.abs _section_cstart, $3  }
0xc0: {  	[dreg:$0x1] =	wrdreg $0xFFFFFFFF  }
0xc1: {  	_ =	task.clear_ibuf [dreg:s6], $0x2FFFF;
	_ =	strace $0x9FFFFFFF  }
0xc2: {  	(tm) =	ssettm $0x7FFFFFFF  }
0xc3: {  	_ =	shalt  }
tec
execute0_lowered:
.L_overlay_start_1:
0x0: {  	(tag) =	ssettag $0x1  }
0x1: {  	s5 =	rddreg [dreg:$0x0];
	s0 =	srdreg.scid  }
0x2: {  	s2 =	rddreg [dreg:$0x1];
	s1 =	stileid.u32  }
0x3: {  	s3 =	simm.s32 $0x0;
	s13 =	simm.s32 $0x80;
	s8 =	smul.u32 $0x13C00, s1  }
0x4: {  	s14 =	simm.s32 $0x100;
	s15 =	simm.s32 $0x1;
	s26 =	smul.u32 $0x4F000, s1  }
0x5: {  	s6 =	sand.u32 $0x1, s0;
	s0 =	rddreg [dreg:$0x2];
	s30 =	smul.u32 $0x4F0, s1  }
0x6: {  	s16 =	simm.s32 $0x0;
	[smem:$0x7FF] =	sst s3;
	s7 =	smul.u32 $0x4F00, s6  }
0x7: {  	s4 =	sadd.s32 $0x1D000, s5;
	s31 =	sshll.u32 s1, $0x6;
	s9 =	smul.u32 $0x13C000, s6  }
0x8: {  	_ =	strace $0x80000074;
	s6 =	ssub.s32 $0x2, s6;
	s25 =	sshrl.u32 s8, $0x3  }
0x9: {  	s28 =	sshrl.u32 s6, $0x1;
	s29 =	sshrl.u32 s26, $0x2;
	s10 =	sadd.s32 s7, s5  }
0xa: {  	s8 =	sadd.s32 s8, s9;
	s7 =	sadd.s32 s25, s5;
	s11 =	ssub.s32 s6, s28  }
0xb: {  	s12 =	sadd.s32 s29, s2;
	s6 =	sor.u32 $0x1C02, s31;
	s8 =	sshrl.u32 s8, $0x3  }
0xc: {  	s10 =	sadd.s32 s30, s10;
	s8 =	sadd.s32 s8, s5;
	s5 =	sadd.s32 $0xB9600, s7  }
0xd: {  	s9 =	sadd.s32 $0x13200, s10;
	s10 =	sadd.s32 $0x9400, s10;
	s7 =	sadd.s32 $0x44200, s8  }
0xe: {  	s8 =	smax.u32 s11, $0x1;
	s11 =	sshrl.u32 s12, $0x3;
	s12 =	simm.s32 $0x2  }
.LBB2_1:
0xf: {  	[spmem:s11], [sflag:s6] =	dma.local [hbm:s5], $0x2780  }
0x10: {  	_ =	swait.ge [sflag:s12], $0x2780  }
0x11: {  	[sflag:s12] =	ssyncset.done $0x0  }
0x12: {  	[sflag:s12] =	ssyncadd.s32 $0xFFFFD880  }
0x13: {  	s17 =	sadd.s32 $0x0, s10;
	[bflag:$0x0] =	sbarrier.arrive $0xFFFF  }
0x14: {  	[tilespmem:s3], [sflag:$0x2] =	stream.linear.gather [hbm4b:s17+s3], $0x80, $0x38;
	[tilespmem:$0x17D00] =	vst v63  }
0x15: {  	_ =	swait.ge [sflag:s12], $0x80  }
0x16: {  	[sflag:s12] =	ssyncset.done $0x0  }
0x17: {  	s31 =	sadd.s32 $0x0, s9;
	[sflag:s12] =	ssyncadd.s32 $0xFFFFFF80  }
0x18: {  	[tilespmem:s13], [sflag:$0x2] =	stream.linear.gather [hbm4b:s31+s3], $0x80, $0x38;
	[tilespmem:$0x17D00] =	vst v63  }
0x19: {  	_ =	swait.ge [sflag:s12], $0x80  }
0x1a: {  	[sflag:s12] =	ssyncset.done $0x0  }
0x1b: {  	[sflag:s12] =	ssyncadd.s32 $0xFFFFFF80  }
0x1c: {  	[tilespmem:s14], [sflag:$0x1] =	stream.indirect.gather [hbm4b:s4+s13], $0x80, s3, s13, $0xb8;
	[tilespmem:$0x17D00] =	vst v63  }
0x1d: {  	_ =	swait.ge [sflag:s15], $0x4000  }
0x1e: {  	[sflag:s15] =	ssyncset.done $0x0  }
0x1f: {  	[sflag:s15] =	ssyncadd.s32 $0xFFFFC000  }
0x20: {  	[spmem:s2] =	stream.indirect.scatter.add.f32 [tilespmem:s14], [sflag:$0x2], $0x80, s13, s13, $0xb8;
	[tilespmem:$0x17D00] =	vst v63  }
0x21: {  	_ =	swait.ge [sflag:s12], $0x4000  }
0x22: {  	s18 =	simm.s32 $0x20;
	s17 =	simm.s32 $0x10;
	[sflag:s12] =	ssyncset.done $0x0  }
.LBB2_2:
0x23: {  	s19 =	sadd.s32 s17, s10  }
0x24: {  	[sflag:s12] =	ssyncadd.s32 $0xFFFFC000;
	s20 =	smov.u32 s18;
	s21 =	sadd.s32 $0x10, s18  }
0x25: {  	[tilespmem:s3], [sflag:$0x2] =	stream.linear.gather [hbm4b:s19+s3], $0x80, $0x38;
	[tilespmem:$0x17D00] =	vst v63  }
0x26: {  	p0 =	sne.s32 s18, $0x4E0;
	_ =	swait.ge [sflag:s12], $0x80  }
0x27: {  	[sflag:s12] =	ssyncset.done $0x0  }
0x28: {  	s18 =	sadd.s32 s17, s9;
	s17 =	smov.u32 s20;
	[sflag:s12] =	ssyncadd.s32 $0xFFFFFF80  }
0x29: {  	[tilespmem:s13], [sflag:$0x2] =	stream.linear.gather [hbm4b:s18+s3], $0x80, $0x38;
	[tilespmem:$0x17D00] =	vst v63  }
0x2a: {  	_ =	swait.ge [sflag:s12], $0x80  }
0x2b: {  	[sflag:s12] =	ssyncset.done $0x0  }
0x2c: {  	[sflag:s12] =	ssyncadd.s32 $0xFFFFFF80  }
0x2d: {  	[tilespmem:s14], [sflag:$0x1] =	stream.indirect.gather [hbm4b:s4+s13], $0x80, s3, s13, $0xb8;
	[tilespmem:$0x17D00] =	vst v63  }
0x2e: {  	_ =	swait.ge [sflag:s15], $0x4000  }
.Ltmp0:
0x2f: {  	[sflag:s15] =	ssyncset.done $0x0;
	(pc) =	sbr.rel @p0 .LBB2_2-.Ltmp0, $4  }
0x30: {  	[sflag:s15] =	ssyncadd.s32 $0xFFFFC000  }
0x31: {  	[spmem:s2] =	stream.indirect.scatter.add.f32 [tilespmem:s14], [sflag:$0x2], $0x80, s13, s13, $0xb8;
	[tilespmem:$0x17D00] =	vst v63  }
0x32: {  	_ =	swait.ge [sflag:s12], $0x4000  }
0x33: {  	s18 =	smov.u32 s21;
	[sflag:s12] =	ssyncset.done $0x0  }
0x34: {  	s18 =	sadd.s32 s17, s10;
	[sflag:s12] =	ssyncadd.s32 $0xFFFFC000  }
0x35: {  	[tilespmem:s3], [sflag:$0x2] =	stream.linear.gather [hbm4b:s18+s3], $0x80, $0x38;
	[tilespmem:$0x17D00] =	vst v63  }
0x36: {  	_ =	swait.ge [sflag:s12], $0x80  }
0x37: {  	[sflag:s12] =	ssyncset.done $0x0  }
0x38: {  	s31 =	sadd.s32 s17, s9;
	[sflag:s12] =	ssyncadd.s32 $0xFFFFFF80  }
0x39: {  	[tilespmem:s13], [sflag:$0x2] =	stream.linear.gather [hbm4b:s31+s3], $0x80, $0x38;
	[tilespmem:$0x17D00] =	vst v63  }
0x3a: {  	_ =	swait.ge [sflag:s12], $0x80  }
0x3b: {  	[sflag:s12] =	ssyncset.done $0x0  }
0x3c: {  	[sflag:s12] =	ssyncadd.s32 $0xFFFFFF80  }
0x3d: {  	[tilespmem:s14], [sflag:$0x1] =	stream.indirect.gather [hbm4b:s4+s13], $0x80, s3, s13, $0xb8;
	[tilespmem:$0x17D00] =	vst v63  }
0x3e: {  	_ =	swait.ge [sflag:s15], $0x4000  }
0x3f: {  	[sflag:s15] =	ssyncset.done $0x0  }
0x40: {  	[sflag:s15] =	ssyncadd.s32 $0xFFFFC000  }
0x41: {  	[spmem:s2] =	stream.indirect.scatter.add.f32 [tilespmem:s14], [sflag:$0x2], $0x80, s13, s13, $0xb8;
	[tilespmem:$0x17D00] =	vst v63  }
0x42: {  	_ =	swait.ge [sflag:s12], $0x4000  }
0x43: {  	s16 =	sadd.s32 $0x1, s16;
	[sflag:s12] =	ssyncset.done $0x0  }
0x44: {  	p0 =	sne.s32 s16, s8;
	[sflag:s12] =	ssyncadd.s32 $0xFFFFC000  }
.Ltmp1:
0x45: {  	[bflag:$0x0] =	sbarrier.arrive $0xFFFF;
	(pc) =	sbr.rel @p0 .LBB2_1-.Ltmp1, $4  }
0x46: {  	[hbm:s7], [sflag:s6] =	dma.local [spmem:s11], $0x2780  }
0x47: {  	_ =	swait.ge [sflag:s12], $0x2780  }
0x48: {  	[sflag:s12] =	ssyncset.done $0x0  }
0x49: {  	[sflag:s12] =	ssyncadd.s32 $0xFFFFD880  }
0x4a: {  	_ =	sfence.sel $0x180000  }
0x4b: {  	[bflag:$0x0] =	sbarrier.arrive $0xFFFF  }
0x4c: {  	p0 =	sne.s32 s1, $0x0;
	_ =	strace $0x90000074  }
0x4d: {  	s0 =	sadd.s32 @!p0 $0x100000, s0;
	[bflag:$0x2] =	sbarrier.arrive $0xFFFF  }
0x4e: {  	[sflag:s0] =	ssyncadd.tile.s32 @!p0 $0x1;
	_ =	shalt  }
.Lfunc_end2:
_tile_overlayer_lowered:
.L_overlay_start_2:
0x4f: {  	(tag) =	ssettag $0x2  }
0x50: {  	s0 =	rddreg [dreg:$0x0];
	s2 =	stileid.u32  }
0x51: {  	s1 =	rddreg [dreg:$0x1];
	p0 =	sne.s32 s2, $0x0  }
0x52: {  	s3 =	rddreg [dreg:$0x2];
	[bflag:$0x3] =	sbarrier.arrive $0xFFFF;
	s2 =	simm.s32 @!p0 $0x1C02  }
0x53: {  	[timem:s3], [sflag:s2] =	dma.local @!p0 [hbm:s0], s1  }
0x54: {  	s0 =	simm.s32 @!p0 $0x2  }
0x55: {  	_ =	swait.ge @!p0 [sflag:s0], s1  }
0x56: {  	s1 =	ssub.s32 @!p0 $0x0, s1;
	[sflag:s0] =	ssyncset.done @!p0 $0x0  }
0x57: {  	[sflag:s0] =	ssyncadd.s32 @!p0 s1  }
0x58: {  	[bflag:$0x3] =	sbarrier.arrive $0xFFFF  }
0x59: {  	_ =	shalt  }

</sc_bundles>
